<compile_context>
chip_gen: v7x
topology: tpu7x:2x2x1
jax: 0.10.2.dev20260603
libtpu: 0.0.44.dev20260713+nightly
codegen_flags: <defaults>
</compile_context>

<pallas_src>
import functools

import jax
import jax.numpy as jnp
from jax import lax
from jax.experimental import pallas as pl
from jax.experimental.pallas import tpu as pltpu
from jax.experimental.pallas import tpu_sc as plsc


def kernel(labels, train, table):
    del train
    B = labels.shape[0]
    V, D = table.shape
    info = plsc.get_sparse_core_info()
    NC, NS = info.num_cores, info.num_subcores
    NW = NC * NS
    b_per_w = B // NW

    C = 32
    NG = b_per_w // C

    mesh = plsc.VectorSubcoreMesh(core_axis_name="c", subcore_axis_name="s")

    @functools.partial(
        pl.kernel,
        mesh=mesh,
        out_type=jax.ShapeDtypeStruct((B, D), jnp.float32),
        scratch_types=[
            pltpu.VMEM((b_per_w,), jnp.int32),
            pltpu.VMEM((2, C, D), jnp.float32),
            pltpu.SemaphoreType.DMA((2,)),
            pltpu.SemaphoreType.DMA((2,)),
        ],
    )
    def emb(table_hbm, idx_hbm, out_hbm, idx_s, rows_v, gsems, psems):
        wid = lax.axis_index("s") * NC + lax.axis_index("c")
        base = wid * b_per_w
        pltpu.sync_copy(idx_hbm.at[wid], idx_s)

        def issue_group(g, buf):
            cps = []
            for v in range(C // 16):
                vec = idx_s[pl.ds(g * C + v * 16, 16)]
                for s in range(16):
                    i = vec[s]
                    cps.append(
                        pltpu.async_copy(
                            table_hbm.at[pl.ds(i, 1)],
                            rows_v.at[buf].at[pl.ds(v * 16 + s, 1)],
                            gsems.at[buf],
                        )
                    )
            return cps

        def drain_group(cps):
            for cp in cps:
                cp.wait()

        def writeback(g, buf):
            return pltpu.async_copy(
                rows_v.at[buf], out_hbm.at[pl.ds(base + g * C, C)], psems.at[buf]
            )

        def wait_writeback(buf):
            pltpu.make_async_copy(
                rows_v.at[buf], out_hbm.at[pl.ds(base, C)], psems.at[buf]
            ).wait()

        @pl.loop(0, NG // 2)
        def _(gg):
            g0 = gg * 2
            g1 = g0 + 1

            @pl.when(gg > 0)
            def _():
                wait_writeback(0)
                wait_writeback(1)

            cps0 = issue_group(g0, 0)
            cps1 = issue_group(g1, 1)
            drain_group(cps0)
            writeback(g0, 0)
            drain_group(cps1)
            writeback(g1, 1)

        wait_writeback(0)
        wait_writeback(1)

    return emb(table, labels.reshape(NW, b_per_w))

# --- scband reference (transcript-rebuilt; emitter-appended) ---
"""Pipeline reference for scband-label-embedder-47218870452589 (READ-ONLY COPY).

The authoritative reference and input builder live on the scoring server;
editing this copy changes nothing except your own understanding.
"""

import jax, jax.numpy as jnp
import numpy as np

NUM_CLASSES = 1000000 + 1  # module adds 1 when num_classes > 1
HIDDEN_SIZE = 64
BATCH = 16384

def setup_inputs(seed: int = 0) -> dict:
    key = jax.random.key(seed)
    k1, k2 = jax.random.split(key)
    labels = jax.random.randint(k1, (BATCH,), 0, NUM_CLASSES, dtype=jnp.int32)
    table = jax.random.normal(k2, (NUM_CLASSES, HIDDEN_SIZE), dtype=jnp.float32) * 0.02
    return {"labels": labels, "train": 0, "table": table}

def reference(labels, train, table):
    # Faithful translation: forward just does an embedding lookup
    # (train / force_drop_ids unused in this module's forward).
    embeddings = jnp.take(table, labels, axis=0)
    return embeddings

if __name__ == "__main__":
    import jax
    _d = setup_inputs()
    print(jax.jit(kernel)(*tuple(_d.values())))

</pallas_src>

<mosaic_0001>
#map = affine_map<(d0, d1) -> (0, 0)>
module attributes {stable_mosaic.version = 14 : i64} {
  func.func @emb(%arg0: i32, %arg1: i32, %arg2: memref<1000001x64xf32, #tpu.memory_space<hbm>>, %arg3: memref<32x512xi32, #tpu.memory_space<hbm>>, %arg4: memref<16384x64xf32, #tpu.memory_space<hbm>>, %arg5: memref<512xi32, #tpu.memory_space<vmem>>, %arg6: memref<2x32x64xf32, #tpu.memory_space<vmem>>, %arg7: memref<2x!tpu.dma_semaphore, #tpu.memory_space<semaphore_mem>>, %arg8: memref<2x!tpu.dma_semaphore, #tpu.memory_space<semaphore_mem>>) attributes {dimension_semantics = [#tpu.dimension_semantics<core_parallel>, #tpu.dimension_semantics<subcore_parallel>], iteration_bounds = array<i64: 2, 16>, scalar_prefetch = 0 : i64, scratch_operands = 4 : i64, tpu.core_type = #tpu.core_type<sc_vector_subcore>, window_params = [{transform_indices = #map}, {transform_indices = #map}, {transform_indices = #map}]} {
    %mul3A = arith.constant 2 : i32
    %mul3A_0 = arith.muli %arg1, %mul3A : i32
    %add3A = arith.addi %mul3A_0, %arg0 : i32
    %mul3A_1 = arith.constant 512 : i32
    %mul3A_2 = arith.muli %add3A, %mul3A_1 : i32
    "tpu.region"() ({
      %run_scoped3A = tpu.sem_alloc : memref<!tpu.dma_semaphore, #tpu.memory_space<semaphore_mem>>
      %dma_start3A = arith.constant 0 : i32
      %dma_start3A_38 = tpu.memref_slice %arg3[%add3A, %dma_start3A] : memref<32x512xi32, #tpu.memory_space<hbm>> -> memref<1x512xi32, #tpu.memory_space<hbm>>
      %dma_start3A_39 = tpu.memref_squeeze %dma_start3A_38 : memref<1x512xi32, #tpu.memory_space<hbm>> -> memref<512xi32, #tpu.memory_space<hbm>>
      %dma_start3A_40 = arith.constant 0 : i32
      %dma_start3A_41 = tpu.memref_slice %arg3[%add3A, %dma_start3A_40] : memref<32x512xi32, #tpu.memory_space<hbm>> -> memref<1x512xi32, #tpu.memory_space<hbm>>
      %dma_start3A_42 = tpu.memref_squeeze %dma_start3A_41 : memref<1x512xi32, #tpu.memory_space<hbm>> -> memref<512xi32, #tpu.memory_space<hbm>>
      tpu.enqueue_dma source(%dma_start3A_42 : memref<512xi32, #tpu.memory_space<hbm>>) target(%arg5 : memref<512xi32, #tpu.memory_space<vmem>>) target_semaphore(%run_scoped3A : memref<!tpu.dma_semaphore, #tpu.memory_space<semaphore_mem>>)
      %dma_wait3A_43 = arith.constant 0 : i32
      %dma_wait3A_44 = tpu.memref_slice %arg3[%add3A, %dma_wait3A_43] : memref<32x512xi32, #tpu.memory_space<hbm>> -> memref<1x512xi32, #tpu.memory_space<hbm>>
      %dma_wait3A_45 = tpu.memref_squeeze %dma_wait3A_44 : memref<1x512xi32, #tpu.memory_space<hbm>> -> memref<512xi32, #tpu.memory_space<hbm>>
      %dma_wait3A_46 = arith.constant 0 : i32
      %dma_wait3A_47 = tpu.memref_slice %arg3[%add3A, %dma_wait3A_46] : memref<32x512xi32, #tpu.memory_space<hbm>> -> memref<1x512xi32, #tpu.memory_space<hbm>>
      %dma_wait3A_48 = tpu.memref_squeeze %dma_wait3A_47 : memref<1x512xi32, #tpu.memory_space<hbm>> -> memref<512xi32, #tpu.memory_space<hbm>>
      tpu.wait_dma2 semaphore(%run_scoped3A : memref<!tpu.dma_semaphore, #tpu.memory_space<semaphore_mem>>) src(%dma_wait3A_48 : memref<512xi32, #tpu.memory_space<hbm>>) dst(%arg5 : memref<512xi32, #tpu.memory_space<vmem>>)
      tpu.yield
    }) : () -> ()
    %scan3A = arith.constant 0 : i32
    %scan3A_3 = arith.constant 8 : i32
    %scan3A_4 = arith.addi %scan3A, %scan3A_3 : i32
    %scan3A_5 = arith.constant 1 : i32
    scf.for %scan3A_38 = %scan3A to %scan3A_4 step %scan3A_5  : i32 {
      %mul3A_39 = arith.constant 1 : i32
      %mul3A_40 = arith.muli %scan3A_38, %mul3A_39 : i32
      %add3A_41 = arith.constant 0 : i32
      %add3A_42 = arith.addi %add3A_41, %mul3A_40 : i32
      %mul3A_43 = arith.constant 2 : i32
      %mul3A_44 = arith.muli %add3A_42, %mul3A_43 : i32
      %add3A_45 = arith.constant 1 : i32
      %add3A_46 = arith.addi %mul3A_44, %add3A_45 : i32
      %gt3A = arith.constant 0 : i32
      %gt3A_47 = arith.cmpi sgt, %add3A_42, %gt3A : i32
      %convert_element_type3A = arith.extui %gt3A_47 : i1 to i32
      %cond3A = arith.constant 0 : i32
      %cond3A_48 = arith.cmpi ne, %convert_element_type3A, %cond3A : i32
      scf.if %cond3A_48 {
        %dma_wait3A_3055 = arith.constant 0 : i32
        %dma_wait3A_3056 = arith.constant 0 : i32
        %dma_wait3A_3057 = arith.constant 0 : i32
        %dma_wait3A_3058 = arith.constant 0 : i32
        %dma_wait3A_3059 = tpu.memref_slice %arg6[%dma_wait3A_3055, %dma_wait3A_3057, %dma_wait3A_3058] : memref<2x32x64xf32, #tpu.memory_space<vmem>> -> memref<1x32x64xf32, #tpu.memory_space<vmem>>
        %dma_wait3A_3060 = tpu.memref_squeeze %dma_wait3A_3059 : memref<1x32x64xf32, #tpu.memory_space<vmem>> -> memref<32x64xf32, #tpu.memory_space<vmem>>
        %dma_wait3A_3061 = arith.constant 0 : i32
        %dma_wait3A_3062 = tpu.memref_slice %arg4[%mul3A_2, %dma_wait3A_3061] : memref<16384x64xf32, #tpu.memory_space<hbm>> -> memref<32x64xf32, #tpu.memory_space<hbm>>
        %dma_wait3A_3063 = tpu.memref_slice %arg8[%dma_wait3A_3056] : memref<2x!tpu.dma_semaphore, #tpu.memory_space<semaphore_mem>> -> memref<1x!tpu.dma_semaphore, #tpu.memory_space<semaphore_mem>>
        %dma_wait3A_3064 = tpu.memref_squeeze %dma_wait3A_3063 : memref<1x!tpu.dma_semaphore, #tpu.memory_space<semaphore_mem>> -> memref<!tpu.dma_semaphore, #tpu.memory_space<semaphore_mem>>
        %dma_wait3A_3065 = arith.constant 0 : i32
        %dma_wait3A_3066 = tpu.memref_slice %arg4[%mul3A_2, %dma_wait3A_3065] : memref<16384x64xf32, #tpu.memory_space<hbm>> -> memref<32x64xf32, #tpu.memory_space<hbm>>
        %dma_wait3A_3067 = arith.constant 0 : i32
        %dma_wait3A_3068 = arith.constant 0 : i32
        %dma_wait3A_3069 = tpu.memref_slice %arg6[%dma_wait3A_3055, %dma_wait3A_3067, %dma_wait3A_3068] : memref<2x32x64xf32, #tpu.memory_space<vmem>> -> memref<1x32x64xf32, #tpu.memory_space<vmem>>
        %dma_wait3A_3070 = tpu.memref_squeeze %dma_wait3A_3069 : memref<1x32x64xf32, #tpu.memory_space<vmem>> -> memref<32x64xf32, #tpu.memory_space<vmem>>
        tpu.wait_dma2 semaphore(%dma_wait3A_3064 : memref<!tpu.dma_semaphore, #tpu.memory_space<semaphore_mem>>) src(%dma_wait3A_3070 : memref<32x64xf32, #tpu.memory_space<vmem>>) dst(%dma_wait3A_3066 : memref<32x64xf32, #tpu.memory_space<hbm>>)
        %dma_wait3A_3071 = arith.constant 1 : i32
        %dma_wait3A_3072 = arith.constant 1 : i32
        %dma_wait3A_3073 = arith.constant 0 : i32
        %dma_wait3A_3074 = arith.constant 0 : i32
        %dma_wait3A_3075 = tpu.memref_slice %arg6[%dma_wait3A_3071, %dma_wait3A_3073, %dma_wait3A_3074] : memref<2x32x64xf32, #tpu.memory_space<vmem>> -> memref<1x32x64xf32, #tpu.memory_space<vmem>>
        %dma_wait3A_3076 = tpu.memref_squeeze %dma_wait3A_3075 : memref<1x32x64xf32, #tpu.memory_space<vmem>> -> memref<32x64xf32, #tpu.memory_space<vmem>>
        %dma_wait3A_3077 = arith.constant 0 : i32
        %dma_wait3A_3078 = tpu.memref_slice %arg4[%mul3A_2, %dma_wait3A_3077] : memref<16384x64xf32, #tpu.memory_space<hbm>> -> memref<32x64xf32, #tpu.memory_space<hbm>>
        %dma_wait3A_3079 = tpu.memref_slice %arg8[%dma_wait3A_3072] : memref<2x!tpu.dma_semaphore, #tpu.memory_space<semaphore_mem>> -> memref<1x!tpu.dma_semaphore, #tpu.memory_space<semaphore_mem>>
        %dma_wait3A_3080 = tpu.memref_squeeze %dma_wait3A_3079 : memref<1x!tpu.dma_semaphore, #tpu.memory_space<semaphore_mem>> -> memref<!tpu.dma_semaphore, #tpu.memory_space<semaphore_mem>>
        %dma_wait3A_3081 = arith.constant 0 : i32
        %dma_wait3A_3082 = tpu.memref_slice %arg4[%mul3A_2, %dma_wait3A_3081] : memref<16384x64xf32, #tpu.memory_space<hbm>> -> memref<32x64xf32, #tpu.memory_space<hbm>>
        %dma_wait3A_3083 = arith.constant 0 : i32
        %dma_wait3A_3084 = arith.constant 0 : i32
        %dma_wait3A_3085 = tpu.memref_slice %arg6[%dma_wait3A_3071, %dma_wait3A_3083, %dma_wait3A_3084] : memref<2x32x64xf32, #tpu.memory_space<vmem>> -> memref<1x32x64xf32, #tpu.memory_space<vmem>>
        %dma_wait3A_3086 = tpu.memref_squeeze %dma_wait3A_3085 : memref<1x32x64xf32, #tpu.memory_space<vmem>> -> memref<32x64xf32, #tpu.memory_space<vmem>>
        tpu.wait_dma2 semaphore(%dma_wait3A_3080 : memref<!tpu.dma_semaphore, #tpu.memory_space<semaphore_mem>>) src(%dma_wait3A_3086 : memref<32x64xf32, #tpu.memory_space<vmem>>) dst(%dma_wait3A_3082 : memref<32x64xf32, #tpu.memory_space<hbm>>)
      } else {
      }
      %mul3A_49 = arith.constant 32 : i32
      %mul3A_50 = arith.muli %mul3A_44, %mul3A_49 : i32
      %add3A_51 = arith.constant 0 : i32
      %add3A_52 = arith.addi %mul3A_50, %add3A_51 : i32
      %get3A = arith.index_cast %add3A_52 : i32 to index
      %get3A_53 = tpu.vector_load %arg5[%get3A] {strides = array<i32>} : memref<512xi32, #tpu.memory_space<vmem>>, vector<16xi32>,
      %get3A_54 = vector.shape_cast %get3A_53 : vector<16xi32> to vector<16xi32>
      %slice3A = vector.extract_strided_slice %get3A_54 {offsets = [0], sizes = [1], strides = [1]} : vector<16xi32> to vector<1xi32>
      %squeeze3A = vector.extract %slice3A[0] : i32 from vector<1xi32>
      %dma_start3A = arith.constant 0 : i32
      %dma_start3A_55 = arith.constant 0 : i32
      %dma_start3A_56 = arith.constant 0 : i32
      %dma_start3A_57 = arith.constant 0 : i32
      %dma_start3A_58 = tpu.memref_slice %arg6[%dma_start3A, %dma_start3A_56, %dma_start3A_57] : memref<2x32x64xf32, #tpu.memory_space<vmem>> -> memref<1x32x64xf32, #tpu.memory_space<vmem>>
      %dma_start3A_59 = tpu.memref_squeeze %dma_start3A_58 : memref<1x32x64xf32, #tpu.memory_space<vmem>> -> memref<32x64xf32, #tpu.memory_space<vmem>>
      %dma_start3A_60 = arith.constant 0 : i32
      %dma_start3A_61 = arith.constant 0 : i32
      %dma_start3A_62 = tpu.memref_slice %dma_start3A_59[%dma_start3A_60, %dma_start3A_61] : memref<32x64xf32, #tpu.memory_space<vmem>> -> memref<1x64xf32, #tpu.memory_space<vmem>>
      %dma_start3A_63 = arith.constant 0 : i32
      %dma_start3A_64 = tpu.memref_slice %arg2[%squeeze3A, %dma_start3A_63] : memref<1000001x64xf32, #tpu.memory_space<hbm>> -> memref<1x64xf32, #tpu.memory_space<hbm>>
      %dma_start3A_65 = tpu.memref_slice %arg7[%dma_start3A_55] : memref<2x!tpu.dma_semaphore, #tpu.memory_space<semaphore_mem>> -> memref<1x!tpu.dma_semaphore, #tpu.memory_space<semaphore_mem>>
      %dma_start3A_66 = tpu.memref_squeeze %dma_start3A_65 : memref<1x!tpu.dma_semaphore, #tpu.memory_space<semaphore_mem>> -> memref<!tpu.dma_semaphore, #tpu.memory_space<semaphore_mem>>
      %dma_start3A_67 = arith.constant 0 : i32
      %dma_start3A_68 = arith.constant 0 : i32
      %dma_start3A_69 = tpu.memref_slice %arg6[%dma_start3A, %dma_start3A_67, %dma_start3A_68] : memref<2x32x64xf32, #tpu.memory_space<vmem>> -> memref<1x32x64xf32, #tpu.memory_space<vmem>>
      %dma_start3A_70 = tpu.memref_squeeze %dma_start3A_69 : memref<1x32x64xf32, #tpu.memory_space<vmem>> -> memref<32x64xf32, #tpu.memory_space<vmem>>
      %dma_start3A_71 = arith.constant 0 : i32
      %dma_start3A_72 = arith.constant 0 : i32
      %dma_start3A_73 = tpu.memref_slice %dma_start3A_70[%dma_start3A_71, %dma_start3A_72] : memref<32x64xf32, #tpu.memory_space<vmem>> -> memref<1x64xf32, #tpu.memory_space<vmem>>
      %dma_start3A_74 = arith.constant 0 : i32
      %dma_start3A_75 = tpu.memref_slice %arg2[%squeeze3A, %dma_start3A_74] : memref<1000001x64xf32, #tpu.memory_space<hbm>> -> memref<1x64xf32, #tpu.memory_space<hbm>>
      tpu.enqueue_dma source(%dma_start3A_75 : memref<1x64xf32, #tpu.memory_space<hbm>>) target(%dma_start3A_73 : memref<1x64xf32, #tpu.memory_space<vmem>>) target_semaphore(%dma_start3A_66 : memref<!tpu.dma_semaphore, #tpu.memory_space<semaphore_mem>>)
      %slice3A_76 = vector.extract_strided_slice %get3A_54 {offsets = [1], sizes = [1], strides = [1]} : vector<16xi32> to vector<1xi32>
      %squeeze3A_77 = vector.extract %slice3A_76[0] : i32 from vector<1xi32>
      %dma_start3A_78 = arith.constant 0 : i32
      %dma_start3A_79 = arith.constant 0 : i32
      %dma_start3A_80 = arith.constant 0 : i32
      %dma_start3A_81 = arith.constant 0 : i32
      %dma_start3A_82 = tpu.memref_slice %arg6[%dma_start3A_78, %dma_start3A_80, %dma_start3A_81] : memref<2x32x64xf32, #tpu.memory_space<vmem>> -> memref<1x32x64xf32, #tpu.memory_space<vmem>>
      %dma_start3A_83 = tpu.memref_squeeze %dma_start3A_82 : memref<1x32x64xf32, #tpu.memory_space<vmem>> -> memref<32x64xf32, #tpu.memory_space<vmem>>
      %dma_start3A_84 = arith.constant 1 : i32
      %dma_start3A_85 = arith.constant 0 : i32
      %dma_start3A_86 = tpu.memref_slice %dma_start3A_83[%dma_start3A_84, %dma_start3A_85] : memref<32x64xf32, #tpu.memory_space<vmem>> -> memref<1x64xf32, #tpu.memory_space<vmem>>
      %dma_start3A_87 = arith.constant 0 : i32
      %dma_start3A_88 = tpu.memref_slice %arg2[%squeeze3A_77, %dma_start3A_87] : memref<1000001x64xf32, #tpu.memory_space<hbm>> -> memref<1x64xf32, #tpu.memory_space<hbm>>
      %dma_start3A_89 = tpu.memref_slice %arg7[%dma_start3A_79] : memref<2x!tpu.dma_semaphore, #tpu.memory_space<semaphore_mem>> -> memref<1x!tpu.dma_semaphore, #tpu.memory_space<semaphore_mem>>
      %dma_start3A_90 = tpu.memref_squeeze %dma_start3A_89 : memref<1x!tpu.dma_semaphore, #tpu.memory_space<semaphore_mem>> -> memref<!tpu.dma_semaphore, #tpu.memory_space<semaphore_mem>>
      %dma_start3A_91 = arith.constant 0 : i32
      %dma_start3A_92 = arith.constant 0 : i32
      %dma_start3A_93 = tpu.memref_slice %arg6[%dma_start3A_78, %dma_start3A_91, %dma_start3A_92] : memref<2x32x64xf32, #tpu.memory_space<vmem>> -> memref<1x32x64xf32, #tpu.memory_space<vmem>>
      %dma_start3A_94 = tpu.memref_squeeze %dma_start3A_93 : memref<1x32x64xf32, #tpu.memory_space<vmem>> -> memref<32x64xf32, #tpu.memory_space<vmem>>
      %dma_start3A_95 = arith.constant 1 : i32
      %dma_start3A_96 = arith.constant 0 : i32
      %dma_start3A_97 = tpu.memref_slice %dma_start3A_94[%dma_start3A_95, %dma_start3A_96] : memref<32x64xf32, #tpu.memory_space<vmem>> -> memref<1x64xf32, #tpu.memory_space<vmem>>
      %dma_start3A_98 = arith.constant 0 : i32
      %dma_start3A_99 = tpu.memref_slice %arg2[%squeeze3A_77, %dma_start3A_98] : memref<1000001x64xf32, #tpu.memory_space<hbm>> -> memref<1x64xf32, #tpu.memory_space<hbm>>
      tpu.enqueue_dma source(%dma_start3A_99 : memref<1x64xf32, #tpu.memory_space<hbm>>) target(%dma_start3A_97 : memref<1x64xf32, #tpu.memory_space<vmem>>) target_semaphore(%dma_start3A_90 : memref<!tpu.dma_semaphore, #tpu.memory_space<semaphore_mem>>)
      %slice3A_100 = vector.extract_strided_slice %get3A_54 {offsets = [2], sizes = [1], strides = [1]} : vector<16xi32> to vector<1xi32>
      %squeeze3A_101 = vector.extract %slice3A_100[0] : i32 from vector<1xi32>
      %dma_start3A_102 = arith.constant 0 : i32
      %dma_start3A_103 = arith.constant 0 : i32
      %dma_start3A_104 = arith.constant 0 : i32
      %dma_start3A_105 = arith.constant 0 : i32
      %dma_start3A_106 = tpu.memref_slice %arg6[%dma_start3A_102, %dma_start3A_104, %dma_start3A_105] : memref<2x32x64xf32, #tpu.memory_space<vmem>> -> memref<1x32x64xf32, #tpu.memory_space<vmem>>
      %dma_start3A_107 = tpu.memref_squeeze %dma_start3A_106 : memref<1x32x64xf32, #tpu.memory_space<vmem>> -> memref<32x64xf32, #tpu.memory_space<vmem>>
      %dma_start3A_108 = arith.constant 2 : i32
      %dma_start3A_109 = arith.constant 0 : i32
      %dma_start3A_110 = tpu.memref_slice %dma_start3A_107[%dma_start3A_108, %dma_start3A_109] : memref<32x64xf32, #tpu.memory_space<vmem>> -> memref<1x64xf32, #tpu.memory_space<vmem>>
      %dma_start3A_111 = arith.constant 0 : i32
      %dma_start3A_112 = tpu.memref_slice %arg2[%squeeze3A_101, %dma_start3A_111] : memref<1000001x64xf32, #tpu.memory_space<hbm>> -> memref<1x64xf32, #tpu.memory_space<hbm>>
      %dma_start3A_113 = tpu.memref_slice %arg7[%dma_start3A_103] : memref<2x!tpu.dma_semaphore, #tpu.memory_space<semaphore_mem>> -> memref<1x!tpu.dma_semaphore, #tpu.memory_space<semaphore_mem>>
      %dma_start3A_114 = tpu.memref_squeeze %dma_start3A_113 : memref<1x!tpu.dma_semaphore, #tpu.memory_space<semaphore_mem>> -> memref<!tpu.dma_semaphore, #tpu.memory_space<semaphore_mem>>
      %dma_start3A_115 = arith.constant 0 : i32
      %dma_start3A_116 = arith.constant 0 : i32
      %dma_start3A_117 = tpu.memref_slice %arg6[%dma_start3A_102, %dma_start3A_115, %dma_start3A_116] : memref<2x32x64xf32, #tpu.memory_space<vmem>> -> memref<1x32x64xf32, #tpu.memory_space<vmem>>
      %dma_start3A_118 = tpu.memref_squeeze %dma_start3A_117 : memref<1x32x64xf32, #tpu.memory_space<vmem>> -> memref<32x64xf32, #tpu.memory_space<vmem>>
      %dma_start3A_119 = arith.constant 2 : i32
      %dma_start3A_120 = arith.constant 0 : i32
      %dma_start3A_121 = tpu.memref_slice %dma_start3A_118[%dma_start3A_119, %dma_start3A_120] : memref<32x64xf32, #tpu.memory_space<vmem>> -> memref<1x64xf32, #tpu.memory_space<vmem>>
      %dma_start3A_122 = arith.constant 0 : i32
      %dma_start3A_123 = tpu.memref_slice %arg2[%squeeze3A_101, %dma_start3A_122] : memref<1000001x64xf32, #tpu.memory_space<hbm>> -> memref<1x64xf32, #tpu.memory_space<hbm>>
      tpu.enqueue_dma source(%dma_start3A_123 : memref<1x64xf32, #tpu.memory_space<hbm>>) target(%dma_start3A_121 : memref<1x64xf32, #tpu.memory_space<vmem>>) target_semaphore(%dma_start3A_114 : memref<!tpu.dma_semaphore, #tpu.memory_space<semaphore_mem>>)
      %slice3A_124 = vector.extract_strided_slice %get3A_54 {offsets = [3], sizes = [1], strides = [1]} : vector<16xi32> to vector<1xi32>
      %squeeze3A_125 = vector.extract %slice3A_124[0] : i32 from vector<1xi32>
      %dma_start3A_126 = arith.constant 0 : i32
      %dma_start3A_127 = arith.constant 0 : i32
      %dma_start3A_128 = arith.constant 0 : i32
      %dma_start3A_129 = arith.constant 0 : i32
      %dma_start3A_130 = tpu.memref_slice %arg6[%dma_start3A_126, %dma_start3A_128, %dma_start3A_129] : memref<2x32x64xf32, #tpu.memory_space<vmem>> -> memref<1x32x64xf32, #tpu.memory_space<vmem>>
      %dma_start3A_131 = tpu.memref_squeeze %dma_start3A_130 : memref<1x32x64xf32, #tpu.memory_space<vmem>> -> memref<32x64xf32, #tpu.memory_space<vmem>>
      %dma_start3A_132 = arith.constant 3 : i32
      %dma_start3A_133 = arith.constant 0 : i32
      %dma_start3A_134 = tpu.memref_slice %dma_start3A_131[%dma_start3A_132, %dma_start3A_133] : memref<32x64xf32, #tpu.memory_space<vmem>> -> memref<1x64xf32, #tpu.memory_space<vmem>>
      %dma_start3A_135 = arith.constant 0 : i32
      %dma_start3A_136 = tpu.memref_slice %arg2[%squeeze3A_125, %dma_start3A_135] : memref<1000001x64xf32, #tpu.memory_space<hbm>> -> memref<1x64xf32, #tpu.memory_space<hbm>>
      %dma_start3A_137 = tpu.memref_slice %arg7[%dma_start3A_127] : memref<2x!tpu.dma_semaphore, #tpu.memory_space<semaphore_mem>> -> memref<1x!tpu.dma_semaphore, #tpu.memory_space<semaphore_mem>>
      %dma_start3A_138 = tpu.memref_squeeze %dma_start3A_137 : memref<1x!tpu.dma_semaphore, #tpu.memory_space<semaphore_mem>> -> memref<!tpu.dma_semaphore, #tpu.memory_space<semaphore_mem>>
      %dma_start3A_139 = arith.constant 0 : i32
      %dma_start3A_140 = arith.constant 0 : i32
      %dma_start3A_141 = tpu.memref_slice %arg6[%dma_start3A_126, %dma_start3A_139, %dma_start3A_140] : memref<2x32x64xf32, #tpu.memory_space<vmem>> -> memref<1x32x64xf32, #tpu.memory_space<vmem>>
      %dma_start3A_142 = tpu.memref_squeeze %dma_start3A_141 : memref<1x32x64xf32, #tpu.memory_space<vmem>> -> memref<32x64xf32, #tpu.memory_space<vmem>>
      %dma_start3A_143 = arith.constant 3 : i32
      %dma_start3A_144 = arith.constant 0 : i32
      %dma_start3A_145 = tpu.memref_slice %dma_start3A_142[%dma_start3A_143, %dma_start3A_144] : memref<32x64xf32, #tpu.memory_space<vmem>> -> memref<1x64xf32, #tpu.memory_space<vmem>>
      %dma_start3A_146 = arith.constant 0 : i32
      %dma_start3A_147 = tpu.memref_slice %arg2[%squeeze3A_125, %dma_start3A_146] : memref<1000001x64xf32, #tpu.memory_space<hbm>> -> memref<1x64xf32, #tpu.memory_space<hbm>>
      tpu.enqueue_dma source(%dma_start3A_147 : memref<1x64xf32, #tpu.memory_space<hbm>>) target(%dma_start3A_145 : memref<1x64xf32, #tpu.memory_space<vmem>>) target_semaphore(%dma_start3A_138 : memref<!tpu.dma_semaphore, #tpu.memory_space<semaphore_mem>>)
      %slice3A_148 = vector.extract_strided_slice %get3A_54 {offsets = [4], sizes = [1], strides = [1]} : vector<16xi32> to vector<1xi32>
      %squeeze3A_149 = vector.extract %slice3A_148[0] : i32 from vector<1xi32>
      %dma_start3A_150 = arith.constant 0 : i32
      %dma_start3A_151 = arith.constant 0 : i32
      %dma_start3A_152 = arith.constant 0 : i32
      %dma_start3A_153 = arith.constant 0 : i32
      %dma_start3A_154 = tpu.memref_slice %arg6[%dma_start3A_150, %dma_start3A_152, %dma_start3A_153] : memref<2x32x64xf32, #tpu.memory_space<vmem>> -> memref<1x32x64xf32, #tpu.memory_space<vmem>>
      %dma_start3A_155 = tpu.memref_squeeze %dma_start3A_154 : memref<1x32x64xf32, #tpu.memory_space<vmem>> -> memref<32x64xf32, #tpu.memory_space<vmem>>
      %dma_start3A_156 = arith.constant 4 : i32
      %dma_start3A_157 = arith.constant 0 : i32
      %dma_start3A_158 = tpu.memref_slice %dma_start3A_155[%dma_start3A_156, %dma_start3A_157] : memref<32x64xf32, #tpu.memory_space<vmem>> -> memref<1x64xf32, #tpu.memory_space<vmem>>
      %dma_start3A_159 = arith.constant 0 : i32
      %dma_start3A_160 = tpu.memref_slice %arg2[%squeeze3A_149, %dma_start3A_159] : memref<1000001x64xf32, #tpu.memory_space<hbm>> -> memref<1x64xf32, #tpu.memory_space<hbm>>
      %dma_start3A_161 = tpu.memref_slice %arg7[%dma_start3A_151] : memref<2x!tpu.dma_semaphore, #tpu.memory_space<semaphore_mem>> -> memref<1x!tpu.dma_semaphore, #tpu.memory_space<semaphore_mem>>
      %dma_start3A_162 = tpu.memref_squeeze %dma_start3A_161 : memref<1x!tpu.dma_semaphore, #tpu.memory_space<semaphore_mem>> -> memref<!tpu.dma_semaphore, #tpu.memory_space<semaphore_mem>>
      %dma_start3A_163 = arith.constant 0 : i32
      %dma_start3A_164 = arith.constant 0 : i32
      %dma_start3A_165 = tpu.memref_slice %arg6[%dma_start3A_150, %dma_start3A_163, %dma_start3A_164] : memref<2x32x64xf32, #tpu.memory_space<vmem>> -> memref<1x32x64xf32, #tpu.memory_space<vmem>>
      %dma_start3A_166 = tpu.memref_squeeze %dma_start3A_165 : memref<1x32x64xf32, #tpu.memory_space<vmem>> -> memref<32x64xf32, #tpu.memory_space<vmem>>
      %dma_start3A_167 = arith.constant 4 : i32
      %dma_start3A_168 = arith.constant 0 : i32
      %dma_start3A_169 = tpu.memref_slice %dma_start3A_166[%dma_start3A_167, %dma_start3A_168] : memref<32x64xf32, #tpu.memory_space<vmem>> -> memref<1x64xf32, #tpu.memory_space<vmem>>
      %dma_start3A_170 = arith.constant 0 : i32
      %dma_start3A_171 = tpu.memref_slice %arg2[%squeeze3A_149, %dma_start3A_170] : memref<1000001x64xf32, #tpu.memory_space<hbm>> -> memref<1x64xf32, #tpu.memory_space<hbm>>
      tpu.enqueue_dma source(%dma_start3A_171 : memref<1x64xf32, #tpu.memory_space<hbm>>) target(%dma_start3A_169 : memref<1x64xf32, #tpu.memory_space<vmem>>) target_semaphore(%dma_start3A_162 : memref<!tpu.dma_semaphore, #tpu.memory_space<semaphore_mem>>)
      %slice3A_172 = vector.extract_strided_slice %get3A_54 {offsets = [5], sizes = [1], strides = [1]} : vector<16xi32> to vector<1xi32>
      %squeeze3A_173 = vector.extract %slice3A_172[0] : i32 from vector<1xi32>
      %dma_start3A_174 = arith.constant 0 : i32
      %dma_start3A_175 = arith.constant 0 : i32
      %dma_start3A_176 = arith.constant 0 : i32
      %dma_start3A_177 = arith.constant 0 : i32
      %dma_start3A_178 = tpu.memref_slice %arg6[%dma_start3A_174, %dma_start3A_176, %dma_start3A_177] : memref<2x32x64xf32, #tpu.memory_space<vmem>> -> memref<1x32x64xf32, #tpu.memory_space<vmem>>
      %dma_start3A_179 = tpu.memref_squeeze %dma_start3A_178 : memref<1x32x64xf32, #tpu.memory_space<vmem>> -> memref<32x64xf32, #tpu.memory_space<vmem>>
      %dma_start3A_180 = arith.constant 5 : i32
      %dma_start3A_181 = arith.constant 0 : i32
      %dma_start3A_182 = tpu.memref_slice %dma_start3A_179[%dma_start3A_180, %dma_start3A_181] : memref<32x64xf32, #tpu.memory_space<vmem>> -> memref<1x64xf32, #tpu.memory_space<vmem>>
      %dma_start3A_183 = arith.constant 0 : i32
      %dma_start3A_184 = tpu.memref_slice %arg2[%squeeze3A_173, %dma_start3A_183] : memref<1000001x64xf32, #tpu.memory_space<hbm>> -> memref<1x64xf32, #tpu.memory_space<hbm>>
      %dma_start3A_185 = tpu.memref_slice %arg7[%dma_start3A_175] : memref<2x!tpu.dma_semaphore, #tpu.memory_space<semaphore_mem>> -> memref<1x!tpu.dma_semaphore, #tpu.memory_space<semaphore_mem>>
      %dma_start3A_186 = tpu.memref_squeeze %dma_start3A_185 : memref<1x!tpu.dma_semaphore, #tpu.memory_space<semaphore_mem>> -> memref<!tpu.dma_semaphore, #tpu.memory_space<semaphore_mem>>
      %dma_start3A_187 = arith.constant 0 : i32
      %dma_start3A_188 = arith.constant 0 : i32
      %dma_start3A_189 = tpu.memref_slice %arg6[%dma_start3A_174, %dma_start3A_187, %dma_start3A_188] : memref<2x32x64xf32, #tpu.memory_space<vmem>> -> memref<1x32x64xf32, #tpu.memory_space<vmem>>
      %dma_start3A_190 = tpu.memref_squeeze %dma_start3A_189 : memref<1x32x64xf32, #tpu.memory_space<vmem>> -> memref<32x64xf32, #tpu.memory_space<vmem>>
      %dma_start3A_191 = arith.constant 5 : i32
      %dma_start3A_192 = arith.constant 0 : i32
      %dma_start3A_193 = tpu.memref_slice %dma_start3A_190[%dma_start3A_191, %dma_start3A_192] : memref<32x64xf32, #tpu.memory_space<vmem>> -> memref<1x64xf32, #tpu.memory_space<vmem>>
      %dma_start3A_194 = arith.constant 0 : i32
      %dma_start3A_195 = tpu.memref_slice %arg2[%squeeze3A_173, %dma_start3A_194] : memref<1000001x64xf32, #tpu.memory_space<hbm>> -> memref<1x64xf32, #tpu.memory_space<hbm>>
      tpu.enqueue_dma source(%dma_start3A_195 : memref<1x64xf32, #tpu.memory_space<hbm>>) target(%dma_start3A_193 : memref<1x64xf32, #tpu.memory_space<vmem>>) target_semaphore(%dma_start3A_186 : memref<!tpu.dma_semaphore, #tpu.memory_space<semaphore_mem>>)
      %slice3A_196 = vector.extract_strided_slice %get3A_54 {offsets = [6], sizes = [1], strides = [1]} : vector<16xi32> to vector<1xi32>
      %squeeze3A_197 = vector.extract %slice3A_196[0] : i32 from vector<1xi32>
      %dma_start3A_198 = arith.constant 0 : i32
      %dma_start3A_199 = arith.constant 0 : i32
      %dma_start3A_200 = arith.constant 0 : i32
      %dma_start3A_201 = arith.constant 0 : i32
      %dma_start3A_202 = tpu.memref_slice %arg6[%dma_start3A_198, %dma_start3A_200, %dma_start3A_201] : memref<2x32x64xf32, #tpu.memory_space<vmem>> -> memref<1x32x64xf32, #tpu.memory_space<vmem>>
      %dma_start3A_203 = tpu.memref_squeeze %dma_start3A_202 : memref<1x32x64xf32, #tpu.memory_space<vmem>> -> memref<32x64xf32, #tpu.memory_space<vmem>>
      %dma_start3A_204 = arith.constant 6 : i32
      %dma_start3A_205 = arith.constant 0 : i32
      %dma_start3A_206 = tpu.memref_slice %dma_start3A_203[%dma_start3A_204, %dma_start3A_205] : memref<32x64xf32, #tpu.memory_space<vmem>> -> memref<1x64xf32, #tpu.memory_space<vmem>>
      %dma_start3A_207 = arith.constant 0 : i32
      %dma_start3A_208 = tpu.memref_slice %arg2[%squeeze3A_197, %dma_start3A_207] : memref<1000001x64xf32, #tpu.memory_space<hbm>> -> memref<1x64xf32, #tpu.memory_space<hbm>>
      %dma_start3A_209 = tpu.memref_slice %arg7[%dma_start3A_199] : memref<2x!tpu.dma_semaphore, #tpu.memory_space<semaphore_mem>> -> memref<1x!tpu.dma_semaphore, #tpu.memory_space<semaphore_mem>>
      %dma_start3A_210 = tpu.memref_squeeze %dma_start3A_209 : memref<1x!tpu.dma_semaphore, #tpu.memory_space<semaphore_mem>> -> memref<!tpu.dma_semaphore, #tpu.memory_space<semaphore_mem>>
      %dma_start3A_211 = arith.constant 0 : i32
      %dma_start3A_212 = arith.constant 0 : i32
      %dma_start3A_213 = tpu.memref_slice %arg6[%dma_start3A_198, %dma_start3A_211, %dma_start3A_212] : memref<2x32x64xf32, #tpu.memory_space<vmem>> -> memref<1x32x64xf32, #tpu.memory_space<vmem>>
      %dma_start3A_214 = tpu.memref_squeeze %dma_start3A_213 : memref<1x32x64xf32, #tpu.memory_space<vmem>> -> memref<32x64xf32, #tpu.memory_space<vmem>>
      %dma_start3A_215 = arith.constant 6 : i32
      %dma_start3A_216 = arith.constant 0 : i32
      %dma_start3A_217 = tpu.memref_slice %dma_start3A_214[%dma_start3A_215, %dma_start3A_216] : memref<32x64xf32, #tpu.memory_space<vmem>> -> memref<1x64xf32, #tpu.memory_space<vmem>>
      %dma_start3A_218 = arith.constant 0 : i32
      %dma_start3A_219 = tpu.memref_slice %arg2[%squeeze3A_197, %dma_start3A_218] : memref<1000001x64xf32, #tpu.memory_space<hbm>> -> memref<1x64xf32, #tpu.memory_space<hbm>>
      tpu.enqueue_dma source(%dma_start3A_219 : memref<1x64xf32, #tpu.memory_space<hbm>>) target(%dma_start3A_217 : memref<1x64xf32, #tpu.memory_space<vmem>>) target_semaphore(%dma_start3A_210 : memref<!tpu.dma_semaphore, #tpu.memory_space<semaphore_mem>>)
      %slice3A_220 = vector.extract_strided_slice %get3A_54 {offsets = [7], sizes = [1], strides = [1]} : vector<16xi32> to vector<1xi32>
      %squeeze3A_221 = vector.extract %slice3A_220[0] : i32 from vector<1xi32>
      %dma_start3A_222 = arith.constant 0 : i32
      %dma_start3A_223 = arith.constant 0 : i32
      %dma_start3A_224 = arith.constant 0 : i32
      %dma_start3A_225 = arith.constant 0 : i32
      %dma_start3A_226 = tpu.memref_slice %arg6[%dma_start3A_222, %dma_start3A_224, %dma_start3A_225] : memref<2x32x64xf32, #tpu.memory_space<vmem>> -> memref<1x32x64xf32, #tpu.memory_space<vmem>>
      %dma_start3A_227 = tpu.memref_squeeze %dma_start3A_226 : memref<1x32x64xf32, #tpu.memory_space<vmem>> -> memref<32x64xf32, #tpu.memory_space<vmem>>
      %dma_start3A_228 = arith.constant 7 : i32
      %dma_start3A_229 = arith.constant 0 : i32
      %dma_start3A_230 = tpu.memref_slice %dma_start3A_227[%dma_start3A_228, %dma_start3A_229] : memref<32x64xf32, #tpu.memory_space<vmem>> -> memref<1x64xf32, #tpu.memory_space<vmem>>
      %dma_start3A_231 = arith.constant 0 : i32
      %dma_start3A_232 = tpu.memref_slice %arg2[%squeeze3A_221, %dma_start3A_231] : memref<1000001x64xf32, #tpu.memory_space<hbm>> -> memref<1x64xf32, #tpu.memory_space<hbm>>
      %dma_start3A_233 = tpu.memref_slice %arg7[%dma_start3A_223] : memref<2x!tpu.dma_semaphore, #tpu.memory_space<semaphore_mem>> -> memref<1x!tpu.dma_semaphore, #tpu.memory_space<semaphore_mem>>
      %dma_start3A_234 = tpu.memref_squeeze %dma_start3A_233 : memref<1x!tpu.dma_semaphore, #tpu.memory_space<semaphore_mem>> -> memref<!tpu.dma_semaphore, #tpu.memory_space<semaphore_mem>>
      %dma_start3A_235 = arith.constant 0 : i32
      %dma_start3A_236 = arith.constant 0 : i32
      %dma_start3A_237 = tpu.memref_slice %arg6[%dma_start3A_222, %dma_start3A_235, %dma_start3A_236] : memref<2x32x64xf32, #tpu.memory_space<vmem>> -> memref<1x32x64xf32, #tpu.memory_space<vmem>>
      %dma_start3A_238 = tpu.memref_squeeze %dma_start3A_237 : memref<1x32x64xf32, #tpu.memory_space<vmem>> -> memref<32x64xf32, #tpu.memory_space<vmem>>
      %dma_start3A_239 = arith.constant 7 : i32
      %dma_start3A_240 = arith.constant 0 : i32
      %dma_start3A_241 = tpu.memref_slice %dma_start3A_238[%dma_start3A_239, %dma_start3A_240] : memref<32x64xf32, #tpu.memory_space<vmem>> -> memref<1x64xf32, #tpu.memory_space<vmem>>
      %dma_start3A_242 = arith.constant 0 : i32
      %dma_start3A_243 = tpu.memref_slice %arg2[%squeeze3A_221, %dma_start3A_242] : memref<1000001x64xf32, #tpu.memory_space<hbm>> -> memref<1x64xf32, #tpu.memory_space<hbm>>
      tpu.enqueue_dma source(%dma_start3A_243 : memref<1x64xf32, #tpu.memory_space<hbm>>) target(%dma_start3A_241 : memref<1x64xf32, #tpu.memory_space<vmem>>) target_semaphore(%dma_start3A_234 : memref<!tpu.dma_semaphore, #tpu.memory_space<semaphore_mem>>)
      %slice3A_244 = vector.extract_strided_slice %get3A_54 {offsets = [8], sizes = [1], strides = [1]} : vector<16xi32> to vector<1xi32>
      %squeeze3A_245 = vector.extract %slice3A_244[0] : i32 from vector<1xi32>
      %dma_start3A_246 = arith.constant 0 : i32
      %dma_start3A_247 = arith.constant 0 : i32
      %dma_start3A_248 = arith.constant 0 : i32
      %dma_start3A_249 = arith.constant 0 : i32
      %dma_start3A_250 = tpu.memref_slice %arg6[%dma_start3A_246, %dma_start3A_248, %dma_start3A_249] : memref<2x32x64xf32, #tpu.memory_space<vmem>> -> memref<1x32x64xf32, #tpu.memory_space<vmem>>
      %dma_start3A_251 = tpu.memref_squeeze %dma_start3A_250 : memref<1x32x64xf32, #tpu.memory_space<vmem>> -> memref<32x64xf32, #tpu.memory_space<vmem>>
      %dma_start3A_252 = arith.constant 8 : i32
      %dma_start3A_253 = arith.constant 0 : i32
      %dma_start3A_254 = tpu.memref_slice %dma_start3A_251[%dma_start3A_252, %dma_start3A_253] : memref<32x64xf32, #tpu.memory_space<vmem>> -> memref<1x64xf32, #tpu.memory_space<vmem>>
      %dma_start3A_255 = arith.constant 0 : i32
      %dma_start3A_256 = tpu.memref_slice %arg2[%squeeze3A_245, %dma_start3A_255] : memref<1000001x64xf32, #tpu.memory_space<hbm>> -> memref<1x64xf32, #tpu.memory_space<hbm>>
      %dma_start3A_257 = tpu.memref_slice %arg7[%dma_start3A_247] : memref<2x!tpu.dma_semaphore, #tpu.memory_space<semaphore_mem>> -> memref<1x!tpu.dma_semaphore, #tpu.memory_space<semaphore_mem>>
      %dma_start3A_258 = tpu.memref_squeeze %dma_start3A_257 : memref<1x!tpu.dma_semaphore, #tpu.memory_space<semaphore_mem>> -> memref<!tpu.dma_semaphore, #tpu.memory_space<semaphore_mem>>
      %dma_start3A_259 = arith.constant 0 : i32
      %dma_start3A_260 = arith.constant 0 : i32
      %dma_start3A_261 = tpu.memref_slice %arg6[%dma_start3A_246, %dma_start3A_259, %dma_start3A_260] : memref<2x32x64xf32, #tpu.memory_space<vmem>> -> memref<1x32x64xf32, #tpu.memory_space<vmem>>
      %dma_start3A_262 = tpu.memref_squeeze %dma_start3A_261 : memref<1x32x64xf32, #tpu.memory_space<vmem>> -> memref<32x64xf32, #tpu.memory_space<vmem>>
      %dma_start3A_263 = arith.constant 8 : i32
      %dma_start3A_264 = arith.constant 0 : i32
      %dma_start3A_265 = tpu.memref_slice %dma_start3A_262[%dma_start3A_263, %dma_start3A_264] : memref<32x64xf32, #tpu.memory_space<vmem>> -> memref<1x64xf32, #tpu.memory_space<vmem>>
      %dma_start3A_266 = arith.constant 0 : i32
      %dma_start3A_267 = tpu.memref_slice %arg2[%squeeze3A_245, %dma_start3A_266] : memref<1000001x64xf32, #tpu.memory_space<hbm>> -> memref<1x64xf32, #tpu.memory_space<hbm>>
      tpu.enqueue_dma source(%dma_start3A_267 : memref<1x64xf32, #tpu.memory_space<hbm>>) target(%dma_start3A_265 : memref<1x64xf32, #tpu.memory_space<vmem>>) target_semaphore(%dma_start3A_258 : memref<!tpu.dma_semaphore, #tpu.memory_space<semaphore_mem>>)
      %slice3A_268 = vector.extract_strided_slice %get3A_54 {offsets = [9], sizes = [1], strides = [1]} : vector<16xi32> to vector<1xi32>
      %squeeze3A_269 = vector.extract %slice3A_268[0] : i32 from vector<1xi32>
      %dma_start3A_270 = arith.constant 0 : i32
      %dma_start3A_271 = arith.constant 0 : i32
      %dma_start3A_272 = arith.constant 0 : i32
      %dma_start3A_273 = arith.constant 0 : i32
      %dma_start3A_274 = tpu.memref_slice %arg6[%dma_start3A_270, %dma_start3A_272, %dma_start3A_273] : memref<2x32x64xf32, #tpu.memory_space<vmem>> -> memref<1x32x64xf32, #tpu.memory_space<vmem>>
      %dma_start3A_275 = tpu.memref_squeeze %dma_start3A_274 : memref<1x32x64xf32, #tpu.memory_space<vmem>> -> memref<32x64xf32, #tpu.memory_space<vmem>>
      %dma_start3A_276 = arith.constant 9 : i32
      %dma_start3A_277 = arith.constant 0 : i32
      %dma_start3A_278 = tpu.memref_slice %dma_start3A_275[%dma_start3A_276, %dma_start3A_277] : memref<32x64xf32, #tpu.memory_space<vmem>> -> memref<1x64xf32, #tpu.memory_space<vmem>>
      %dma_start3A_279 = arith.constant 0 : i32
      %dma_start3A_280 = tpu.memref_slice %arg2[%squeeze3A_269, %dma_start3A_279] : memref<1000001x64xf32, #tpu.memory_space<hbm>> -> memref<1x64xf32, #tpu.memory_space<hbm>>
      %dma_start3A_281 = tpu.memref_slice %arg7[%dma_start3A_271] : memref<2x!tpu.dma_semaphore, #tpu.memory_space<semaphore_mem>> -> memref<1x!tpu.dma_semaphore, #tpu.memory_space<semaphore_mem>>
      %dma_start3A_282 = tpu.memref_squeeze %dma_start3A_281 : memref<1x!tpu.dma_semaphore, #tpu.memory_space<semaphore_mem>> -> memref<!tpu.dma_semaphore, #tpu.memory_space<semaphore_mem>>
      %dma_start3A_283 = arith.constant 0 : i32
      %dma_start3A_284 = arith.constant 0 : i32
      %dma_start3A_285 = tpu.memref_slice %arg6[%dma_start3A_270, %dma_start3A_283, %dma_start3A_284] : memref<2x32x64xf32, #tpu.memory_space<vmem>> -> memref<1x32x64xf32, #tpu.memory_space<vmem>>
      %dma_start3A_286 = tpu.memref_squeeze %dma_start3A_285 : memref<1x32x64xf32, #tpu.memory_space<vmem>> -> memref<32x64xf32, #tpu.memory_space<vmem>>
      %dma_start3A_287 = arith.constant 9 : i32
      %dma_start3A_288 = arith.constant 0 : i32
      %dma_start3A_289 = tpu.memref_slice %dma_start3A_286[%dma_start3A_287, %dma_start3A_288] : memref<32x64xf32, #tpu.memory_space<vmem>> -> memref<1x64xf32, #tpu.memory_space<vmem>>
      %dma_start3A_290 = arith.constant 0 : i32
      %dma_start3A_291 = tpu.memref_slice %arg2[%squeeze3A_269, %dma_start3A_290] : memref<1000001x64xf32, #tpu.memory_space<hbm>> -> memref<1x64xf32, #tpu.memory_space<hbm>>
      tpu.enqueue_dma source(%dma_start3A_291 : memref<1x64xf32, #tpu.memory_space<hbm>>) target(%dma_start3A_289 : memref<1x64xf32, #tpu.memory_space<vmem>>) target_semaphore(%dma_start3A_282 : memref<!tpu.dma_semaphore, #tpu.memory_space<semaphore_mem>>)
      %slice3A_292 = vector.extract_strided_slice %get3A_54 {offsets = [10], sizes = [1], strides = [1]} : vector<16xi32> to vector<1xi32>
      %squeeze3A_293 = vector.extract %slice3A_292[0] : i32 from vector<1xi32>
      %dma_start3A_294 = arith.constant 0 : i32
      %dma_start3A_295 = arith.constant 0 : i32
      %dma_start3A_296 = arith.constant 0 : i32
      %dma_start3A_297 = arith.constant 0 : i32
      %dma_start3A_298 = tpu.memref_slice %arg6[%dma_start3A_294, %dma_start3A_296, %dma_start3A_297] : memref<2x32x64xf32, #tpu.memory_space<vmem>> -> memref<1x32x64xf32, #tpu.memory_space<vmem>>
      %dma_start3A_299 = tpu.memref_squeeze %dma_start3A_298 : memref<1x32x64xf32, #tpu.memory_space<vmem>> -> memref<32x64xf32, #tpu.memory_space<vmem>>
      %dma_start3A_300 = arith.constant 10 : i32
      %dma_start3A_301 = arith.constant 0 : i32
      %dma_start3A_302 = tpu.memref_slice %dma_start3A_299[%dma_start3A_300, %dma_start3A_301] : memref<32x64xf32, #tpu.memory_space<vmem>> -> memref<1x64xf32, #tpu.memory_space<vmem>>
      %dma_start3A_303 = arith.constant 0 : i32
      %dma_start3A_304 = tpu.memref_slice %arg2[%squeeze3A_293, %dma_start3A_303] : memref<1000001x64xf32, #tpu.memory_space<hbm>> -> memref<1x64xf32, #tpu.memory_space<hbm>>
      %dma_start3A_305 = tpu.memref_slice %arg7[%dma_start3A_295] : memref<2x!tpu.dma_semaphore, #tpu.memory_space<semaphore_mem>> -> memref<1x!tpu.dma_semaphore, #tpu.memory_space<semaphore_mem>>
      %dma_start3A_306 = tpu.memref_squeeze %dma_start3A_305 : memref<1x!tpu.dma_semaphore, #tpu.memory_space<semaphore_mem>> -> memref<!tpu.dma_semaphore, #tpu.memory_space<semaphore_mem>>
      %dma_start3A_307 = arith.constant 0 : i32
      %dma_start3A_308 = arith.constant 0 : i32
      %dma_start3A_309 = tpu.memref_slice %arg6[%dma_start3A_294, %dma_start3A_307, %dma_start3A_308] : memref<2x32x64xf32, #tpu.memory_space<vmem>> -> memref<1x32x64xf32, #tpu.memory_space<vmem>>
      %dma_start3A_310 = tpu.memref_squeeze %dma_start3A_309 : memref<1x32x64xf32, #tpu.memory_space<vmem>> -> memref<32x64xf32, #tpu.memory_space<vmem>>
      %dma_start3A_311 = arith.constant 10 : i32
      %dma_start3A_312 = arith.constant 0 : i32
      %dma_start3A_313 = tpu.memref_slice %dma_start3A_310[%dma_start3A_311, %dma_start3A_312] : memref<32x64xf32, #tpu.memory_space<vmem>> -> memref<1x64xf32, #tpu.memory_space<vmem>>
      %dma_start3A_314 = arith.constant 0 : i32
      %dma_start3A_315 = tpu.memref_slice %arg2[%squeeze3A_293, %dma_start3A_314] : memref<1000001x64xf32, #tpu.memory_space<hbm>> -> memref<1x64xf32, #tpu.memory_space<hbm>>
      tpu.enqueue_dma source(%dma_start3A_315 : memref<1x64xf32, #tpu.memory_space<hbm>>) target(%dma_start3A_313 : memref<1x64xf32, #tpu.memory_space<vmem>>) target_semaphore(%dma_start3A_306 : memref<!tpu.dma_semaphore, #tpu.memory_space<semaphore_mem>>)
      %slice3A_316 = vector.extract_strided_slice %get3A_54 {offsets = [11], sizes = [1], strides = [1]} : vector<16xi32> to vector<1xi32>
      %squeeze3A_317 = vector.extract %slice3A_316[0] : i32 from vector<1xi32>
      %dma_start3A_318 = arith.constant 0 : i32
      %dma_start3A_319 = arith.constant 0 : i32
      %dma_start3A_320 = arith.constant 0 : i32
      %dma_start3A_321 = arith.constant 0 : i32
      %dma_start3A_322 = tpu.memref_slice %arg6[%dma_start3A_318, %dma_start3A_320, %dma_start3A_321] : memref<2x32x64xf32, #tpu.memory_space<vmem>> -> memref<1x32x64xf32, #tpu.memory_space<vmem>>
      %dma_start3A_323 = tpu.memref_squeeze %dma_start3A_322 : memref<1x32x64xf32, #tpu.memory_space<vmem>> -> memref<32x64xf32, #tpu.memory_space<vmem>>
      %dma_start3A_324 = arith.constant 11 : i32
      %dma_start3A_325 = arith.constant 0 : i32
      %dma_start3A_326 = tpu.memref_slice %dma_start3A_323[%dma_start3A_324, %dma_start3A_325] : memref<32x64xf32, #tpu.memory_space<vmem>> -> memref<1x64xf32, #tpu.memory_space<vmem>>
      %dma_start3A_327 = arith.constant 0 : i32
      %dma_start3A_328 = tpu.memref_slice %arg2[%squeeze3A_317, %dma_start3A_327] : memref<1000001x64xf32, #tpu.memory_space<hbm>> -> memref<1x64xf32, #tpu.memory_space<hbm>>
      %dma_start3A_329 = tpu.memref_slice %arg7[%dma_start3A_319] : memref<2x!tpu.dma_semaphore, #tpu.memory_space<semaphore_mem>> -> memref<1x!tpu.dma_semaphore, #tpu.memory_space<semaphore_mem>>
      %dma_start3A_330 = tpu.memref_squeeze %dma_start3A_329 : memref<1x!tpu.dma_semaphore, #tpu.memory_space<semaphore_mem>> -> memref<!tpu.dma_semaphore, #tpu.memory_space<semaphore_mem>>
      %dma_start3A_331 = arith.constant 0 : i32
      %dma_start3A_332 = arith.constant 0 : i32
      %dma_start3A_333 = tpu.memref_slice %arg6[%dma_start3A_318, %dma_start3A_331, %dma_start3A_332] : memref<2x32x64xf32, #tpu.memory_space<vmem>> -> memref<1x32x64xf32, #tpu.memory_space<vmem>>
      %dma_start3A_334 = tpu.memref_squeeze %dma_start3A_333 : memref<1x32x64xf32, #tpu.memory_space<vmem>> -> memref<32x64xf32, #tpu.memory_space<vmem>>
      %dma_start3A_335 = arith.constant 11 : i32
      %dma_start3A_336 = arith.constant 0 : i32
      %dma_start3A_337 = tpu.memref_slice %dma_start3A_334[%dma_start3A_335, %dma_start3A_336] : memref<32x64xf32, #tpu.memory_space<vmem>> -> memref<1x64xf32, #tpu.memory_space<vmem>>
      %dma_start3A_338 = arith.constant 0 : i32
      %dma_start3A_339 = tpu.memref_slice %arg2[%squeeze3A_317, %dma_start3A_338] : memref<1000001x64xf32, #tpu.memory_space<hbm>> -> memref<1x64xf32, #tpu.memory_space<hbm>>
      tpu.enqueue_dma source(%dma_start3A_339 : memref<1x64xf32, #tpu.memory_space<hbm>>) target(%dma_start3A_337 : memref<1x64xf32, #tpu.memory_space<vmem>>) target_semaphore(%dma_start3A_330 : memref<!tpu.dma_semaphore, #tpu.memory_space<semaphore_mem>>)
      %slice3A_340 = vector.extract_strided_slice %get3A_54 {offsets = [12], sizes = [1], strides = [1]} : vector<16xi32> to vector<1xi32>
      %squeeze3A_341 = vector.extract %slice3A_340[0] : i32 from vector<1xi32>
      %dma_start3A_342 = arith.constant 0 : i32
      %dma_start3A_343 = arith.constant 0 : i32
      %dma_start3A_344 = arith.constant 0 : i32
      %dma_start3A_345 = arith.constant 0 : i32
      %dma_start3A_346 = tpu.memref_slice %arg6[%dma_start3A_342, %dma_start3A_344, %dma_start3A_345] : memref<2x32x64xf32, #tpu.memory_space<vmem>> -> memref<1x32x64xf32, #tpu.memory_space<vmem>>
      %dma_start3A_347 = tpu.memref_squeeze %dma_start3A_346 : memref<1x32x64xf32, #tpu.memory_space<vmem>> -> memref<32x64xf32, #tpu.memory_space<vmem>>
      %dma_start3A_348 = arith.constant 12 : i32
      %dma_start3A_349 = arith.constant 0 : i32
      %dma_start3A_350 = tpu.memref_slice %dma_start3A_347[%dma_start3A_348, %dma_start3A_349] : memref<32x64xf32, #tpu.memory_space<vmem>> -> memref<1x64xf32, #tpu.memory_space<vmem>>
      %dma_start3A_351 = arith.constant 0 : i32
      %dma_start3A_352 = tpu.memref_slice %arg2[%squeeze3A_341, %dma_start3A_351] : memref<1000001x64xf32, #tpu.memory_space<hbm>> -> memref<1x64xf32, #tpu.memory_space<hbm>>
      %dma_start3A_353 = tpu.memref_slice %arg7[%dma_start3A_343] : memref<2x!tpu.dma_semaphore, #tpu.memory_space<semaphore_mem>> -> memref<1x!tpu.dma_semaphore, #tpu.memory_space<semaphore_mem>>
      %dma_start3A_354 = tpu.memref_squeeze %dma_start3A_353 : memref<1x!tpu.dma_semaphore, #tpu.memory_space<semaphore_mem>> -> memref<!tpu.dma_semaphore, #tpu.memory_space<semaphore_mem>>
      %dma_start3A_355 = arith.constant 0 : i32
      %dma_start3A_356 = arith.constant 0 : i32
      %dma_start3A_357 = tpu.memref_slice %arg6[%dma_start3A_342, %dma_start3A_355, %dma_start3A_356] : memref<2x32x64xf32, #tpu.memory_space<vmem>> -> memref<1x32x64xf32, #tpu.memory_space<vmem>>
      %dma_start3A_358 = tpu.memref_squeeze %dma_start3A_357 : memref<1x32x64xf32, #tpu.memory_space<vmem>> -> memref<32x64xf32, #tpu.memory_space<vmem>>
      %dma_start3A_359 = arith.constant 12 : i32
      %dma_start3A_360 = arith.constant 0 : i32
      %dma_start3A_361 = tpu.memref_slice %dma_start3A_358[%dma_start3A_359, %dma_start3A_360] : memref<32x64xf32, #tpu.memory_space<vmem>> -> memref<1x64xf32, #tpu.memory_space<vmem>>
      %dma_start3A_362 = arith.constant 0 : i32
      %dma_start3A_363 = tpu.memref_slice %arg2[%squeeze3A_341, %dma_start3A_362] : memref<1000001x64xf32, #tpu.memory_space<hbm>> -> memref<1x64xf32, #tpu.memory_space<hbm>>
      tpu.enqueue_dma source(%dma_start3A_363 : memref<1x64xf32, #tpu.memory_space<hbm>>) target(%dma_start3A_361 : memref<1x64xf32, #tpu.memory_space<vmem>>) target_semaphore(%dma_start3A_354 : memref<!tpu.dma_semaphore, #tpu.memory_space<semaphore_mem>>)
      %slice3A_364 = vector.extract_strided_slice %get3A_54 {offsets = [13], sizes = [1], strides = [1]} : vector<16xi32> to vector<1xi32>
      %squeeze3A_365 = vector.extract %slice3A_364[0] : i32 from vector<1xi32>
      %dma_start3A_366 = arith.constant 0 : i32
      %dma_start3A_367 = arith.constant 0 : i32
      %dma_start3A_368 = arith.constant 0 : i32
      %dma_start3A_369 = arith.constant 0 : i32
      %dma_start3A_370 = tpu.memref_slice %arg6[%dma_start3A_366, %dma_start3A_368, %dma_start3A_369] : memref<2x32x64xf32, #tpu.memory_space<vmem>> -> memref<1x32x64xf32, #tpu.memory_space<vmem>>
      %dma_start3A_371 = tpu.memref_squeeze %dma_start3A_370 : memref<1x32x64xf32, #tpu.memory_space<vmem>> -> memref<32x64xf32, #tpu.memory_space<vmem>>
      %dma_start3A_372 = arith.constant 13 : i32
      %dma_start3A_373 = arith.constant 0 : i32
      %dma_start3A_374 = tpu.memref_slice %dma_start3A_371[%dma_start3A_372, %dma_start3A_373] : memref<32x64xf32, #tpu.memory_space<vmem>> -> memref<1x64xf32, #tpu.memory_space<vmem>>
      %dma_start3A_375 = arith.constant 0 : i32
      %dma_start3A_376 = tpu.memref_slice %arg2[%squeeze3A_365, %dma_start3A_375] : memref<1000001x64xf32, #tpu.memory_space<hbm>> -> memref<1x64xf32, #tpu.memory_space<hbm>>
      %dma_start3A_377 = tpu.memref_slice %arg7[%dma_start3A_367] : memref<2x!tpu.dma_semaphore, #tpu.memory_space<semaphore_mem>> -> memref<1x!tpu.dma_semaphore, #tpu.memory_space<semaphore_mem>>
      %dma_start3A_378 = tpu.memref_squeeze %dma_start3A_377 : memref<1x!tpu.dma_semaphore, #tpu.memory_space<semaphore_mem>> -> memref<!tpu.dma_semaphore, #tpu.memory_space<semaphore_mem>>
      %dma_start3A_379 = arith.constant 0 : i32
      %dma_start3A_380 = arith.constant 0 : i32
      %dma_start3A_381 = tpu.memref_slice %arg6[%dma_start3A_366, %dma_start3A_379, %dma_start3A_380] : memref<2x32x64xf32, #tpu.memory_space<vmem>> -> memref<1x32x64xf32, #tpu.memory_space<vmem>>
      %dma_start3A_382 = tpu.memref_squeeze %dma_start3A_381 : memref<1x32x64xf32, #tpu.memory_space<vmem>> -> memref<32x64xf32, #tpu.memory_space<vmem>>
      %dma_start3A_383 = arith.constant 13 : i32
      %dma_start3A_384 = arith.constant 0 : i32
      %dma_start3A_385 = tpu.memref_slice %dma_start3A_382[%dma_start3A_383, %dma_start3A_384] : memref<32x64xf32, #tpu.memory_space<vmem>> -> memref<1x64xf32, #tpu.memory_space<vmem>>
      %dma_start3A_386 = arith.constant 0 : i32
      %dma_start3A_387 = tpu.memref_slice %arg2[%squeeze3A_365, %dma_start3A_386] : memref<1000001x64xf32, #tpu.memory_space<hbm>> -> memref<1x64xf32, #tpu.memory_space<hbm>>
      tpu.enqueue_dma source(%dma_start3A_387 : memref<1x64xf32, #tpu.memory_space<hbm>>) target(%dma_start3A_385 : memref<1x64xf32, #tpu.memory_space<vmem>>) target_semaphore(%dma_start3A_378 : memref<!tpu.dma_semaphore, #tpu.memory_space<semaphore_mem>>)
      %slice3A_388 = vector.extract_strided_slice %get3A_54 {offsets = [14], sizes = [1], strides = [1]} : vector<16xi32> to vector<1xi32>
      %squeeze3A_389 = vector.extract %slice3A_388[0] : i32 from vector<1xi32>
      %dma_start3A_390 = arith.constant 0 : i32
      %dma_start3A_391 = arith.constant 0 : i32
      %dma_start3A_392 = arith.constant 0 : i32
      %dma_start3A_393 = arith.constant 0 : i32
      %dma_start3A_394 = tpu.memref_slice %arg6[%dma_start3A_390, %dma_start3A_392, %dma_start3A_393] : memref<2x32x64xf32, #tpu.memory_space<vmem>> -> memref<1x32x64xf32, #tpu.memory_space<vmem>>
      %dma_start3A_395 = tpu.memref_squeeze %dma_start3A_394 : memref<1x32x64xf32, #tpu.memory_space<vmem>> -> memref<32x64xf32, #tpu.memory_space<vmem>>
      %dma_start3A_396 = arith.constant 14 : i32
      %dma_start3A_397 = arith.constant 0 : i32
      %dma_start3A_398 = tpu.memref_slice %dma_start3A_395[%dma_start3A_396, %dma_start3A_397] : memref<32x64xf32, #tpu.memory_space<vmem>> -> memref<1x64xf32, #tpu.memory_space<vmem>>
      %dma_start3A_399 = arith.constant 0 : i32
      %dma_start3A_400 = tpu.memref_slice %arg2[%squeeze3A_389, %dma_start3A_399] : memref<1000001x64xf32, #tpu.memory_space<hbm>> -> memref<1x64xf32, #tpu.memory_space<hbm>>
      %dma_start3A_401 = tpu.memref_slice %arg7[%dma_start3A_391] : memref<2x!tpu.dma_semaphore, #tpu.memory_space<semaphore_mem>> -> memref<1x!tpu.dma_semaphore, #tpu.memory_space<semaphore_mem>>
      %dma_start3A_402 = tpu.memref_squeeze %dma_start3A_401 : memref<1x!tpu.dma_semaphore, #tpu.memory_space<semaphore_mem>> -> memref<!tpu.dma_semaphore, #tpu.memory_space<semaphore_mem>>
      %dma_start3A_403 = arith.constant 0 : i32
      %dma_start3A_404 = arith.constant 0 : i32
      %dma_start3A_405 = tpu.memref_slice %arg6[%dma_start3A_390, %dma_start3A_403, %dma_start3A_404] : memref<2x32x64xf32, #tpu.memory_space<vmem>> -> memref<1x32x64xf32, #tpu.memory_space<vmem>>
      %dma_start3A_406 = tpu.memref_squeeze %dma_start3A_405 : memref<1x32x64xf32, #tpu.memory_space<vmem>> -> memref<32x64xf32, #tpu.memory_space<vmem>>
      %dma_start3A_407 = arith.constant 14 : i32
      %dma_start3A_408 = arith.constant 0 : i32
      %dma_start3A_409 = tpu.memref_slice %dma_start3A_406[%dma_start3A_407, %dma_start3A_408] : memref<32x64xf32, #tpu.memory_space<vmem>> -> memref<1x64xf32, #tpu.memory_space<vmem>>
      %dma_start3A_410 = arith.constant 0 : i32
      %dma_start3A_411 = tpu.memref_slice %arg2[%squeeze3A_389, %dma_start3A_410] : memref<1000001x64xf32, #tpu.memory_space<hbm>> -> memref<1x64xf32, #tpu.memory_space<hbm>>
      tpu.enqueue_dma source(%dma_start3A_411 : memref<1x64xf32, #tpu.memory_space<hbm>>) target(%dma_start3A_409 : memref<1x64xf32, #tpu.memory_space<vmem>>) target_semaphore(%dma_start3A_402 : memref<!tpu.dma_semaphore, #tpu.memory_space<semaphore_mem>>)
      %slice3A_412 = vector.extract_strided_slice %get3A_54 {offsets = [15], sizes = [1], strides = [1]} : vector<16xi32> to vector<1xi32>
      %squeeze3A_413 = vector.extract %slice3A_412[0] : i32 from vector<1xi32>
      %dma_start3A_414 = arith.constant 0 : i32
      %dma_start3A_415 = arith.constant 0 : i32
      %dma_start3A_416 = arith.constant 0 : i32
      %dma_start3A_417 = arith.constant 0 : i32
      %dma_start3A_418 = tpu.memref_slice %arg6[%dma_start3A_414, %dma_start3A_416, %dma_start3A_417] : memref<2x32x64xf32, #tpu.memory_space<vmem>> -> memref<1x32x64xf32, #tpu.memory_space<vmem>>
      %dma_start3A_419 = tpu.memref_squeeze %dma_start3A_418 : memref<1x32x64xf32, #tpu.memory_space<vmem>> -> memref<32x64xf32, #tpu.memory_space<vmem>>
      %dma_start3A_420 = arith.constant 15 : i32
      %dma_start3A_421 = arith.constant 0 : i32
      %dma_start3A_422 = tpu.memref_slice %dma_start3A_419[%dma_start3A_420, %dma_start3A_421] : memref<32x64xf32, #tpu.memory_space<vmem>> -> memref<1x64xf32, #tpu.memory_space<vmem>>
      %dma_start3A_423 = arith.constant 0 : i32
      %dma_start3A_424 = tpu.memref_slice %arg2[%squeeze3A_413, %dma_start3A_423] : memref<1000001x64xf32, #tpu.memory_space<hbm>> -> memref<1x64xf32, #tpu.memory_space<hbm>>
      %dma_start3A_425 = tpu.memref_slice %arg7[%dma_start3A_415] : memref<2x!tpu.dma_semaphore, #tpu.memory_space<semaphore_mem>> -> memref<1x!tpu.dma_semaphore, #tpu.memory_space<semaphore_mem>>
      %dma_start3A_426 = tpu.memref_squeeze %dma_start3A_425 : memref<1x!tpu.dma_semaphore, #tpu.memory_space<semaphore_mem>> -> memref<!tpu.dma_semaphore, #tpu.memory_space<semaphore_mem>>
      %dma_start3A_427 = arith.constant 0 : i32
      %dma_start3A_428 = arith.constant 0 : i32
      %dma_start3A_429 = tpu.memref_slice %arg6[%dma_start3A_414, %dma_start3A_427, %dma_start3A_428] : memref<2x32x64xf32, #tpu.memory_space<vmem>> -> memref<1x32x64xf32, #tpu.memory_space<vmem>>
      %dma_start3A_430 = tpu.memref_squeeze %dma_start3A_429 : memref<1x32x64xf32, #tpu.memory_space<vmem>> -> memref<32x64xf32, #tpu.memory_space<vmem>>
      %dma_start3A_431 = arith.constant 15 : i32
      %dma_start3A_432 = arith.constant 0 : i32
      %dma_start3A_433 = tpu.memref_slice %dma_start3A_430[%dma_start3A_431, %dma_start3A_432] : memref<32x64xf32, #tpu.memory_space<vmem>> -> memref<1x64xf32, #tpu.memory_space<vmem>>
      %dma_start3A_434 = arith.constant 0 : i32
      %dma_start3A_435 = tpu.memref_slice %arg2[%squeeze3A_413, %dma_start3A_434] : memref<1000001x64xf32, #tpu.memory_space<hbm>> -> memref<1x64xf32, #tpu.memory_space<hbm>>
      tpu.enqueue_dma source(%dma_start3A_435 : memref<1x64xf32, #tpu.memory_space<hbm>>) target(%dma_start3A_433 : memref<1x64xf32, #tpu.memory_space<vmem>>) target_semaphore(%dma_start3A_426 : memref<!tpu.dma_semaphore, #tpu.memory_space<semaphore_mem>>)
      %mul3A_436 = arith.constant 32 : i32
      %mul3A_437 = arith.muli %mul3A_44, %mul3A_436 : i32
      %add3A_438 = arith.constant 16 : i32
      %add3A_439 = arith.addi %mul3A_437, %add3A_438 : i32
      %get3A_440 = arith.index_cast %add3A_439 : i32 to index
      %get3A_441 = tpu.vector_load %arg5[%get3A_440] {strides = array<i32>} : memref<512xi32, #tpu.memory_space<vmem>>, vector<16xi32>,
      %get3A_442 = vector.shape_cast %get3A_441 : vector<16xi32> to vector<16xi32>
      %slice3A_443 = vector.extract_strided_slice %get3A_442 {offsets = [0], sizes = [1], strides = [1]} : vector<16xi32> to vector<1xi32>
      %squeeze3A_444 = vector.extract %slice3A_443[0] : i32 from vector<1xi32>
      %dma_start3A_445 = arith.constant 0 : i32
      %dma_start3A_446 = arith.constant 0 : i32
      %dma_start3A_447 = arith.constant 0 : i32
      %dma_start3A_448 = arith.constant 0 : i32
      %dma_start3A_449 = tpu.memref_slice %arg6[%dma_start3A_445, %dma_start3A_447, %dma_start3A_448] : memref<2x32x64xf32, #tpu.memory_space<vmem>> -> memref<1x32x64xf32, #tpu.memory_space<vmem>>
      %dma_start3A_450 = tpu.memref_squeeze %dma_start3A_449 : memref<1x32x64xf32, #tpu.memory_space<vmem>> -> memref<32x64xf32, #tpu.memory_space<vmem>>
      %dma_start3A_451 = arith.constant 16 : i32
      %dma_start3A_452 = arith.constant 0 : i32
      %dma_start3A_453 = tpu.memref_slice %dma_start3A_450[%dma_start3A_451, %dma_start3A_452] : memref<32x64xf32, #tpu.memory_space<vmem>> -> memref<1x64xf32, #tpu.memory_space<vmem>>
      %dma_start3A_454 = arith.constant 0 : i32
      %dma_start3A_455 = tpu.memref_slice %arg2[%squeeze3A_444, %dma_start3A_454] : memref<1000001x64xf32, #tpu.memory_space<hbm>> -> memref<1x64xf32, #tpu.memory_space<hbm>>
      %dma_start3A_456 = tpu.memref_slice %arg7[%dma_start3A_446] : memref<2x!tpu.dma_semaphore, #tpu.memory_space<semaphore_mem>> -> memref<1x!tpu.dma_semaphore, #tpu.memory_space<semaphore_mem>>
      %dma_start3A_457 = tpu.memref_squeeze %dma_start3A_456 : memref<1x!tpu.dma_semaphore, #tpu.memory_space<semaphore_mem>> -> memref<!tpu.dma_semaphore, #tpu.memory_space<semaphore_mem>>
      %dma_start3A_458 = arith.constant 0 : i32
      %dma_start3A_459 = arith.constant 0 : i32
      %dma_start3A_460 = tpu.memref_slice %arg6[%dma_start3A_445, %dma_start3A_458, %dma_start3A_459] : memref<2x32x64xf32, #tpu.memory_space<vmem>> -> memref<1x32x64xf32, #tpu.memory_space<vmem>>
      %dma_start3A_461 = tpu.memref_squeeze %dma_start3A_460 : memref<1x32x64xf32, #tpu.memory_space<vmem>> -> memref<32x64xf32, #tpu.memory_space<vmem>>
      %dma_start3A_462 = arith.constant 16 : i32
      %dma_start3A_463 = arith.constant 0 : i32
      %dma_start3A_464 = tpu.memref_slice %dma_start3A_461[%dma_start3A_462, %dma_start3A_463] : memref<32x64xf32, #tpu.memory_space<vmem>> -> memref<1x64xf32, #tpu.memory_space<vmem>>
      %dma_start3A_465 = arith.constant 0 : i32
      %dma_start3A_466 = tpu.memref_slice %arg2[%squeeze3A_444, %dma_start3A_465] : memref<1000001x64xf32, #tpu.memory_space<hbm>> -> memref<1x64xf32, #tpu.memory_space<hbm>>
      tpu.enqueue_dma source(%dma_start3A_466 : memref<1x64xf32, #tpu.memory_space<hbm>>) target(%dma_start3A_464 : memref<1x64xf32, #tpu.memory_space<vmem>>) target_semaphore(%dma_start3A_457 : memref<!tpu.dma_semaphore, #tpu.memory_space<semaphore_mem>>)
      %slice3A_467 = vector.extract_strided_slice %get3A_442 {offsets = [1], sizes = [1], strides = [1]} : vector<16xi32> to vector<1xi32>
      %squeeze3A_468 = vector.extract %slice3A_467[0] : i32 from vector<1xi32>
      %dma_start3A_469 = arith.constant 0 : i32
      %dma_start3A_470 = arith.constant 0 : i32
      %dma_start3A_471 = arith.constant 0 : i32
      %dma_start3A_472 = arith.constant 0 : i32
      %dma_start3A_473 = tpu.memref_slice %arg6[%dma_start3A_469, %dma_start3A_471, %dma_start3A_472] : memref<2x32x64xf32, #tpu.memory_space<vmem>> -> memref<1x32x64xf32, #tpu.memory_space<vmem>>
      %dma_start3A_474 = tpu.memref_squeeze %dma_start3A_473 : memref<1x32x64xf32, #tpu.memory_space<vmem>> -> memref<32x64xf32, #tpu.memory_space<vmem>>
      %dma_start3A_475 = arith.constant 17 : i32
      %dma_start3A_476 = arith.constant 0 : i32
      %dma_start3A_477 = tpu.memref_slice %dma_start3A_474[%dma_start3A_475, %dma_start3A_476] : memref<32x64xf32, #tpu.memory_space<vmem>> -> memref<1x64xf32, #tpu.memory_space<vmem>>
      %dma_start3A_478 = arith.constant 0 : i32
      %dma_start3A_479 = tpu.memref_slice %arg2[%squeeze3A_468, %dma_start3A_478] : memref<1000001x64xf32, #tpu.memory_space<hbm>> -> memref<1x64xf32, #tpu.memory_space<hbm>>
      %dma_start3A_480 = tpu.memref_slice %arg7[%dma_start3A_470] : memref<2x!tpu.dma_semaphore, #tpu.memory_space<semaphore_mem>> -> memref<1x!tpu.dma_semaphore, #tpu.memory_space<semaphore_mem>>
      %dma_start3A_481 = tpu.memref_squeeze %dma_start3A_480 : memref<1x!tpu.dma_semaphore, #tpu.memory_space<semaphore_mem>> -> memref<!tpu.dma_semaphore, #tpu.memory_space<semaphore_mem>>
      %dma_start3A_482 = arith.constant 0 : i32
      %dma_start3A_483 = arith.constant 0 : i32
      %dma_start3A_484 = tpu.memref_slice %arg6[%dma_start3A_469, %dma_start3A_482, %dma_start3A_483] : memref<2x32x64xf32, #tpu.memory_space<vmem>> -> memref<1x32x64xf32, #tpu.memory_space<vmem>>
      %dma_start3A_485 = tpu.memref_squeeze %dma_start3A_484 : memref<1x32x64xf32, #tpu.memory_space<vmem>> -> memref<32x64xf32, #tpu.memory_space<vmem>>
      %dma_start3A_486 = arith.constant 17 : i32
      %dma_start3A_487 = arith.constant 0 : i32
      %dma_start3A_488 = tpu.memref_slice %dma_start3A_485[%dma_start3A_486, %dma_start3A_487] : memref<32x64xf32, #tpu.memory_space<vmem>> -> memref<1x64xf32, #tpu.memory_space<vmem>>
      %dma_start3A_489 = arith.constant 0 : i32
      %dma_start3A_490 = tpu.memref_slice %arg2[%squeeze3A_468, %dma_start3A_489] : memref<1000001x64xf32, #tpu.memory_space<hbm>> -> memref<1x64xf32, #tpu.memory_space<hbm>>
      tpu.enqueue_dma source(%dma_start3A_490 : memref<1x64xf32, #tpu.memory_space<hbm>>) target(%dma_start3A_488 : memref<1x64xf32, #tpu.memory_space<vmem>>) target_semaphore(%dma_start3A_481 : memref<!tpu.dma_semaphore, #tpu.memory_space<semaphore_mem>>)
      %slice3A_491 = vector.extract_strided_slice %get3A_442 {offsets = [2], sizes = [1], strides = [1]} : vector<16xi32> to vector<1xi32>
      %squeeze3A_492 = vector.extract %slice3A_491[0] : i32 from vector<1xi32>
      %dma_start3A_493 = arith.constant 0 : i32
      %dma_start3A_494 = arith.constant 0 : i32
      %dma_start3A_495 = arith.constant 0 : i32
      %dma_start3A_496 = arith.constant 0 : i32
      %dma_start3A_497 = tpu.memref_slice %arg6[%dma_start3A_493, %dma_start3A_495, %dma_start3A_496] : memref<2x32x64xf32, #tpu.memory_space<vmem>> -> memref<1x32x64xf32, #tpu.memory_space<vmem>>
      %dma_start3A_498 = tpu.memref_squeeze %dma_start3A_497 : memref<1x32x64xf32, #tpu.memory_space<vmem>> -> memref<32x64xf32, #tpu.memory_space<vmem>>
      %dma_start3A_499 = arith.constant 18 : i32
      %dma_start3A_500 = arith.constant 0 : i32
      %dma_start3A_501 = tpu.memref_slice %dma_start3A_498[%dma_start3A_499, %dma_start3A_500] : memref<32x64xf32, #tpu.memory_space<vmem>> -> memref<1x64xf32, #tpu.memory_space<vmem>>
      %dma_start3A_502 = arith.constant 0 : i32
      %dma_start3A_503 = tpu.memref_slice %arg2[%squeeze3A_492, %dma_start3A_502] : memref<1000001x64xf32, #tpu.memory_space<hbm>> -> memref<1x64xf32, #tpu.memory_space<hbm>>
      %dma_start3A_504 = tpu.memref_slice %arg7[%dma_start3A_494] : memref<2x!tpu.dma_semaphore, #tpu.memory_space<semaphore_mem>> -> memref<1x!tpu.dma_semaphore, #tpu.memory_space<semaphore_mem>>
      %dma_start3A_505 = tpu.memref_squeeze %dma_start3A_504 : memref<1x!tpu.dma_semaphore, #tpu.memory_space<semaphore_mem>> -> memref<!tpu.dma_semaphore, #tpu.memory_space<semaphore_mem>>
      %dma_start3A_506 = arith.constant 0 : i32
      %dma_start3A_507 = arith.constant 0 : i32
      %dma_start3A_508 = tpu.memref_slice %arg6[%dma_start3A_493, %dma_start3A_506, %dma_start3A_507] : memref<2x32x64xf32, #tpu.memory_space<vmem>> -> memref<1x32x64xf32, #tpu.memory_space<vmem>>
      %dma_start3A_509 = tpu.memref_squeeze %dma_start3A_508 : memref<1x32x64xf32, #tpu.memory_space<vmem>> -> memref<32x64xf32, #tpu.memory_space<vmem>>
      %dma_start3A_510 = arith.constant 18 : i32
      %dma_start3A_511 = arith.constant 0 : i32
      %dma_start3A_512 = tpu.memref_slice %dma_start3A_509[%dma_start3A_510, %dma_start3A_511] : memref<32x64xf32, #tpu.memory_space<vmem>> -> memref<1x64xf32, #tpu.memory_space<vmem>>
      %dma_start3A_513 = arith.constant 0 : i32
      %dma_start3A_514 = tpu.memref_slice %arg2[%squeeze3A_492, %dma_start3A_513] : memref<1000001x64xf32, #tpu.memory_space<hbm>> -> memref<1x64xf32, #tpu.memory_space<hbm>>
      tpu.enqueue_dma source(%dma_start3A_514 : memref<1x64xf32, #tpu.memory_space<hbm>>) target(%dma_start3A_512 : memref<1x64xf32, #tpu.memory_space<vmem>>) target_semaphore(%dma_start3A_505 : memref<!tpu.dma_semaphore, #tpu.memory_space<semaphore_mem>>)
      %slice3A_515 = vector.extract_strided_slice %get3A_442 {offsets = [3], sizes = [1], strides = [1]} : vector<16xi32> to vector<1xi32>
      %squeeze3A_516 = vector.extract %slice3A_515[0] : i32 from vector<1xi32>
      %dma_start3A_517 = arith.constant 0 : i32
      %dma_start3A_518 = arith.constant 0 : i32
      %dma_start3A_519 = arith.constant 0 : i32
      %dma_start3A_520 = arith.constant 0 : i32
      %dma_start3A_521 = tpu.memref_slice %arg6[%dma_start3A_517, %dma_start3A_519, %dma_start3A_520] : memref<2x32x64xf32, #tpu.memory_space<vmem>> -> memref<1x32x64xf32, #tpu.memory_space<vmem>>
      %dma_start3A_522 = tpu.memref_squeeze %dma_start3A_521 : memref<1x32x64xf32, #tpu.memory_space<vmem>> -> memref<32x64xf32, #tpu.memory_space<vmem>>
      %dma_start3A_523 = arith.constant 19 : i32
      %dma_start3A_524 = arith.constant 0 : i32
      %dma_start3A_525 = tpu.memref_slice %dma_start3A_522[%dma_start3A_523, %dma_start3A_524] : memref<32x64xf32, #tpu.memory_space<vmem>> -> memref<1x64xf32, #tpu.memory_space<vmem>>
      %dma_start3A_526 = arith.constant 0 : i32
      %dma_start3A_527 = tpu.memref_slice %arg2[%squeeze3A_516, %dma_start3A_526] : memref<1000001x64xf32, #tpu.memory_space<hbm>> -> memref<1x64xf32, #tpu.memory_space<hbm>>
      %dma_start3A_528 = tpu.memref_slice %arg7[%dma_start3A_518] : memref<2x!tpu.dma_semaphore, #tpu.memory_space<semaphore_mem>> -> memref<1x!tpu.dma_semaphore, #tpu.memory_space<semaphore_mem>>
      %dma_start3A_529 = tpu.memref_squeeze %dma_start3A_528 : memref<1x!tpu.dma_semaphore, #tpu.memory_space<semaphore_mem>> -> memref<!tpu.dma_semaphore, #tpu.memory_space<semaphore_mem>>
      %dma_start3A_530 = arith.constant 0 : i32
      %dma_start3A_531 = arith.constant 0 : i32
      %dma_start3A_532 = tpu.memref_slice %arg6[%dma_start3A_517, %dma_start3A_530, %dma_start3A_531] : memref<2x32x64xf32, #tpu.memory_space<vmem>> -> memref<1x32x64xf32, #tpu.memory_space<vmem>>
      %dma_start3A_533 = tpu.memref_squeeze %dma_start3A_532 : memref<1x32x64xf32, #tpu.memory_space<vmem>> -> memref<32x64xf32, #tpu.memory_space<vmem>>
      %dma_start3A_534 = arith.constant 19 : i32
      %dma_start3A_535 = arith.constant 0 : i32
      %dma_start3A_536 = tpu.memref_slice %dma_start3A_533[%dma_start3A_534, %dma_start3A_535] : memref<32x64xf32, #tpu.memory_space<vmem>> -> memref<1x64xf32, #tpu.memory_space<vmem>>
      %dma_start3A_537 = arith.constant 0 : i32
      %dma_start3A_538 = tpu.memref_slice %arg2[%squeeze3A_516, %dma_start3A_537] : memref<1000001x64xf32, #tpu.memory_space<hbm>> -> memref<1x64xf32, #tpu.memory_space<hbm>>
      tpu.enqueue_dma source(%dma_start3A_538 : memref<1x64xf32, #tpu.memory_space<hbm>>) target(%dma_start3A_536 : memref<1x64xf32, #tpu.memory_space<vmem>>) target_semaphore(%dma_start3A_529 : memref<!tpu.dma_semaphore, #tpu.memory_space<semaphore_mem>>)
      %slice3A_539 = vector.extract_strided_slice %get3A_442 {offsets = [4], sizes = [1], strides = [1]} : vector<16xi32> to vector<1xi32>
      %squeeze3A_540 = vector.extract %slice3A_539[0] : i32 from vector<1xi32>
      %dma_start3A_541 = arith.constant 0 : i32
      %dma_start3A_542 = arith.constant 0 : i32
      %dma_start3A_543 = arith.constant 0 : i32
      %dma_start3A_544 = arith.constant 0 : i32
      %dma_start3A_545 = tpu.memref_slice %arg6[%dma_start3A_541, %dma_start3A_543, %dma_start3A_544] : memref<2x32x64xf32, #tpu.memory_space<vmem>> -> memref<1x32x64xf32, #tpu.memory_space<vmem>>
      %dma_start3A_546 = tpu.memref_squeeze %dma_start3A_545 : memref<1x32x64xf32, #tpu.memory_space<vmem>> -> memref<32x64xf32, #tpu.memory_space<vmem>>
      %dma_start3A_547 = arith.constant 20 : i32
      %dma_start3A_548 = arith.constant 0 : i32
      %dma_start3A_549 = tpu.memref_slice %dma_start3A_546[%dma_start3A_547, %dma_start3A_548] : memref<32x64xf32, #tpu.memory_space<vmem>> -> memref<1x64xf32, #tpu.memory_space<vmem>>
      %dma_start3A_550 = arith.constant 0 : i32
      %dma_start3A_551 = tpu.memref_slice %arg2[%squeeze3A_540, %dma_start3A_550] : memref<1000001x64xf32, #tpu.memory_space<hbm>> -> memref<1x64xf32, #tpu.memory_space<hbm>>
      %dma_start3A_552 = tpu.memref_slice %arg7[%dma_start3A_542] : memref<2x!tpu.dma_semaphore, #tpu.memory_space<semaphore_mem>> -> memref<1x!tpu.dma_semaphore, #tpu.memory_space<semaphore_mem>>
      %dma_start3A_553 = tpu.memref_squeeze %dma_start3A_552 : memref<1x!tpu.dma_semaphore, #tpu.memory_space<semaphore_mem>> -> memref<!tpu.dma_semaphore, #tpu.memory_space<semaphore_mem>>
      %dma_start3A_554 = arith.constant 0 : i32
      %dma_start3A_555 = arith.constant 0 : i32
      %dma_start3A_556 = tpu.memref_slice %arg6[%dma_start3A_541, %dma_start3A_554, %dma_start3A_555] : memref<2x32x64xf32, #tpu.memory_space<vmem>> -> memref<1x32x64xf32, #tpu.memory_space<vmem>>
      %dma_start3A_557 = tpu.memref_squeeze %dma_start3A_556 : memref<1x32x64xf32, #tpu.memory_space<vmem>> -> memref<32x64xf32, #tpu.memory_space<vmem>>
      %dma_start3A_558 = arith.constant 20 : i32
      %dma_start3A_559 = arith.constant 0 : i32
      %dma_start3A_560 = tpu.memref_slice %dma_start3A_557[%dma_start3A_558, %dma_start3A_559] : memref<32x64xf32, #tpu.memory_space<vmem>> -> memref<1x64xf32, #tpu.memory_space<vmem>>
      %dma_start3A_561 = arith.constant 0 : i32
      %dma_start3A_562 = tpu.memref_slice %arg2[%squeeze3A_540, %dma_start3A_561] : memref<1000001x64xf32, #tpu.memory_space<hbm>> -> memref<1x64xf32, #tpu.memory_space<hbm>>
      tpu.enqueue_dma source(%dma_start3A_562 : memref<1x64xf32, #tpu.memory_space<hbm>>) target(%dma_start3A_560 : memref<1x64xf32, #tpu.memory_space<vmem>>) target_semaphore(%dma_start3A_553 : memref<!tpu.dma_semaphore, #tpu.memory_space<semaphore_mem>>)
      %slice3A_563 = vector.extract_strided_slice %get3A_442 {offsets = [5], sizes = [1], strides = [1]} : vector<16xi32> to vector<1xi32>
      %squeeze3A_564 = vector.extract %slice3A_563[0] : i32 from vector<1xi32>
      %dma_start3A_565 = arith.constant 0 : i32
      %dma_start3A_566 = arith.constant 0 : i32
      %dma_start3A_567 = arith.constant 0 : i32
      %dma_start3A_568 = arith.constant 0 : i32
      %dma_start3A_569 = tpu.memref_slice %arg6[%dma_start3A_565, %dma_start3A_567, %dma_start3A_568] : memref<2x32x64xf32, #tpu.memory_space<vmem>> -> memref<1x32x64xf32, #tpu.memory_space<vmem>>
      %dma_start3A_570 = tpu.memref_squeeze %dma_start3A_569 : memref<1x32x64xf32, #tpu.memory_space<vmem>> -> memref<32x64xf32, #tpu.memory_space<vmem>>
      %dma_start3A_571 = arith.constant 21 : i32
      %dma_start3A_572 = arith.constant 0 : i32
      %dma_start3A_573 = tpu.memref_slice %dma_start3A_570[%dma_start3A_571, %dma_start3A_572] : memref<32x64xf32, #tpu.memory_space<vmem>> -> memref<1x64xf32, #tpu.memory_space<vmem>>
      %dma_start3A_574 = arith.constant 0 : i32
      %dma_start3A_575 = tpu.memref_slice %arg2[%squeeze3A_564, %dma_start3A_574] : memref<1000001x64xf32, #tpu.memory_space<hbm>> -> memref<1x64xf32, #tpu.memory_space<hbm>>
      %dma_start3A_576 = tpu.memref_slice %arg7[%dma_start3A_566] : memref<2x!tpu.dma_semaphore, #tpu.memory_space<semaphore_mem>> -> memref<1x!tpu.dma_semaphore, #tpu.memory_space<semaphore_mem>>
      %dma_start3A_577 = tpu.memref_squeeze %dma_start3A_576 : memref<1x!tpu.dma_semaphore, #tpu.memory_space<semaphore_mem>> -> memref<!tpu.dma_semaphore, #tpu.memory_space<semaphore_mem>>
      %dma_start3A_578 = arith.constant 0 : i32
      %dma_start3A_579 = arith.constant 0 : i32
      %dma_start3A_580 = tpu.memref_slice %arg6[%dma_start3A_565, %dma_start3A_578, %dma_start3A_579] : memref<2x32x64xf32, #tpu.memory_space<vmem>> -> memref<1x32x64xf32, #tpu.memory_space<vmem>>
      %dma_start3A_581 = tpu.memref_squeeze %dma_start3A_580 : memref<1x32x64xf32, #tpu.memory_space<vmem>> -> memref<32x64xf32, #tpu.memory_space<vmem>>
      %dma_start3A_582 = arith.constant 21 : i32
      %dma_start3A_583 = arith.constant 0 : i32
      %dma_start3A_584 = tpu.memref_slice %dma_start3A_581[%dma_start3A_582, %dma_start3A_583] : memref<32x64xf32, #tpu.memory_space<vmem>> -> memref<1x64xf32, #tpu.memory_space<vmem>>
      %dma_start3A_585 = arith.constant 0 : i32
      %dma_start3A_586 = tpu.memref_slice %arg2[%squeeze3A_564, %dma_start3A_585] : memref<1000001x64xf32, #tpu.memory_space<hbm>> -> memref<1x64xf32, #tpu.memory_space<hbm>>
      tpu.enqueue_dma source(%dma_start3A_586 : memref<1x64xf32, #tpu.memory_space<hbm>>) target(%dma_start3A_584 : memref<1x64xf32, #tpu.memory_space<vmem>>) target_semaphore(%dma_start3A_577 : memref<!tpu.dma_semaphore, #tpu.memory_space<semaphore_mem>>)
      %slice3A_587 = vector.extract_strided_slice %get3A_442 {offsets = [6], sizes = [1], strides = [1]} : vector<16xi32> to vector<1xi32>
      %squeeze3A_588 = vector.extract %slice3A_587[0] : i32 from vector<1xi32>
      %dma_start3A_589 = arith.constant 0 : i32
      %dma_start3A_590 = arith.constant 0 : i32
      %dma_start3A_591 = arith.constant 0 : i32
      %dma_start3A_592 = arith.constant 0 : i32
      %dma_start3A_593 = tpu.memref_slice %arg6[%dma_start3A_589, %dma_start3A_591, %dma_start3A_592] : memref<2x32x64xf32, #tpu.memory_space<vmem>> -> memref<1x32x64xf32, #tpu.memory_space<vmem>>
      %dma_start3A_594 = tpu.memref_squeeze %dma_start3A_593 : memref<1x32x64xf32, #tpu.memory_space<vmem>> -> memref<32x64xf32, #tpu.memory_space<vmem>>
      %dma_start3A_595 = arith.constant 22 : i32
      %dma_start3A_596 = arith.constant 0 : i32
      %dma_start3A_597 = tpu.memref_slice %dma_start3A_594[%dma_start3A_595, %dma_start3A_596] : memref<32x64xf32, #tpu.memory_space<vmem>> -> memref<1x64xf32, #tpu.memory_space<vmem>>
      %dma_start3A_598 = arith.constant 0 : i32
      %dma_start3A_599 = tpu.memref_slice %arg2[%squeeze3A_588, %dma_start3A_598] : memref<1000001x64xf32, #tpu.memory_space<hbm>> -> memref<1x64xf32, #tpu.memory_space<hbm>>
      %dma_start3A_600 = tpu.memref_slice %arg7[%dma_start3A_590] : memref<2x!tpu.dma_semaphore, #tpu.memory_space<semaphore_mem>> -> memref<1x!tpu.dma_semaphore, #tpu.memory_space<semaphore_mem>>
      %dma_start3A_601 = tpu.memref_squeeze %dma_start3A_600 : memref<1x!tpu.dma_semaphore, #tpu.memory_space<semaphore_mem>> -> memref<!tpu.dma_semaphore, #tpu.memory_space<semaphore_mem>>
      %dma_start3A_602 = arith.constant 0 : i32
      %dma_start3A_603 = arith.constant 0 : i32
      %dma_start3A_604 = tpu.memref_slice %arg6[%dma_start3A_589, %dma_start3A_602, %dma_start3A_603] : memref<2x32x64xf32, #tpu.memory_space<vmem>> -> memref<1x32x64xf32, #tpu.memory_space<vmem>>
      %dma_start3A_605 = tpu.memref_squeeze %dma_start3A_604 : memref<1x32x64xf32, #tpu.memory_space<vmem>> -> memref<32x64xf32, #tpu.memory_space<vmem>>
      %dma_start3A_606 = arith.constant 22 : i32
      %dma_start3A_607 = arith.constant 0 : i32
      %dma_start3A_608 = tpu.memref_slice %dma_start3A_605[%dma_start3A_606, %dma_start3A_607] : memref<32x64xf32, #tpu.memory_space<vmem>> -> memref<1x64xf32, #tpu.memory_space<vmem>>
      %dma_start3A_609 = arith.constant 0 : i32
      %dma_start3A_610 = tpu.memref_slice %arg2[%squeeze3A_588, %dma_start3A_609] : memref<1000001x64xf32, #tpu.memory_space<hbm>> -> memref<1x64xf32, #tpu.memory_space<hbm>>
      tpu.enqueue_dma source(%dma_start3A_610 : memref<1x64xf32, #tpu.memory_space<hbm>>) target(%dma_start3A_608 : memref<1x64xf32, #tpu.memory_space<vmem>>) target_semaphore(%dma_start3A_601 : memref<!tpu.dma_semaphore, #tpu.memory_space<semaphore_mem>>)
      %slice3A_611 = vector.extract_strided_slice %get3A_442 {offsets = [7], sizes = [1], strides = [1]} : vector<16xi32> to vector<1xi32>
      %squeeze3A_612 = vector.extract %slice3A_611[0] : i32 from vector<1xi32>
      %dma_start3A_613 = arith.constant 0 : i32
      %dma_start3A_614 = arith.constant 0 : i32
      %dma_start3A_615 = arith.constant 0 : i32
      %dma_start3A_616 = arith.constant 0 : i32
      %dma_start3A_617 = tpu.memref_slice %arg6[%dma_start3A_613, %dma_start3A_615, %dma_start3A_616] : memref<2x32x64xf32, #tpu.memory_space<vmem>> -> memref<1x32x64xf32, #tpu.memory_space<vmem>>
      %dma_start3A_618 = tpu.memref_squeeze %dma_start3A_617 : memref<1x32x64xf32, #tpu.memory_space<vmem>> -> memref<32x64xf32, #tpu.memory_space<vmem>>
      %dma_start3A_619 = arith.constant 23 : i32
      %dma_start3A_620 = arith.constant 0 : i32
      %dma_start3A_621 = tpu.memref_slice %dma_start3A_618[%dma_start3A_619, %dma_start3A_620] : memref<32x64xf32, #tpu.memory_space<vmem>> -> memref<1x64xf32, #tpu.memory_space<vmem>>
      %dma_start3A_622 = arith.constant 0 : i32
      %dma_start3A_623 = tpu.memref_slice %arg2[%squeeze3A_612, %dma_start3A_622] : memref<1000001x64xf32, #tpu.memory_space<hbm>> -> memref<1x64xf32, #tpu.memory_space<hbm>>
      %dma_start3A_624 = tpu.memref_slice %arg7[%dma_start3A_614] : memref<2x!tpu.dma_semaphore, #tpu.memory_space<semaphore_mem>> -> memref<1x!tpu.dma_semaphore, #tpu.memory_space<semaphore_mem>>
      %dma_start3A_625 = tpu.memref_squeeze %dma_start3A_624 : memref<1x!tpu.dma_semaphore, #tpu.memory_space<semaphore_mem>> -> memref<!tpu.dma_semaphore, #tpu.memory_space<semaphore_mem>>
      %dma_start3A_626 = arith.constant 0 : i32
      %dma_start3A_627 = arith.constant 0 : i32
      %dma_start3A_628 = tpu.memref_slice %arg6[%dma_start3A_613, %dma_start3A_626, %dma_start3A_627] : memref<2x32x64xf32, #tpu.memory_space<vmem>> -> memref<1x32x64xf32, #tpu.memory_space<vmem>>
      %dma_start3A_629 = tpu.memref_squeeze %dma_start3A_628 : memref<1x32x64xf32, #tpu.memory_space<vmem>> -> memref<32x64xf32, #tpu.memory_space<vmem>>
      %dma_start3A_630 = arith.constant 23 : i32
      %dma_start3A_631 = arith.constant 0 : i32
      %dma_start3A_632 = tpu.memref_slice %dma_start3A_629[%dma_start3A_630, %dma_start3A_631] : memref<32x64xf32, #tpu.memory_space<vmem>> -> memref<1x64xf32, #tpu.memory_space<vmem>>
      %dma_start3A_633 = arith.constant 0 : i32
      %dma_start3A_634 = tpu.memref_slice %arg2[%squeeze3A_612, %dma_start3A_633] : memref<1000001x64xf32, #tpu.memory_space<hbm>> -> memref<1x64xf32, #tpu.memory_space<hbm>>
      tpu.enqueue_dma source(%dma_start3A_634 : memref<1x64xf32, #tpu.memory_space<hbm>>) target(%dma_start3A_632 : memref<1x64xf32, #tpu.memory_space<vmem>>) target_semaphore(%dma_start3A_625 : memref<!tpu.dma_semaphore, #tpu.memory_space<semaphore_mem>>)
      %slice3A_635 = vector.extract_strided_slice %get3A_442 {offsets = [8], sizes = [1], strides = [1]} : vector<16xi32> to vector<1xi32>
      %squeeze3A_636 = vector.extract %slice3A_635[0] : i32 from vector<1xi32>
      %dma_start3A_637 = arith.constant 0 : i32
      %dma_start3A_638 = arith.constant 0 : i32
      %dma_start3A_639 = arith.constant 0 : i32
      %dma_start3A_640 = arith.constant 0 : i32
      %dma_start3A_641 = tpu.memref_slice %arg6[%dma_start3A_637, %dma_start3A_639, %dma_start3A_640] : memref<2x32x64xf32, #tpu.memory_space<vmem>> -> memref<1x32x64xf32, #tpu.memory_space<vmem>>
      %dma_start3A_642 = tpu.memref_squeeze %dma_start3A_641 : memref<1x32x64xf32, #tpu.memory_space<vmem>> -> memref<32x64xf32, #tpu.memory_space<vmem>>
      %dma_start3A_643 = arith.constant 24 : i32
      %dma_start3A_644 = arith.constant 0 : i32
      %dma_start3A_645 = tpu.memref_slice %dma_start3A_642[%dma_start3A_643, %dma_start3A_644] : memref<32x64xf32, #tpu.memory_space<vmem>> -> memref<1x64xf32, #tpu.memory_space<vmem>>
      %dma_start3A_646 = arith.constant 0 : i32
      %dma_start3A_647 = tpu.memref_slice %arg2[%squeeze3A_636, %dma_start3A_646] : memref<1000001x64xf32, #tpu.memory_space<hbm>> -> memref<1x64xf32, #tpu.memory_space<hbm>>
      %dma_start3A_648 = tpu.memref_slice %arg7[%dma_start3A_638] : memref<2x!tpu.dma_semaphore, #tpu.memory_space<semaphore_mem>> -> memref<1x!tpu.dma_semaphore, #tpu.memory_space<semaphore_mem>>
      %dma_start3A_649 = tpu.memref_squeeze %dma_start3A_648 : memref<1x!tpu.dma_semaphore, #tpu.memory_space<semaphore_mem>> -> memref<!tpu.dma_semaphore, #tpu.memory_space<semaphore_mem>>
      %dma_start3A_650 = arith.constant 0 : i32
      %dma_start3A_651 = arith.constant 0 : i32
      %dma_start3A_652 = tpu.memref_slice %arg6[%dma_start3A_637, %dma_start3A_650, %dma_start3A_651] : memref<2x32x64xf32, #tpu.memory_space<vmem>> -> memref<1x32x64xf32, #tpu.memory_space<vmem>>
      %dma_start3A_653 = tpu.memref_squeeze %dma_start3A_652 : memref<1x32x64xf32, #tpu.memory_space<vmem>> -> memref<32x64xf32, #tpu.memory_space<vmem>>
      %dma_start3A_654 = arith.constant 24 : i32
      %dma_start3A_655 = arith.constant 0 : i32
      %dma_start3A_656 = tpu.memref_slice %dma_start3A_653[%dma_start3A_654, %dma_start3A_655] : memref<32x64xf32, #tpu.memory_space<vmem>> -> memref<1x64xf32, #tpu.memory_space<vmem>>
      %dma_start3A_657 = arith.constant 0 : i32
      %dma_start3A_658 = tpu.memref_slice %arg2[%squeeze3A_636, %dma_start3A_657] : memref<1000001x64xf32, #tpu.memory_space<hbm>> -> memref<1x64xf32, #tpu.memory_space<hbm>>
      tpu.enqueue_dma source(%dma_start3A_658 : memref<1x64xf32, #tpu.memory_space<hbm>>) target(%dma_start3A_656 : memref<1x64xf32, #tpu.memory_space<vmem>>) target_semaphore(%dma_start3A_649 : memref<!tpu.dma_semaphore, #tpu.memory_space<semaphore_mem>>)
      %slice3A_659 = vector.extract_strided_slice %get3A_442 {offsets = [9], sizes = [1], strides = [1]} : vector<16xi32> to vector<1xi32>
      %squeeze3A_660 = vector.extract %slice3A_659[0] : i32 from vector<1xi32>
      %dma_start3A_661 = arith.constant 0 : i32
      %dma_start3A_662 = arith.constant 0 : i32
      %dma_start3A_663 = arith.constant 0 : i32
      %dma_start3A_664 = arith.constant 0 : i32
      %dma_start3A_665 = tpu.memref_slice %arg6[%dma_start3A_661, %dma_start3A_663, %dma_start3A_664] : memref<2x32x64xf32, #tpu.memory_space<vmem>> -> memref<1x32x64xf32, #tpu.memory_space<vmem>>
      %dma_start3A_666 = tpu.memref_squeeze %dma_start3A_665 : memref<1x32x64xf32, #tpu.memory_space<vmem>> -> memref<32x64xf32, #tpu.memory_space<vmem>>
      %dma_start3A_667 = arith.constant 25 : i32
      %dma_start3A_668 = arith.constant 0 : i32
      %dma_start3A_669 = tpu.memref_slice %dma_start3A_666[%dma_start3A_667, %dma_start3A_668] : memref<32x64xf32, #tpu.memory_space<vmem>> -> memref<1x64xf32, #tpu.memory_space<vmem>>
      %dma_start3A_670 = arith.constant 0 : i32
      %dma_start3A_671 = tpu.memref_slice %arg2[%squeeze3A_660, %dma_start3A_670] : memref<1000001x64xf32, #tpu.memory_space<hbm>> -> memref<1x64xf32, #tpu.memory_space<hbm>>
      %dma_start3A_672 = tpu.memref_slice %arg7[%dma_start3A_662] : memref<2x!tpu.dma_semaphore, #tpu.memory_space<semaphore_mem>> -> memref<1x!tpu.dma_semaphore, #tpu.memory_space<semaphore_mem>>
      %dma_start3A_673 = tpu.memref_squeeze %dma_start3A_672 : memref<1x!tpu.dma_semaphore, #tpu.memory_space<semaphore_mem>> -> memref<!tpu.dma_semaphore, #tpu.memory_space<semaphore_mem>>
      %dma_start3A_674 = arith.constant 0 : i32
      %dma_start3A_675 = arith.constant 0 : i32
      %dma_start3A_676 = tpu.memref_slice %arg6[%dma_start3A_661, %dma_start3A_674, %dma_start3A_675] : memref<2x32x64xf32, #tpu.memory_space<vmem>> -> memref<1x32x64xf32, #tpu.memory_space<vmem>>
      %dma_start3A_677 = tpu.memref_squeeze %dma_start3A_676 : memref<1x32x64xf32, #tpu.memory_space<vmem>> -> memref<32x64xf32, #tpu.memory_space<vmem>>
      %dma_start3A_678 = arith.constant 25 : i32
      %dma_start3A_679 = arith.constant 0 : i32
      %dma_start3A_680 = tpu.memref_slice %dma_start3A_677[%dma_start3A_678, %dma_start3A_679] : memref<32x64xf32, #tpu.memory_space<vmem>> -> memref<1x64xf32, #tpu.memory_space<vmem>>
      %dma_start3A_681 = arith.constant 0 : i32
      %dma_start3A_682 = tpu.memref_slice %arg2[%squeeze3A_660, %dma_start3A_681] : memref<1000001x64xf32, #tpu.memory_space<hbm>> -> memref<1x64xf32, #tpu.memory_space<hbm>>
      tpu.enqueue_dma source(%dma_start3A_682 : memref<1x64xf32, #tpu.memory_space<hbm>>) target(%dma_start3A_680 : memref<1x64xf32, #tpu.memory_space<vmem>>) target_semaphore(%dma_start3A_673 : memref<!tpu.dma_semaphore, #tpu.memory_space<semaphore_mem>>)
      %slice3A_683 = vector.extract_strided_slice %get3A_442 {offsets = [10], sizes = [1], strides = [1]} : vector<16xi32> to vector<1xi32>
      %squeeze3A_684 = vector.extract %slice3A_683[0] : i32 from vector<1xi32>
      %dma_start3A_685 = arith.constant 0 : i32
      %dma_start3A_686 = arith.constant 0 : i32
      %dma_start3A_687 = arith.constant 0 : i32
      %dma_start3A_688 = arith.constant 0 : i32
      %dma_start3A_689 = tpu.memref_slice %arg6[%dma_start3A_685, %dma_start3A_687, %dma_start3A_688] : memref<2x32x64xf32, #tpu.memory_space<vmem>> -> memref<1x32x64xf32, #tpu.memory_space<vmem>>
      %dma_start3A_690 = tpu.memref_squeeze %dma_start3A_689 : memref<1x32x64xf32, #tpu.memory_space<vmem>> -> memref<32x64xf32, #tpu.memory_space<vmem>>
      %dma_start3A_691 = arith.constant 26 : i32
      %dma_start3A_692 = arith.constant 0 : i32
      %dma_start3A_693 = tpu.memref_slice %dma_start3A_690[%dma_start3A_691, %dma_start3A_692] : memref<32x64xf32, #tpu.memory_space<vmem>> -> memref<1x64xf32, #tpu.memory_space<vmem>>
      %dma_start3A_694 = arith.constant 0 : i32
      %dma_start3A_695 = tpu.memref_slice %arg2[%squeeze3A_684, %dma_start3A_694] : memref<1000001x64xf32, #tpu.memory_space<hbm>> -> memref<1x64xf32, #tpu.memory_space<hbm>>
      %dma_start3A_696 = tpu.memref_slice %arg7[%dma_start3A_686] : memref<2x!tpu.dma_semaphore, #tpu.memory_space<semaphore_mem>> -> memref<1x!tpu.dma_semaphore, #tpu.memory_space<semaphore_mem>>
      %dma_start3A_697 = tpu.memref_squeeze %dma_start3A_696 : memref<1x!tpu.dma_semaphore, #tpu.memory_space<semaphore_mem>> -> memref<!tpu.dma_semaphore, #tpu.memory_space<semaphore_mem>>
      %dma_start3A_698 = arith.constant 0 : i32
      %dma_start3A_699 = arith.constant 0 : i32
      %dma_start3A_700 = tpu.memref_slice %arg6[%dma_start3A_685, %dma_start3A_698, %dma_start3A_699] : memref<2x32x64xf32, #tpu.memory_space<vmem>> -> memref<1x32x64xf32, #tpu.memory_space<vmem>>
      %dma_start3A_701 = tpu.memref_squeeze %dma_start3A_700 : memref<1x32x64xf32, #tpu.memory_space<vmem>> -> memref<32x64xf32, #tpu.memory_space<vmem>>
      %dma_start3A_702 = arith.constant 26 : i32
      %dma_start3A_703 = arith.constant 0 : i32
      %dma_start3A_704 = tpu.memref_slice %dma_start3A_701[%dma_start3A_702, %dma_start3A_703] : memref<32x64xf32, #tpu.memory_space<vmem>> -> memref<1x64xf32, #tpu.memory_space<vmem>>
      %dma_start3A_705 = arith.constant 0 : i32
      %dma_start3A_706 = tpu.memref_slice %arg2[%squeeze3A_684, %dma_start3A_705] : memref<1000001x64xf32, #tpu.memory_space<hbm>> -> memref<1x64xf32, #tpu.memory_space<hbm>>
      tpu.enqueue_dma source(%dma_start3A_706 : memref<1x64xf32, #tpu.memory_space<hbm>>) target(%dma_start3A_704 : memref<1x64xf32, #tpu.memory_space<vmem>>) target_semaphore(%dma_start3A_697 : memref<!tpu.dma_semaphore, #tpu.memory_space<semaphore_mem>>)
      %slice3A_707 = vector.extract_strided_slice %get3A_442 {offsets = [11], sizes = [1], strides = [1]} : vector<16xi32> to vector<1xi32>
      %squeeze3A_708 = vector.extract %slice3A_707[0] : i32 from vector<1xi32>
      %dma_start3A_709 = arith.constant 0 : i32
      %dma_start3A_710 = arith.constant 0 : i32
      %dma_start3A_711 = arith.constant 0 : i32
      %dma_start3A_712 = arith.constant 0 : i32
      %dma_start3A_713 = tpu.memref_slice %arg6[%dma_start3A_709, %dma_start3A_711, %dma_start3A_712] : memref<2x32x64xf32, #tpu.memory_space<vmem>> -> memref<1x32x64xf32, #tpu.memory_space<vmem>>
      %dma_start3A_714 = tpu.memref_squeeze %dma_start3A_713 : memref<1x32x64xf32, #tpu.memory_space<vmem>> -> memref<32x64xf32, #tpu.memory_space<vmem>>
      %dma_start3A_715 = arith.constant 27 : i32
      %dma_start3A_716 = arith.constant 0 : i32
      %dma_start3A_717 = tpu.memref_slice %dma_start3A_714[%dma_start3A_715, %dma_start3A_716] : memref<32x64xf32, #tpu.memory_space<vmem>> -> memref<1x64xf32, #tpu.memory_space<vmem>>
      %dma_start3A_718 = arith.constant 0 : i32
      %dma_start3A_719 = tpu.memref_slice %arg2[%squeeze3A_708, %dma_start3A_718] : memref<1000001x64xf32, #tpu.memory_space<hbm>> -> memref<1x64xf32, #tpu.memory_space<hbm>>
      %dma_start3A_720 = tpu.memref_slice %arg7[%dma_start3A_710] : memref<2x!tpu.dma_semaphore, #tpu.memory_space<semaphore_mem>> -> memref<1x!tpu.dma_semaphore, #tpu.memory_space<semaphore_mem>>
      %dma_start3A_721 = tpu.memref_squeeze %dma_start3A_720 : memref<1x!tpu.dma_semaphore, #tpu.memory_space<semaphore_mem>> -> memref<!tpu.dma_semaphore, #tpu.memory_space<semaphore_mem>>
      %dma_start3A_722 = arith.constant 0 : i32
      %dma_start3A_723 = arith.constant 0 : i32
      %dma_start3A_724 = tpu.memref_slice %arg6[%dma_start3A_709, %dma_start3A_722, %dma_start3A_723] : memref<2x32x64xf32, #tpu.memory_space<vmem>> -> memref<1x32x64xf32, #tpu.memory_space<vmem>>
      %dma_start3A_725 = tpu.memref_squeeze %dma_start3A_724 : memref<1x32x64xf32, #tpu.memory_space<vmem>> -> memref<32x64xf32, #tpu.memory_space<vmem>>
      %dma_start3A_726 = arith.constant 27 : i32
      %dma_start3A_727 = arith.constant 0 : i32
      %dma_start3A_728 = tpu.memref_slice %dma_start3A_725[%dma_start3A_726, %dma_start3A_727] : memref<32x64xf32, #tpu.memory_space<vmem>> -> memref<1x64xf32, #tpu.memory_space<vmem>>
      %dma_start3A_729 = arith.constant 0 : i32
      %dma_start3A_730 = tpu.memref_slice %arg2[%squeeze3A_708, %dma_start3A_729] : memref<1000001x64xf32, #tpu.memory_space<hbm>> -> memref<1x64xf32, #tpu.memory_space<hbm>>
      tpu.enqueue_dma source(%dma_start3A_730 : memref<1x64xf32, #tpu.memory_space<hbm>>) target(%dma_start3A_728 : memref<1x64xf32, #tpu.memory_space<vmem>>) target_semaphore(%dma_start3A_721 : memref<!tpu.dma_semaphore, #tpu.memory_space<semaphore_mem>>)
      %slice3A_731 = vector.extract_strided_slice %get3A_442 {offsets = [12], sizes = [1], strides = [1]} : vector<16xi32> to vector<1xi32>
      %squeeze3A_732 = vector.extract %slice3A_731[0] : i32 from vector<1xi32>
      %dma_start3A_733 = arith.constant 0 : i32
      %dma_start3A_734 = arith.constant 0 : i32
      %dma_start3A_735 = arith.constant 0 : i32
      %dma_start3A_736 = arith.constant 0 : i32
      %dma_start3A_737 = tpu.memref_slice %arg6[%dma_start3A_733, %dma_start3A_735, %dma_start3A_736] : memref<2x32x64xf32, #tpu.memory_space<vmem>> -> memref<1x32x64xf32, #tpu.memory_space<vmem>>
      %dma_start3A_738 = tpu.memref_squeeze %dma_start3A_737 : memref<1x32x64xf32, #tpu.memory_space<vmem>> -> memref<32x64xf32, #tpu.memory_space<vmem>>
      %dma_start3A_739 = arith.constant 28 : i32
      %dma_start3A_740 = arith.constant 0 : i32
      %dma_start3A_741 = tpu.memref_slice %dma_start3A_738[%dma_start3A_739, %dma_start3A_740] : memref<32x64xf32, #tpu.memory_space<vmem>> -> memref<1x64xf32, #tpu.memory_space<vmem>>
      %dma_start3A_742 = arith.constant 0 : i32
      %dma_start3A_743 = tpu.memref_slice %arg2[%squeeze3A_732, %dma_start3A_742] : memref<1000001x64xf32, #tpu.memory_space<hbm>> -> memref<1x64xf32, #tpu.memory_space<hbm>>
      %dma_start3A_744 = tpu.memref_slice %arg7[%dma_start3A_734] : memref<2x!tpu.dma_semaphore, #tpu.memory_space<semaphore_mem>> -> memref<1x!tpu.dma_semaphore, #tpu.memory_space<semaphore_mem>>
      %dma_start3A_745 = tpu.memref_squeeze %dma_start3A_744 : memref<1x!tpu.dma_semaphore, #tpu.memory_space<semaphore_mem>> -> memref<!tpu.dma_semaphore, #tpu.memory_space<semaphore_mem>>
      %dma_start3A_746 = arith.constant 0 : i32
      %dma_start3A_747 = arith.constant 0 : i32
      %dma_start3A_748 = tpu.memref_slice %arg6[%dma_start3A_733, %dma_start3A_746, %dma_start3A_747] : memref<2x32x64xf32, #tpu.memory_space<vmem>> -> memref<1x32x64xf32, #tpu.memory_space<vmem>>
      %dma_start3A_749 = tpu.memref_squeeze %dma_start3A_748 : memref<1x32x64xf32, #tpu.memory_space<vmem>> -> memref<32x64xf32, #tpu.memory_space<vmem>>
      %dma_start3A_750 = arith.constant 28 : i32
      %dma_start3A_751 = arith.constant 0 : i32
      %dma_start3A_752 = tpu.memref_slice %dma_start3A_749[%dma_start3A_750, %dma_start3A_751] : memref<32x64xf32, #tpu.memory_space<vmem>> -> memref<1x64xf32, #tpu.memory_space<vmem>>
      %dma_start3A_753 = arith.constant 0 : i32
      %dma_start3A_754 = tpu.memref_slice %arg2[%squeeze3A_732, %dma_start3A_753] : memref<1000001x64xf32, #tpu.memory_space<hbm>> -> memref<1x64xf32, #tpu.memory_space<hbm>>
      tpu.enqueue_dma source(%dma_start3A_754 : memref<1x64xf32, #tpu.memory_space<hbm>>) target(%dma_start3A_752 : memref<1x64xf32, #tpu.memory_space<vmem>>) target_semaphore(%dma_start3A_745 : memref<!tpu.dma_semaphore, #tpu.memory_space<semaphore_mem>>)
      %slice3A_755 = vector.extract_strided_slice %get3A_442 {offsets = [13], sizes = [1], strides = [1]} : vector<16xi32> to vector<1xi32>
      %squeeze3A_756 = vector.extract %slice3A_755[0] : i32 from vector<1xi32>
      %dma_start3A_757 = arith.constant 0 : i32
      %dma_start3A_758 = arith.constant 0 : i32
      %dma_start3A_759 = arith.constant 0 : i32
      %dma_start3A_760 = arith.constant 0 : i32
      %dma_start3A_761 = tpu.memref_slice %arg6[%dma_start3A_757, %dma_start3A_759, %dma_start3A_760] : memref<2x32x64xf32, #tpu.memory_space<vmem>> -> memref<1x32x64xf32, #tpu.memory_space<vmem>>
      %dma_start3A_762 = tpu.memref_squeeze %dma_start3A_761 : memref<1x32x64xf32, #tpu.memory_space<vmem>> -> memref<32x64xf32, #tpu.memory_space<vmem>>
      %dma_start3A_763 = arith.constant 29 : i32
      %dma_start3A_764 = arith.constant 0 : i32
      %dma_start3A_765 = tpu.memref_slice %dma_start3A_762[%dma_start3A_763, %dma_start3A_764] : memref<32x64xf32, #tpu.memory_space<vmem>> -> memref<1x64xf32, #tpu.memory_space<vmem>>
      %dma_start3A_766 = arith.constant 0 : i32
      %dma_start3A_767 = tpu.memref_slice %arg2[%squeeze3A_756, %dma_start3A_766] : memref<1000001x64xf32, #tpu.memory_space<hbm>> -> memref<1x64xf32, #tpu.memory_space<hbm>>
      %dma_start3A_768 = tpu.memref_slice %arg7[%dma_start3A_758] : memref<2x!tpu.dma_semaphore, #tpu.memory_space<semaphore_mem>> -> memref<1x!tpu.dma_semaphore, #tpu.memory_space<semaphore_mem>>
      %dma_start3A_769 = tpu.memref_squeeze %dma_start3A_768 : memref<1x!tpu.dma_semaphore, #tpu.memory_space<semaphore_mem>> -> memref<!tpu.dma_semaphore, #tpu.memory_space<semaphore_mem>>
      %dma_start3A_770 = arith.constant 0 : i32
      %dma_start3A_771 = arith.constant 0 : i32
      %dma_start3A_772 = tpu.memref_slice %arg6[%dma_start3A_757, %dma_start3A_770, %dma_start3A_771] : memref<2x32x64xf32, #tpu.memory_space<vmem>> -> memref<1x32x64xf32, #tpu.memory_space<vmem>>
      %dma_start3A_773 = tpu.memref_squeeze %dma_start3A_772 : memref<1x32x64xf32, #tpu.memory_space<vmem>> -> memref<32x64xf32, #tpu.memory_space<vmem>>
      %dma_start3A_774 = arith.constant 29 : i32
      %dma_start3A_775 = arith.constant 0 : i32
      %dma_start3A_776 = tpu.memref_slice %dma_start3A_773[%dma_start3A_774, %dma_start3A_775] : memref<32x64xf32, #tpu.memory_space<vmem>> -> memref<1x64xf32, #tpu.memory_space<vmem>>
      %dma_start3A_777 = arith.constant 0 : i32
      %dma_start3A_778 = tpu.memref_slice %arg2[%squeeze3A_756, %dma_start3A_777] : memref<1000001x64xf32, #tpu.memory_space<hbm>> -> memref<1x64xf32, #tpu.memory_space<hbm>>
      tpu.enqueue_dma source(%dma_start3A_778 : memref<1x64xf32, #tpu.memory_space<hbm>>) target(%dma_start3A_776 : memref<1x64xf32, #tpu.memory_space<vmem>>) target_semaphore(%dma_start3A_769 : memref<!tpu.dma_semaphore, #tpu.memory_space<semaphore_mem>>)
      %slice3A_779 = vector.extract_strided_slice %get3A_442 {offsets = [14], sizes = [1], strides = [1]} : vector<16xi32> to vector<1xi32>
      %squeeze3A_780 = vector.extract %slice3A_779[0] : i32 from vector<1xi32>
      %dma_start3A_781 = arith.constant 0 : i32
      %dma_start3A_782 = arith.constant 0 : i32
      %dma_start3A_783 = arith.constant 0 : i32
      %dma_start3A_784 = arith.constant 0 : i32
      %dma_start3A_785 = tpu.memref_slice %arg6[%dma_start3A_781, %dma_start3A_783, %dma_start3A_784] : memref<2x32x64xf32, #tpu.memory_space<vmem>> -> memref<1x32x64xf32, #tpu.memory_space<vmem>>
      %dma_start3A_786 = tpu.memref_squeeze %dma_start3A_785 : memref<1x32x64xf32, #tpu.memory_space<vmem>> -> memref<32x64xf32, #tpu.memory_space<vmem>>
      %dma_start3A_787 = arith.constant 30 : i32
      %dma_start3A_788 = arith.constant 0 : i32
      %dma_start3A_789 = tpu.memref_slice %dma_start3A_786[%dma_start3A_787, %dma_start3A_788] : memref<32x64xf32, #tpu.memory_space<vmem>> -> memref<1x64xf32, #tpu.memory_space<vmem>>
      %dma_start3A_790 = arith.constant 0 : i32
      %dma_start3A_791 = tpu.memref_slice %arg2[%squeeze3A_780, %dma_start3A_790] : memref<1000001x64xf32, #tpu.memory_space<hbm>> -> memref<1x64xf32, #tpu.memory_space<hbm>>
      %dma_start3A_792 = tpu.memref_slice %arg7[%dma_start3A_782] : memref<2x!tpu.dma_semaphore, #tpu.memory_space<semaphore_mem>> -> memref<1x!tpu.dma_semaphore, #tpu.memory_space<semaphore_mem>>
      %dma_start3A_793 = tpu.memref_squeeze %dma_start3A_792 : memref<1x!tpu.dma_semaphore, #tpu.memory_space<semaphore_mem>> -> memref<!tpu.dma_semaphore, #tpu.memory_space<semaphore_mem>>
      %dma_start3A_794 = arith.constant 0 : i32
      %dma_start3A_795 = arith.constant 0 : i32
      %dma_start3A_796 = tpu.memref_slice %arg6[%dma_start3A_781, %dma_start3A_794, %dma_start3A_795] : memref<2x32x64xf32, #tpu.memory_space<vmem>> -> memref<1x32x64xf32, #tpu.memory_space<vmem>>
      %dma_start3A_797 = tpu.memref_squeeze %dma_start3A_796 : memref<1x32x64xf32, #tpu.memory_space<vmem>> -> memref<32x64xf32, #tpu.memory_space<vmem>>
      %dma_start3A_798 = arith.constant 30 : i32
      %dma_start3A_799 = arith.constant 0 : i32
      %dma_start3A_800 = tpu.memref_slice %dma_start3A_797[%dma_start3A_798, %dma_start3A_799] : memref<32x64xf32, #tpu.memory_space<vmem>> -> memref<1x64xf32, #tpu.memory_space<vmem>>
      %dma_start3A_801 = arith.constant 0 : i32
      %dma_start3A_802 = tpu.memref_slice %arg2[%squeeze3A_780, %dma_start3A_801] : memref<1000001x64xf32, #tpu.memory_space<hbm>> -> memref<1x64xf32, #tpu.memory_space<hbm>>
      tpu.enqueue_dma source(%dma_start3A_802 : memref<1x64xf32, #tpu.memory_space<hbm>>) target(%dma_start3A_800 : memref<1x64xf32, #tpu.memory_space<vmem>>) target_semaphore(%dma_start3A_793 : memref<!tpu.dma_semaphore, #tpu.memory_space<semaphore_mem>>)
      %slice3A_803 = vector.extract_strided_slice %get3A_442 {offsets = [15], sizes = [1], strides = [1]} : vector<16xi32> to vector<1xi32>
      %squeeze3A_804 = vector.extract %slice3A_803[0] : i32 from vector<1xi32>
      %dma_start3A_805 = arith.constant 0 : i32
      %dma_start3A_806 = arith.constant 0 : i32
      %dma_start3A_807 = arith.constant 0 : i32
      %dma_start3A_808 = arith.constant 0 : i32
      %dma_start3A_809 = tpu.memref_slice %arg6[%dma_start3A_805, %dma_start3A_807, %dma_start3A_808] : memref<2x32x64xf32, #tpu.memory_space<vmem>> -> memref<1x32x64xf32, #tpu.memory_space<vmem>>
      %dma_start3A_810 = tpu.memref_squeeze %dma_start3A_809 : memref<1x32x64xf32, #tpu.memory_space<vmem>> -> memref<32x64xf32, #tpu.memory_space<vmem>>
      %dma_start3A_811 = arith.constant 31 : i32
      %dma_start3A_812 = arith.constant 0 : i32
      %dma_start3A_813 = tpu.memref_slice %dma_start3A_810[%dma_start3A_811, %dma_start3A_812] : memref<32x64xf32, #tpu.memory_space<vmem>> -> memref<1x64xf32, #tpu.memory_space<vmem>>
      %dma_start3A_814 = arith.constant 0 : i32
      %dma_start3A_815 = tpu.memref_slice %arg2[%squeeze3A_804, %dma_start3A_814] : memref<1000001x64xf32, #tpu.memory_space<hbm>> -> memref<1x64xf32, #tpu.memory_space<hbm>>
      %dma_start3A_816 = tpu.memref_slice %arg7[%dma_start3A_806] : memref<2x!tpu.dma_semaphore, #tpu.memory_space<semaphore_mem>> -> memref<1x!tpu.dma_semaphore, #tpu.memory_space<semaphore_mem>>
      %dma_start3A_817 = tpu.memref_squeeze %dma_start3A_816 : memref<1x!tpu.dma_semaphore, #tpu.memory_space<semaphore_mem>> -> memref<!tpu.dma_semaphore, #tpu.memory_space<semaphore_mem>>
      %dma_start3A_818 = arith.constant 0 : i32
      %dma_start3A_819 = arith.constant 0 : i32
      %dma_start3A_820 = tpu.memref_slice %arg6[%dma_start3A_805, %dma_start3A_818, %dma_start3A_819] : memref<2x32x64xf32, #tpu.memory_space<vmem>> -> memref<1x32x64xf32, #tpu.memory_space<vmem>>
      %dma_start3A_821 = tpu.memref_squeeze %dma_start3A_820 : memref<1x32x64xf32, #tpu.memory_space<vmem>> -> memref<32x64xf32, #tpu.memory_space<vmem>>
      %dma_start3A_822 = arith.constant 31 : i32
      %dma_start3A_823 = arith.constant 0 : i32
      %dma_start3A_824 = tpu.memref_slice %dma_start3A_821[%dma_start3A_822, %dma_start3A_823] : memref<32x64xf32, #tpu.memory_space<vmem>> -> memref<1x64xf32, #tpu.memory_space<vmem>>
      %dma_start3A_825 = arith.constant 0 : i32
      %dma_start3A_826 = tpu.memref_slice %arg2[%squeeze3A_804, %dma_start3A_825] : memref<1000001x64xf32, #tpu.memory_space<hbm>> -> memref<1x64xf32, #tpu.memory_space<hbm>>
      tpu.enqueue_dma source(%dma_start3A_826 : memref<1x64xf32, #tpu.memory_space<hbm>>) target(%dma_start3A_824 : memref<1x64xf32, #tpu.memory_space<vmem>>) target_semaphore(%dma_start3A_817 : memref<!tpu.dma_semaphore, #tpu.memory_space<semaphore_mem>>)
      %mul3A_827 = arith.constant 32 : i32
      %mul3A_828 = arith.muli %add3A_46, %mul3A_827 : i32
      %add3A_829 = arith.constant 0 : i32
      %add3A_830 = arith.addi %mul3A_828, %add3A_829 : i32
      %get3A_831 = arith.index_cast %add3A_830 : i32 to index
      %get3A_832 = tpu.vector_load %arg5[%get3A_831] {strides = array<i32>} : memref<512xi32, #tpu.memory_space<vmem>>, vector<16xi32>,
      %get3A_833 = vector.shape_cast %get3A_832 : vector<16xi32> to vector<16xi32>
      %slice3A_834 = vector.extract_strided_slice %get3A_833 {offsets = [0], sizes = [1], strides = [1]} : vector<16xi32> to vector<1xi32>
      %squeeze3A_835 = vector.extract %slice3A_834[0] : i32 from vector<1xi32>
      %dma_start3A_836 = arith.constant 1 : i32
      %dma_start3A_837 = arith.constant 1 : i32
      %dma_start3A_838 = arith.constant 0 : i32
      %dma_start3A_839 = arith.constant 0 : i32
      %dma_start3A_840 = tpu.memref_slice %arg6[%dma_start3A_836, %dma_start3A_838, %dma_start3A_839] : memref<2x32x64xf32, #tpu.memory_space<vmem>> -> memref<1x32x64xf32, #tpu.memory_space<vmem>>
      %dma_start3A_841 = tpu.memref_squeeze %dma_start3A_840 : memref<1x32x64xf32, #tpu.memory_space<vmem>> -> memref<32x64xf32, #tpu.memory_space<vmem>>
      %dma_start3A_842 = arith.constant 0 : i32
      %dma_start3A_843 = arith.constant 0 : i32
      %dma_start3A_844 = tpu.memref_slice %dma_start3A_841[%dma_start3A_842, %dma_start3A_843] : memref<32x64xf32, #tpu.memory_space<vmem>> -> memref<1x64xf32, #tpu.memory_space<vmem>>
      %dma_start3A_845 = arith.constant 0 : i32
      %dma_start3A_846 = tpu.memref_slice %arg2[%squeeze3A_835, %dma_start3A_845] : memref<1000001x64xf32, #tpu.memory_space<hbm>> -> memref<1x64xf32, #tpu.memory_space<hbm>>
      %dma_start3A_847 = tpu.memref_slice %arg7[%dma_start3A_837] : memref<2x!tpu.dma_semaphore, #tpu.memory_space<semaphore_mem>> -> memref<1x!tpu.dma_semaphore, #tpu.memory_space<semaphore_mem>>
      %dma_start3A_848 = tpu.memref_squeeze %dma_start3A_847 : memref<1x!tpu.dma_semaphore, #tpu.memory_space<semaphore_mem>> -> memref<!tpu.dma_semaphore, #tpu.memory_space<semaphore_mem>>
      %dma_start3A_849 = arith.constant 0 : i32
      %dma_start3A_850 = arith.constant 0 : i32
      %dma_start3A_851 = tpu.memref_slice %arg6[%dma_start3A_836, %dma_start3A_849, %dma_start3A_850] : memref<2x32x64xf32, #tpu.memory_space<vmem>> -> memref<1x32x64xf32, #tpu.memory_space<vmem>>
      %dma_start3A_852 = tpu.memref_squeeze %dma_start3A_851 : memref<1x32x64xf32, #tpu.memory_space<vmem>> -> memref<32x64xf32, #tpu.memory_space<vmem>>
      %dma_start3A_853 = arith.constant 0 : i32
      %dma_start3A_854 = arith.constant 0 : i32
      %dma_start3A_855 = tpu.memref_slice %dma_start3A_852[%dma_start3A_853, %dma_start3A_854] : memref<32x64xf32, #tpu.memory_space<vmem>> -> memref<1x64xf32, #tpu.memory_space<vmem>>
      %dma_start3A_856 = arith.constant 0 : i32
      %dma_start3A_857 = tpu.memref_slice %arg2[%squeeze3A_835, %dma_start3A_856] : memref<1000001x64xf32, #tpu.memory_space<hbm>> -> memref<1x64xf32, #tpu.memory_space<hbm>>
      tpu.enqueue_dma source(%dma_start3A_857 : memref<1x64xf32, #tpu.memory_space<hbm>>) target(%dma_start3A_855 : memref<1x64xf32, #tpu.memory_space<vmem>>) target_semaphore(%dma_start3A_848 : memref<!tpu.dma_semaphore, #tpu.memory_space<semaphore_mem>>)
      %slice3A_858 = vector.extract_strided_slice %get3A_833 {offsets = [1], sizes = [1], strides = [1]} : vector<16xi32> to vector<1xi32>
      %squeeze3A_859 = vector.extract %slice3A_858[0] : i32 from vector<1xi32>
      %dma_start3A_860 = arith.constant 1 : i32
      %dma_start3A_861 = arith.constant 1 : i32
      %dma_start3A_862 = arith.constant 0 : i32
      %dma_start3A_863 = arith.constant 0 : i32
      %dma_start3A_864 = tpu.memref_slice %arg6[%dma_start3A_860, %dma_start3A_862, %dma_start3A_863] : memref<2x32x64xf32, #tpu.memory_space<vmem>> -> memref<1x32x64xf32, #tpu.memory_space<vmem>>
      %dma_start3A_865 = tpu.memref_squeeze %dma_start3A_864 : memref<1x32x64xf32, #tpu.memory_space<vmem>> -> memref<32x64xf32, #tpu.memory_space<vmem>>
      %dma_start3A_866 = arith.constant 1 : i32
      %dma_start3A_867 = arith.constant 0 : i32
      %dma_start3A_868 = tpu.memref_slice %dma_start3A_865[%dma_start3A_866, %dma_start3A_867] : memref<32x64xf32, #tpu.memory_space<vmem>> -> memref<1x64xf32, #tpu.memory_space<vmem>>
      %dma_start3A_869 = arith.constant 0 : i32
      %dma_start3A_870 = tpu.memref_slice %arg2[%squeeze3A_859, %dma_start3A_869] : memref<1000001x64xf32, #tpu.memory_space<hbm>> -> memref<1x64xf32, #tpu.memory_space<hbm>>
      %dma_start3A_871 = tpu.memref_slice %arg7[%dma_start3A_861] : memref<2x!tpu.dma_semaphore, #tpu.memory_space<semaphore_mem>> -> memref<1x!tpu.dma_semaphore, #tpu.memory_space<semaphore_mem>>
      %dma_start3A_872 = tpu.memref_squeeze %dma_start3A_871 : memref<1x!tpu.dma_semaphore, #tpu.memory_space<semaphore_mem>> -> memref<!tpu.dma_semaphore, #tpu.memory_space<semaphore_mem>>
      %dma_start3A_873 = arith.constant 0 : i32
      %dma_start3A_874 = arith.constant 0 : i32
      %dma_start3A_875 = tpu.memref_slice %arg6[%dma_start3A_860, %dma_start3A_873, %dma_start3A_874] : memref<2x32x64xf32, #tpu.memory_space<vmem>> -> memref<1x32x64xf32, #tpu.memory_space<vmem>>
      %dma_start3A_876 = tpu.memref_squeeze %dma_start3A_875 : memref<1x32x64xf32, #tpu.memory_space<vmem>> -> memref<32x64xf32, #tpu.memory_space<vmem>>
      %dma_start3A_877 = arith.constant 1 : i32
      %dma_start3A_878 = arith.constant 0 : i32
      %dma_start3A_879 = tpu.memref_slice %dma_start3A_876[%dma_start3A_877, %dma_start3A_878] : memref<32x64xf32, #tpu.memory_space<vmem>> -> memref<1x64xf32, #tpu.memory_space<vmem>>
      %dma_start3A_880 = arith.constant 0 : i32
      %dma_start3A_881 = tpu.memref_slice %arg2[%squeeze3A_859, %dma_start3A_880] : memref<1000001x64xf32, #tpu.memory_space<hbm>> -> memref<1x64xf32, #tpu.memory_space<hbm>>
      tpu.enqueue_dma source(%dma_start3A_881 : memref<1x64xf32, #tpu.memory_space<hbm>>) target(%dma_start3A_879 : memref<1x64xf32, #tpu.memory_space<vmem>>) target_semaphore(%dma_start3A_872 : memref<!tpu.dma_semaphore, #tpu.memory_space<semaphore_mem>>)
      %slice3A_882 = vector.extract_strided_slice %get3A_833 {offsets = [2], sizes = [1], strides = [1]} : vector<16xi32> to vector<1xi32>
      %squeeze3A_883 = vector.extract %slice3A_882[0] : i32 from vector<1xi32>
      %dma_start3A_884 = arith.constant 1 : i32
      %dma_start3A_885 = arith.constant 1 : i32
      %dma_start3A_886 = arith.constant 0 : i32
      %dma_start3A_887 = arith.constant 0 : i32
      %dma_start3A_888 = tpu.memref_slice %arg6[%dma_start3A_884, %dma_start3A_886, %dma_start3A_887] : memref<2x32x64xf32, #tpu.memory_space<vmem>> -> memref<1x32x64xf32, #tpu.memory_space<vmem>>
      %dma_start3A_889 = tpu.memref_squeeze %dma_start3A_888 : memref<1x32x64xf32, #tpu.memory_space<vmem>> -> memref<32x64xf32, #tpu.memory_space<vmem>>
      %dma_start3A_890 = arith.constant 2 : i32
      %dma_start3A_891 = arith.constant 0 : i32
      %dma_start3A_892 = tpu.memref_slice %dma_start3A_889[%dma_start3A_890, %dma_start3A_891] : memref<32x64xf32, #tpu.memory_space<vmem>> -> memref<1x64xf32, #tpu.memory_space<vmem>>
      %dma_start3A_893 = arith.constant 0 : i32
      %dma_start3A_894 = tpu.memref_slice %arg2[%squeeze3A_883, %dma_start3A_893] : memref<1000001x64xf32, #tpu.memory_space<hbm>> -> memref<1x64xf32, #tpu.memory_space<hbm>>
      %dma_start3A_895 = tpu.memref_slice %arg7[%dma_start3A_885] : memref<2x!tpu.dma_semaphore, #tpu.memory_space<semaphore_mem>> -> memref<1x!tpu.dma_semaphore, #tpu.memory_space<semaphore_mem>>
      %dma_start3A_896 = tpu.memref_squeeze %dma_start3A_895 : memref<1x!tpu.dma_semaphore, #tpu.memory_space<semaphore_mem>> -> memref<!tpu.dma_semaphore, #tpu.memory_space<semaphore_mem>>
      %dma_start3A_897 = arith.constant 0 : i32
      %dma_start3A_898 = arith.constant 0 : i32
      %dma_start3A_899 = tpu.memref_slice %arg6[%dma_start3A_884, %dma_start3A_897, %dma_start3A_898] : memref<2x32x64xf32, #tpu.memory_space<vmem>> -> memref<1x32x64xf32, #tpu.memory_space<vmem>>
      %dma_start3A_900 = tpu.memref_squeeze %dma_start3A_899 : memref<1x32x64xf32, #tpu.memory_space<vmem>> -> memref<32x64xf32, #tpu.memory_space<vmem>>
      %dma_start3A_901 = arith.constant 2 : i32
      %dma_start3A_902 = arith.constant 0 : i32
      %dma_start3A_903 = tpu.memref_slice %dma_start3A_900[%dma_start3A_901, %dma_start3A_902] : memref<32x64xf32, #tpu.memory_space<vmem>> -> memref<1x64xf32, #tpu.memory_space<vmem>>
      %dma_start3A_904 = arith.constant 0 : i32
      %dma_start3A_905 = tpu.memref_slice %arg2[%squeeze3A_883, %dma_start3A_904] : memref<1000001x64xf32, #tpu.memory_space<hbm>> -> memref<1x64xf32, #tpu.memory_space<hbm>>
      tpu.enqueue_dma source(%dma_start3A_905 : memref<1x64xf32, #tpu.memory_space<hbm>>) target(%dma_start3A_903 : memref<1x64xf32, #tpu.memory_space<vmem>>) target_semaphore(%dma_start3A_896 : memref<!tpu.dma_semaphore, #tpu.memory_space<semaphore_mem>>)
      %slice3A_906 = vector.extract_strided_slice %get3A_833 {offsets = [3], sizes = [1], strides = [1]} : vector<16xi32> to vector<1xi32>
      %squeeze3A_907 = vector.extract %slice3A_906[0] : i32 from vector<1xi32>
      %dma_start3A_908 = arith.constant 1 : i32
      %dma_start3A_909 = arith.constant 1 : i32
      %dma_start3A_910 = arith.constant 0 : i32
      %dma_start3A_911 = arith.constant 0 : i32
      %dma_start3A_912 = tpu.memref_slice %arg6[%dma_start3A_908, %dma_start3A_910, %dma_start3A_911] : memref<2x32x64xf32, #tpu.memory_space<vmem>> -> memref<1x32x64xf32, #tpu.memory_space<vmem>>
      %dma_start3A_913 = tpu.memref_squeeze %dma_start3A_912 : memref<1x32x64xf32, #tpu.memory_space<vmem>> -> memref<32x64xf32, #tpu.memory_space<vmem>>
      %dma_start3A_914 = arith.constant 3 : i32
      %dma_start3A_915 = arith.constant 0 : i32
      %dma_start3A_916 = tpu.memref_slice %dma_start3A_913[%dma_start3A_914, %dma_start3A_915] : memref<32x64xf32, #tpu.memory_space<vmem>> -> memref<1x64xf32, #tpu.memory_space<vmem>>
      %dma_start3A_917 = arith.constant 0 : i32
      %dma_start3A_918 = tpu.memref_slice %arg2[%squeeze3A_907, %dma_start3A_917] : memref<1000001x64xf32, #tpu.memory_space<hbm>> -> memref<1x64xf32, #tpu.memory_space<hbm>>
      %dma_start3A_919 = tpu.memref_slice %arg7[%dma_start3A_909] : memref<2x!tpu.dma_semaphore, #tpu.memory_space<semaphore_mem>> -> memref<1x!tpu.dma_semaphore, #tpu.memory_space<semaphore_mem>>
      %dma_start3A_920 = tpu.memref_squeeze %dma_start3A_919 : memref<1x!tpu.dma_semaphore, #tpu.memory_space<semaphore_mem>> -> memref<!tpu.dma_semaphore, #tpu.memory_space<semaphore_mem>>
      %dma_start3A_921 = arith.constant 0 : i32
      %dma_start3A_922 = arith.constant 0 : i32
      %dma_start3A_923 = tpu.memref_slice %arg6[%dma_start3A_908, %dma_start3A_921, %dma_start3A_922] : memref<2x32x64xf32, #tpu.memory_space<vmem>> -> memref<1x32x64xf32, #tpu.memory_space<vmem>>
      %dma_start3A_924 = tpu.memref_squeeze %dma_start3A_923 : memref<1x32x64xf32, #tpu.memory_space<vmem>> -> memref<32x64xf32, #tpu.memory_space<vmem>>
      %dma_start3A_925 = arith.constant 3 : i32
      %dma_start3A_926 = arith.constant 0 : i32
      %dma_start3A_927 = tpu.memref_slice %dma_start3A_924[%dma_start3A_925, %dma_start3A_926] : memref<32x64xf32, #tpu.memory_space<vmem>> -> memref<1x64xf32, #tpu.memory_space<vmem>>
      %dma_start3A_928 = arith.constant 0 : i32
      %dma_start3A_929 = tpu.memref_slice %arg2[%squeeze3A_907, %dma_start3A_928] : memref<1000001x64xf32, #tpu.memory_space<hbm>> -> memref<1x64xf32, #tpu.memory_space<hbm>>
      tpu.enqueue_dma source(%dma_start3A_929 : memref<1x64xf32, #tpu.memory_space<hbm>>) target(%dma_start3A_927 : memref<1x64xf32, #tpu.memory_space<vmem>>) target_semaphore(%dma_start3A_920 : memref<!tpu.dma_semaphore, #tpu.memory_space<semaphore_mem>>)
      %slice3A_930 = vector.extract_strided_slice %get3A_833 {offsets = [4], sizes = [1], strides = [1]} : vector<16xi32> to vector<1xi32>
      %squeeze3A_931 = vector.extract %slice3A_930[0] : i32 from vector<1xi32>
      %dma_start3A_932 = arith.constant 1 : i32
      %dma_start3A_933 = arith.constant 1 : i32
      %dma_start3A_934 = arith.constant 0 : i32
      %dma_start3A_935 = arith.constant 0 : i32
      %dma_start3A_936 = tpu.memref_slice %arg6[%dma_start3A_932, %dma_start3A_934, %dma_start3A_935] : memref<2x32x64xf32, #tpu.memory_space<vmem>> -> memref<1x32x64xf32, #tpu.memory_space<vmem>>
      %dma_start3A_937 = tpu.memref_squeeze %dma_start3A_936 : memref<1x32x64xf32, #tpu.memory_space<vmem>> -> memref<32x64xf32, #tpu.memory_space<vmem>>
      %dma_start3A_938 = arith.constant 4 : i32
      %dma_start3A_939 = arith.constant 0 : i32
      %dma_start3A_940 = tpu.memref_slice %dma_start3A_937[%dma_start3A_938, %dma_start3A_939] : memref<32x64xf32, #tpu.memory_space<vmem>> -> memref<1x64xf32, #tpu.memory_space<vmem>>
      %dma_start3A_941 = arith.constant 0 : i32
      %dma_start3A_942 = tpu.memref_slice %arg2[%squeeze3A_931, %dma_start3A_941] : memref<1000001x64xf32, #tpu.memory_space<hbm>> -> memref<1x64xf32, #tpu.memory_space<hbm>>
      %dma_start3A_943 = tpu.memref_slice %arg7[%dma_start3A_933] : memref<2x!tpu.dma_semaphore, #tpu.memory_space<semaphore_mem>> -> memref<1x!tpu.dma_semaphore, #tpu.memory_space<semaphore_mem>>
      %dma_start3A_944 = tpu.memref_squeeze %dma_start3A_943 : memref<1x!tpu.dma_semaphore, #tpu.memory_space<semaphore_mem>> -> memref<!tpu.dma_semaphore, #tpu.memory_space<semaphore_mem>>
      %dma_start3A_945 = arith.constant 0 : i32
      %dma_start3A_946 = arith.constant 0 : i32
      %dma_start3A_947 = tpu.memref_slice %arg6[%dma_start3A_932, %dma_start3A_945, %dma_start3A_946] : memref<2x32x64xf32, #tpu.memory_space<vmem>> -> memref<1x32x64xf32, #tpu.memory_space<vmem>>
      %dma_start3A_948 = tpu.memref_squeeze %dma_start3A_947 : memref<1x32x64xf32, #tpu.memory_space<vmem>> -> memref<32x64xf32, #tpu.memory_space<vmem>>
      %dma_start3A_949 = arith.constant 4 : i32
      %dma_start3A_950 = arith.constant 0 : i32
      %dma_start3A_951 = tpu.memref_slice %dma_start3A_948[%dma_start3A_949, %dma_start3A_950] : memref<32x64xf32, #tpu.memory_space<vmem>> -> memref<1x64xf32, #tpu.memory_space<vmem>>
      %dma_start3A_952 = arith.constant 0 : i32
      %dma_start3A_953 = tpu.memref_slice %arg2[%squeeze3A_931, %dma_start3A_952] : memref<1000001x64xf32, #tpu.memory_space<hbm>> -> memref<1x64xf32, #tpu.memory_space<hbm>>
      tpu.enqueue_dma source(%dma_start3A_953 : memref<1x64xf32, #tpu.memory_space<hbm>>) target(%dma_start3A_951 : memref<1x64xf32, #tpu.memory_space<vmem>>) target_semaphore(%dma_start3A_944 : memref<!tpu.dma_semaphore, #tpu.memory_space<semaphore_mem>>)
      %slice3A_954 = vector.extract_strided_slice %get3A_833 {offsets = [5], sizes = [1], strides = [1]} : vector<16xi32> to vector<1xi32>
      %squeeze3A_955 = vector.extract %slice3A_954[0] : i32 from vector<1xi32>
      %dma_start3A_956 = arith.constant 1 : i32
      %dma_start3A_957 = arith.constant 1 : i32
      %dma_start3A_958 = arith.constant 0 : i32
      %dma_start3A_959 = arith.constant 0 : i32
      %dma_start3A_960 = tpu.memref_slice %arg6[%dma_start3A_956, %dma_start3A_958, %dma_start3A_959] : memref<2x32x64xf32, #tpu.memory_space<vmem>> -> memref<1x32x64xf32, #tpu.memory_space<vmem>>
      %dma_start3A_961 = tpu.memref_squeeze %dma_start3A_960 : memref<1x32x64xf32, #tpu.memory_space<vmem>> -> memref<32x64xf32, #tpu.memory_space<vmem>>
      %dma_start3A_962 = arith.constant 5 : i32
      %dma_start3A_963 = arith.constant 0 : i32
      %dma_start3A_964 = tpu.memref_slice %dma_start3A_961[%dma_start3A_962, %dma_start3A_963] : memref<32x64xf32, #tpu.memory_space<vmem>> -> memref<1x64xf32, #tpu.memory_space<vmem>>
      %dma_start3A_965 = arith.constant 0 : i32
      %dma_start3A_966 = tpu.memref_slice %arg2[%squeeze3A_955, %dma_start3A_965] : memref<1000001x64xf32, #tpu.memory_space<hbm>> -> memref<1x64xf32, #tpu.memory_space<hbm>>
      %dma_start3A_967 = tpu.memref_slice %arg7[%dma_start3A_957] : memref<2x!tpu.dma_semaphore, #tpu.memory_space<semaphore_mem>> -> memref<1x!tpu.dma_semaphore, #tpu.memory_space<semaphore_mem>>
      %dma_start3A_968 = tpu.memref_squeeze %dma_start3A_967 : memref<1x!tpu.dma_semaphore, #tpu.memory_space<semaphore_mem>> -> memref<!tpu.dma_semaphore, #tpu.memory_space<semaphore_mem>>
      %dma_start3A_969 = arith.constant 0 : i32
      %dma_start3A_970 = arith.constant 0 : i32
      %dma_start3A_971 = tpu.memref_slice %arg6[%dma_start3A_956, %dma_start3A_969, %dma_start3A_970] : memref<2x32x64xf32, #tpu.memory_space<vmem>> -> memref<1x32x64xf32, #tpu.memory_space<vmem>>
      %dma_start3A_972 = tpu.memref_squeeze %dma_start3A_971 : memref<1x32x64xf32, #tpu.memory_space<vmem>> -> memref<32x64xf32, #tpu.memory_space<vmem>>
      %dma_start3A_973 = arith.constant 5 : i32
      %dma_start3A_974 = arith.constant 0 : i32
      %dma_start3A_975 = tpu.memref_slice %dma_start3A_972[%dma_start3A_973, %dma_start3A_974] : memref<32x64xf32, #tpu.memory_space<vmem>> -> memref<1x64xf32, #tpu.memory_space<vmem>>
      %dma_start3A_976 = arith.constant 0 : i32
      %dma_start3A_977 = tpu.memref_slice %arg2[%squeeze3A_955, %dma_start3A_976] : memref<1000001x64xf32, #tpu.memory_space<hbm>> -> memref<1x64xf32, #tpu.memory_space<hbm>>
      tpu.enqueue_dma source(%dma_start3A_977 : memref<1x64xf32, #tpu.memory_space<hbm>>) target(%dma_start3A_975 : memref<1x64xf32, #tpu.memory_space<vmem>>) target_semaphore(%dma_start3A_968 : memref<!tpu.dma_semaphore, #tpu.memory_space<semaphore_mem>>)
      %slice3A_978 = vector.extract_strided_slice %get3A_833 {offsets = [6], sizes = [1], strides = [1]} : vector<16xi32> to vector<1xi32>
      %squeeze3A_979 = vector.extract %slice3A_978[0] : i32 from vector<1xi32>
      %dma_start3A_980 = arith.constant 1 : i32
      %dma_start3A_981 = arith.constant 1 : i32
      %dma_start3A_982 = arith.constant 0 : i32
      %dma_start3A_983 = arith.constant 0 : i32
      %dma_start3A_984 = tpu.memref_slice %arg6[%dma_start3A_980, %dma_start3A_982, %dma_start3A_983] : memref<2x32x64xf32, #tpu.memory_space<vmem>> -> memref<1x32x64xf32, #tpu.memory_space<vmem>>
      %dma_start3A_985 = tpu.memref_squeeze %dma_start3A_984 : memref<1x32x64xf32, #tpu.memory_space<vmem>> -> memref<32x64xf32, #tpu.memory_space<vmem>>
      %dma_start3A_986 = arith.constant 6 : i32
      %dma_start3A_987 = arith.constant 0 : i32
      %dma_start3A_988 = tpu.memref_slice %dma_start3A_985[%dma_start3A_986, %dma_start3A_987] : memref<32x64xf32, #tpu.memory_space<vmem>> -> memref<1x64xf32, #tpu.memory_space<vmem>>
      %dma_start3A_989 = arith.constant 0 : i32
      %dma_start3A_990 = tpu.memref_slice %arg2[%squeeze3A_979, %dma_start3A_989] : memref<1000001x64xf32, #tpu.memory_space<hbm>> -> memref<1x64xf32, #tpu.memory_space<hbm>>
      %dma_start3A_991 = tpu.memref_slice %arg7[%dma_start3A_981] : memref<2x!tpu.dma_semaphore, #tpu.memory_space<semaphore_mem>> -> memref<1x!tpu.dma_semaphore, #tpu.memory_space<semaphore_mem>>
      %dma_start3A_992 = tpu.memref_squeeze %dma_start3A_991 : memref<1x!tpu.dma_semaphore, #tpu.memory_space<semaphore_mem>> -> memref<!tpu.dma_semaphore, #tpu.memory_space<semaphore_mem>>
      %dma_start3A_993 = arith.constant 0 : i32
      %dma_start3A_994 = arith.constant 0 : i32
      %dma_start3A_995 = tpu.memref_slice %arg6[%dma_start3A_980, %dma_start3A_993, %dma_start3A_994] : memref<2x32x64xf32, #tpu.memory_space<vmem>> -> memref<1x32x64xf32, #tpu.memory_space<vmem>>
      %dma_start3A_996 = tpu.memref_squeeze %dma_start3A_995 : memref<1x32x64xf32, #tpu.memory_space<vmem>> -> memref<32x64xf32, #tpu.memory_space<vmem>>
      %dma_start3A_997 = arith.constant 6 : i32
      %dma_start3A_998 = arith.constant 0 : i32
      %dma_start3A_999 = tpu.memref_slice %dma_start3A_996[%dma_start3A_997, %dma_start3A_998] : memref<32x64xf32, #tpu.memory_space<vmem>> -> memref<1x64xf32, #tpu.memory_space<vmem>>
      %dma_start3A_1000 = arith.constant 0 : i32
      %dma_start3A_1001 = tpu.memref_slice %arg2[%squeeze3A_979, %dma_start3A_1000] : memref<1000001x64xf32, #tpu.memory_space<hbm>> -> memref<1x64xf32, #tpu.memory_space<hbm>>
      tpu.enqueue_dma source(%dma_start3A_1001 : memref<1x64xf32, #tpu.memory_space<hbm>>) target(%dma_start3A_999 : memref<1x64xf32, #tpu.memory_space<vmem>>) target_semaphore(%dma_start3A_992 : memref<!tpu.dma_semaphore, #tpu.memory_space<semaphore_mem>>)
      %slice3A_1002 = vector.extract_strided_slice %get3A_833 {offsets = [7], sizes = [1], strides = [1]} : vector<16xi32> to vector<1xi32>
      %squeeze3A_1003 = vector.extract %slice3A_1002[0] : i32 from vector<1xi32>
      %dma_start3A_1004 = arith.constant 1 : i32
      %dma_start3A_1005 = arith.constant 1 : i32
      %dma_start3A_1006 = arith.constant 0 : i32
      %dma_start3A_1007 = arith.constant 0 : i32
      %dma_start3A_1008 = tpu.memref_slice %arg6[%dma_start3A_1004, %dma_start3A_1006, %dma_start3A_1007] : memref<2x32x64xf32, #tpu.memory_space<vmem>> -> memref<1x32x64xf32, #tpu.memory_space<vmem>>
      %dma_start3A_1009 = tpu.memref_squeeze %dma_start3A_1008 : memref<1x32x64xf32, #tpu.memory_space<vmem>> -> memref<32x64xf32, #tpu.memory_space<vmem>>
      %dma_start3A_1010 = arith.constant 7 : i32
      %dma_start3A_1011 = arith.constant 0 : i32
      %dma_start3A_1012 = tpu.memref_slice %dma_start3A_1009[%dma_start3A_1010, %dma_start3A_1011] : memref<32x64xf32, #tpu.memory_space<vmem>> -> memref<1x64xf32, #tpu.memory_space<vmem>>
      %dma_start3A_1013 = arith.constant 0 : i32
      %dma_start3A_1014 = tpu.memref_slice %arg2[%squeeze3A_1003, %dma_start3A_1013] : memref<1000001x64xf32, #tpu.memory_space<hbm>> -> memref<1x64xf32, #tpu.memory_space<hbm>>
      %dma_start3A_1015 = tpu.memref_slice %arg7[%dma_start3A_1005] : memref<2x!tpu.dma_semaphore, #tpu.memory_space<semaphore_mem>> -> memref<1x!tpu.dma_semaphore, #tpu.memory_space<semaphore_mem>>
      %dma_start3A_1016 = tpu.memref_squeeze %dma_start3A_1015 : memref<1x!tpu.dma_semaphore, #tpu.memory_space<semaphore_mem>> -> memref<!tpu.dma_semaphore, #tpu.memory_space<semaphore_mem>>
      %dma_start3A_1017 = arith.constant 0 : i32
      %dma_start3A_1018 = arith.constant 0 : i32
      %dma_start3A_1019 = tpu.memref_slice %arg6[%dma_start3A_1004, %dma_start3A_1017, %dma_start3A_1018] : memref<2x32x64xf32, #tpu.memory_space<vmem>> -> memref<1x32x64xf32, #tpu.memory_space<vmem>>
      %dma_start3A_1020 = tpu.memref_squeeze %dma_start3A_1019 : memref<1x32x64xf32, #tpu.memory_space<vmem>> -> memref<32x64xf32, #tpu.memory_space<vmem>>
      %dma_start3A_1021 = arith.constant 7 : i32
      %dma_start3A_1022 = arith.constant 0 : i32
      %dma_start3A_1023 = tpu.memref_slice %dma_start3A_1020[%dma_start3A_1021, %dma_start3A_1022] : memref<32x64xf32, #tpu.memory_space<vmem>> -> memref<1x64xf32, #tpu.memory_space<vmem>>
      %dma_start3A_1024 = arith.constant 0 : i32
      %dma_start3A_1025 = tpu.memref_slice %arg2[%squeeze3A_1003, %dma_start3A_1024] : memref<1000001x64xf32, #tpu.memory_space<hbm>> -> memref<1x64xf32, #tpu.memory_space<hbm>>
      tpu.enqueue_dma source(%dma_start3A_1025 : memref<1x64xf32, #tpu.memory_space<hbm>>) target(%dma_start3A_1023 : memref<1x64xf32, #tpu.memory_space<vmem>>) target_semaphore(%dma_start3A_1016 : memref<!tpu.dma_semaphore, #tpu.memory_space<semaphore_mem>>)
      %slice3A_1026 = vector.extract_strided_slice %get3A_833 {offsets = [8], sizes = [1], strides = [1]} : vector<16xi32> to vector<1xi32>
      %squeeze3A_1027 = vector.extract %slice3A_1026[0] : i32 from vector<1xi32>
      %dma_start3A_1028 = arith.constant 1 : i32
      %dma_start3A_1029 = arith.constant 1 : i32
      %dma_start3A_1030 = arith.constant 0 : i32
      %dma_start3A_1031 = arith.constant 0 : i32
      %dma_start3A_1032 = tpu.memref_slice %arg6[%dma_start3A_1028, %dma_start3A_1030, %dma_start3A_1031] : memref<2x32x64xf32, #tpu.memory_space<vmem>> -> memref<1x32x64xf32, #tpu.memory_space<vmem>>
      %dma_start3A_1033 = tpu.memref_squeeze %dma_start3A_1032 : memref<1x32x64xf32, #tpu.memory_space<vmem>> -> memref<32x64xf32, #tpu.memory_space<vmem>>
      %dma_start3A_1034 = arith.constant 8 : i32
      %dma_start3A_1035 = arith.constant 0 : i32
      %dma_start3A_1036 = tpu.memref_slice %dma_start3A_1033[%dma_start3A_1034, %dma_start3A_1035] : memref<32x64xf32, #tpu.memory_space<vmem>> -> memref<1x64xf32, #tpu.memory_space<vmem>>
      %dma_start3A_1037 = arith.constant 0 : i32
      %dma_start3A_1038 = tpu.memref_slice %arg2[%squeeze3A_1027, %dma_start3A_1037] : memref<1000001x64xf32, #tpu.memory_space<hbm>> -> memref<1x64xf32, #tpu.memory_space<hbm>>
      %dma_start3A_1039 = tpu.memref_slice %arg7[%dma_start3A_1029] : memref<2x!tpu.dma_semaphore, #tpu.memory_space<semaphore_mem>> -> memref<1x!tpu.dma_semaphore, #tpu.memory_space<semaphore_mem>>
      %dma_start3A_1040 = tpu.memref_squeeze %dma_start3A_1039 : memref<1x!tpu.dma_semaphore, #tpu.memory_space<semaphore_mem>> -> memref<!tpu.dma_semaphore, #tpu.memory_space<semaphore_mem>>
      %dma_start3A_1041 = arith.constant 0 : i32
      %dma_start3A_1042 = arith.constant 0 : i32
      %dma_start3A_1043 = tpu.memref_slice %arg6[%dma_start3A_1028, %dma_start3A_1041, %dma_start3A_1042] : memref<2x32x64xf32, #tpu.memory_space<vmem>> -> memref<1x32x64xf32, #tpu.memory_space<vmem>>
      %dma_start3A_1044 = tpu.memref_squeeze %dma_start3A_1043 : memref<1x32x64xf32, #tpu.memory_space<vmem>> -> memref<32x64xf32, #tpu.memory_space<vmem>>
      %dma_start3A_1045 = arith.constant 8 : i32
      %dma_start3A_1046 = arith.constant 0 : i32
      %dma_start3A_1047 = tpu.memref_slice %dma_start3A_1044[%dma_start3A_1045, %dma_start3A_1046] : memref<32x64xf32, #tpu.memory_space<vmem>> -> memref<1x64xf32, #tpu.memory_space<vmem>>
      %dma_start3A_1048 = arith.constant 0 : i32
      %dma_start3A_1049 = tpu.memref_slice %arg2[%squeeze3A_1027, %dma_start3A_1048] : memref<1000001x64xf32, #tpu.memory_space<hbm>> -> memref<1x64xf32, #tpu.memory_space<hbm>>
      tpu.enqueue_dma source(%dma_start3A_1049 : memref<1x64xf32, #tpu.memory_space<hbm>>) target(%dma_start3A_1047 : memref<1x64xf32, #tpu.memory_space<vmem>>) target_semaphore(%dma_start3A_1040 : memref<!tpu.dma_semaphore, #tpu.memory_space<semaphore_mem>>)
      %slice3A_1050 = vector.extract_strided_slice %get3A_833 {offsets = [9], sizes = [1], strides = [1]} : vector<16xi32> to vector<1xi32>
      %squeeze3A_1051 = vector.extract %slice3A_1050[0] : i32 from vector<1xi32>
      %dma_start3A_1052 = arith.constant 1 : i32
      %dma_start3A_1053 = arith.constant 1 : i32
      %dma_start3A_1054 = arith.constant 0 : i32
      %dma_start3A_1055 = arith.constant 0 : i32
      %dma_start3A_1056 = tpu.memref_slice %arg6[%dma_start3A_1052, %dma_start3A_1054, %dma_start3A_1055] : memref<2x32x64xf32, #tpu.memory_space<vmem>> -> memref<1x32x64xf32, #tpu.memory_space<vmem>>
      %dma_start3A_1057 = tpu.memref_squeeze %dma_start3A_1056 : memref<1x32x64xf32, #tpu.memory_space<vmem>> -> memref<32x64xf32, #tpu.memory_space<vmem>>
      %dma_start3A_1058 = arith.constant 9 : i32
      %dma_start3A_1059 = arith.constant 0 : i32
      %dma_start3A_1060 = tpu.memref_slice %dma_start3A_1057[%dma_start3A_1058, %dma_start3A_1059] : memref<32x64xf32, #tpu.memory_space<vmem>> -> memref<1x64xf32, #tpu.memory_space<vmem>>
      %dma_start3A_1061 = arith.constant 0 : i32
      %dma_start3A_1062 = tpu.memref_slice %arg2[%squeeze3A_1051, %dma_start3A_1061] : memref<1000001x64xf32, #tpu.memory_space<hbm>> -> memref<1x64xf32, #tpu.memory_space<hbm>>
      %dma_start3A_1063 = tpu.memref_slice %arg7[%dma_start3A_1053] : memref<2x!tpu.dma_semaphore, #tpu.memory_space<semaphore_mem>> -> memref<1x!tpu.dma_semaphore, #tpu.memory_space<semaphore_mem>>
      %dma_start3A_1064 = tpu.memref_squeeze %dma_start3A_1063 : memref<1x!tpu.dma_semaphore, #tpu.memory_space<semaphore_mem>> -> memref<!tpu.dma_semaphore, #tpu.memory_space<semaphore_mem>>
      %dma_start3A_1065 = arith.constant 0 : i32
      %dma_start3A_1066 = arith.constant 0 : i32
      %dma_start3A_1067 = tpu.memref_slice %arg6[%dma_start3A_1052, %dma_start3A_1065, %dma_start3A_1066] : memref<2x32x64xf32, #tpu.memory_space<vmem>> -> memref<1x32x64xf32, #tpu.memory_space<vmem>>
      %dma_start3A_1068 = tpu.memref_squeeze %dma_start3A_1067 : memref<1x32x64xf32, #tpu.memory_space<vmem>> -> memref<32x64xf32, #tpu.memory_space<vmem>>
      %dma_start3A_1069 = arith.constant 9 : i32
      %dma_start3A_1070 = arith.constant 0 : i32
      %dma_start3A_1071 = tpu.memref_slice %dma_start3A_1068[%dma_start3A_1069, %dma_start3A_1070] : memref<32x64xf32, #tpu.memory_space<vmem>> -> memref<1x64xf32, #tpu.memory_space<vmem>>
      %dma_start3A_1072 = arith.constant 0 : i32
      %dma_start3A_1073 = tpu.memref_slice %arg2[%squeeze3A_1051, %dma_start3A_1072] : memref<1000001x64xf32, #tpu.memory_space<hbm>> -> memref<1x64xf32, #tpu.memory_space<hbm>>
      tpu.enqueue_dma source(%dma_start3A_1073 : memref<1x64xf32, #tpu.memory_space<hbm>>) target(%dma_start3A_1071 : memref<1x64xf32, #tpu.memory_space<vmem>>) target_semaphore(%dma_start3A_1064 : memref<!tpu.dma_semaphore, #tpu.memory_space<semaphore_mem>>)
      %slice3A_1074 = vector.extract_strided_slice %get3A_833 {offsets = [10], sizes = [1], strides = [1]} : vector<16xi32> to vector<1xi32>
      %squeeze3A_1075 = vector.extract %slice3A_1074[0] : i32 from vector<1xi32>
      %dma_start3A_1076 = arith.constant 1 : i32
      %dma_start3A_1077 = arith.constant 1 : i32
      %dma_start3A_1078 = arith.constant 0 : i32
      %dma_start3A_1079 = arith.constant 0 : i32
      %dma_start3A_1080 = tpu.memref_slice %arg6[%dma_start3A_1076, %dma_start3A_1078, %dma_start3A_1079] : memref<2x32x64xf32, #tpu.memory_space<vmem>> -> memref<1x32x64xf32, #tpu.memory_space<vmem>>
      %dma_start3A_1081 = tpu.memref_squeeze %dma_start3A_1080 : memref<1x32x64xf32, #tpu.memory_space<vmem>> -> memref<32x64xf32, #tpu.memory_space<vmem>>
      %dma_start3A_1082 = arith.constant 10 : i32
      %dma_start3A_1083 = arith.constant 0 : i32
      %dma_start3A_1084 = tpu.memref_slice %dma_start3A_1081[%dma_start3A_1082, %dma_start3A_1083] : memref<32x64xf32, #tpu.memory_space<vmem>> -> memref<1x64xf32, #tpu.memory_space<vmem>>
      %dma_start3A_1085 = arith.constant 0 : i32
      %dma_start3A_1086 = tpu.memref_slice %arg2[%squeeze3A_1075, %dma_start3A_1085] : memref<1000001x64xf32, #tpu.memory_space<hbm>> -> memref<1x64xf32, #tpu.memory_space<hbm>>
      %dma_start3A_1087 = tpu.memref_slice %arg7[%dma_start3A_1077] : memref<2x!tpu.dma_semaphore, #tpu.memory_space<semaphore_mem>> -> memref<1x!tpu.dma_semaphore, #tpu.memory_space<semaphore_mem>>
      %dma_start3A_1088 = tpu.memref_squeeze %dma_start3A_1087 : memref<1x!tpu.dma_semaphore, #tpu.memory_space<semaphore_mem>> -> memref<!tpu.dma_semaphore, #tpu.memory_space<semaphore_mem>>
      %dma_start3A_1089 = arith.constant 0 : i32
      %dma_start3A_1090 = arith.constant 0 : i32
      %dma_start3A_1091 = tpu.memref_slice %arg6[%dma_start3A_1076, %dma_start3A_1089, %dma_start3A_1090] : memref<2x32x64xf32, #tpu.memory_space<vmem>> -> memref<1x32x64xf32, #tpu.memory_space<vmem>>
      %dma_start3A_1092 = tpu.memref_squeeze %dma_start3A_1091 : memref<1x32x64xf32, #tpu.memory_space<vmem>> -> memref<32x64xf32, #tpu.memory_space<vmem>>
      %dma_start3A_1093 = arith.constant 10 : i32
      %dma_start3A_1094 = arith.constant 0 : i32
      %dma_start3A_1095 = tpu.memref_slice %dma_start3A_1092[%dma_start3A_1093, %dma_start3A_1094] : memref<32x64xf32, #tpu.memory_space<vmem>> -> memref<1x64xf32, #tpu.memory_space<vmem>>
      %dma_start3A_1096 = arith.constant 0 : i32
      %dma_start3A_1097 = tpu.memref_slice %arg2[%squeeze3A_1075, %dma_start3A_1096] : memref<1000001x64xf32, #tpu.memory_space<hbm>> -> memref<1x64xf32, #tpu.memory_space<hbm>>
      tpu.enqueue_dma source(%dma_start3A_1097 : memref<1x64xf32, #tpu.memory_space<hbm>>) target(%dma_start3A_1095 : memref<1x64xf32, #tpu.memory_space<vmem>>) target_semaphore(%dma_start3A_1088 : memref<!tpu.dma_semaphore, #tpu.memory_space<semaphore_mem>>)
      %slice3A_1098 = vector.extract_strided_slice %get3A_833 {offsets = [11], sizes = [1], strides = [1]} : vector<16xi32> to vector<1xi32>
      %squeeze3A_1099 = vector.extract %slice3A_1098[0] : i32 from vector<1xi32>
      %dma_start3A_1100 = arith.constant 1 : i32
      %dma_start3A_1101 = arith.constant 1 : i32
      %dma_start3A_1102 = arith.constant 0 : i32
      %dma_start3A_1103 = arith.constant 0 : i32
      %dma_start3A_1104 = tpu.memref_slice %arg6[%dma_start3A_1100, %dma_start3A_1102, %dma_start3A_1103] : memref<2x32x64xf32, #tpu.memory_space<vmem>> -> memref<1x32x64xf32, #tpu.memory_space<vmem>>
      %dma_start3A_1105 = tpu.memref_squeeze %dma_start3A_1104 : memref<1x32x64xf32, #tpu.memory_space<vmem>> -> memref<32x64xf32, #tpu.memory_space<vmem>>
      %dma_start3A_1106 = arith.constant 11 : i32
      %dma_start3A_1107 = arith.constant 0 : i32
      %dma_start3A_1108 = tpu.memref_slice %dma_start3A_1105[%dma_start3A_1106, %dma_start3A_1107] : memref<32x64xf32, #tpu.memory_space<vmem>> -> memref<1x64xf32, #tpu.memory_space<vmem>>
      %dma_start3A_1109 = arith.constant 0 : i32
      %dma_start3A_1110 = tpu.memref_slice %arg2[%squeeze3A_1099, %dma_start3A_1109] : memref<1000001x64xf32, #tpu.memory_space<hbm>> -> memref<1x64xf32, #tpu.memory_space<hbm>>
      %dma_start3A_1111 = tpu.memref_slice %arg7[%dma_start3A_1101] : memref<2x!tpu.dma_semaphore, #tpu.memory_space<semaphore_mem>> -> memref<1x!tpu.dma_semaphore, #tpu.memory_space<semaphore_mem>>
      %dma_start3A_1112 = tpu.memref_squeeze %dma_start3A_1111 : memref<1x!tpu.dma_semaphore, #tpu.memory_space<semaphore_mem>> -> memref<!tpu.dma_semaphore, #tpu.memory_space<semaphore_mem>>
      %dma_start3A_1113 = arith.constant 0 : i32
      %dma_start3A_1114 = arith.constant 0 : i32
      %dma_start3A_1115 = tpu.memref_slice %arg6[%dma_start3A_1100, %dma_start3A_1113, %dma_start3A_1114] : memref<2x32x64xf32, #tpu.memory_space<vmem>> -> memref<1x32x64xf32, #tpu.memory_space<vmem>>
      %dma_start3A_1116 = tpu.memref_squeeze %dma_start3A_1115 : memref<1x32x64xf32, #tpu.memory_space<vmem>> -> memref<32x64xf32, #tpu.memory_space<vmem>>
      %dma_start3A_1117 = arith.constant 11 : i32
      %dma_start3A_1118 = arith.constant 0 : i32
      %dma_start3A_1119 = tpu.memref_slice %dma_start3A_1116[%dma_start3A_1117, %dma_start3A_1118] : memref<32x64xf32, #tpu.memory_space<vmem>> -> memref<1x64xf32, #tpu.memory_space<vmem>>
      %dma_start3A_1120 = arith.constant 0 : i32
      %dma_start3A_1121 = tpu.memref_slice %arg2[%squeeze3A_1099, %dma_start3A_1120] : memref<1000001x64xf32, #tpu.memory_space<hbm>> -> memref<1x64xf32, #tpu.memory_space<hbm>>
      tpu.enqueue_dma source(%dma_start3A_1121 : memref<1x64xf32, #tpu.memory_space<hbm>>) target(%dma_start3A_1119 : memref<1x64xf32, #tpu.memory_space<vmem>>) target_semaphore(%dma_start3A_1112 : memref<!tpu.dma_semaphore, #tpu.memory_space<semaphore_mem>>)
      %slice3A_1122 = vector.extract_strided_slice %get3A_833 {offsets = [12], sizes = [1], strides = [1]} : vector<16xi32> to vector<1xi32>
      %squeeze3A_1123 = vector.extract %slice3A_1122[0] : i32 from vector<1xi32>
      %dma_start3A_1124 = arith.constant 1 : i32
      %dma_start3A_1125 = arith.constant 1 : i32
      %dma_start3A_1126 = arith.constant 0 : i32
      %dma_start3A_1127 = arith.constant 0 : i32
      %dma_start3A_1128 = tpu.memref_slice %arg6[%dma_start3A_1124, %dma_start3A_1126, %dma_start3A_1127] : memref<2x32x64xf32, #tpu.memory_space<vmem>> -> memref<1x32x64xf32, #tpu.memory_space<vmem>>
      %dma_start3A_1129 = tpu.memref_squeeze %dma_start3A_1128 : memref<1x32x64xf32, #tpu.memory_space<vmem>> -> memref<32x64xf32, #tpu.memory_space<vmem>>
      %dma_start3A_1130 = arith.constant 12 : i32
      %dma_start3A_1131 = arith.constant 0 : i32
      %dma_start3A_1132 = tpu.memref_slice %dma_start3A_1129[%dma_start3A_1130, %dma_start3A_1131] : memref<32x64xf32, #tpu.memory_space<vmem>> -> memref<1x64xf32, #tpu.memory_space<vmem>>
      %dma_start3A_1133 = arith.constant 0 : i32
      %dma_start3A_1134 = tpu.memref_slice %arg2[%squeeze3A_1123, %dma_start3A_1133] : memref<1000001x64xf32, #tpu.memory_space<hbm>> -> memref<1x64xf32, #tpu.memory_space<hbm>>
      %dma_start3A_1135 = tpu.memref_slice %arg7[%dma_start3A_1125] : memref<2x!tpu.dma_semaphore, #tpu.memory_space<semaphore_mem>> -> memref<1x!tpu.dma_semaphore, #tpu.memory_space<semaphore_mem>>
      %dma_start3A_1136 = tpu.memref_squeeze %dma_start3A_1135 : memref<1x!tpu.dma_semaphore, #tpu.memory_space<semaphore_mem>> -> memref<!tpu.dma_semaphore, #tpu.memory_space<semaphore_mem>>
      %dma_start3A_1137 = arith.constant 0 : i32
      %dma_start3A_1138 = arith.constant 0 : i32
      %dma_start3A_1139 = tpu.memref_slice %arg6[%dma_start3A_1124, %dma_start3A_1137, %dma_start3A_1138] : memref<2x32x64xf32, #tpu.memory_space<vmem>> -> memref<1x32x64xf32, #tpu.memory_space<vmem>>
      %dma_start3A_1140 = tpu.memref_squeeze %dma_start3A_1139 : memref<1x32x64xf32, #tpu.memory_space<vmem>> -> memref<32x64xf32, #tpu.memory_space<vmem>>
      %dma_start3A_1141 = arith.constant 12 : i32
      %dma_start3A_1142 = arith.constant 0 : i32
      %dma_start3A_1143 = tpu.memref_slice %dma_start3A_1140[%dma_start3A_1141, %dma_start3A_1142] : memref<32x64xf32, #tpu.memory_space<vmem>> -> memref<1x64xf32, #tpu.memory_space<vmem>>
      %dma_start3A_1144 = arith.constant 0 : i32
      %dma_start3A_1145 = tpu.memref_slice %arg2[%squeeze3A_1123, %dma_start3A_1144] : memref<1000001x64xf32, #tpu.memory_space<hbm>> -> memref<1x64xf32, #tpu.memory_space<hbm>>
      tpu.enqueue_dma source(%dma_start3A_1145 : memref<1x64xf32, #tpu.memory_space<hbm>>) target(%dma_start3A_1143 : memref<1x64xf32, #tpu.memory_space<vmem>>) target_semaphore(%dma_start3A_1136 : memref<!tpu.dma_semaphore, #tpu.memory_space<semaphore_mem>>)
      %slice3A_1146 = vector.extract_strided_slice %get3A_833 {offsets = [13], sizes = [1], strides = [1]} : vector<16xi32> to vector<1xi32>
      %squeeze3A_1147 = vector.extract %slice3A_1146[0] : i32 from vector<1xi32>
      %dma_start3A_1148 = arith.constant 1 : i32
      %dma_start3A_1149 = arith.constant 1 : i32
      %dma_start3A_1150 = arith.constant 0 : i32
      %dma_start3A_1151 = arith.constant 0 : i32
      %dma_start3A_1152 = tpu.memref_slice %arg6[%dma_start3A_1148, %dma_start3A_1150, %dma_start3A_1151] : memref<2x32x64xf32, #tpu.memory_space<vmem>> -> memref<1x32x64xf32, #tpu.memory_space<vmem>>
      %dma_start3A_1153 = tpu.memref_squeeze %dma_start3A_1152 : memref<1x32x64xf32, #tpu.memory_space<vmem>> -> memref<32x64xf32, #tpu.memory_space<vmem>>
      %dma_start3A_1154 = arith.constant 13 : i32
      %dma_start3A_1155 = arith.constant 0 : i32
      %dma_start3A_1156 = tpu.memref_slice %dma_start3A_1153[%dma_start3A_1154, %dma_start3A_1155] : memref<32x64xf32, #tpu.memory_space<vmem>> -> memref<1x64xf32, #tpu.memory_space<vmem>>
      %dma_start3A_1157 = arith.constant 0 : i32
      %dma_start3A_1158 = tpu.memref_slice %arg2[%squeeze3A_1147, %dma_start3A_1157] : memref<1000001x64xf32, #tpu.memory_space<hbm>> -> memref<1x64xf32, #tpu.memory_space<hbm>>
      %dma_start3A_1159 = tpu.memref_slice %arg7[%dma_start3A_1149] : memref<2x!tpu.dma_semaphore, #tpu.memory_space<semaphore_mem>> -> memref<1x!tpu.dma_semaphore, #tpu.memory_space<semaphore_mem>>
      %dma_start3A_1160 = tpu.memref_squeeze %dma_start3A_1159 : memref<1x!tpu.dma_semaphore, #tpu.memory_space<semaphore_mem>> -> memref<!tpu.dma_semaphore, #tpu.memory_space<semaphore_mem>>
      %dma_start3A_1161 = arith.constant 0 : i32
      %dma_start3A_1162 = arith.constant 0 : i32
      %dma_start3A_1163 = tpu.memref_slice %arg6[%dma_start3A_1148, %dma_start3A_1161, %dma_start3A_1162] : memref<2x32x64xf32, #tpu.memory_space<vmem>> -> memref<1x32x64xf32, #tpu.memory_space<vmem>>
      %dma_start3A_1164 = tpu.memref_squeeze %dma_start3A_1163 : memref<1x32x64xf32, #tpu.memory_space<vmem>> -> memref<32x64xf32, #tpu.memory_space<vmem>>
      %dma_start3A_1165 = arith.constant 13 : i32
      %dma_start3A_1166 = arith.constant 0 : i32
      %dma_start3A_1167 = tpu.memref_slice %dma_start3A_1164[%dma_start3A_1165, %dma_start3A_1166] : memref<32x64xf32, #tpu.memory_space<vmem>> -> memref<1x64xf32, #tpu.memory_space<vmem>>
      %dma_start3A_1168 = arith.constant 0 : i32
      %dma_start3A_1169 = tpu.memref_slice %arg2[%squeeze3A_1147, %dma_start3A_1168] : memref<1000001x64xf32, #tpu.memory_space<hbm>> -> memref<1x64xf32, #tpu.memory_space<hbm>>
      tpu.enqueue_dma source(%dma_start3A_1169 : memref<1x64xf32, #tpu.memory_space<hbm>>) target(%dma_start3A_1167 : memref<1x64xf32, #tpu.memory_space<vmem>>) target_semaphore(%dma_start3A_1160 : memref<!tpu.dma_semaphore, #tpu.memory_space<semaphore_mem>>)
      %slice3A_1170 = vector.extract_strided_slice %get3A_833 {offsets = [14], sizes = [1], strides = [1]} : vector<16xi32> to vector<1xi32>
      %squeeze3A_1171 = vector.extract %slice3A_1170[0] : i32 from vector<1xi32>
      %dma_start3A_1172 = arith.constant 1 : i32
      %dma_start3A_1173 = arith.constant 1 : i32
      %dma_start3A_1174 = arith.constant 0 : i32
      %dma_start3A_1175 = arith.constant 0 : i32
      %dma_start3A_1176 = tpu.memref_slice %arg6[%dma_start3A_1172, %dma_start3A_1174, %dma_start3A_1175] : memref<2x32x64xf32, #tpu.memory_space<vmem>> -> memref<1x32x64xf32, #tpu.memory_space<vmem>>
      %dma_start3A_1177 = tpu.memref_squeeze %dma_start3A_1176 : memref<1x32x64xf32, #tpu.memory_space<vmem>> -> memref<32x64xf32, #tpu.memory_space<vmem>>
      %dma_start3A_1178 = arith.constant 14 : i32
      %dma_start3A_1179 = arith.constant 0 : i32
      %dma_start3A_1180 = tpu.memref_slice %dma_start3A_1177[%dma_start3A_1178, %dma_start3A_1179] : memref<32x64xf32, #tpu.memory_space<vmem>> -> memref<1x64xf32, #tpu.memory_space<vmem>>
      %dma_start3A_1181 = arith.constant 0 : i32
      %dma_start3A_1182 = tpu.memref_slice %arg2[%squeeze3A_1171, %dma_start3A_1181] : memref<1000001x64xf32, #tpu.memory_space<hbm>> -> memref<1x64xf32, #tpu.memory_space<hbm>>
      %dma_start3A_1183 = tpu.memref_slice %arg7[%dma_start3A_1173] : memref<2x!tpu.dma_semaphore, #tpu.memory_space<semaphore_mem>> -> memref<1x!tpu.dma_semaphore, #tpu.memory_space<semaphore_mem>>
      %dma_start3A_1184 = tpu.memref_squeeze %dma_start3A_1183 : memref<1x!tpu.dma_semaphore, #tpu.memory_space<semaphore_mem>> -> memref<!tpu.dma_semaphore, #tpu.memory_space<semaphore_mem>>
      %dma_start3A_1185 = arith.constant 0 : i32
      %dma_start3A_1186 = arith.constant 0 : i32
      %dma_start3A_1187 = tpu.memref_slice %arg6[%dma_start3A_1172, %dma_start3A_1185, %dma_start3A_1186] : memref<2x32x64xf32, #tpu.memory_space<vmem>> -> memref<1x32x64xf32, #tpu.memory_space<vmem>>
      %dma_start3A_1188 = tpu.memref_squeeze %dma_start3A_1187 : memref<1x32x64xf32, #tpu.memory_space<vmem>> -> memref<32x64xf32, #tpu.memory_space<vmem>>
      %dma_start3A_1189 = arith.constant 14 : i32
      %dma_start3A_1190 = arith.constant 0 : i32
      %dma_start3A_1191 = tpu.memref_slice %dma_start3A_1188[%dma_start3A_1189, %dma_start3A_1190] : memref<32x64xf32, #tpu.memory_space<vmem>> -> memref<1x64xf32, #tpu.memory_space<vmem>>
      %dma_start3A_1192 = arith.constant 0 : i32
      %dma_start3A_1193 = tpu.memref_slice %arg2[%squeeze3A_1171, %dma_start3A_1192] : memref<1000001x64xf32, #tpu.memory_space<hbm>> -> memref<1x64xf32, #tpu.memory_space<hbm>>
      tpu.enqueue_dma source(%dma_start3A_1193 : memref<1x64xf32, #tpu.memory_space<hbm>>) target(%dma_start3A_1191 : memref<1x64xf32, #tpu.memory_space<vmem>>) target_semaphore(%dma_start3A_1184 : memref<!tpu.dma_semaphore, #tpu.memory_space<semaphore_mem>>)
      %slice3A_1194 = vector.extract_strided_slice %get3A_833 {offsets = [15], sizes = [1], strides = [1]} : vector<16xi32> to vector<1xi32>
      %squeeze3A_1195 = vector.extract %slice3A_1194[0] : i32 from vector<1xi32>
      %dma_start3A_1196 = arith.constant 1 : i32
      %dma_start3A_1197 = arith.constant 1 : i32
      %dma_start3A_1198 = arith.constant 0 : i32
      %dma_start3A_1199 = arith.constant 0 : i32
      %dma_start3A_1200 = tpu.memref_slice %arg6[%dma_start3A_1196, %dma_start3A_1198, %dma_start3A_1199] : memref<2x32x64xf32, #tpu.memory_space<vmem>> -> memref<1x32x64xf32, #tpu.memory_space<vmem>>
      %dma_start3A_1201 = tpu.memref_squeeze %dma_start3A_1200 : memref<1x32x64xf32, #tpu.memory_space<vmem>> -> memref<32x64xf32, #tpu.memory_space<vmem>>
      %dma_start3A_1202 = arith.constant 15 : i32
      %dma_start3A_1203 = arith.constant 0 : i32
      %dma_start3A_1204 = tpu.memref_slice %dma_start3A_1201[%dma_start3A_1202, %dma_start3A_1203] : memref<32x64xf32, #tpu.memory_space<vmem>> -> memref<1x64xf32, #tpu.memory_space<vmem>>
      %dma_start3A_1205 = arith.constant 0 : i32
      %dma_start3A_1206 = tpu.memref_slice %arg2[%squeeze3A_1195, %dma_start3A_1205] : memref<1000001x64xf32, #tpu.memory_space<hbm>> -> memref<1x64xf32, #tpu.memory_space<hbm>>
      %dma_start3A_1207 = tpu.memref_slice %arg7[%dma_start3A_1197] : memref<2x!tpu.dma_semaphore, #tpu.memory_space<semaphore_mem>> -> memref<1x!tpu.dma_semaphore, #tpu.memory_space<semaphore_mem>>
      %dma_start3A_1208 = tpu.memref_squeeze %dma_start3A_1207 : memref<1x!tpu.dma_semaphore, #tpu.memory_space<semaphore_mem>> -> memref<!tpu.dma_semaphore, #tpu.memory_space<semaphore_mem>>
      %dma_start3A_1209 = arith.constant 0 : i32
      %dma_start3A_1210 = arith.constant 0 : i32
      %dma_start3A_1211 = tpu.memref_slice %arg6[%dma_start3A_1196, %dma_start3A_1209, %dma_start3A_1210] : memref<2x32x64xf32, #tpu.memory_space<vmem>> -> memref<1x32x64xf32, #tpu.memory_space<vmem>>
      %dma_start3A_1212 = tpu.memref_squeeze %dma_start3A_1211 : memref<1x32x64xf32, #tpu.memory_space<vmem>> -> memref<32x64xf32, #tpu.memory_space<vmem>>
      %dma_start3A_1213 = arith.constant 15 : i32
      %dma_start3A_1214 = arith.constant 0 : i32
      %dma_start3A_1215 = tpu.memref_slice %dma_start3A_1212[%dma_start3A_1213, %dma_start3A_1214] : memref<32x64xf32, #tpu.memory_space<vmem>> -> memref<1x64xf32, #tpu.memory_space<vmem>>
      %dma_start3A_1216 = arith.constant 0 : i32
      %dma_start3A_1217 = tpu.memref_slice %arg2[%squeeze3A_1195, %dma_start3A_1216] : memref<1000001x64xf32, #tpu.memory_space<hbm>> -> memref<1x64xf32, #tpu.memory_space<hbm>>
      tpu.enqueue_dma source(%dma_start3A_1217 : memref<1x64xf32, #tpu.memory_space<hbm>>) target(%dma_start3A_1215 : memref<1x64xf32, #tpu.memory_space<vmem>>) target_semaphore(%dma_start3A_1208 : memref<!tpu.dma_semaphore, #tpu.memory_space<semaphore_mem>>)
      %mul3A_1218 = arith.constant 32 : i32
      %mul3A_1219 = arith.muli %add3A_46, %mul3A_1218 : i32
      %add3A_1220 = arith.constant 16 : i32
      %add3A_1221 = arith.addi %mul3A_1219, %add3A_1220 : i32
      %get3A_1222 = arith.index_cast %add3A_1221 : i32 to index
      %get3A_1223 = tpu.vector_load %arg5[%get3A_1222] {strides = array<i32>} : memref<512xi32, #tpu.memory_space<vmem>>, vector<16xi32>,
      %get3A_1224 = vector.shape_cast %get3A_1223 : vector<16xi32> to vector<16xi32>
      %slice3A_1225 = vector.extract_strided_slice %get3A_1224 {offsets = [0], sizes = [1], strides = [1]} : vector<16xi32> to vector<1xi32>
      %squeeze3A_1226 = vector.extract %slice3A_1225[0] : i32 from vector<1xi32>
      %dma_start3A_1227 = arith.constant 1 : i32
      %dma_start3A_1228 = arith.constant 1 : i32
      %dma_start3A_1229 = arith.constant 0 : i32
      %dma_start3A_1230 = arith.constant 0 : i32
      %dma_start3A_1231 = tpu.memref_slice %arg6[%dma_start3A_1227, %dma_start3A_1229, %dma_start3A_1230] : memref<2x32x64xf32, #tpu.memory_space<vmem>> -> memref<1x32x64xf32, #tpu.memory_space<vmem>>
      %dma_start3A_1232 = tpu.memref_squeeze %dma_start3A_1231 : memref<1x32x64xf32, #tpu.memory_space<vmem>> -> memref<32x64xf32, #tpu.memory_space<vmem>>
      %dma_start3A_1233 = arith.constant 16 : i32
      %dma_start3A_1234 = arith.constant 0 : i32
      %dma_start3A_1235 = tpu.memref_slice %dma_start3A_1232[%dma_start3A_1233, %dma_start3A_1234] : memref<32x64xf32, #tpu.memory_space<vmem>> -> memref<1x64xf32, #tpu.memory_space<vmem>>
      %dma_start3A_1236 = arith.constant 0 : i32
      %dma_start3A_1237 = tpu.memref_slice %arg2[%squeeze3A_1226, %dma_start3A_1236] : memref<1000001x64xf32, #tpu.memory_space<hbm>> -> memref<1x64xf32, #tpu.memory_space<hbm>>
      %dma_start3A_1238 = tpu.memref_slice %arg7[%dma_start3A_1228] : memref<2x!tpu.dma_semaphore, #tpu.memory_space<semaphore_mem>> -> memref<1x!tpu.dma_semaphore, #tpu.memory_space<semaphore_mem>>
      %dma_start3A_1239 = tpu.memref_squeeze %dma_start3A_1238 : memref<1x!tpu.dma_semaphore, #tpu.memory_space<semaphore_mem>> -> memref<!tpu.dma_semaphore, #tpu.memory_space<semaphore_mem>>
      %dma_start3A_1240 = arith.constant 0 : i32
      %dma_start3A_1241 = arith.constant 0 : i32
      %dma_start3A_1242 = tpu.memref_slice %arg6[%dma_start3A_1227, %dma_start3A_1240, %dma_start3A_1241] : memref<2x32x64xf32, #tpu.memory_space<vmem>> -> memref<1x32x64xf32, #tpu.memory_space<vmem>>
      %dma_start3A_1243 = tpu.memref_squeeze %dma_start3A_1242 : memref<1x32x64xf32, #tpu.memory_space<vmem>> -> memref<32x64xf32, #tpu.memory_space<vmem>>
      %dma_start3A_1244 = arith.constant 16 : i32
      %dma_start3A_1245 = arith.constant 0 : i32
      %dma_start3A_1246 = tpu.memref_slice %dma_start3A_1243[%dma_start3A_1244, %dma_start3A_1245] : memref<32x64xf32, #tpu.memory_space<vmem>> -> memref<1x64xf32, #tpu.memory_space<vmem>>
      %dma_start3A_1247 = arith.constant 0 : i32
      %dma_start3A_1248 = tpu.memref_slice %arg2[%squeeze3A_1226, %dma_start3A_1247] : memref<1000001x64xf32, #tpu.memory_space<hbm>> -> memref<1x64xf32, #tpu.memory_space<hbm>>
      tpu.enqueue_dma source(%dma_start3A_1248 : memref<1x64xf32, #tpu.memory_space<hbm>>) target(%dma_start3A_1246 : memref<1x64xf32, #tpu.memory_space<vmem>>) target_semaphore(%dma_start3A_1239 : memref<!tpu.dma_semaphore, #tpu.memory_space<semaphore_mem>>)
      %slice3A_1249 = vector.extract_strided_slice %get3A_1224 {offsets = [1], sizes = [1], strides = [1]} : vector<16xi32> to vector<1xi32>
      %squeeze3A_1250 = vector.extract %slice3A_1249[0] : i32 from vector<1xi32>
      %dma_start3A_1251 = arith.constant 1 : i32
      %dma_start3A_1252 = arith.constant 1 : i32
      %dma_start3A_1253 = arith.constant 0 : i32
      %dma_start3A_1254 = arith.constant 0 : i32
      %dma_start3A_1255 = tpu.memref_slice %arg6[%dma_start3A_1251, %dma_start3A_1253, %dma_start3A_1254] : memref<2x32x64xf32, #tpu.memory_space<vmem>> -> memref<1x32x64xf32, #tpu.memory_space<vmem>>
      %dma_start3A_1256 = tpu.memref_squeeze %dma_start3A_1255 : memref<1x32x64xf32, #tpu.memory_space<vmem>> -> memref<32x64xf32, #tpu.memory_space<vmem>>
      %dma_start3A_1257 = arith.constant 17 : i32
      %dma_start3A_1258 = arith.constant 0 : i32
      %dma_start3A_1259 = tpu.memref_slice %dma_start3A_1256[%dma_start3A_1257, %dma_start3A_1258] : memref<32x64xf32, #tpu.memory_space<vmem>> -> memref<1x64xf32, #tpu.memory_space<vmem>>
      %dma_start3A_1260 = arith.constant 0 : i32
      %dma_start3A_1261 = tpu.memref_slice %arg2[%squeeze3A_1250, %dma_start3A_1260] : memref<1000001x64xf32, #tpu.memory_space<hbm>> -> memref<1x64xf32, #tpu.memory_space<hbm>>
      %dma_start3A_1262 = tpu.memref_slice %arg7[%dma_start3A_1252] : memref<2x!tpu.dma_semaphore, #tpu.memory_space<semaphore_mem>> -> memref<1x!tpu.dma_semaphore, #tpu.memory_space<semaphore_mem>>
      %dma_start3A_1263 = tpu.memref_squeeze %dma_start3A_1262 : memref<1x!tpu.dma_semaphore, #tpu.memory_space<semaphore_mem>> -> memref<!tpu.dma_semaphore, #tpu.memory_space<semaphore_mem>>
      %dma_start3A_1264 = arith.constant 0 : i32
      %dma_start3A_1265 = arith.constant 0 : i32
      %dma_start3A_1266 = tpu.memref_slice %arg6[%dma_start3A_1251, %dma_start3A_1264, %dma_start3A_1265] : memref<2x32x64xf32, #tpu.memory_space<vmem>> -> memref<1x32x64xf32, #tpu.memory_space<vmem>>
      %dma_start3A_1267 = tpu.memref_squeeze %dma_start3A_1266 : memref<1x32x64xf32, #tpu.memory_space<vmem>> -> memref<32x64xf32, #tpu.memory_space<vmem>>
      %dma_start3A_1268 = arith.constant 17 : i32
      %dma_start3A_1269 = arith.constant 0 : i32
      %dma_start3A_1270 = tpu.memref_slice %dma_start3A_1267[%dma_start3A_1268, %dma_start3A_1269] : memref<32x64xf32, #tpu.memory_space<vmem>> -> memref<1x64xf32, #tpu.memory_space<vmem>>
      %dma_start3A_1271 = arith.constant 0 : i32
      %dma_start3A_1272 = tpu.memref_slice %arg2[%squeeze3A_1250, %dma_start3A_1271] : memref<1000001x64xf32, #tpu.memory_space<hbm>> -> memref<1x64xf32, #tpu.memory_space<hbm>>
      tpu.enqueue_dma source(%dma_start3A_1272 : memref<1x64xf32, #tpu.memory_space<hbm>>) target(%dma_start3A_1270 : memref<1x64xf32, #tpu.memory_space<vmem>>) target_semaphore(%dma_start3A_1263 : memref<!tpu.dma_semaphore, #tpu.memory_space<semaphore_mem>>)
      %slice3A_1273 = vector.extract_strided_slice %get3A_1224 {offsets = [2], sizes = [1], strides = [1]} : vector<16xi32> to vector<1xi32>
      %squeeze3A_1274 = vector.extract %slice3A_1273[0] : i32 from vector<1xi32>
      %dma_start3A_1275 = arith.constant 1 : i32
      %dma_start3A_1276 = arith.constant 1 : i32
      %dma_start3A_1277 = arith.constant 0 : i32
      %dma_start3A_1278 = arith.constant 0 : i32
      %dma_start3A_1279 = tpu.memref_slice %arg6[%dma_start3A_1275, %dma_start3A_1277, %dma_start3A_1278] : memref<2x32x64xf32, #tpu.memory_space<vmem>> -> memref<1x32x64xf32, #tpu.memory_space<vmem>>
      %dma_start3A_1280 = tpu.memref_squeeze %dma_start3A_1279 : memref<1x32x64xf32, #tpu.memory_space<vmem>> -> memref<32x64xf32, #tpu.memory_space<vmem>>
      %dma_start3A_1281 = arith.constant 18 : i32
      %dma_start3A_1282 = arith.constant 0 : i32
      %dma_start3A_1283 = tpu.memref_slice %dma_start3A_1280[%dma_start3A_1281, %dma_start3A_1282] : memref<32x64xf32, #tpu.memory_space<vmem>> -> memref<1x64xf32, #tpu.memory_space<vmem>>
      %dma_start3A_1284 = arith.constant 0 : i32
      %dma_start3A_1285 = tpu.memref_slice %arg2[%squeeze3A_1274, %dma_start3A_1284] : memref<1000001x64xf32, #tpu.memory_space<hbm>> -> memref<1x64xf32, #tpu.memory_space<hbm>>
      %dma_start3A_1286 = tpu.memref_slice %arg7[%dma_start3A_1276] : memref<2x!tpu.dma_semaphore, #tpu.memory_space<semaphore_mem>> -> memref<1x!tpu.dma_semaphore, #tpu.memory_space<semaphore_mem>>
      %dma_start3A_1287 = tpu.memref_squeeze %dma_start3A_1286 : memref<1x!tpu.dma_semaphore, #tpu.memory_space<semaphore_mem>> -> memref<!tpu.dma_semaphore, #tpu.memory_space<semaphore_mem>>
      %dma_start3A_1288 = arith.constant 0 : i32
      %dma_start3A_1289 = arith.constant 0 : i32
      %dma_start3A_1290 = tpu.memref_slice %arg6[%dma_start3A_1275, %dma_start3A_1288, %dma_start3A_1289] : memref<2x32x64xf32, #tpu.memory_space<vmem>> -> memref<1x32x64xf32, #tpu.memory_space<vmem>>
      %dma_start3A_1291 = tpu.memref_squeeze %dma_start3A_1290 : memref<1x32x64xf32, #tpu.memory_space<vmem>> -> memref<32x64xf32, #tpu.memory_space<vmem>>
      %dma_start3A_1292 = arith.constant 18 : i32
      %dma_start3A_1293 = arith.constant 0 : i32
      %dma_start3A_1294 = tpu.memref_slice %dma_start3A_1291[%dma_start3A_1292, %dma_start3A_1293] : memref<32x64xf32, #tpu.memory_space<vmem>> -> memref<1x64xf32, #tpu.memory_space<vmem>>
      %dma_start3A_1295 = arith.constant 0 : i32
      %dma_start3A_1296 = tpu.memref_slice %arg2[%squeeze3A_1274, %dma_start3A_1295] : memref<1000001x64xf32, #tpu.memory_space<hbm>> -> memref<1x64xf32, #tpu.memory_space<hbm>>
      tpu.enqueue_dma source(%dma_start3A_1296 : memref<1x64xf32, #tpu.memory_space<hbm>>) target(%dma_start3A_1294 : memref<1x64xf32, #tpu.memory_space<vmem>>) target_semaphore(%dma_start3A_1287 : memref<!tpu.dma_semaphore, #tpu.memory_space<semaphore_mem>>)
      %slice3A_1297 = vector.extract_strided_slice %get3A_1224 {offsets = [3], sizes = [1], strides = [1]} : vector<16xi32> to vector<1xi32>
      %squeeze3A_1298 = vector.extract %slice3A_1297[0] : i32 from vector<1xi32>
      %dma_start3A_1299 = arith.constant 1 : i32
      %dma_start3A_1300 = arith.constant 1 : i32
      %dma_start3A_1301 = arith.constant 0 : i32
      %dma_start3A_1302 = arith.constant 0 : i32
      %dma_start3A_1303 = tpu.memref_slice %arg6[%dma_start3A_1299, %dma_start3A_1301, %dma_start3A_1302] : memref<2x32x64xf32, #tpu.memory_space<vmem>> -> memref<1x32x64xf32, #tpu.memory_space<vmem>>
      %dma_start3A_1304 = tpu.memref_squeeze %dma_start3A_1303 : memref<1x32x64xf32, #tpu.memory_space<vmem>> -> memref<32x64xf32, #tpu.memory_space<vmem>>
      %dma_start3A_1305 = arith.constant 19 : i32
      %dma_start3A_1306 = arith.constant 0 : i32
      %dma_start3A_1307 = tpu.memref_slice %dma_start3A_1304[%dma_start3A_1305, %dma_start3A_1306] : memref<32x64xf32, #tpu.memory_space<vmem>> -> memref<1x64xf32, #tpu.memory_space<vmem>>
      %dma_start3A_1308 = arith.constant 0 : i32
      %dma_start3A_1309 = tpu.memref_slice %arg2[%squeeze3A_1298, %dma_start3A_1308] : memref<1000001x64xf32, #tpu.memory_space<hbm>> -> memref<1x64xf32, #tpu.memory_space<hbm>>
      %dma_start3A_1310 = tpu.memref_slice %arg7[%dma_start3A_1300] : memref<2x!tpu.dma_semaphore, #tpu.memory_space<semaphore_mem>> -> memref<1x!tpu.dma_semaphore, #tpu.memory_space<semaphore_mem>>
      %dma_start3A_1311 = tpu.memref_squeeze %dma_start3A_1310 : memref<1x!tpu.dma_semaphore, #tpu.memory_space<semaphore_mem>> -> memref<!tpu.dma_semaphore, #tpu.memory_space<semaphore_mem>>
      %dma_start3A_1312 = arith.constant 0 : i32
      %dma_start3A_1313 = arith.constant 0 : i32
      %dma_start3A_1314 = tpu.memref_slice %arg6[%dma_start3A_1299, %dma_start3A_1312, %dma_start3A_1313] : memref<2x32x64xf32, #tpu.memory_space<vmem>> -> memref<1x32x64xf32, #tpu.memory_space<vmem>>
      %dma_start3A_1315 = tpu.memref_squeeze %dma_start3A_1314 : memref<1x32x64xf32, #tpu.memory_space<vmem>> -> memref<32x64xf32, #tpu.memory_space<vmem>>
      %dma_start3A_1316 = arith.constant 19 : i32
      %dma_start3A_1317 = arith.constant 0 : i32
      %dma_start3A_1318 = tpu.memref_slice %dma_start3A_1315[%dma_start3A_1316, %dma_start3A_1317] : memref<32x64xf32, #tpu.memory_space<vmem>> -> memref<1x64xf32, #tpu.memory_space<vmem>>
      %dma_start3A_1319 = arith.constant 0 : i32
      %dma_start3A_1320 = tpu.memref_slice %arg2[%squeeze3A_1298, %dma_start3A_1319] : memref<1000001x64xf32, #tpu.memory_space<hbm>> -> memref<1x64xf32, #tpu.memory_space<hbm>>
      tpu.enqueue_dma source(%dma_start3A_1320 : memref<1x64xf32, #tpu.memory_space<hbm>>) target(%dma_start3A_1318 : memref<1x64xf32, #tpu.memory_space<vmem>>) target_semaphore(%dma_start3A_1311 : memref<!tpu.dma_semaphore, #tpu.memory_space<semaphore_mem>>)
      %slice3A_1321 = vector.extract_strided_slice %get3A_1224 {offsets = [4], sizes = [1], strides = [1]} : vector<16xi32> to vector<1xi32>
      %squeeze3A_1322 = vector.extract %slice3A_1321[0] : i32 from vector<1xi32>
      %dma_start3A_1323 = arith.constant 1 : i32
      %dma_start3A_1324 = arith.constant 1 : i32
      %dma_start3A_1325 = arith.constant 0 : i32
      %dma_start3A_1326 = arith.constant 0 : i32
      %dma_start3A_1327 = tpu.memref_slice %arg6[%dma_start3A_1323, %dma_start3A_1325, %dma_start3A_1326] : memref<2x32x64xf32, #tpu.memory_space<vmem>> -> memref<1x32x64xf32, #tpu.memory_space<vmem>>
      %dma_start3A_1328 = tpu.memref_squeeze %dma_start3A_1327 : memref<1x32x64xf32, #tpu.memory_space<vmem>> -> memref<32x64xf32, #tpu.memory_space<vmem>>
      %dma_start3A_1329 = arith.constant 20 : i32
      %dma_start3A_1330 = arith.constant 0 : i32
      %dma_start3A_1331 = tpu.memref_slice %dma_start3A_1328[%dma_start3A_1329, %dma_start3A_1330] : memref<32x64xf32, #tpu.memory_space<vmem>> -> memref<1x64xf32, #tpu.memory_space<vmem>>
      %dma_start3A_1332 = arith.constant 0 : i32
      %dma_start3A_1333 = tpu.memref_slice %arg2[%squeeze3A_1322, %dma_start3A_1332] : memref<1000001x64xf32, #tpu.memory_space<hbm>> -> memref<1x64xf32, #tpu.memory_space<hbm>>
      %dma_start3A_1334 = tpu.memref_slice %arg7[%dma_start3A_1324] : memref<2x!tpu.dma_semaphore, #tpu.memory_space<semaphore_mem>> -> memref<1x!tpu.dma_semaphore, #tpu.memory_space<semaphore_mem>>
      %dma_start3A_1335 = tpu.memref_squeeze %dma_start3A_1334 : memref<1x!tpu.dma_semaphore, #tpu.memory_space<semaphore_mem>> -> memref<!tpu.dma_semaphore, #tpu.memory_space<semaphore_mem>>
      %dma_start3A_1336 = arith.constant 0 : i32
      %dma_start3A_1337 = arith.constant 0 : i32
      %dma_start3A_1338 = tpu.memref_slice %arg6[%dma_start3A_1323, %dma_start3A_1336, %dma_start3A_1337] : memref<2x32x64xf32, #tpu.memory_space<vmem>> -> memref<1x32x64xf32, #tpu.memory_space<vmem>>
      %dma_start3A_1339 = tpu.memref_squeeze %dma_start3A_1338 : memref<1x32x64xf32, #tpu.memory_space<vmem>> -> memref<32x64xf32, #tpu.memory_space<vmem>>
      %dma_start3A_1340 = arith.constant 20 : i32
      %dma_start3A_1341 = arith.constant 0 : i32
      %dma_start3A_1342 = tpu.memref_slice %dma_start3A_1339[%dma_start3A_1340, %dma_start3A_1341] : memref<32x64xf32, #tpu.memory_space<vmem>> -> memref<1x64xf32, #tpu.memory_space<vmem>>
      %dma_start3A_1343 = arith.constant 0 : i32
      %dma_start3A_1344 = tpu.memref_slice %arg2[%squeeze3A_1322, %dma_start3A_1343] : memref<1000001x64xf32, #tpu.memory_space<hbm>> -> memref<1x64xf32, #tpu.memory_space<hbm>>
      tpu.enqueue_dma source(%dma_start3A_1344 : memref<1x64xf32, #tpu.memory_space<hbm>>) target(%dma_start3A_1342 : memref<1x64xf32, #tpu.memory_space<vmem>>) target_semaphore(%dma_start3A_1335 : memref<!tpu.dma_semaphore, #tpu.memory_space<semaphore_mem>>)
      %slice3A_1345 = vector.extract_strided_slice %get3A_1224 {offsets = [5], sizes = [1], strides = [1]} : vector<16xi32> to vector<1xi32>
      %squeeze3A_1346 = vector.extract %slice3A_1345[0] : i32 from vector<1xi32>
      %dma_start3A_1347 = arith.constant 1 : i32
      %dma_start3A_1348 = arith.constant 1 : i32
      %dma_start3A_1349 = arith.constant 0 : i32
      %dma_start3A_1350 = arith.constant 0 : i32
      %dma_start3A_1351 = tpu.memref_slice %arg6[%dma_start3A_1347, %dma_start3A_1349, %dma_start3A_1350] : memref<2x32x64xf32, #tpu.memory_space<vmem>> -> memref<1x32x64xf32, #tpu.memory_space<vmem>>
      %dma_start3A_1352 = tpu.memref_squeeze %dma_start3A_1351 : memref<1x32x64xf32, #tpu.memory_space<vmem>> -> memref<32x64xf32, #tpu.memory_space<vmem>>
      %dma_start3A_1353 = arith.constant 21 : i32
      %dma_start3A_1354 = arith.constant 0 : i32
      %dma_start3A_1355 = tpu.memref_slice %dma_start3A_1352[%dma_start3A_1353, %dma_start3A_1354] : memref<32x64xf32, #tpu.memory_space<vmem>> -> memref<1x64xf32, #tpu.memory_space<vmem>>
      %dma_start3A_1356 = arith.constant 0 : i32
      %dma_start3A_1357 = tpu.memref_slice %arg2[%squeeze3A_1346, %dma_start3A_1356] : memref<1000001x64xf32, #tpu.memory_space<hbm>> -> memref<1x64xf32, #tpu.memory_space<hbm>>
      %dma_start3A_1358 = tpu.memref_slice %arg7[%dma_start3A_1348] : memref<2x!tpu.dma_semaphore, #tpu.memory_space<semaphore_mem>> -> memref<1x!tpu.dma_semaphore, #tpu.memory_space<semaphore_mem>>
      %dma_start3A_1359 = tpu.memref_squeeze %dma_start3A_1358 : memref<1x!tpu.dma_semaphore, #tpu.memory_space<semaphore_mem>> -> memref<!tpu.dma_semaphore, #tpu.memory_space<semaphore_mem>>
      %dma_start3A_1360 = arith.constant 0 : i32
      %dma_start3A_1361 = arith.constant 0 : i32
      %dma_start3A_1362 = tpu.memref_slice %arg6[%dma_start3A_1347, %dma_start3A_1360, %dma_start3A_1361] : memref<2x32x64xf32, #tpu.memory_space<vmem>> -> memref<1x32x64xf32, #tpu.memory_space<vmem>>
      %dma_start3A_1363 = tpu.memref_squeeze %dma_start3A_1362 : memref<1x32x64xf32, #tpu.memory_space<vmem>> -> memref<32x64xf32, #tpu.memory_space<vmem>>
      %dma_start3A_1364 = arith.constant 21 : i32
      %dma_start3A_1365 = arith.constant 0 : i32
      %dma_start3A_1366 = tpu.memref_slice %dma_start3A_1363[%dma_start3A_1364, %dma_start3A_1365] : memref<32x64xf32, #tpu.memory_space<vmem>> -> memref<1x64xf32, #tpu.memory_space<vmem>>
      %dma_start3A_1367 = arith.constant 0 : i32
      %dma_start3A_1368 = tpu.memref_slice %arg2[%squeeze3A_1346, %dma_start3A_1367] : memref<1000001x64xf32, #tpu.memory_space<hbm>> -> memref<1x64xf32, #tpu.memory_space<hbm>>
      tpu.enqueue_dma source(%dma_start3A_1368 : memref<1x64xf32, #tpu.memory_space<hbm>>) target(%dma_start3A_1366 : memref<1x64xf32, #tpu.memory_space<vmem>>) target_semaphore(%dma_start3A_1359 : memref<!tpu.dma_semaphore, #tpu.memory_space<semaphore_mem>>)
      %slice3A_1369 = vector.extract_strided_slice %get3A_1224 {offsets = [6], sizes = [1], strides = [1]} : vector<16xi32> to vector<1xi32>
      %squeeze3A_1370 = vector.extract %slice3A_1369[0] : i32 from vector<1xi32>
      %dma_start3A_1371 = arith.constant 1 : i32
      %dma_start3A_1372 = arith.constant 1 : i32
      %dma_start3A_1373 = arith.constant 0 : i32
      %dma_start3A_1374 = arith.constant 0 : i32
      %dma_start3A_1375 = tpu.memref_slice %arg6[%dma_start3A_1371, %dma_start3A_1373, %dma_start3A_1374] : memref<2x32x64xf32, #tpu.memory_space<vmem>> -> memref<1x32x64xf32, #tpu.memory_space<vmem>>
      %dma_start3A_1376 = tpu.memref_squeeze %dma_start3A_1375 : memref<1x32x64xf32, #tpu.memory_space<vmem>> -> memref<32x64xf32, #tpu.memory_space<vmem>>
      %dma_start3A_1377 = arith.constant 22 : i32
      %dma_start3A_1378 = arith.constant 0 : i32
      %dma_start3A_1379 = tpu.memref_slice %dma_start3A_1376[%dma_start3A_1377, %dma_start3A_1378] : memref<32x64xf32, #tpu.memory_space<vmem>> -> memref<1x64xf32, #tpu.memory_space<vmem>>
      %dma_start3A_1380 = arith.constant 0 : i32
      %dma_start3A_1381 = tpu.memref_slice %arg2[%squeeze3A_1370, %dma_start3A_1380] : memref<1000001x64xf32, #tpu.memory_space<hbm>> -> memref<1x64xf32, #tpu.memory_space<hbm>>
      %dma_start3A_1382 = tpu.memref_slice %arg7[%dma_start3A_1372] : memref<2x!tpu.dma_semaphore, #tpu.memory_space<semaphore_mem>> -> memref<1x!tpu.dma_semaphore, #tpu.memory_space<semaphore_mem>>
      %dma_start3A_1383 = tpu.memref_squeeze %dma_start3A_1382 : memref<1x!tpu.dma_semaphore, #tpu.memory_space<semaphore_mem>> -> memref<!tpu.dma_semaphore, #tpu.memory_space<semaphore_mem>>
      %dma_start3A_1384 = arith.constant 0 : i32
      %dma_start3A_1385 = arith.constant 0 : i32
      %dma_start3A_1386 = tpu.memref_slice %arg6[%dma_start3A_1371, %dma_start3A_1384, %dma_start3A_1385] : memref<2x32x64xf32, #tpu.memory_space<vmem>> -> memref<1x32x64xf32, #tpu.memory_space<vmem>>
      %dma_start3A_1387 = tpu.memref_squeeze %dma_start3A_1386 : memref<1x32x64xf32, #tpu.memory_space<vmem>> -> memref<32x64xf32, #tpu.memory_space<vmem>>
      %dma_start3A_1388 = arith.constant 22 : i32
      %dma_start3A_1389 = arith.constant 0 : i32
      %dma_start3A_1390 = tpu.memref_slice %dma_start3A_1387[%dma_start3A_1388, %dma_start3A_1389] : memref<32x64xf32, #tpu.memory_space<vmem>> -> memref<1x64xf32, #tpu.memory_space<vmem>>
      %dma_start3A_1391 = arith.constant 0 : i32
      %dma_start3A_1392 = tpu.memref_slice %arg2[%squeeze3A_1370, %dma_start3A_1391] : memref<1000001x64xf32, #tpu.memory_space<hbm>> -> memref<1x64xf32, #tpu.memory_space<hbm>>
      tpu.enqueue_dma source(%dma_start3A_1392 : memref<1x64xf32, #tpu.memory_space<hbm>>) target(%dma_start3A_1390 : memref<1x64xf32, #tpu.memory_space<vmem>>) target_semaphore(%dma_start3A_1383 : memref<!tpu.dma_semaphore, #tpu.memory_space<semaphore_mem>>)
      %slice3A_1393 = vector.extract_strided_slice %get3A_1224 {offsets = [7], sizes = [1], strides = [1]} : vector<16xi32> to vector<1xi32>
      %squeeze3A_1394 = vector.extract %slice3A_1393[0] : i32 from vector<1xi32>
      %dma_start3A_1395 = arith.constant 1 : i32
      %dma_start3A_1396 = arith.constant 1 : i32
      %dma_start3A_1397 = arith.constant 0 : i32
      %dma_start3A_1398 = arith.constant 0 : i32
      %dma_start3A_1399 = tpu.memref_slice %arg6[%dma_start3A_1395, %dma_start3A_1397, %dma_start3A_1398] : memref<2x32x64xf32, #tpu.memory_space<vmem>> -> memref<1x32x64xf32, #tpu.memory_space<vmem>>
      %dma_start3A_1400 = tpu.memref_squeeze %dma_start3A_1399 : memref<1x32x64xf32, #tpu.memory_space<vmem>> -> memref<32x64xf32, #tpu.memory_space<vmem>>
      %dma_start3A_1401 = arith.constant 23 : i32
      %dma_start3A_1402 = arith.constant 0 : i32
      %dma_start3A_1403 = tpu.memref_slice %dma_start3A_1400[%dma_start3A_1401, %dma_start3A_1402] : memref<32x64xf32, #tpu.memory_space<vmem>> -> memref<1x64xf32, #tpu.memory_space<vmem>>
      %dma_start3A_1404 = arith.constant 0 : i32
      %dma_start3A_1405 = tpu.memref_slice %arg2[%squeeze3A_1394, %dma_start3A_1404] : memref<1000001x64xf32, #tpu.memory_space<hbm>> -> memref<1x64xf32, #tpu.memory_space<hbm>>
      %dma_start3A_1406 = tpu.memref_slice %arg7[%dma_start3A_1396] : memref<2x!tpu.dma_semaphore, #tpu.memory_space<semaphore_mem>> -> memref<1x!tpu.dma_semaphore, #tpu.memory_space<semaphore_mem>>
      %dma_start3A_1407 = tpu.memref_squeeze %dma_start3A_1406 : memref<1x!tpu.dma_semaphore, #tpu.memory_space<semaphore_mem>> -> memref<!tpu.dma_semaphore, #tpu.memory_space<semaphore_mem>>
      %dma_start3A_1408 = arith.constant 0 : i32
      %dma_start3A_1409 = arith.constant 0 : i32
      %dma_start3A_1410 = tpu.memref_slice %arg6[%dma_start3A_1395, %dma_start3A_1408, %dma_start3A_1409] : memref<2x32x64xf32, #tpu.memory_space<vmem>> -> memref<1x32x64xf32, #tpu.memory_space<vmem>>
      %dma_start3A_1411 = tpu.memref_squeeze %dma_start3A_1410 : memref<1x32x64xf32, #tpu.memory_space<vmem>> -> memref<32x64xf32, #tpu.memory_space<vmem>>
      %dma_start3A_1412 = arith.constant 23 : i32
      %dma_start3A_1413 = arith.constant 0 : i32
      %dma_start3A_1414 = tpu.memref_slice %dma_start3A_1411[%dma_start3A_1412, %dma_start3A_1413] : memref<32x64xf32, #tpu.memory_space<vmem>> -> memref<1x64xf32, #tpu.memory_space<vmem>>
      %dma_start3A_1415 = arith.constant 0 : i32
      %dma_start3A_1416 = tpu.memref_slice %arg2[%squeeze3A_1394, %dma_start3A_1415] : memref<1000001x64xf32, #tpu.memory_space<hbm>> -> memref<1x64xf32, #tpu.memory_space<hbm>>
      tpu.enqueue_dma source(%dma_start3A_1416 : memref<1x64xf32, #tpu.memory_space<hbm>>) target(%dma_start3A_1414 : memref<1x64xf32, #tpu.memory_space<vmem>>) target_semaphore(%dma_start3A_1407 : memref<!tpu.dma_semaphore, #tpu.memory_space<semaphore_mem>>)
      %slice3A_1417 = vector.extract_strided_slice %get3A_1224 {offsets = [8], sizes = [1], strides = [1]} : vector<16xi32> to vector<1xi32>
      %squeeze3A_1418 = vector.extract %slice3A_1417[0] : i32 from vector<1xi32>
      %dma_start3A_1419 = arith.constant 1 : i32
      %dma_start3A_1420 = arith.constant 1 : i32
      %dma_start3A_1421 = arith.constant 0 : i32
      %dma_start3A_1422 = arith.constant 0 : i32
      %dma_start3A_1423 = tpu.memref_slice %arg6[%dma_start3A_1419, %dma_start3A_1421, %dma_start3A_1422] : memref<2x32x64xf32, #tpu.memory_space<vmem>> -> memref<1x32x64xf32, #tpu.memory_space<vmem>>
      %dma_start3A_1424 = tpu.memref_squeeze %dma_start3A_1423 : memref<1x32x64xf32, #tpu.memory_space<vmem>> -> memref<32x64xf32, #tpu.memory_space<vmem>>
      %dma_start3A_1425 = arith.constant 24 : i32
      %dma_start3A_1426 = arith.constant 0 : i32
      %dma_start3A_1427 = tpu.memref_slice %dma_start3A_1424[%dma_start3A_1425, %dma_start3A_1426] : memref<32x64xf32, #tpu.memory_space<vmem>> -> memref<1x64xf32, #tpu.memory_space<vmem>>
      %dma_start3A_1428 = arith.constant 0 : i32
      %dma_start3A_1429 = tpu.memref_slice %arg2[%squeeze3A_1418, %dma_start3A_1428] : memref<1000001x64xf32, #tpu.memory_space<hbm>> -> memref<1x64xf32, #tpu.memory_space<hbm>>
      %dma_start3A_1430 = tpu.memref_slice %arg7[%dma_start3A_1420] : memref<2x!tpu.dma_semaphore, #tpu.memory_space<semaphore_mem>> -> memref<1x!tpu.dma_semaphore, #tpu.memory_space<semaphore_mem>>
      %dma_start3A_1431 = tpu.memref_squeeze %dma_start3A_1430 : memref<1x!tpu.dma_semaphore, #tpu.memory_space<semaphore_mem>> -> memref<!tpu.dma_semaphore, #tpu.memory_space<semaphore_mem>>
      %dma_start3A_1432 = arith.constant 0 : i32
      %dma_start3A_1433 = arith.constant 0 : i32
      %dma_start3A_1434 = tpu.memref_slice %arg6[%dma_start3A_1419, %dma_start3A_1432, %dma_start3A_1433] : memref<2x32x64xf32, #tpu.memory_space<vmem>> -> memref<1x32x64xf32, #tpu.memory_space<vmem>>
      %dma_start3A_1435 = tpu.memref_squeeze %dma_start3A_1434 : memref<1x32x64xf32, #tpu.memory_space<vmem>> -> memref<32x64xf32, #tpu.memory_space<vmem>>
      %dma_start3A_1436 = arith.constant 24 : i32
      %dma_start3A_1437 = arith.constant 0 : i32
      %dma_start3A_1438 = tpu.memref_slice %dma_start3A_1435[%dma_start3A_1436, %dma_start3A_1437] : memref<32x64xf32, #tpu.memory_space<vmem>> -> memref<1x64xf32, #tpu.memory_space<vmem>>
      %dma_start3A_1439 = arith.constant 0 : i32
      %dma_start3A_1440 = tpu.memref_slice %arg2[%squeeze3A_1418, %dma_start3A_1439] : memref<1000001x64xf32, #tpu.memory_space<hbm>> -> memref<1x64xf32, #tpu.memory_space<hbm>>
      tpu.enqueue_dma source(%dma_start3A_1440 : memref<1x64xf32, #tpu.memory_space<hbm>>) target(%dma_start3A_1438 : memref<1x64xf32, #tpu.memory_space<vmem>>) target_semaphore(%dma_start3A_1431 : memref<!tpu.dma_semaphore, #tpu.memory_space<semaphore_mem>>)
      %slice3A_1441 = vector.extract_strided_slice %get3A_1224 {offsets = [9], sizes = [1], strides = [1]} : vector<16xi32> to vector<1xi32>
      %squeeze3A_1442 = vector.extract %slice3A_1441[0] : i32 from vector<1xi32>
      %dma_start3A_1443 = arith.constant 1 : i32
      %dma_start3A_1444 = arith.constant 1 : i32
      %dma_start3A_1445 = arith.constant 0 : i32
      %dma_start3A_1446 = arith.constant 0 : i32
      %dma_start3A_1447 = tpu.memref_slice %arg6[%dma_start3A_1443, %dma_start3A_1445, %dma_start3A_1446] : memref<2x32x64xf32, #tpu.memory_space<vmem>> -> memref<1x32x64xf32, #tpu.memory_space<vmem>>
      %dma_start3A_1448 = tpu.memref_squeeze %dma_start3A_1447 : memref<1x32x64xf32, #tpu.memory_space<vmem>> -> memref<32x64xf32, #tpu.memory_space<vmem>>
      %dma_start3A_1449 = arith.constant 25 : i32
      %dma_start3A_1450 = arith.constant 0 : i32
      %dma_start3A_1451 = tpu.memref_slice %dma_start3A_1448[%dma_start3A_1449, %dma_start3A_1450] : memref<32x64xf32, #tpu.memory_space<vmem>> -> memref<1x64xf32, #tpu.memory_space<vmem>>
      %dma_start3A_1452 = arith.constant 0 : i32
      %dma_start3A_1453 = tpu.memref_slice %arg2[%squeeze3A_1442, %dma_start3A_1452] : memref<1000001x64xf32, #tpu.memory_space<hbm>> -> memref<1x64xf32, #tpu.memory_space<hbm>>
      %dma_start3A_1454 = tpu.memref_slice %arg7[%dma_start3A_1444] : memref<2x!tpu.dma_semaphore, #tpu.memory_space<semaphore_mem>> -> memref<1x!tpu.dma_semaphore, #tpu.memory_space<semaphore_mem>>
      %dma_start3A_1455 = tpu.memref_squeeze %dma_start3A_1454 : memref<1x!tpu.dma_semaphore, #tpu.memory_space<semaphore_mem>> -> memref<!tpu.dma_semaphore, #tpu.memory_space<semaphore_mem>>
      %dma_start3A_1456 = arith.constant 0 : i32
      %dma_start3A_1457 = arith.constant 0 : i32
      %dma_start3A_1458 = tpu.memref_slice %arg6[%dma_start3A_1443, %dma_start3A_1456, %dma_start3A_1457] : memref<2x32x64xf32, #tpu.memory_space<vmem>> -> memref<1x32x64xf32, #tpu.memory_space<vmem>>
      %dma_start3A_1459 = tpu.memref_squeeze %dma_start3A_1458 : memref<1x32x64xf32, #tpu.memory_space<vmem>> -> memref<32x64xf32, #tpu.memory_space<vmem>>
      %dma_start3A_1460 = arith.constant 25 : i32
      %dma_start3A_1461 = arith.constant 0 : i32
      %dma_start3A_1462 = tpu.memref_slice %dma_start3A_1459[%dma_start3A_1460, %dma_start3A_1461] : memref<32x64xf32, #tpu.memory_space<vmem>> -> memref<1x64xf32, #tpu.memory_space<vmem>>
      %dma_start3A_1463 = arith.constant 0 : i32
      %dma_start3A_1464 = tpu.memref_slice %arg2[%squeeze3A_1442, %dma_start3A_1463] : memref<1000001x64xf32, #tpu.memory_space<hbm>> -> memref<1x64xf32, #tpu.memory_space<hbm>>
      tpu.enqueue_dma source(%dma_start3A_1464 : memref<1x64xf32, #tpu.memory_space<hbm>>) target(%dma_start3A_1462 : memref<1x64xf32, #tpu.memory_space<vmem>>) target_semaphore(%dma_start3A_1455 : memref<!tpu.dma_semaphore, #tpu.memory_space<semaphore_mem>>)
      %slice3A_1465 = vector.extract_strided_slice %get3A_1224 {offsets = [10], sizes = [1], strides = [1]} : vector<16xi32> to vector<1xi32>
      %squeeze3A_1466 = vector.extract %slice3A_1465[0] : i32 from vector<1xi32>
      %dma_start3A_1467 = arith.constant 1 : i32
      %dma_start3A_1468 = arith.constant 1 : i32
      %dma_start3A_1469 = arith.constant 0 : i32
      %dma_start3A_1470 = arith.constant 0 : i32
      %dma_start3A_1471 = tpu.memref_slice %arg6[%dma_start3A_1467, %dma_start3A_1469, %dma_start3A_1470] : memref<2x32x64xf32, #tpu.memory_space<vmem>> -> memref<1x32x64xf32, #tpu.memory_space<vmem>>
      %dma_start3A_1472 = tpu.memref_squeeze %dma_start3A_1471 : memref<1x32x64xf32, #tpu.memory_space<vmem>> -> memref<32x64xf32, #tpu.memory_space<vmem>>
      %dma_start3A_1473 = arith.constant 26 : i32
      %dma_start3A_1474 = arith.constant 0 : i32
      %dma_start3A_1475 = tpu.memref_slice %dma_start3A_1472[%dma_start3A_1473, %dma_start3A_1474] : memref<32x64xf32, #tpu.memory_space<vmem>> -> memref<1x64xf32, #tpu.memory_space<vmem>>
      %dma_start3A_1476 = arith.constant 0 : i32
      %dma_start3A_1477 = tpu.memref_slice %arg2[%squeeze3A_1466, %dma_start3A_1476] : memref<1000001x64xf32, #tpu.memory_space<hbm>> -> memref<1x64xf32, #tpu.memory_space<hbm>>
      %dma_start3A_1478 = tpu.memref_slice %arg7[%dma_start3A_1468] : memref<2x!tpu.dma_semaphore, #tpu.memory_space<semaphore_mem>> -> memref<1x!tpu.dma_semaphore, #tpu.memory_space<semaphore_mem>>
      %dma_start3A_1479 = tpu.memref_squeeze %dma_start3A_1478 : memref<1x!tpu.dma_semaphore, #tpu.memory_space<semaphore_mem>> -> memref<!tpu.dma_semaphore, #tpu.memory_space<semaphore_mem>>
      %dma_start3A_1480 = arith.constant 0 : i32
      %dma_start3A_1481 = arith.constant 0 : i32
      %dma_start3A_1482 = tpu.memref_slice %arg6[%dma_start3A_1467, %dma_start3A_1480, %dma_start3A_1481] : memref<2x32x64xf32, #tpu.memory_space<vmem>> -> memref<1x32x64xf32, #tpu.memory_space<vmem>>
      %dma_start3A_1483 = tpu.memref_squeeze %dma_start3A_1482 : memref<1x32x64xf32, #tpu.memory_space<vmem>> -> memref<32x64xf32, #tpu.memory_space<vmem>>
      %dma_start3A_1484 = arith.constant 26 : i32
      %dma_start3A_1485 = arith.constant 0 : i32
      %dma_start3A_1486 = tpu.memref_slice %dma_start3A_1483[%dma_start3A_1484, %dma_start3A_1485] : memref<32x64xf32, #tpu.memory_space<vmem>> -> memref<1x64xf32, #tpu.memory_space<vmem>>
      %dma_start3A_1487 = arith.constant 0 : i32
      %dma_start3A_1488 = tpu.memref_slice %arg2[%squeeze3A_1466, %dma_start3A_1487] : memref<1000001x64xf32, #tpu.memory_space<hbm>> -> memref<1x64xf32, #tpu.memory_space<hbm>>
      tpu.enqueue_dma source(%dma_start3A_1488 : memref<1x64xf32, #tpu.memory_space<hbm>>) target(%dma_start3A_1486 : memref<1x64xf32, #tpu.memory_space<vmem>>) target_semaphore(%dma_start3A_1479 : memref<!tpu.dma_semaphore, #tpu.memory_space<semaphore_mem>>)
      %slice3A_1489 = vector.extract_strided_slice %get3A_1224 {offsets = [11], sizes = [1], strides = [1]} : vector<16xi32> to vector<1xi32>
      %squeeze3A_1490 = vector.extract %slice3A_1489[0] : i32 from vector<1xi32>
      %dma_start3A_1491 = arith.constant 1 : i32
      %dma_start3A_1492 = arith.constant 1 : i32
      %dma_start3A_1493 = arith.constant 0 : i32
      %dma_start3A_1494 = arith.constant 0 : i32
      %dma_start3A_1495 = tpu.memref_slice %arg6[%dma_start3A_1491, %dma_start3A_1493, %dma_start3A_1494] : memref<2x32x64xf32, #tpu.memory_space<vmem>> -> memref<1x32x64xf32, #tpu.memory_space<vmem>>
      %dma_start3A_1496 = tpu.memref_squeeze %dma_start3A_1495 : memref<1x32x64xf32, #tpu.memory_space<vmem>> -> memref<32x64xf32, #tpu.memory_space<vmem>>
      %dma_start3A_1497 = arith.constant 27 : i32
      %dma_start3A_1498 = arith.constant 0 : i32
      %dma_start3A_1499 = tpu.memref_slice %dma_start3A_1496[%dma_start3A_1497, %dma_start3A_1498] : memref<32x64xf32, #tpu.memory_space<vmem>> -> memref<1x64xf32, #tpu.memory_space<vmem>>
      %dma_start3A_1500 = arith.constant 0 : i32
      %dma_start3A_1501 = tpu.memref_slice %arg2[%squeeze3A_1490, %dma_start3A_1500] : memref<1000001x64xf32, #tpu.memory_space<hbm>> -> memref<1x64xf32, #tpu.memory_space<hbm>>
      %dma_start3A_1502 = tpu.memref_slice %arg7[%dma_start3A_1492] : memref<2x!tpu.dma_semaphore, #tpu.memory_space<semaphore_mem>> -> memref<1x!tpu.dma_semaphore, #tpu.memory_space<semaphore_mem>>
      %dma_start3A_1503 = tpu.memref_squeeze %dma_start3A_1502 : memref<1x!tpu.dma_semaphore, #tpu.memory_space<semaphore_mem>> -> memref<!tpu.dma_semaphore, #tpu.memory_space<semaphore_mem>>
      %dma_start3A_1504 = arith.constant 0 : i32
      %dma_start3A_1505 = arith.constant 0 : i32
      %dma_start3A_1506 = tpu.memref_slice %arg6[%dma_start3A_1491, %dma_start3A_1504, %dma_start3A_1505] : memref<2x32x64xf32, #tpu.memory_space<vmem>> -> memref<1x32x64xf32, #tpu.memory_space<vmem>>
      %dma_start3A_1507 = tpu.memref_squeeze %dma_start3A_1506 : memref<1x32x64xf32, #tpu.memory_space<vmem>> -> memref<32x64xf32, #tpu.memory_space<vmem>>
      %dma_start3A_1508 = arith.constant 27 : i32
      %dma_start3A_1509 = arith.constant 0 : i32
      %dma_start3A_1510 = tpu.memref_slice %dma_start3A_1507[%dma_start3A_1508, %dma_start3A_1509] : memref<32x64xf32, #tpu.memory_space<vmem>> -> memref<1x64xf32, #tpu.memory_space<vmem>>
      %dma_start3A_1511 = arith.constant 0 : i32
      %dma_start3A_1512 = tpu.memref_slice %arg2[%squeeze3A_1490, %dma_start3A_1511] : memref<1000001x64xf32, #tpu.memory_space<hbm>> -> memref<1x64xf32, #tpu.memory_space<hbm>>
      tpu.enqueue_dma source(%dma_start3A_1512 : memref<1x64xf32, #tpu.memory_space<hbm>>) target(%dma_start3A_1510 : memref<1x64xf32, #tpu.memory_space<vmem>>) target_semaphore(%dma_start3A_1503 : memref<!tpu.dma_semaphore, #tpu.memory_space<semaphore_mem>>)
      %slice3A_1513 = vector.extract_strided_slice %get3A_1224 {offsets = [12], sizes = [1], strides = [1]} : vector<16xi32> to vector<1xi32>
      %squeeze3A_1514 = vector.extract %slice3A_1513[0] : i32 from vector<1xi32>
      %dma_start3A_1515 = arith.constant 1 : i32
      %dma_start3A_1516 = arith.constant 1 : i32
      %dma_start3A_1517 = arith.constant 0 : i32
      %dma_start3A_1518 = arith.constant 0 : i32
      %dma_start3A_1519 = tpu.memref_slice %arg6[%dma_start3A_1515, %dma_start3A_1517, %dma_start3A_1518] : memref<2x32x64xf32, #tpu.memory_space<vmem>> -> memref<1x32x64xf32, #tpu.memory_space<vmem>>
      %dma_start3A_1520 = tpu.memref_squeeze %dma_start3A_1519 : memref<1x32x64xf32, #tpu.memory_space<vmem>> -> memref<32x64xf32, #tpu.memory_space<vmem>>
      %dma_start3A_1521 = arith.constant 28 : i32
      %dma_start3A_1522 = arith.constant 0 : i32
      %dma_start3A_1523 = tpu.memref_slice %dma_start3A_1520[%dma_start3A_1521, %dma_start3A_1522] : memref<32x64xf32, #tpu.memory_space<vmem>> -> memref<1x64xf32, #tpu.memory_space<vmem>>
      %dma_start3A_1524 = arith.constant 0 : i32
      %dma_start3A_1525 = tpu.memref_slice %arg2[%squeeze3A_1514, %dma_start3A_1524] : memref<1000001x64xf32, #tpu.memory_space<hbm>> -> memref<1x64xf32, #tpu.memory_space<hbm>>
      %dma_start3A_1526 = tpu.memref_slice %arg7[%dma_start3A_1516] : memref<2x!tpu.dma_semaphore, #tpu.memory_space<semaphore_mem>> -> memref<1x!tpu.dma_semaphore, #tpu.memory_space<semaphore_mem>>
      %dma_start3A_1527 = tpu.memref_squeeze %dma_start3A_1526 : memref<1x!tpu.dma_semaphore, #tpu.memory_space<semaphore_mem>> -> memref<!tpu.dma_semaphore, #tpu.memory_space<semaphore_mem>>
      %dma_start3A_1528 = arith.constant 0 : i32
      %dma_start3A_1529 = arith.constant 0 : i32
      %dma_start3A_1530 = tpu.memref_slice %arg6[%dma_start3A_1515, %dma_start3A_1528, %dma_start3A_1529] : memref<2x32x64xf32, #tpu.memory_space<vmem>> -> memref<1x32x64xf32, #tpu.memory_space<vmem>>
      %dma_start3A_1531 = tpu.memref_squeeze %dma_start3A_1530 : memref<1x32x64xf32, #tpu.memory_space<vmem>> -> memref<32x64xf32, #tpu.memory_space<vmem>>
      %dma_start3A_1532 = arith.constant 28 : i32
      %dma_start3A_1533 = arith.constant 0 : i32
      %dma_start3A_1534 = tpu.memref_slice %dma_start3A_1531[%dma_start3A_1532, %dma_start3A_1533] : memref<32x64xf32, #tpu.memory_space<vmem>> -> memref<1x64xf32, #tpu.memory_space<vmem>>
      %dma_start3A_1535 = arith.constant 0 : i32
      %dma_start3A_1536 = tpu.memref_slice %arg2[%squeeze3A_1514, %dma_start3A_1535] : memref<1000001x64xf32, #tpu.memory_space<hbm>> -> memref<1x64xf32, #tpu.memory_space<hbm>>
      tpu.enqueue_dma source(%dma_start3A_1536 : memref<1x64xf32, #tpu.memory_space<hbm>>) target(%dma_start3A_1534 : memref<1x64xf32, #tpu.memory_space<vmem>>) target_semaphore(%dma_start3A_1527 : memref<!tpu.dma_semaphore, #tpu.memory_space<semaphore_mem>>)
      %slice3A_1537 = vector.extract_strided_slice %get3A_1224 {offsets = [13], sizes = [1], strides = [1]} : vector<16xi32> to vector<1xi32>
      %squeeze3A_1538 = vector.extract %slice3A_1537[0] : i32 from vector<1xi32>
      %dma_start3A_1539 = arith.constant 1 : i32
      %dma_start3A_1540 = arith.constant 1 : i32
      %dma_start3A_1541 = arith.constant 0 : i32
      %dma_start3A_1542 = arith.constant 0 : i32
      %dma_start3A_1543 = tpu.memref_slice %arg6[%dma_start3A_1539, %dma_start3A_1541, %dma_start3A_1542] : memref<2x32x64xf32, #tpu.memory_space<vmem>> -> memref<1x32x64xf32, #tpu.memory_space<vmem>>
      %dma_start3A_1544 = tpu.memref_squeeze %dma_start3A_1543 : memref<1x32x64xf32, #tpu.memory_space<vmem>> -> memref<32x64xf32, #tpu.memory_space<vmem>>
      %dma_start3A_1545 = arith.constant 29 : i32
      %dma_start3A_1546 = arith.constant 0 : i32
      %dma_start3A_1547 = tpu.memref_slice %dma_start3A_1544[%dma_start3A_1545, %dma_start3A_1546] : memref<32x64xf32, #tpu.memory_space<vmem>> -> memref<1x64xf32, #tpu.memory_space<vmem>>
      %dma_start3A_1548 = arith.constant 0 : i32
      %dma_start3A_1549 = tpu.memref_slice %arg2[%squeeze3A_1538, %dma_start3A_1548] : memref<1000001x64xf32, #tpu.memory_space<hbm>> -> memref<1x64xf32, #tpu.memory_space<hbm>>
      %dma_start3A_1550 = tpu.memref_slice %arg7[%dma_start3A_1540] : memref<2x!tpu.dma_semaphore, #tpu.memory_space<semaphore_mem>> -> memref<1x!tpu.dma_semaphore, #tpu.memory_space<semaphore_mem>>
      %dma_start3A_1551 = tpu.memref_squeeze %dma_start3A_1550 : memref<1x!tpu.dma_semaphore, #tpu.memory_space<semaphore_mem>> -> memref<!tpu.dma_semaphore, #tpu.memory_space<semaphore_mem>>
      %dma_start3A_1552 = arith.constant 0 : i32
      %dma_start3A_1553 = arith.constant 0 : i32
      %dma_start3A_1554 = tpu.memref_slice %arg6[%dma_start3A_1539, %dma_start3A_1552, %dma_start3A_1553] : memref<2x32x64xf32, #tpu.memory_space<vmem>> -> memref<1x32x64xf32, #tpu.memory_space<vmem>>
      %dma_start3A_1555 = tpu.memref_squeeze %dma_start3A_1554 : memref<1x32x64xf32, #tpu.memory_space<vmem>> -> memref<32x64xf32, #tpu.memory_space<vmem>>
      %dma_start3A_1556 = arith.constant 29 : i32
      %dma_start3A_1557 = arith.constant 0 : i32
      %dma_start3A_1558 = tpu.memref_slice %dma_start3A_1555[%dma_start3A_1556, %dma_start3A_1557] : memref<32x64xf32, #tpu.memory_space<vmem>> -> memref<1x64xf32, #tpu.memory_space<vmem>>
      %dma_start3A_1559 = arith.constant 0 : i32
      %dma_start3A_1560 = tpu.memref_slice %arg2[%squeeze3A_1538, %dma_start3A_1559] : memref<1000001x64xf32, #tpu.memory_space<hbm>> -> memref<1x64xf32, #tpu.memory_space<hbm>>
      tpu.enqueue_dma source(%dma_start3A_1560 : memref<1x64xf32, #tpu.memory_space<hbm>>) target(%dma_start3A_1558 : memref<1x64xf32, #tpu.memory_space<vmem>>) target_semaphore(%dma_start3A_1551 : memref<!tpu.dma_semaphore, #tpu.memory_space<semaphore_mem>>)
      %slice3A_1561 = vector.extract_strided_slice %get3A_1224 {offsets = [14], sizes = [1], strides = [1]} : vector<16xi32> to vector<1xi32>
      %squeeze3A_1562 = vector.extract %slice3A_1561[0] : i32 from vector<1xi32>
      %dma_start3A_1563 = arith.constant 1 : i32
      %dma_start3A_1564 = arith.constant 1 : i32
      %dma_start3A_1565 = arith.constant 0 : i32
      %dma_start3A_1566 = arith.constant 0 : i32
      %dma_start3A_1567 = tpu.memref_slice %arg6[%dma_start3A_1563, %dma_start3A_1565, %dma_start3A_1566] : memref<2x32x64xf32, #tpu.memory_space<vmem>> -> memref<1x32x64xf32, #tpu.memory_space<vmem>>
      %dma_start3A_1568 = tpu.memref_squeeze %dma_start3A_1567 : memref<1x32x64xf32, #tpu.memory_space<vmem>> -> memref<32x64xf32, #tpu.memory_space<vmem>>
      %dma_start3A_1569 = arith.constant 30 : i32
      %dma_start3A_1570 = arith.constant 0 : i32
      %dma_start3A_1571 = tpu.memref_slice %dma_start3A_1568[%dma_start3A_1569, %dma_start3A_1570] : memref<32x64xf32, #tpu.memory_space<vmem>> -> memref<1x64xf32, #tpu.memory_space<vmem>>
      %dma_start3A_1572 = arith.constant 0 : i32
      %dma_start3A_1573 = tpu.memref_slice %arg2[%squeeze3A_1562, %dma_start3A_1572] : memref<1000001x64xf32, #tpu.memory_space<hbm>> -> memref<1x64xf32, #tpu.memory_space<hbm>>
      %dma_start3A_1574 = tpu.memref_slice %arg7[%dma_start3A_1564] : memref<2x!tpu.dma_semaphore, #tpu.memory_space<semaphore_mem>> -> memref<1x!tpu.dma_semaphore, #tpu.memory_space<semaphore_mem>>
      %dma_start3A_1575 = tpu.memref_squeeze %dma_start3A_1574 : memref<1x!tpu.dma_semaphore, #tpu.memory_space<semaphore_mem>> -> memref<!tpu.dma_semaphore, #tpu.memory_space<semaphore_mem>>
      %dma_start3A_1576 = arith.constant 0 : i32
      %dma_start3A_1577 = arith.constant 0 : i32
      %dma_start3A_1578 = tpu.memref_slice %arg6[%dma_start3A_1563, %dma_start3A_1576, %dma_start3A_1577] : memref<2x32x64xf32, #tpu.memory_space<vmem>> -> memref<1x32x64xf32, #tpu.memory_space<vmem>>
      %dma_start3A_1579 = tpu.memref_squeeze %dma_start3A_1578 : memref<1x32x64xf32, #tpu.memory_space<vmem>> -> memref<32x64xf32, #tpu.memory_space<vmem>>
      %dma_start3A_1580 = arith.constant 30 : i32
      %dma_start3A_1581 = arith.constant 0 : i32
      %dma_start3A_1582 = tpu.memref_slice %dma_start3A_1579[%dma_start3A_1580, %dma_start3A_1581] : memref<32x64xf32, #tpu.memory_space<vmem>> -> memref<1x64xf32, #tpu.memory_space<vmem>>
      %dma_start3A_1583 = arith.constant 0 : i32
      %dma_start3A_1584 = tpu.memref_slice %arg2[%squeeze3A_1562, %dma_start3A_1583] : memref<1000001x64xf32, #tpu.memory_space<hbm>> -> memref<1x64xf32, #tpu.memory_space<hbm>>
      tpu.enqueue_dma source(%dma_start3A_1584 : memref<1x64xf32, #tpu.memory_space<hbm>>) target(%dma_start3A_1582 : memref<1x64xf32, #tpu.memory_space<vmem>>) target_semaphore(%dma_start3A_1575 : memref<!tpu.dma_semaphore, #tpu.memory_space<semaphore_mem>>)
      %slice3A_1585 = vector.extract_strided_slice %get3A_1224 {offsets = [15], sizes = [1], strides = [1]} : vector<16xi32> to vector<1xi32>
      %squeeze3A_1586 = vector.extract %slice3A_1585[0] : i32 from vector<1xi32>
      %dma_start3A_1587 = arith.constant 1 : i32
      %dma_start3A_1588 = arith.constant 1 : i32
      %dma_start3A_1589 = arith.constant 0 : i32
      %dma_start3A_1590 = arith.constant 0 : i32
      %dma_start3A_1591 = tpu.memref_slice %arg6[%dma_start3A_1587, %dma_start3A_1589, %dma_start3A_1590] : memref<2x32x64xf32, #tpu.memory_space<vmem>> -> memref<1x32x64xf32, #tpu.memory_space<vmem>>
      %dma_start3A_1592 = tpu.memref_squeeze %dma_start3A_1591 : memref<1x32x64xf32, #tpu.memory_space<vmem>> -> memref<32x64xf32, #tpu.memory_space<vmem>>
      %dma_start3A_1593 = arith.constant 31 : i32
      %dma_start3A_1594 = arith.constant 0 : i32
      %dma_start3A_1595 = tpu.memref_slice %dma_start3A_1592[%dma_start3A_1593, %dma_start3A_1594] : memref<32x64xf32, #tpu.memory_space<vmem>> -> memref<1x64xf32, #tpu.memory_space<vmem>>
      %dma_start3A_1596 = arith.constant 0 : i32
      %dma_start3A_1597 = tpu.memref_slice %arg2[%squeeze3A_1586, %dma_start3A_1596] : memref<1000001x64xf32, #tpu.memory_space<hbm>> -> memref<1x64xf32, #tpu.memory_space<hbm>>
      %dma_start3A_1598 = tpu.memref_slice %arg7[%dma_start3A_1588] : memref<2x!tpu.dma_semaphore, #tpu.memory_space<semaphore_mem>> -> memref<1x!tpu.dma_semaphore, #tpu.memory_space<semaphore_mem>>
      %dma_start3A_1599 = tpu.memref_squeeze %dma_start3A_1598 : memref<1x!tpu.dma_semaphore, #tpu.memory_space<semaphore_mem>> -> memref<!tpu.dma_semaphore, #tpu.memory_space<semaphore_mem>>
      %dma_start3A_1600 = arith.constant 0 : i32
      %dma_start3A_1601 = arith.constant 0 : i32
      %dma_start3A_1602 = tpu.memref_slice %arg6[%dma_start3A_1587, %dma_start3A_1600, %dma_start3A_1601] : memref<2x32x64xf32, #tpu.memory_space<vmem>> -> memref<1x32x64xf32, #tpu.memory_space<vmem>>
      %dma_start3A_1603 = tpu.memref_squeeze %dma_start3A_1602 : memref<1x32x64xf32, #tpu.memory_space<vmem>> -> memref<32x64xf32, #tpu.memory_space<vmem>>
      %dma_start3A_1604 = arith.constant 31 : i32
      %dma_start3A_1605 = arith.constant 0 : i32
      %dma_start3A_1606 = tpu.memref_slice %dma_start3A_1603[%dma_start3A_1604, %dma_start3A_1605] : memref<32x64xf32, #tpu.memory_space<vmem>> -> memref<1x64xf32, #tpu.memory_space<vmem>>
      %dma_start3A_1607 = arith.constant 0 : i32
      %dma_start3A_1608 = tpu.memref_slice %arg2[%squeeze3A_1586, %dma_start3A_1607] : memref<1000001x64xf32, #tpu.memory_space<hbm>> -> memref<1x64xf32, #tpu.memory_space<hbm>>
      tpu.enqueue_dma source(%dma_start3A_1608 : memref<1x64xf32, #tpu.memory_space<hbm>>) target(%dma_start3A_1606 : memref<1x64xf32, #tpu.memory_space<vmem>>) target_semaphore(%dma_start3A_1599 : memref<!tpu.dma_semaphore, #tpu.memory_space<semaphore_mem>>)
      %dma_wait3A_1609 = arith.constant 0 : i32
      %dma_wait3A_1610 = arith.constant 0 : i32
      %dma_wait3A_1611 = arith.constant 0 : i32
      %dma_wait3A_1612 = arith.constant 0 : i32
      %dma_wait3A_1613 = tpu.memref_slice %arg6[%dma_wait3A_1609, %dma_wait3A_1611, %dma_wait3A_1612] : memref<2x32x64xf32, #tpu.memory_space<vmem>> -> memref<1x32x64xf32, #tpu.memory_space<vmem>>
      %dma_wait3A_1614 = tpu.memref_squeeze %dma_wait3A_1613 : memref<1x32x64xf32, #tpu.memory_space<vmem>> -> memref<32x64xf32, #tpu.memory_space<vmem>>
      %dma_wait3A_1615 = arith.constant 0 : i32
      %dma_wait3A_1616 = arith.constant 0 : i32
      %dma_wait3A_1617 = tpu.memref_slice %dma_wait3A_1614[%dma_wait3A_1615, %dma_wait3A_1616] : memref<32x64xf32, #tpu.memory_space<vmem>> -> memref<1x64xf32, #tpu.memory_space<vmem>>
      %dma_wait3A_1618 = arith.constant 0 : i32
      %dma_wait3A_1619 = tpu.memref_slice %arg2[%squeeze3A, %dma_wait3A_1618] : memref<1000001x64xf32, #tpu.memory_space<hbm>> -> memref<1x64xf32, #tpu.memory_space<hbm>>
      %dma_wait3A_1620 = tpu.memref_slice %arg7[%dma_wait3A_1610] : memref<2x!tpu.dma_semaphore, #tpu.memory_space<semaphore_mem>> -> memref<1x!tpu.dma_semaphore, #tpu.memory_space<semaphore_mem>>
      %dma_wait3A_1621 = tpu.memref_squeeze %dma_wait3A_1620 : memref<1x!tpu.dma_semaphore, #tpu.memory_space<semaphore_mem>> -> memref<!tpu.dma_semaphore, #tpu.memory_space<semaphore_mem>>
      %dma_wait3A_1622 = arith.constant 0 : i32
      %dma_wait3A_1623 = arith.constant 0 : i32
      %dma_wait3A_1624 = tpu.memref_slice %arg6[%dma_wait3A_1609, %dma_wait3A_1622, %dma_wait3A_1623] : memref<2x32x64xf32, #tpu.memory_space<vmem>> -> memref<1x32x64xf32, #tpu.memory_space<vmem>>
      %dma_wait3A_1625 = tpu.memref_squeeze %dma_wait3A_1624 : memref<1x32x64xf32, #tpu.memory_space<vmem>> -> memref<32x64xf32, #tpu.memory_space<vmem>>
      %dma_wait3A_1626 = arith.constant 0 : i32
      %dma_wait3A_1627 = arith.constant 0 : i32
      %dma_wait3A_1628 = tpu.memref_slice %dma_wait3A_1625[%dma_wait3A_1626, %dma_wait3A_1627] : memref<32x64xf32, #tpu.memory_space<vmem>> -> memref<1x64xf32, #tpu.memory_space<vmem>>
      %dma_wait3A_1629 = arith.constant 0 : i32
      %dma_wait3A_1630 = tpu.memref_slice %arg2[%squeeze3A, %dma_wait3A_1629] : memref<1000001x64xf32, #tpu.memory_space<hbm>> -> memref<1x64xf32, #tpu.memory_space<hbm>>
      tpu.wait_dma2 semaphore(%dma_wait3A_1621 : memref<!tpu.dma_semaphore, #tpu.memory_space<semaphore_mem>>) src(%dma_wait3A_1630 : memref<1x64xf32, #tpu.memory_space<hbm>>) dst(%dma_wait3A_1628 : memref<1x64xf32, #tpu.memory_space<vmem>>)
      %dma_wait3A_1631 = arith.constant 0 : i32
      %dma_wait3A_1632 = arith.constant 0 : i32
      %dma_wait3A_1633 = arith.constant 0 : i32
      %dma_wait3A_1634 = arith.constant 0 : i32
      %dma_wait3A_1635 = tpu.memref_slice %arg6[%dma_wait3A_1631, %dma_wait3A_1633, %dma_wait3A_1634] : memref<2x32x64xf32, #tpu.memory_space<vmem>> -> memref<1x32x64xf32, #tpu.memory_space<vmem>>
      %dma_wait3A_1636 = tpu.memref_squeeze %dma_wait3A_1635 : memref<1x32x64xf32, #tpu.memory_space<vmem>> -> memref<32x64xf32, #tpu.memory_space<vmem>>
      %dma_wait3A_1637 = arith.constant 1 : i32
      %dma_wait3A_1638 = arith.constant 0 : i32
      %dma_wait3A_1639 = tpu.memref_slice %dma_wait3A_1636[%dma_wait3A_1637, %dma_wait3A_1638] : memref<32x64xf32, #tpu.memory_space<vmem>> -> memref<1x64xf32, #tpu.memory_space<vmem>>
      %dma_wait3A_1640 = arith.constant 0 : i32
      %dma_wait3A_1641 = tpu.memref_slice %arg2[%squeeze3A_77, %dma_wait3A_1640] : memref<1000001x64xf32, #tpu.memory_space<hbm>> -> memref<1x64xf32, #tpu.memory_space<hbm>>
      %dma_wait3A_1642 = tpu.memref_slice %arg7[%dma_wait3A_1632] : memref<2x!tpu.dma_semaphore, #tpu.memory_space<semaphore_mem>> -> memref<1x!tpu.dma_semaphore, #tpu.memory_space<semaphore_mem>>
      %dma_wait3A_1643 = tpu.memref_squeeze %dma_wait3A_1642 : memref<1x!tpu.dma_semaphore, #tpu.memory_space<semaphore_mem>> -> memref<!tpu.dma_semaphore, #tpu.memory_space<semaphore_mem>>
      %dma_wait3A_1644 = arith.constant 0 : i32
      %dma_wait3A_1645 = arith.constant 0 : i32
      %dma_wait3A_1646 = tpu.memref_slice %arg6[%dma_wait3A_1631, %dma_wait3A_1644, %dma_wait3A_1645] : memref<2x32x64xf32, #tpu.memory_space<vmem>> -> memref<1x32x64xf32, #tpu.memory_space<vmem>>
      %dma_wait3A_1647 = tpu.memref_squeeze %dma_wait3A_1646 : memref<1x32x64xf32, #tpu.memory_space<vmem>> -> memref<32x64xf32, #tpu.memory_space<vmem>>
      %dma_wait3A_1648 = arith.constant 1 : i32
      %dma_wait3A_1649 = arith.constant 0 : i32
      %dma_wait3A_1650 = tpu.memref_slice %dma_wait3A_1647[%dma_wait3A_1648, %dma_wait3A_1649] : memref<32x64xf32, #tpu.memory_space<vmem>> -> memref<1x64xf32, #tpu.memory_space<vmem>>
      %dma_wait3A_1651 = arith.constant 0 : i32
      %dma_wait3A_1652 = tpu.memref_slice %arg2[%squeeze3A_77, %dma_wait3A_1651] : memref<1000001x64xf32, #tpu.memory_space<hbm>> -> memref<1x64xf32, #tpu.memory_space<hbm>>
      tpu.wait_dma2 semaphore(%dma_wait3A_1643 : memref<!tpu.dma_semaphore, #tpu.memory_space<semaphore_mem>>) src(%dma_wait3A_1652 : memref<1x64xf32, #tpu.memory_space<hbm>>) dst(%dma_wait3A_1650 : memref<1x64xf32, #tpu.memory_space<vmem>>)
      %dma_wait3A_1653 = arith.constant 0 : i32
      %dma_wait3A_1654 = arith.constant 0 : i32
      %dma_wait3A_1655 = arith.constant 0 : i32
      %dma_wait3A_1656 = arith.constant 0 : i32
      %dma_wait3A_1657 = tpu.memref_slice %arg6[%dma_wait3A_1653, %dma_wait3A_1655, %dma_wait3A_1656] : memref<2x32x64xf32, #tpu.memory_space<vmem>> -> memref<1x32x64xf32, #tpu.memory_space<vmem>>
      %dma_wait3A_1658 = tpu.memref_squeeze %dma_wait3A_1657 : memref<1x32x64xf32, #tpu.memory_space<vmem>> -> memref<32x64xf32, #tpu.memory_space<vmem>>
      %dma_wait3A_1659 = arith.constant 2 : i32
      %dma_wait3A_1660 = arith.constant 0 : i32
      %dma_wait3A_1661 = tpu.memref_slice %dma_wait3A_1658[%dma_wait3A_1659, %dma_wait3A_1660] : memref<32x64xf32, #tpu.memory_space<vmem>> -> memref<1x64xf32, #tpu.memory_space<vmem>>
      %dma_wait3A_1662 = arith.constant 0 : i32
      %dma_wait3A_1663 = tpu.memref_slice %arg2[%squeeze3A_101, %dma_wait3A_1662] : memref<1000001x64xf32, #tpu.memory_space<hbm>> -> memref<1x64xf32, #tpu.memory_space<hbm>>
      %dma_wait3A_1664 = tpu.memref_slice %arg7[%dma_wait3A_1654] : memref<2x!tpu.dma_semaphore, #tpu.memory_space<semaphore_mem>> -> memref<1x!tpu.dma_semaphore, #tpu.memory_space<semaphore_mem>>
      %dma_wait3A_1665 = tpu.memref_squeeze %dma_wait3A_1664 : memref<1x!tpu.dma_semaphore, #tpu.memory_space<semaphore_mem>> -> memref<!tpu.dma_semaphore, #tpu.memory_space<semaphore_mem>>
      %dma_wait3A_1666 = arith.constant 0 : i32
      %dma_wait3A_1667 = arith.constant 0 : i32
      %dma_wait3A_1668 = tpu.memref_slice %arg6[%dma_wait3A_1653, %dma_wait3A_1666, %dma_wait3A_1667] : memref<2x32x64xf32, #tpu.memory_space<vmem>> -> memref<1x32x64xf32, #tpu.memory_space<vmem>>
      %dma_wait3A_1669 = tpu.memref_squeeze %dma_wait3A_1668 : memref<1x32x64xf32, #tpu.memory_space<vmem>> -> memref<32x64xf32, #tpu.memory_space<vmem>>
      %dma_wait3A_1670 = arith.constant 2 : i32
      %dma_wait3A_1671 = arith.constant 0 : i32
      %dma_wait3A_1672 = tpu.memref_slice %dma_wait3A_1669[%dma_wait3A_1670, %dma_wait3A_1671] : memref<32x64xf32, #tpu.memory_space<vmem>> -> memref<1x64xf32, #tpu.memory_space<vmem>>
      %dma_wait3A_1673 = arith.constant 0 : i32
      %dma_wait3A_1674 = tpu.memref_slice %arg2[%squeeze3A_101, %dma_wait3A_1673] : memref<1000001x64xf32, #tpu.memory_space<hbm>> -> memref<1x64xf32, #tpu.memory_space<hbm>>
      tpu.wait_dma2 semaphore(%dma_wait3A_1665 : memref<!tpu.dma_semaphore, #tpu.memory_space<semaphore_mem>>) src(%dma_wait3A_1674 : memref<1x64xf32, #tpu.memory_space<hbm>>) dst(%dma_wait3A_1672 : memref<1x64xf32, #tpu.memory_space<vmem>>)
      %dma_wait3A_1675 = arith.constant 0 : i32
      %dma_wait3A_1676 = arith.constant 0 : i32
      %dma_wait3A_1677 = arith.constant 0 : i32
      %dma_wait3A_1678 = arith.constant 0 : i32
      %dma_wait3A_1679 = tpu.memref_slice %arg6[%dma_wait3A_1675, %dma_wait3A_1677, %dma_wait3A_1678] : memref<2x32x64xf32, #tpu.memory_space<vmem>> -> memref<1x32x64xf32, #tpu.memory_space<vmem>>
      %dma_wait3A_1680 = tpu.memref_squeeze %dma_wait3A_1679 : memref<1x32x64xf32, #tpu.memory_space<vmem>> -> memref<32x64xf32, #tpu.memory_space<vmem>>
      %dma_wait3A_1681 = arith.constant 3 : i32
      %dma_wait3A_1682 = arith.constant 0 : i32
      %dma_wait3A_1683 = tpu.memref_slice %dma_wait3A_1680[%dma_wait3A_1681, %dma_wait3A_1682] : memref<32x64xf32, #tpu.memory_space<vmem>> -> memref<1x64xf32, #tpu.memory_space<vmem>>
      %dma_wait3A_1684 = arith.constant 0 : i32
      %dma_wait3A_1685 = tpu.memref_slice %arg2[%squeeze3A_125, %dma_wait3A_1684] : memref<1000001x64xf32, #tpu.memory_space<hbm>> -> memref<1x64xf32, #tpu.memory_space<hbm>>
      %dma_wait3A_1686 = tpu.memref_slice %arg7[%dma_wait3A_1676] : memref<2x!tpu.dma_semaphore, #tpu.memory_space<semaphore_mem>> -> memref<1x!tpu.dma_semaphore, #tpu.memory_space<semaphore_mem>>
      %dma_wait3A_1687 = tpu.memref_squeeze %dma_wait3A_1686 : memref<1x!tpu.dma_semaphore, #tpu.memory_space<semaphore_mem>> -> memref<!tpu.dma_semaphore, #tpu.memory_space<semaphore_mem>>
      %dma_wait3A_1688 = arith.constant 0 : i32
      %dma_wait3A_1689 = arith.constant 0 : i32
      %dma_wait3A_1690 = tpu.memref_slice %arg6[%dma_wait3A_1675, %dma_wait3A_1688, %dma_wait3A_1689] : memref<2x32x64xf32, #tpu.memory_space<vmem>> -> memref<1x32x64xf32, #tpu.memory_space<vmem>>
      %dma_wait3A_1691 = tpu.memref_squeeze %dma_wait3A_1690 : memref<1x32x64xf32, #tpu.memory_space<vmem>> -> memref<32x64xf32, #tpu.memory_space<vmem>>
      %dma_wait3A_1692 = arith.constant 3 : i32
      %dma_wait3A_1693 = arith.constant 0 : i32
      %dma_wait3A_1694 = tpu.memref_slice %dma_wait3A_1691[%dma_wait3A_1692, %dma_wait3A_1693] : memref<32x64xf32, #tpu.memory_space<vmem>> -> memref<1x64xf32, #tpu.memory_space<vmem>>
      %dma_wait3A_1695 = arith.constant 0 : i32
      %dma_wait3A_1696 = tpu.memref_slice %arg2[%squeeze3A_125, %dma_wait3A_1695] : memref<1000001x64xf32, #tpu.memory_space<hbm>> -> memref<1x64xf32, #tpu.memory_space<hbm>>
      tpu.wait_dma2 semaphore(%dma_wait3A_1687 : memref<!tpu.dma_semaphore, #tpu.memory_space<semaphore_mem>>) src(%dma_wait3A_1696 : memref<1x64xf32, #tpu.memory_space<hbm>>) dst(%dma_wait3A_1694 : memref<1x64xf32, #tpu.memory_space<vmem>>)
      %dma_wait3A_1697 = arith.constant 0 : i32
      %dma_wait3A_1698 = arith.constant 0 : i32
      %dma_wait3A_1699 = arith.constant 0 : i32
      %dma_wait3A_1700 = arith.constant 0 : i32
      %dma_wait3A_1701 = tpu.memref_slice %arg6[%dma_wait3A_1697, %dma_wait3A_1699, %dma_wait3A_1700] : memref<2x32x64xf32, #tpu.memory_space<vmem>> -> memref<1x32x64xf32, #tpu.memory_space<vmem>>
      %dma_wait3A_1702 = tpu.memref_squeeze %dma_wait3A_1701 : memref<1x32x64xf32, #tpu.memory_space<vmem>> -> memref<32x64xf32, #tpu.memory_space<vmem>>
      %dma_wait3A_1703 = arith.constant 4 : i32
      %dma_wait3A_1704 = arith.constant 0 : i32
      %dma_wait3A_1705 = tpu.memref_slice %dma_wait3A_1702[%dma_wait3A_1703, %dma_wait3A_1704] : memref<32x64xf32, #tpu.memory_space<vmem>> -> memref<1x64xf32, #tpu.memory_space<vmem>>
      %dma_wait3A_1706 = arith.constant 0 : i32
      %dma_wait3A_1707 = tpu.memref_slice %arg2[%squeeze3A_149, %dma_wait3A_1706] : memref<1000001x64xf32, #tpu.memory_space<hbm>> -> memref<1x64xf32, #tpu.memory_space<hbm>>
      %dma_wait3A_1708 = tpu.memref_slice %arg7[%dma_wait3A_1698] : memref<2x!tpu.dma_semaphore, #tpu.memory_space<semaphore_mem>> -> memref<1x!tpu.dma_semaphore, #tpu.memory_space<semaphore_mem>>
      %dma_wait3A_1709 = tpu.memref_squeeze %dma_wait3A_1708 : memref<1x!tpu.dma_semaphore, #tpu.memory_space<semaphore_mem>> -> memref<!tpu.dma_semaphore, #tpu.memory_space<semaphore_mem>>
      %dma_wait3A_1710 = arith.constant 0 : i32
      %dma_wait3A_1711 = arith.constant 0 : i32
      %dma_wait3A_1712 = tpu.memref_slice %arg6[%dma_wait3A_1697, %dma_wait3A_1710, %dma_wait3A_1711] : memref<2x32x64xf32, #tpu.memory_space<vmem>> -> memref<1x32x64xf32, #tpu.memory_space<vmem>>
      %dma_wait3A_1713 = tpu.memref_squeeze %dma_wait3A_1712 : memref<1x32x64xf32, #tpu.memory_space<vmem>> -> memref<32x64xf32, #tpu.memory_space<vmem>>
      %dma_wait3A_1714 = arith.constant 4 : i32
      %dma_wait3A_1715 = arith.constant 0 : i32
      %dma_wait3A_1716 = tpu.memref_slice %dma_wait3A_1713[%dma_wait3A_1714, %dma_wait3A_1715] : memref<32x64xf32, #tpu.memory_space<vmem>> -> memref<1x64xf32, #tpu.memory_space<vmem>>
      %dma_wait3A_1717 = arith.constant 0 : i32
      %dma_wait3A_1718 = tpu.memref_slice %arg2[%squeeze3A_149, %dma_wait3A_1717] : memref<1000001x64xf32, #tpu.memory_space<hbm>> -> memref<1x64xf32, #tpu.memory_space<hbm>>
      tpu.wait_dma2 semaphore(%dma_wait3A_1709 : memref<!tpu.dma_semaphore, #tpu.memory_space<semaphore_mem>>) src(%dma_wait3A_1718 : memref<1x64xf32, #tpu.memory_space<hbm>>) dst(%dma_wait3A_1716 : memref<1x64xf32, #tpu.memory_space<vmem>>)
      %dma_wait3A_1719 = arith.constant 0 : i32
      %dma_wait3A_1720 = arith.constant 0 : i32
      %dma_wait3A_1721 = arith.constant 0 : i32
      %dma_wait3A_1722 = arith.constant 0 : i32
      %dma_wait3A_1723 = tpu.memref_slice %arg6[%dma_wait3A_1719, %dma_wait3A_1721, %dma_wait3A_1722] : memref<2x32x64xf32, #tpu.memory_space<vmem>> -> memref<1x32x64xf32, #tpu.memory_space<vmem>>
      %dma_wait3A_1724 = tpu.memref_squeeze %dma_wait3A_1723 : memref<1x32x64xf32, #tpu.memory_space<vmem>> -> memref<32x64xf32, #tpu.memory_space<vmem>>
      %dma_wait3A_1725 = arith.constant 5 : i32
      %dma_wait3A_1726 = arith.constant 0 : i32
      %dma_wait3A_1727 = tpu.memref_slice %dma_wait3A_1724[%dma_wait3A_1725, %dma_wait3A_1726] : memref<32x64xf32, #tpu.memory_space<vmem>> -> memref<1x64xf32, #tpu.memory_space<vmem>>
      %dma_wait3A_1728 = arith.constant 0 : i32
      %dma_wait3A_1729 = tpu.memref_slice %arg2[%squeeze3A_173, %dma_wait3A_1728] : memref<1000001x64xf32, #tpu.memory_space<hbm>> -> memref<1x64xf32, #tpu.memory_space<hbm>>
      %dma_wait3A_1730 = tpu.memref_slice %arg7[%dma_wait3A_1720] : memref<2x!tpu.dma_semaphore, #tpu.memory_space<semaphore_mem>> -> memref<1x!tpu.dma_semaphore, #tpu.memory_space<semaphore_mem>>
      %dma_wait3A_1731 = tpu.memref_squeeze %dma_wait3A_1730 : memref<1x!tpu.dma_semaphore, #tpu.memory_space<semaphore_mem>> -> memref<!tpu.dma_semaphore, #tpu.memory_space<semaphore_mem>>
      %dma_wait3A_1732 = arith.constant 0 : i32
      %dma_wait3A_1733 = arith.constant 0 : i32
      %dma_wait3A_1734 = tpu.memref_slice %arg6[%dma_wait3A_1719, %dma_wait3A_1732, %dma_wait3A_1733] : memref<2x32x64xf32, #tpu.memory_space<vmem>> -> memref<1x32x64xf32, #tpu.memory_space<vmem>>
      %dma_wait3A_1735 = tpu.memref_squeeze %dma_wait3A_1734 : memref<1x32x64xf32, #tpu.memory_space<vmem>> -> memref<32x64xf32, #tpu.memory_space<vmem>>
      %dma_wait3A_1736 = arith.constant 5 : i32
      %dma_wait3A_1737 = arith.constant 0 : i32
      %dma_wait3A_1738 = tpu.memref_slice %dma_wait3A_1735[%dma_wait3A_1736, %dma_wait3A_1737] : memref<32x64xf32, #tpu.memory_space<vmem>> -> memref<1x64xf32, #tpu.memory_space<vmem>>
      %dma_wait3A_1739 = arith.constant 0 : i32
      %dma_wait3A_1740 = tpu.memref_slice %arg2[%squeeze3A_173, %dma_wait3A_1739] : memref<1000001x64xf32, #tpu.memory_space<hbm>> -> memref<1x64xf32, #tpu.memory_space<hbm>>
      tpu.wait_dma2 semaphore(%dma_wait3A_1731 : memref<!tpu.dma_semaphore, #tpu.memory_space<semaphore_mem>>) src(%dma_wait3A_1740 : memref<1x64xf32, #tpu.memory_space<hbm>>) dst(%dma_wait3A_1738 : memref<1x64xf32, #tpu.memory_space<vmem>>)
      %dma_wait3A_1741 = arith.constant 0 : i32
      %dma_wait3A_1742 = arith.constant 0 : i32
      %dma_wait3A_1743 = arith.constant 0 : i32
      %dma_wait3A_1744 = arith.constant 0 : i32
      %dma_wait3A_1745 = tpu.memref_slice %arg6[%dma_wait3A_1741, %dma_wait3A_1743, %dma_wait3A_1744] : memref<2x32x64xf32, #tpu.memory_space<vmem>> -> memref<1x32x64xf32, #tpu.memory_space<vmem>>
      %dma_wait3A_1746 = tpu.memref_squeeze %dma_wait3A_1745 : memref<1x32x64xf32, #tpu.memory_space<vmem>> -> memref<32x64xf32, #tpu.memory_space<vmem>>
      %dma_wait3A_1747 = arith.constant 6 : i32
      %dma_wait3A_1748 = arith.constant 0 : i32
      %dma_wait3A_1749 = tpu.memref_slice %dma_wait3A_1746[%dma_wait3A_1747, %dma_wait3A_1748] : memref<32x64xf32, #tpu.memory_space<vmem>> -> memref<1x64xf32, #tpu.memory_space<vmem>>
      %dma_wait3A_1750 = arith.constant 0 : i32
      %dma_wait3A_1751 = tpu.memref_slice %arg2[%squeeze3A_197, %dma_wait3A_1750] : memref<1000001x64xf32, #tpu.memory_space<hbm>> -> memref<1x64xf32, #tpu.memory_space<hbm>>
      %dma_wait3A_1752 = tpu.memref_slice %arg7[%dma_wait3A_1742] : memref<2x!tpu.dma_semaphore, #tpu.memory_space<semaphore_mem>> -> memref<1x!tpu.dma_semaphore, #tpu.memory_space<semaphore_mem>>
      %dma_wait3A_1753 = tpu.memref_squeeze %dma_wait3A_1752 : memref<1x!tpu.dma_semaphore, #tpu.memory_space<semaphore_mem>> -> memref<!tpu.dma_semaphore, #tpu.memory_space<semaphore_mem>>
      %dma_wait3A_1754 = arith.constant 0 : i32
      %dma_wait3A_1755 = arith.constant 0 : i32
      %dma_wait3A_1756 = tpu.memref_slice %arg6[%dma_wait3A_1741, %dma_wait3A_1754, %dma_wait3A_1755] : memref<2x32x64xf32, #tpu.memory_space<vmem>> -> memref<1x32x64xf32, #tpu.memory_space<vmem>>
      %dma_wait3A_1757 = tpu.memref_squeeze %dma_wait3A_1756 : memref<1x32x64xf32, #tpu.memory_space<vmem>> -> memref<32x64xf32, #tpu.memory_space<vmem>>
      %dma_wait3A_1758 = arith.constant 6 : i32
      %dma_wait3A_1759 = arith.constant 0 : i32
      %dma_wait3A_1760 = tpu.memref_slice %dma_wait3A_1757[%dma_wait3A_1758, %dma_wait3A_1759] : memref<32x64xf32, #tpu.memory_space<vmem>> -> memref<1x64xf32, #tpu.memory_space<vmem>>
      %dma_wait3A_1761 = arith.constant 0 : i32
      %dma_wait3A_1762 = tpu.memref_slice %arg2[%squeeze3A_197, %dma_wait3A_1761] : memref<1000001x64xf32, #tpu.memory_space<hbm>> -> memref<1x64xf32, #tpu.memory_space<hbm>>
      tpu.wait_dma2 semaphore(%dma_wait3A_1753 : memref<!tpu.dma_semaphore, #tpu.memory_space<semaphore_mem>>) src(%dma_wait3A_1762 : memref<1x64xf32, #tpu.memory_space<hbm>>) dst(%dma_wait3A_1760 : memref<1x64xf32, #tpu.memory_space<vmem>>)
      %dma_wait3A_1763 = arith.constant 0 : i32
      %dma_wait3A_1764 = arith.constant 0 : i32
      %dma_wait3A_1765 = arith.constant 0 : i32
      %dma_wait3A_1766 = arith.constant 0 : i32
      %dma_wait3A_1767 = tpu.memref_slice %arg6[%dma_wait3A_1763, %dma_wait3A_1765, %dma_wait3A_1766] : memref<2x32x64xf32, #tpu.memory_space<vmem>> -> memref<1x32x64xf32, #tpu.memory_space<vmem>>
      %dma_wait3A_1768 = tpu.memref_squeeze %dma_wait3A_1767 : memref<1x32x64xf32, #tpu.memory_space<vmem>> -> memref<32x64xf32, #tpu.memory_space<vmem>>
      %dma_wait3A_1769 = arith.constant 7 : i32
      %dma_wait3A_1770 = arith.constant 0 : i32
      %dma_wait3A_1771 = tpu.memref_slice %dma_wait3A_1768[%dma_wait3A_1769, %dma_wait3A_1770] : memref<32x64xf32, #tpu.memory_space<vmem>> -> memref<1x64xf32, #tpu.memory_space<vmem>>
      %dma_wait3A_1772 = arith.constant 0 : i32
      %dma_wait3A_1773 = tpu.memref_slice %arg2[%squeeze3A_221, %dma_wait3A_1772] : memref<1000001x64xf32, #tpu.memory_space<hbm>> -> memref<1x64xf32, #tpu.memory_space<hbm>>
      %dma_wait3A_1774 = tpu.memref_slice %arg7[%dma_wait3A_1764] : memref<2x!tpu.dma_semaphore, #tpu.memory_space<semaphore_mem>> -> memref<1x!tpu.dma_semaphore, #tpu.memory_space<semaphore_mem>>
      %dma_wait3A_1775 = tpu.memref_squeeze %dma_wait3A_1774 : memref<1x!tpu.dma_semaphore, #tpu.memory_space<semaphore_mem>> -> memref<!tpu.dma_semaphore, #tpu.memory_space<semaphore_mem>>
      %dma_wait3A_1776 = arith.constant 0 : i32
      %dma_wait3A_1777 = arith.constant 0 : i32
      %dma_wait3A_1778 = tpu.memref_slice %arg6[%dma_wait3A_1763, %dma_wait3A_1776, %dma_wait3A_1777] : memref<2x32x64xf32, #tpu.memory_space<vmem>> -> memref<1x32x64xf32, #tpu.memory_space<vmem>>
      %dma_wait3A_1779 = tpu.memref_squeeze %dma_wait3A_1778 : memref<1x32x64xf32, #tpu.memory_space<vmem>> -> memref<32x64xf32, #tpu.memory_space<vmem>>
      %dma_wait3A_1780 = arith.constant 7 : i32
      %dma_wait3A_1781 = arith.constant 0 : i32
      %dma_wait3A_1782 = tpu.memref_slice %dma_wait3A_1779[%dma_wait3A_1780, %dma_wait3A_1781] : memref<32x64xf32, #tpu.memory_space<vmem>> -> memref<1x64xf32, #tpu.memory_space<vmem>>
      %dma_wait3A_1783 = arith.constant 0 : i32
      %dma_wait3A_1784 = tpu.memref_slice %arg2[%squeeze3A_221, %dma_wait3A_1783] : memref<1000001x64xf32, #tpu.memory_space<hbm>> -> memref<1x64xf32, #tpu.memory_space<hbm>>
      tpu.wait_dma2 semaphore(%dma_wait3A_1775 : memref<!tpu.dma_semaphore, #tpu.memory_space<semaphore_mem>>) src(%dma_wait3A_1784 : memref<1x64xf32, #tpu.memory_space<hbm>>) dst(%dma_wait3A_1782 : memref<1x64xf32, #tpu.memory_space<vmem>>)
      %dma_wait3A_1785 = arith.constant 0 : i32
      %dma_wait3A_1786 = arith.constant 0 : i32
      %dma_wait3A_1787 = arith.constant 0 : i32
      %dma_wait3A_1788 = arith.constant 0 : i32
      %dma_wait3A_1789 = tpu.memref_slice %arg6[%dma_wait3A_1785, %dma_wait3A_1787, %dma_wait3A_1788] : memref<2x32x64xf32, #tpu.memory_space<vmem>> -> memref<1x32x64xf32, #tpu.memory_space<vmem>>
      %dma_wait3A_1790 = tpu.memref_squeeze %dma_wait3A_1789 : memref<1x32x64xf32, #tpu.memory_space<vmem>> -> memref<32x64xf32, #tpu.memory_space<vmem>>
      %dma_wait3A_1791 = arith.constant 8 : i32
      %dma_wait3A_1792 = arith.constant 0 : i32
      %dma_wait3A_1793 = tpu.memref_slice %dma_wait3A_1790[%dma_wait3A_1791, %dma_wait3A_1792] : memref<32x64xf32, #tpu.memory_space<vmem>> -> memref<1x64xf32, #tpu.memory_space<vmem>>
      %dma_wait3A_1794 = arith.constant 0 : i32
      %dma_wait3A_1795 = tpu.memref_slice %arg2[%squeeze3A_245, %dma_wait3A_1794] : memref<1000001x64xf32, #tpu.memory_space<hbm>> -> memref<1x64xf32, #tpu.memory_space<hbm>>
      %dma_wait3A_1796 = tpu.memref_slice %arg7[%dma_wait3A_1786] : memref<2x!tpu.dma_semaphore, #tpu.memory_space<semaphore_mem>> -> memref<1x!tpu.dma_semaphore, #tpu.memory_space<semaphore_mem>>
      %dma_wait3A_1797 = tpu.memref_squeeze %dma_wait3A_1796 : memref<1x!tpu.dma_semaphore, #tpu.memory_space<semaphore_mem>> -> memref<!tpu.dma_semaphore, #tpu.memory_space<semaphore_mem>>
      %dma_wait3A_1798 = arith.constant 0 : i32
      %dma_wait3A_1799 = arith.constant 0 : i32
      %dma_wait3A_1800 = tpu.memref_slice %arg6[%dma_wait3A_1785, %dma_wait3A_1798, %dma_wait3A_1799] : memref<2x32x64xf32, #tpu.memory_space<vmem>> -> memref<1x32x64xf32, #tpu.memory_space<vmem>>
      %dma_wait3A_1801 = tpu.memref_squeeze %dma_wait3A_1800 : memref<1x32x64xf32, #tpu.memory_space<vmem>> -> memref<32x64xf32, #tpu.memory_space<vmem>>
      %dma_wait3A_1802 = arith.constant 8 : i32
      %dma_wait3A_1803 = arith.constant 0 : i32
      %dma_wait3A_1804 = tpu.memref_slice %dma_wait3A_1801[%dma_wait3A_1802, %dma_wait3A_1803] : memref<32x64xf32, #tpu.memory_space<vmem>> -> memref<1x64xf32, #tpu.memory_space<vmem>>
      %dma_wait3A_1805 = arith.constant 0 : i32
      %dma_wait3A_1806 = tpu.memref_slice %arg2[%squeeze3A_245, %dma_wait3A_1805] : memref<1000001x64xf32, #tpu.memory_space<hbm>> -> memref<1x64xf32, #tpu.memory_space<hbm>>
      tpu.wait_dma2 semaphore(%dma_wait3A_1797 : memref<!tpu.dma_semaphore, #tpu.memory_space<semaphore_mem>>) src(%dma_wait3A_1806 : memref<1x64xf32, #tpu.memory_space<hbm>>) dst(%dma_wait3A_1804 : memref<1x64xf32, #tpu.memory_space<vmem>>)
      %dma_wait3A_1807 = arith.constant 0 : i32
      %dma_wait3A_1808 = arith.constant 0 : i32
      %dma_wait3A_1809 = arith.constant 0 : i32
      %dma_wait3A_1810 = arith.constant 0 : i32
      %dma_wait3A_1811 = tpu.memref_slice %arg6[%dma_wait3A_1807, %dma_wait3A_1809, %dma_wait3A_1810] : memref<2x32x64xf32, #tpu.memory_space<vmem>> -> memref<1x32x64xf32, #tpu.memory_space<vmem>>
      %dma_wait3A_1812 = tpu.memref_squeeze %dma_wait3A_1811 : memref<1x32x64xf32, #tpu.memory_space<vmem>> -> memref<32x64xf32, #tpu.memory_space<vmem>>
      %dma_wait3A_1813 = arith.constant 9 : i32
      %dma_wait3A_1814 = arith.constant 0 : i32
      %dma_wait3A_1815 = tpu.memref_slice %dma_wait3A_1812[%dma_wait3A_1813, %dma_wait3A_1814] : memref<32x64xf32, #tpu.memory_space<vmem>> -> memref<1x64xf32, #tpu.memory_space<vmem>>
      %dma_wait3A_1816 = arith.constant 0 : i32
      %dma_wait3A_1817 = tpu.memref_slice %arg2[%squeeze3A_269, %dma_wait3A_1816] : memref<1000001x64xf32, #tpu.memory_space<hbm>> -> memref<1x64xf32, #tpu.memory_space<hbm>>
      %dma_wait3A_1818 = tpu.memref_slice %arg7[%dma_wait3A_1808] : memref<2x!tpu.dma_semaphore, #tpu.memory_space<semaphore_mem>> -> memref<1x!tpu.dma_semaphore, #tpu.memory_space<semaphore_mem>>
      %dma_wait3A_1819 = tpu.memref_squeeze %dma_wait3A_1818 : memref<1x!tpu.dma_semaphore, #tpu.memory_space<semaphore_mem>> -> memref<!tpu.dma_semaphore, #tpu.memory_space<semaphore_mem>>
      %dma_wait3A_1820 = arith.constant 0 : i32
      %dma_wait3A_1821 = arith.constant 0 : i32
      %dma_wait3A_1822 = tpu.memref_slice %arg6[%dma_wait3A_1807, %dma_wait3A_1820, %dma_wait3A_1821] : memref<2x32x64xf32, #tpu.memory_space<vmem>> -> memref<1x32x64xf32, #tpu.memory_space<vmem>>
      %dma_wait3A_1823 = tpu.memref_squeeze %dma_wait3A_1822 : memref<1x32x64xf32, #tpu.memory_space<vmem>> -> memref<32x64xf32, #tpu.memory_space<vmem>>
      %dma_wait3A_1824 = arith.constant 9 : i32
      %dma_wait3A_1825 = arith.constant 0 : i32
      %dma_wait3A_1826 = tpu.memref_slice %dma_wait3A_1823[%dma_wait3A_1824, %dma_wait3A_1825] : memref<32x64xf32, #tpu.memory_space<vmem>> -> memref<1x64xf32, #tpu.memory_space<vmem>>
      %dma_wait3A_1827 = arith.constant 0 : i32
      %dma_wait3A_1828 = tpu.memref_slice %arg2[%squeeze3A_269, %dma_wait3A_1827] : memref<1000001x64xf32, #tpu.memory_space<hbm>> -> memref<1x64xf32, #tpu.memory_space<hbm>>
      tpu.wait_dma2 semaphore(%dma_wait3A_1819 : memref<!tpu.dma_semaphore, #tpu.memory_space<semaphore_mem>>) src(%dma_wait3A_1828 : memref<1x64xf32, #tpu.memory_space<hbm>>) dst(%dma_wait3A_1826 : memref<1x64xf32, #tpu.memory_space<vmem>>)
      %dma_wait3A_1829 = arith.constant 0 : i32
      %dma_wait3A_1830 = arith.constant 0 : i32
      %dma_wait3A_1831 = arith.constant 0 : i32
      %dma_wait3A_1832 = arith.constant 0 : i32
      %dma_wait3A_1833 = tpu.memref_slice %arg6[%dma_wait3A_1829, %dma_wait3A_1831, %dma_wait3A_1832] : memref<2x32x64xf32, #tpu.memory_space<vmem>> -> memref<1x32x64xf32, #tpu.memory_space<vmem>>
      %dma_wait3A_1834 = tpu.memref_squeeze %dma_wait3A_1833 : memref<1x32x64xf32, #tpu.memory_space<vmem>> -> memref<32x64xf32, #tpu.memory_space<vmem>>
      %dma_wait3A_1835 = arith.constant 10 : i32
      %dma_wait3A_1836 = arith.constant 0 : i32
      %dma_wait3A_1837 = tpu.memref_slice %dma_wait3A_1834[%dma_wait3A_1835, %dma_wait3A_1836] : memref<32x64xf32, #tpu.memory_space<vmem>> -> memref<1x64xf32, #tpu.memory_space<vmem>>
      %dma_wait3A_1838 = arith.constant 0 : i32
      %dma_wait3A_1839 = tpu.memref_slice %arg2[%squeeze3A_293, %dma_wait3A_1838] : memref<1000001x64xf32, #tpu.memory_space<hbm>> -> memref<1x64xf32, #tpu.memory_space<hbm>>
      %dma_wait3A_1840 = tpu.memref_slice %arg7[%dma_wait3A_1830] : memref<2x!tpu.dma_semaphore, #tpu.memory_space<semaphore_mem>> -> memref<1x!tpu.dma_semaphore, #tpu.memory_space<semaphore_mem>>
      %dma_wait3A_1841 = tpu.memref_squeeze %dma_wait3A_1840 : memref<1x!tpu.dma_semaphore, #tpu.memory_space<semaphore_mem>> -> memref<!tpu.dma_semaphore, #tpu.memory_space<semaphore_mem>>
      %dma_wait3A_1842 = arith.constant 0 : i32
      %dma_wait3A_1843 = arith.constant 0 : i32
      %dma_wait3A_1844 = tpu.memref_slice %arg6[%dma_wait3A_1829, %dma_wait3A_1842, %dma_wait3A_1843] : memref<2x32x64xf32, #tpu.memory_space<vmem>> -> memref<1x32x64xf32, #tpu.memory_space<vmem>>
      %dma_wait3A_1845 = tpu.memref_squeeze %dma_wait3A_1844 : memref<1x32x64xf32, #tpu.memory_space<vmem>> -> memref<32x64xf32, #tpu.memory_space<vmem>>
      %dma_wait3A_1846 = arith.constant 10 : i32
      %dma_wait3A_1847 = arith.constant 0 : i32
      %dma_wait3A_1848 = tpu.memref_slice %dma_wait3A_1845[%dma_wait3A_1846, %dma_wait3A_1847] : memref<32x64xf32, #tpu.memory_space<vmem>> -> memref<1x64xf32, #tpu.memory_space<vmem>>
      %dma_wait3A_1849 = arith.constant 0 : i32
      %dma_wait3A_1850 = tpu.memref_slice %arg2[%squeeze3A_293, %dma_wait3A_1849] : memref<1000001x64xf32, #tpu.memory_space<hbm>> -> memref<1x64xf32, #tpu.memory_space<hbm>>
      tpu.wait_dma2 semaphore(%dma_wait3A_1841 : memref<!tpu.dma_semaphore, #tpu.memory_space<semaphore_mem>>) src(%dma_wait3A_1850 : memref<1x64xf32, #tpu.memory_space<hbm>>) dst(%dma_wait3A_1848 : memref<1x64xf32, #tpu.memory_space<vmem>>)
      %dma_wait3A_1851 = arith.constant 0 : i32
      %dma_wait3A_1852 = arith.constant 0 : i32
      %dma_wait3A_1853 = arith.constant 0 : i32
      %dma_wait3A_1854 = arith.constant 0 : i32
      %dma_wait3A_1855 = tpu.memref_slice %arg6[%dma_wait3A_1851, %dma_wait3A_1853, %dma_wait3A_1854] : memref<2x32x64xf32, #tpu.memory_space<vmem>> -> memref<1x32x64xf32, #tpu.memory_space<vmem>>
      %dma_wait3A_1856 = tpu.memref_squeeze %dma_wait3A_1855 : memref<1x32x64xf32, #tpu.memory_space<vmem>> -> memref<32x64xf32, #tpu.memory_space<vmem>>
      %dma_wait3A_1857 = arith.constant 11 : i32
      %dma_wait3A_1858 = arith.constant 0 : i32
      %dma_wait3A_1859 = tpu.memref_slice %dma_wait3A_1856[%dma_wait3A_1857, %dma_wait3A_1858] : memref<32x64xf32, #tpu.memory_space<vmem>> -> memref<1x64xf32, #tpu.memory_space<vmem>>
      %dma_wait3A_1860 = arith.constant 0 : i32
      %dma_wait3A_1861 = tpu.memref_slice %arg2[%squeeze3A_317, %dma_wait3A_1860] : memref<1000001x64xf32, #tpu.memory_space<hbm>> -> memref<1x64xf32, #tpu.memory_space<hbm>>
      %dma_wait3A_1862 = tpu.memref_slice %arg7[%dma_wait3A_1852] : memref<2x!tpu.dma_semaphore, #tpu.memory_space<semaphore_mem>> -> memref<1x!tpu.dma_semaphore, #tpu.memory_space<semaphore_mem>>
      %dma_wait3A_1863 = tpu.memref_squeeze %dma_wait3A_1862 : memref<1x!tpu.dma_semaphore, #tpu.memory_space<semaphore_mem>> -> memref<!tpu.dma_semaphore, #tpu.memory_space<semaphore_mem>>
      %dma_wait3A_1864 = arith.constant 0 : i32
      %dma_wait3A_1865 = arith.constant 0 : i32
      %dma_wait3A_1866 = tpu.memref_slice %arg6[%dma_wait3A_1851, %dma_wait3A_1864, %dma_wait3A_1865] : memref<2x32x64xf32, #tpu.memory_space<vmem>> -> memref<1x32x64xf32, #tpu.memory_space<vmem>>
      %dma_wait3A_1867 = tpu.memref_squeeze %dma_wait3A_1866 : memref<1x32x64xf32, #tpu.memory_space<vmem>> -> memref<32x64xf32, #tpu.memory_space<vmem>>
      %dma_wait3A_1868 = arith.constant 11 : i32
      %dma_wait3A_1869 = arith.constant 0 : i32
      %dma_wait3A_1870 = tpu.memref_slice %dma_wait3A_1867[%dma_wait3A_1868, %dma_wait3A_1869] : memref<32x64xf32, #tpu.memory_space<vmem>> -> memref<1x64xf32, #tpu.memory_space<vmem>>
      %dma_wait3A_1871 = arith.constant 0 : i32
      %dma_wait3A_1872 = tpu.memref_slice %arg2[%squeeze3A_317, %dma_wait3A_1871] : memref<1000001x64xf32, #tpu.memory_space<hbm>> -> memref<1x64xf32, #tpu.memory_space<hbm>>
      tpu.wait_dma2 semaphore(%dma_wait3A_1863 : memref<!tpu.dma_semaphore, #tpu.memory_space<semaphore_mem>>) src(%dma_wait3A_1872 : memref<1x64xf32, #tpu.memory_space<hbm>>) dst(%dma_wait3A_1870 : memref<1x64xf32, #tpu.memory_space<vmem>>)
      %dma_wait3A_1873 = arith.constant 0 : i32
      %dma_wait3A_1874 = arith.constant 0 : i32
      %dma_wait3A_1875 = arith.constant 0 : i32
      %dma_wait3A_1876 = arith.constant 0 : i32
      %dma_wait3A_1877 = tpu.memref_slice %arg6[%dma_wait3A_1873, %dma_wait3A_1875, %dma_wait3A_1876] : memref<2x32x64xf32, #tpu.memory_space<vmem>> -> memref<1x32x64xf32, #tpu.memory_space<vmem>>
      %dma_wait3A_1878 = tpu.memref_squeeze %dma_wait3A_1877 : memref<1x32x64xf32, #tpu.memory_space<vmem>> -> memref<32x64xf32, #tpu.memory_space<vmem>>
      %dma_wait3A_1879 = arith.constant 12 : i32
      %dma_wait3A_1880 = arith.constant 0 : i32
      %dma_wait3A_1881 = tpu.memref_slice %dma_wait3A_1878[%dma_wait3A_1879, %dma_wait3A_1880] : memref<32x64xf32, #tpu.memory_space<vmem>> -> memref<1x64xf32, #tpu.memory_space<vmem>>
      %dma_wait3A_1882 = arith.constant 0 : i32
      %dma_wait3A_1883 = tpu.memref_slice %arg2[%squeeze3A_341, %dma_wait3A_1882] : memref<1000001x64xf32, #tpu.memory_space<hbm>> -> memref<1x64xf32, #tpu.memory_space<hbm>>
      %dma_wait3A_1884 = tpu.memref_slice %arg7[%dma_wait3A_1874] : memref<2x!tpu.dma_semaphore, #tpu.memory_space<semaphore_mem>> -> memref<1x!tpu.dma_semaphore, #tpu.memory_space<semaphore_mem>>
      %dma_wait3A_1885 = tpu.memref_squeeze %dma_wait3A_1884 : memref<1x!tpu.dma_semaphore, #tpu.memory_space<semaphore_mem>> -> memref<!tpu.dma_semaphore, #tpu.memory_space<semaphore_mem>>
      %dma_wait3A_1886 = arith.constant 0 : i32
      %dma_wait3A_1887 = arith.constant 0 : i32
      %dma_wait3A_1888 = tpu.memref_slice %arg6[%dma_wait3A_1873, %dma_wait3A_1886, %dma_wait3A_1887] : memref<2x32x64xf32, #tpu.memory_space<vmem>> -> memref<1x32x64xf32, #tpu.memory_space<vmem>>
      %dma_wait3A_1889 = tpu.memref_squeeze %dma_wait3A_1888 : memref<1x32x64xf32, #tpu.memory_space<vmem>> -> memref<32x64xf32, #tpu.memory_space<vmem>>
      %dma_wait3A_1890 = arith.constant 12 : i32
      %dma_wait3A_1891 = arith.constant 0 : i32
      %dma_wait3A_1892 = tpu.memref_slice %dma_wait3A_1889[%dma_wait3A_1890, %dma_wait3A_1891] : memref<32x64xf32, #tpu.memory_space<vmem>> -> memref<1x64xf32, #tpu.memory_space<vmem>>
      %dma_wait3A_1893 = arith.constant 0 : i32
      %dma_wait3A_1894 = tpu.memref_slice %arg2[%squeeze3A_341, %dma_wait3A_1893] : memref<1000001x64xf32, #tpu.memory_space<hbm>> -> memref<1x64xf32, #tpu.memory_space<hbm>>
      tpu.wait_dma2 semaphore(%dma_wait3A_1885 : memref<!tpu.dma_semaphore, #tpu.memory_space<semaphore_mem>>) src(%dma_wait3A_1894 : memref<1x64xf32, #tpu.memory_space<hbm>>) dst(%dma_wait3A_1892 : memref<1x64xf32, #tpu.memory_space<vmem>>)
      %dma_wait3A_1895 = arith.constant 0 : i32
      %dma_wait3A_1896 = arith.constant 0 : i32
      %dma_wait3A_1897 = arith.constant 0 : i32
      %dma_wait3A_1898 = arith.constant 0 : i32
      %dma_wait3A_1899 = tpu.memref_slice %arg6[%dma_wait3A_1895, %dma_wait3A_1897, %dma_wait3A_1898] : memref<2x32x64xf32, #tpu.memory_space<vmem>> -> memref<1x32x64xf32, #tpu.memory_space<vmem>>
      %dma_wait3A_1900 = tpu.memref_squeeze %dma_wait3A_1899 : memref<1x32x64xf32, #tpu.memory_space<vmem>> -> memref<32x64xf32, #tpu.memory_space<vmem>>
      %dma_wait3A_1901 = arith.constant 13 : i32
      %dma_wait3A_1902 = arith.constant 0 : i32
      %dma_wait3A_1903 = tpu.memref_slice %dma_wait3A_1900[%dma_wait3A_1901, %dma_wait3A_1902] : memref<32x64xf32, #tpu.memory_space<vmem>> -> memref<1x64xf32, #tpu.memory_space<vmem>>
      %dma_wait3A_1904 = arith.constant 0 : i32
      %dma_wait3A_1905 = tpu.memref_slice %arg2[%squeeze3A_365, %dma_wait3A_1904] : memref<1000001x64xf32, #tpu.memory_space<hbm>> -> memref<1x64xf32, #tpu.memory_space<hbm>>
      %dma_wait3A_1906 = tpu.memref_slice %arg7[%dma_wait3A_1896] : memref<2x!tpu.dma_semaphore, #tpu.memory_space<semaphore_mem>> -> memref<1x!tpu.dma_semaphore, #tpu.memory_space<semaphore_mem>>
      %dma_wait3A_1907 = tpu.memref_squeeze %dma_wait3A_1906 : memref<1x!tpu.dma_semaphore, #tpu.memory_space<semaphore_mem>> -> memref<!tpu.dma_semaphore, #tpu.memory_space<semaphore_mem>>
      %dma_wait3A_1908 = arith.constant 0 : i32
      %dma_wait3A_1909 = arith.constant 0 : i32
      %dma_wait3A_1910 = tpu.memref_slice %arg6[%dma_wait3A_1895, %dma_wait3A_1908, %dma_wait3A_1909] : memref<2x32x64xf32, #tpu.memory_space<vmem>> -> memref<1x32x64xf32, #tpu.memory_space<vmem>>
      %dma_wait3A_1911 = tpu.memref_squeeze %dma_wait3A_1910 : memref<1x32x64xf32, #tpu.memory_space<vmem>> -> memref<32x64xf32, #tpu.memory_space<vmem>>
      %dma_wait3A_1912 = arith.constant 13 : i32
      %dma_wait3A_1913 = arith.constant 0 : i32
      %dma_wait3A_1914 = tpu.memref_slice %dma_wait3A_1911[%dma_wait3A_1912, %dma_wait3A_1913] : memref<32x64xf32, #tpu.memory_space<vmem>> -> memref<1x64xf32, #tpu.memory_space<vmem>>
      %dma_wait3A_1915 = arith.constant 0 : i32
      %dma_wait3A_1916 = tpu.memref_slice %arg2[%squeeze3A_365, %dma_wait3A_1915] : memref<1000001x64xf32, #tpu.memory_space<hbm>> -> memref<1x64xf32, #tpu.memory_space<hbm>>
      tpu.wait_dma2 semaphore(%dma_wait3A_1907 : memref<!tpu.dma_semaphore, #tpu.memory_space<semaphore_mem>>) src(%dma_wait3A_1916 : memref<1x64xf32, #tpu.memory_space<hbm>>) dst(%dma_wait3A_1914 : memref<1x64xf32, #tpu.memory_space<vmem>>)
      %dma_wait3A_1917 = arith.constant 0 : i32
      %dma_wait3A_1918 = arith.constant 0 : i32
      %dma_wait3A_1919 = arith.constant 0 : i32
      %dma_wait3A_1920 = arith.constant 0 : i32
      %dma_wait3A_1921 = tpu.memref_slice %arg6[%dma_wait3A_1917, %dma_wait3A_1919, %dma_wait3A_1920] : memref<2x32x64xf32, #tpu.memory_space<vmem>> -> memref<1x32x64xf32, #tpu.memory_space<vmem>>
      %dma_wait3A_1922 = tpu.memref_squeeze %dma_wait3A_1921 : memref<1x32x64xf32, #tpu.memory_space<vmem>> -> memref<32x64xf32, #tpu.memory_space<vmem>>
      %dma_wait3A_1923 = arith.constant 14 : i32
      %dma_wait3A_1924 = arith.constant 0 : i32
      %dma_wait3A_1925 = tpu.memref_slice %dma_wait3A_1922[%dma_wait3A_1923, %dma_wait3A_1924] : memref<32x64xf32, #tpu.memory_space<vmem>> -> memref<1x64xf32, #tpu.memory_space<vmem>>
      %dma_wait3A_1926 = arith.constant 0 : i32
      %dma_wait3A_1927 = tpu.memref_slice %arg2[%squeeze3A_389, %dma_wait3A_1926] : memref<1000001x64xf32, #tpu.memory_space<hbm>> -> memref<1x64xf32, #tpu.memory_space<hbm>>
      %dma_wait3A_1928 = tpu.memref_slice %arg7[%dma_wait3A_1918] : memref<2x!tpu.dma_semaphore, #tpu.memory_space<semaphore_mem>> -> memref<1x!tpu.dma_semaphore, #tpu.memory_space<semaphore_mem>>
      %dma_wait3A_1929 = tpu.memref_squeeze %dma_wait3A_1928 : memref<1x!tpu.dma_semaphore, #tpu.memory_space<semaphore_mem>> -> memref<!tpu.dma_semaphore, #tpu.memory_space<semaphore_mem>>
      %dma_wait3A_1930 = arith.constant 0 : i32
      %dma_wait3A_1931 = arith.constant 0 : i32
      %dma_wait3A_1932 = tpu.memref_slice %arg6[%dma_wait3A_1917, %dma_wait3A_1930, %dma_wait3A_1931] : memref<2x32x64xf32, #tpu.memory_space<vmem>> -> memref<1x32x64xf32, #tpu.memory_space<vmem>>
      %dma_wait3A_1933 = tpu.memref_squeeze %dma_wait3A_1932 : memref<1x32x64xf32, #tpu.memory_space<vmem>> -> memref<32x64xf32, #tpu.memory_space<vmem>>
      %dma_wait3A_1934 = arith.constant 14 : i32
      %dma_wait3A_1935 = arith.constant 0 : i32
      %dma_wait3A_1936 = tpu.memref_slice %dma_wait3A_1933[%dma_wait3A_1934, %dma_wait3A_1935] : memref<32x64xf32, #tpu.memory_space<vmem>> -> memref<1x64xf32, #tpu.memory_space<vmem>>
      %dma_wait3A_1937 = arith.constant 0 : i32
      %dma_wait3A_1938 = tpu.memref_slice %arg2[%squeeze3A_389, %dma_wait3A_1937] : memref<1000001x64xf32, #tpu.memory_space<hbm>> -> memref<1x64xf32, #tpu.memory_space<hbm>>
      tpu.wait_dma2 semaphore(%dma_wait3A_1929 : memref<!tpu.dma_semaphore, #tpu.memory_space<semaphore_mem>>) src(%dma_wait3A_1938 : memref<1x64xf32, #tpu.memory_space<hbm>>) dst(%dma_wait3A_1936 : memref<1x64xf32, #tpu.memory_space<vmem>>)
      %dma_wait3A_1939 = arith.constant 0 : i32
      %dma_wait3A_1940 = arith.constant 0 : i32
      %dma_wait3A_1941 = arith.constant 0 : i32
      %dma_wait3A_1942 = arith.constant 0 : i32
      %dma_wait3A_1943 = tpu.memref_slice %arg6[%dma_wait3A_1939, %dma_wait3A_1941, %dma_wait3A_1942] : memref<2x32x64xf32, #tpu.memory_space<vmem>> -> memref<1x32x64xf32, #tpu.memory_space<vmem>>
      %dma_wait3A_1944 = tpu.memref_squeeze %dma_wait3A_1943 : memref<1x32x64xf32, #tpu.memory_space<vmem>> -> memref<32x64xf32, #tpu.memory_space<vmem>>
      %dma_wait3A_1945 = arith.constant 15 : i32
      %dma_wait3A_1946 = arith.constant 0 : i32
      %dma_wait3A_1947 = tpu.memref_slice %dma_wait3A_1944[%dma_wait3A_1945, %dma_wait3A_1946] : memref<32x64xf32, #tpu.memory_space<vmem>> -> memref<1x64xf32, #tpu.memory_space<vmem>>
      %dma_wait3A_1948 = arith.constant 0 : i32
      %dma_wait3A_1949 = tpu.memref_slice %arg2[%squeeze3A_413, %dma_wait3A_1948] : memref<1000001x64xf32, #tpu.memory_space<hbm>> -> memref<1x64xf32, #tpu.memory_space<hbm>>
      %dma_wait3A_1950 = tpu.memref_slice %arg7[%dma_wait3A_1940] : memref<2x!tpu.dma_semaphore, #tpu.memory_space<semaphore_mem>> -> memref<1x!tpu.dma_semaphore, #tpu.memory_space<semaphore_mem>>
      %dma_wait3A_1951 = tpu.memref_squeeze %dma_wait3A_1950 : memref<1x!tpu.dma_semaphore, #tpu.memory_space<semaphore_mem>> -> memref<!tpu.dma_semaphore, #tpu.memory_space<semaphore_mem>>
      %dma_wait3A_1952 = arith.constant 0 : i32
      %dma_wait3A_1953 = arith.constant 0 : i32
      %dma_wait3A_1954 = tpu.memref_slice %arg6[%dma_wait3A_1939, %dma_wait3A_1952, %dma_wait3A_1953] : memref<2x32x64xf32, #tpu.memory_space<vmem>> -> memref<1x32x64xf32, #tpu.memory_space<vmem>>
      %dma_wait3A_1955 = tpu.memref_squeeze %dma_wait3A_1954 : memref<1x32x64xf32, #tpu.memory_space<vmem>> -> memref<32x64xf32, #tpu.memory_space<vmem>>
      %dma_wait3A_1956 = arith.constant 15 : i32
      %dma_wait3A_1957 = arith.constant 0 : i32
      %dma_wait3A_1958 = tpu.memref_slice %dma_wait3A_1955[%dma_wait3A_1956, %dma_wait3A_1957] : memref<32x64xf32, #tpu.memory_space<vmem>> -> memref<1x64xf32, #tpu.memory_space<vmem>>
      %dma_wait3A_1959 = arith.constant 0 : i32
      %dma_wait3A_1960 = tpu.memref_slice %arg2[%squeeze3A_413, %dma_wait3A_1959] : memref<1000001x64xf32, #tpu.memory_space<hbm>> -> memref<1x64xf32, #tpu.memory_space<hbm>>
      tpu.wait_dma2 semaphore(%dma_wait3A_1951 : memref<!tpu.dma_semaphore, #tpu.memory_space<semaphore_mem>>) src(%dma_wait3A_1960 : memref<1x64xf32, #tpu.memory_space<hbm>>) dst(%dma_wait3A_1958 : memref<1x64xf32, #tpu.memory_space<vmem>>)
      %dma_wait3A_1961 = arith.constant 0 : i32
      %dma_wait3A_1962 = arith.constant 0 : i32
      %dma_wait3A_1963 = arith.constant 0 : i32
      %dma_wait3A_1964 = arith.constant 0 : i32
      %dma_wait3A_1965 = tpu.memref_slice %arg6[%dma_wait3A_1961, %dma_wait3A_1963, %dma_wait3A_1964] : memref<2x32x64xf32, #tpu.memory_space<vmem>> -> memref<1x32x64xf32, #tpu.memory_space<vmem>>
      %dma_wait3A_1966 = tpu.memref_squeeze %dma_wait3A_1965 : memref<1x32x64xf32, #tpu.memory_space<vmem>> -> memref<32x64xf32, #tpu.memory_space<vmem>>
      %dma_wait3A_1967 = arith.constant 16 : i32
      %dma_wait3A_1968 = arith.constant 0 : i32
      %dma_wait3A_1969 = tpu.memref_slice %dma_wait3A_1966[%dma_wait3A_1967, %dma_wait3A_1968] : memref<32x64xf32, #tpu.memory_space<vmem>> -> memref<1x64xf32, #tpu.memory_space<vmem>>
      %dma_wait3A_1970 = arith.constant 0 : i32
      %dma_wait3A_1971 = tpu.memref_slice %arg2[%squeeze3A_444, %dma_wait3A_1970] : memref<1000001x64xf32, #tpu.memory_space<hbm>> -> memref<1x64xf32, #tpu.memory_space<hbm>>
      %dma_wait3A_1972 = tpu.memref_slice %arg7[%dma_wait3A_1962] : memref<2x!tpu.dma_semaphore, #tpu.memory_space<semaphore_mem>> -> memref<1x!tpu.dma_semaphore, #tpu.memory_space<semaphore_mem>>
      %dma_wait3A_1973 = tpu.memref_squeeze %dma_wait3A_1972 : memref<1x!tpu.dma_semaphore, #tpu.memory_space<semaphore_mem>> -> memref<!tpu.dma_semaphore, #tpu.memory_space<semaphore_mem>>
      %dma_wait3A_1974 = arith.constant 0 : i32
      %dma_wait3A_1975 = arith.constant 0 : i32
      %dma_wait3A_1976 = tpu.memref_slice %arg6[%dma_wait3A_1961, %dma_wait3A_1974, %dma_wait3A_1975] : memref<2x32x64xf32, #tpu.memory_space<vmem>> -> memref<1x32x64xf32, #tpu.memory_space<vmem>>
      %dma_wait3A_1977 = tpu.memref_squeeze %dma_wait3A_1976 : memref<1x32x64xf32, #tpu.memory_space<vmem>> -> memref<32x64xf32, #tpu.memory_space<vmem>>
      %dma_wait3A_1978 = arith.constant 16 : i32
      %dma_wait3A_1979 = arith.constant 0 : i32
      %dma_wait3A_1980 = tpu.memref_slice %dma_wait3A_1977[%dma_wait3A_1978, %dma_wait3A_1979] : memref<32x64xf32, #tpu.memory_space<vmem>> -> memref<1x64xf32, #tpu.memory_space<vmem>>
      %dma_wait3A_1981 = arith.constant 0 : i32
      %dma_wait3A_1982 = tpu.memref_slice %arg2[%squeeze3A_444, %dma_wait3A_1981] : memref<1000001x64xf32, #tpu.memory_space<hbm>> -> memref<1x64xf32, #tpu.memory_space<hbm>>
      tpu.wait_dma2 semaphore(%dma_wait3A_1973 : memref<!tpu.dma_semaphore, #tpu.memory_space<semaphore_mem>>) src(%dma_wait3A_1982 : memref<1x64xf32, #tpu.memory_space<hbm>>) dst(%dma_wait3A_1980 : memref<1x64xf32, #tpu.memory_space<vmem>>)
      %dma_wait3A_1983 = arith.constant 0 : i32
      %dma_wait3A_1984 = arith.constant 0 : i32
      %dma_wait3A_1985 = arith.constant 0 : i32
      %dma_wait3A_1986 = arith.constant 0 : i32
      %dma_wait3A_1987 = tpu.memref_slice %arg6[%dma_wait3A_1983, %dma_wait3A_1985, %dma_wait3A_1986] : memref<2x32x64xf32, #tpu.memory_space<vmem>> -> memref<1x32x64xf32, #tpu.memory_space<vmem>>
      %dma_wait3A_1988 = tpu.memref_squeeze %dma_wait3A_1987 : memref<1x32x64xf32, #tpu.memory_space<vmem>> -> memref<32x64xf32, #tpu.memory_space<vmem>>
      %dma_wait3A_1989 = arith.constant 17 : i32
      %dma_wait3A_1990 = arith.constant 0 : i32
      %dma_wait3A_1991 = tpu.memref_slice %dma_wait3A_1988[%dma_wait3A_1989, %dma_wait3A_1990] : memref<32x64xf32, #tpu.memory_space<vmem>> -> memref<1x64xf32, #tpu.memory_space<vmem>>
      %dma_wait3A_1992 = arith.constant 0 : i32
      %dma_wait3A_1993 = tpu.memref_slice %arg2[%squeeze3A_468, %dma_wait3A_1992] : memref<1000001x64xf32, #tpu.memory_space<hbm>> -> memref<1x64xf32, #tpu.memory_space<hbm>>
      %dma_wait3A_1994 = tpu.memref_slice %arg7[%dma_wait3A_1984] : memref<2x!tpu.dma_semaphore, #tpu.memory_space<semaphore_mem>> -> memref<1x!tpu.dma_semaphore, #tpu.memory_space<semaphore_mem>>
      %dma_wait3A_1995 = tpu.memref_squeeze %dma_wait3A_1994 : memref<1x!tpu.dma_semaphore, #tpu.memory_space<semaphore_mem>> -> memref<!tpu.dma_semaphore, #tpu.memory_space<semaphore_mem>>
      %dma_wait3A_1996 = arith.constant 0 : i32
      %dma_wait3A_1997 = arith.constant 0 : i32
      %dma_wait3A_1998 = tpu.memref_slice %arg6[%dma_wait3A_1983, %dma_wait3A_1996, %dma_wait3A_1997] : memref<2x32x64xf32, #tpu.memory_space<vmem>> -> memref<1x32x64xf32, #tpu.memory_space<vmem>>
      %dma_wait3A_1999 = tpu.memref_squeeze %dma_wait3A_1998 : memref<1x32x64xf32, #tpu.memory_space<vmem>> -> memref<32x64xf32, #tpu.memory_space<vmem>>
      %dma_wait3A_2000 = arith.constant 17 : i32
      %dma_wait3A_2001 = arith.constant 0 : i32
      %dma_wait3A_2002 = tpu.memref_slice %dma_wait3A_1999[%dma_wait3A_2000, %dma_wait3A_2001] : memref<32x64xf32, #tpu.memory_space<vmem>> -> memref<1x64xf32, #tpu.memory_space<vmem>>
      %dma_wait3A_2003 = arith.constant 0 : i32
      %dma_wait3A_2004 = tpu.memref_slice %arg2[%squeeze3A_468, %dma_wait3A_2003] : memref<1000001x64xf32, #tpu.memory_space<hbm>> -> memref<1x64xf32, #tpu.memory_space<hbm>>
      tpu.wait_dma2 semaphore(%dma_wait3A_1995 : memref<!tpu.dma_semaphore, #tpu.memory_space<semaphore_mem>>) src(%dma_wait3A_2004 : memref<1x64xf32, #tpu.memory_space<hbm>>) dst(%dma_wait3A_2002 : memref<1x64xf32, #tpu.memory_space<vmem>>)
      %dma_wait3A_2005 = arith.constant 0 : i32
      %dma_wait3A_2006 = arith.constant 0 : i32
      %dma_wait3A_2007 = arith.constant 0 : i32
      %dma_wait3A_2008 = arith.constant 0 : i32
      %dma_wait3A_2009 = tpu.memref_slice %arg6[%dma_wait3A_2005, %dma_wait3A_2007, %dma_wait3A_2008] : memref<2x32x64xf32, #tpu.memory_space<vmem>> -> memref<1x32x64xf32, #tpu.memory_space<vmem>>
      %dma_wait3A_2010 = tpu.memref_squeeze %dma_wait3A_2009 : memref<1x32x64xf32, #tpu.memory_space<vmem>> -> memref<32x64xf32, #tpu.memory_space<vmem>>
      %dma_wait3A_2011 = arith.constant 18 : i32
      %dma_wait3A_2012 = arith.constant 0 : i32
      %dma_wait3A_2013 = tpu.memref_slice %dma_wait3A_2010[%dma_wait3A_2011, %dma_wait3A_2012] : memref<32x64xf32, #tpu.memory_space<vmem>> -> memref<1x64xf32, #tpu.memory_space<vmem>>
      %dma_wait3A_2014 = arith.constant 0 : i32
      %dma_wait3A_2015 = tpu.memref_slice %arg2[%squeeze3A_492, %dma_wait3A_2014] : memref<1000001x64xf32, #tpu.memory_space<hbm>> -> memref<1x64xf32, #tpu.memory_space<hbm>>
      %dma_wait3A_2016 = tpu.memref_slice %arg7[%dma_wait3A_2006] : memref<2x!tpu.dma_semaphore, #tpu.memory_space<semaphore_mem>> -> memref<1x!tpu.dma_semaphore, #tpu.memory_space<semaphore_mem>>
      %dma_wait3A_2017 = tpu.memref_squeeze %dma_wait3A_2016 : memref<1x!tpu.dma_semaphore, #tpu.memory_space<semaphore_mem>> -> memref<!tpu.dma_semaphore, #tpu.memory_space<semaphore_mem>>
      %dma_wait3A_2018 = arith.constant 0 : i32
      %dma_wait3A_2019 = arith.constant 0 : i32
      %dma_wait3A_2020 = tpu.memref_slice %arg6[%dma_wait3A_2005, %dma_wait3A_2018, %dma_wait3A_2019] : memref<2x32x64xf32, #tpu.memory_space<vmem>> -> memref<1x32x64xf32, #tpu.memory_space<vmem>>
      %dma_wait3A_2021 = tpu.memref_squeeze %dma_wait3A_2020 : memref<1x32x64xf32, #tpu.memory_space<vmem>> -> memref<32x64xf32, #tpu.memory_space<vmem>>
      %dma_wait3A_2022 = arith.constant 18 : i32
      %dma_wait3A_2023 = arith.constant 0 : i32
      %dma_wait3A_2024 = tpu.memref_slice %dma_wait3A_2021[%dma_wait3A_2022, %dma_wait3A_2023] : memref<32x64xf32, #tpu.memory_space<vmem>> -> memref<1x64xf32, #tpu.memory_space<vmem>>
      %dma_wait3A_2025 = arith.constant 0 : i32
      %dma_wait3A_2026 = tpu.memref_slice %arg2[%squeeze3A_492, %dma_wait3A_2025] : memref<1000001x64xf32, #tpu.memory_space<hbm>> -> memref<1x64xf32, #tpu.memory_space<hbm>>
      tpu.wait_dma2 semaphore(%dma_wait3A_2017 : memref<!tpu.dma_semaphore, #tpu.memory_space<semaphore_mem>>) src(%dma_wait3A_2026 : memref<1x64xf32, #tpu.memory_space<hbm>>) dst(%dma_wait3A_2024 : memref<1x64xf32, #tpu.memory_space<vmem>>)
      %dma_wait3A_2027 = arith.constant 0 : i32
      %dma_wait3A_2028 = arith.constant 0 : i32
      %dma_wait3A_2029 = arith.constant 0 : i32
      %dma_wait3A_2030 = arith.constant 0 : i32
      %dma_wait3A_2031 = tpu.memref_slice %arg6[%dma_wait3A_2027, %dma_wait3A_2029, %dma_wait3A_2030] : memref<2x32x64xf32, #tpu.memory_space<vmem>> -> memref<1x32x64xf32, #tpu.memory_space<vmem>>
      %dma_wait3A_2032 = tpu.memref_squeeze %dma_wait3A_2031 : memref<1x32x64xf32, #tpu.memory_space<vmem>> -> memref<32x64xf32, #tpu.memory_space<vmem>>
      %dma_wait3A_2033 = arith.constant 19 : i32
      %dma_wait3A_2034 = arith.constant 0 : i32
      %dma_wait3A_2035 = tpu.memref_slice %dma_wait3A_2032[%dma_wait3A_2033, %dma_wait3A_2034] : memref<32x64xf32, #tpu.memory_space<vmem>> -> memref<1x64xf32, #tpu.memory_space<vmem>>
      %dma_wait3A_2036 = arith.constant 0 : i32
      %dma_wait3A_2037 = tpu.memref_slice %arg2[%squeeze3A_516, %dma_wait3A_2036] : memref<1000001x64xf32, #tpu.memory_space<hbm>> -> memref<1x64xf32, #tpu.memory_space<hbm>>
      %dma_wait3A_2038 = tpu.memref_slice %arg7[%dma_wait3A_2028] : memref<2x!tpu.dma_semaphore, #tpu.memory_space<semaphore_mem>> -> memref<1x!tpu.dma_semaphore, #tpu.memory_space<semaphore_mem>>
      %dma_wait3A_2039 = tpu.memref_squeeze %dma_wait3A_2038 : memref<1x!tpu.dma_semaphore, #tpu.memory_space<semaphore_mem>> -> memref<!tpu.dma_semaphore, #tpu.memory_space<semaphore_mem>>
      %dma_wait3A_2040 = arith.constant 0 : i32
      %dma_wait3A_2041 = arith.constant 0 : i32
      %dma_wait3A_2042 = tpu.memref_slice %arg6[%dma_wait3A_2027, %dma_wait3A_2040, %dma_wait3A_2041] : memref<2x32x64xf32, #tpu.memory_space<vmem>> -> memref<1x32x64xf32, #tpu.memory_space<vmem>>
      %dma_wait3A_2043 = tpu.memref_squeeze %dma_wait3A_2042 : memref<1x32x64xf32, #tpu.memory_space<vmem>> -> memref<32x64xf32, #tpu.memory_space<vmem>>
      %dma_wait3A_2044 = arith.constant 19 : i32
      %dma_wait3A_2045 = arith.constant 0 : i32
      %dma_wait3A_2046 = tpu.memref_slice %dma_wait3A_2043[%dma_wait3A_2044, %dma_wait3A_2045] : memref<32x64xf32, #tpu.memory_space<vmem>> -> memref<1x64xf32, #tpu.memory_space<vmem>>
      %dma_wait3A_2047 = arith.constant 0 : i32
      %dma_wait3A_2048 = tpu.memref_slice %arg2[%squeeze3A_516, %dma_wait3A_2047] : memref<1000001x64xf32, #tpu.memory_space<hbm>> -> memref<1x64xf32, #tpu.memory_space<hbm>>
      tpu.wait_dma2 semaphore(%dma_wait3A_2039 : memref<!tpu.dma_semaphore, #tpu.memory_space<semaphore_mem>>) src(%dma_wait3A_2048 : memref<1x64xf32, #tpu.memory_space<hbm>>) dst(%dma_wait3A_2046 : memref<1x64xf32, #tpu.memory_space<vmem>>)
      %dma_wait3A_2049 = arith.constant 0 : i32
      %dma_wait3A_2050 = arith.constant 0 : i32
      %dma_wait3A_2051 = arith.constant 0 : i32
      %dma_wait3A_2052 = arith.constant 0 : i32
      %dma_wait3A_2053 = tpu.memref_slice %arg6[%dma_wait3A_2049, %dma_wait3A_2051, %dma_wait3A_2052] : memref<2x32x64xf32, #tpu.memory_space<vmem>> -> memref<1x32x64xf32, #tpu.memory_space<vmem>>
      %dma_wait3A_2054 = tpu.memref_squeeze %dma_wait3A_2053 : memref<1x32x64xf32, #tpu.memory_space<vmem>> -> memref<32x64xf32, #tpu.memory_space<vmem>>
      %dma_wait3A_2055 = arith.constant 20 : i32
      %dma_wait3A_2056 = arith.constant 0 : i32
      %dma_wait3A_2057 = tpu.memref_slice %dma_wait3A_2054[%dma_wait3A_2055, %dma_wait3A_2056] : memref<32x64xf32, #tpu.memory_space<vmem>> -> memref<1x64xf32, #tpu.memory_space<vmem>>
      %dma_wait3A_2058 = arith.constant 0 : i32
      %dma_wait3A_2059 = tpu.memref_slice %arg2[%squeeze3A_540, %dma_wait3A_2058] : memref<1000001x64xf32, #tpu.memory_space<hbm>> -> memref<1x64xf32, #tpu.memory_space<hbm>>
      %dma_wait3A_2060 = tpu.memref_slice %arg7[%dma_wait3A_2050] : memref<2x!tpu.dma_semaphore, #tpu.memory_space<semaphore_mem>> -> memref<1x!tpu.dma_semaphore, #tpu.memory_space<semaphore_mem>>
      %dma_wait3A_2061 = tpu.memref_squeeze %dma_wait3A_2060 : memref<1x!tpu.dma_semaphore, #tpu.memory_space<semaphore_mem>> -> memref<!tpu.dma_semaphore, #tpu.memory_space<semaphore_mem>>
      %dma_wait3A_2062 = arith.constant 0 : i32
      %dma_wait3A_2063 = arith.constant 0 : i32
      %dma_wait3A_2064 = tpu.memref_slice %arg6[%dma_wait3A_2049, %dma_wait3A_2062, %dma_wait3A_2063] : memref<2x32x64xf32, #tpu.memory_space<vmem>> -> memref<1x32x64xf32, #tpu.memory_space<vmem>>
      %dma_wait3A_2065 = tpu.memref_squeeze %dma_wait3A_2064 : memref<1x32x64xf32, #tpu.memory_space<vmem>> -> memref<32x64xf32, #tpu.memory_space<vmem>>
      %dma_wait3A_2066 = arith.constant 20 : i32
      %dma_wait3A_2067 = arith.constant 0 : i32
      %dma_wait3A_2068 = tpu.memref_slice %dma_wait3A_2065[%dma_wait3A_2066, %dma_wait3A_2067] : memref<32x64xf32, #tpu.memory_space<vmem>> -> memref<1x64xf32, #tpu.memory_space<vmem>>
      %dma_wait3A_2069 = arith.constant 0 : i32
      %dma_wait3A_2070 = tpu.memref_slice %arg2[%squeeze3A_540, %dma_wait3A_2069] : memref<1000001x64xf32, #tpu.memory_space<hbm>> -> memref<1x64xf32, #tpu.memory_space<hbm>>
      tpu.wait_dma2 semaphore(%dma_wait3A_2061 : memref<!tpu.dma_semaphore, #tpu.memory_space<semaphore_mem>>) src(%dma_wait3A_2070 : memref<1x64xf32, #tpu.memory_space<hbm>>) dst(%dma_wait3A_2068 : memref<1x64xf32, #tpu.memory_space<vmem>>)
      %dma_wait3A_2071 = arith.constant 0 : i32
      %dma_wait3A_2072 = arith.constant 0 : i32
      %dma_wait3A_2073 = arith.constant 0 : i32
      %dma_wait3A_2074 = arith.constant 0 : i32
      %dma_wait3A_2075 = tpu.memref_slice %arg6[%dma_wait3A_2071, %dma_wait3A_2073, %dma_wait3A_2074] : memref<2x32x64xf32, #tpu.memory_space<vmem>> -> memref<1x32x64xf32, #tpu.memory_space<vmem>>
      %dma_wait3A_2076 = tpu.memref_squeeze %dma_wait3A_2075 : memref<1x32x64xf32, #tpu.memory_space<vmem>> -> memref<32x64xf32, #tpu.memory_space<vmem>>
      %dma_wait3A_2077 = arith.constant 21 : i32
      %dma_wait3A_2078 = arith.constant 0 : i32
      %dma_wait3A_2079 = tpu.memref_slice %dma_wait3A_2076[%dma_wait3A_2077, %dma_wait3A_2078] : memref<32x64xf32, #tpu.memory_space<vmem>> -> memref<1x64xf32, #tpu.memory_space<vmem>>
      %dma_wait3A_2080 = arith.constant 0 : i32
      %dma_wait3A_2081 = tpu.memref_slice %arg2[%squeeze3A_564, %dma_wait3A_2080] : memref<1000001x64xf32, #tpu.memory_space<hbm>> -> memref<1x64xf32, #tpu.memory_space<hbm>>
      %dma_wait3A_2082 = tpu.memref_slice %arg7[%dma_wait3A_2072] : memref<2x!tpu.dma_semaphore, #tpu.memory_space<semaphore_mem>> -> memref<1x!tpu.dma_semaphore, #tpu.memory_space<semaphore_mem>>
      %dma_wait3A_2083 = tpu.memref_squeeze %dma_wait3A_2082 : memref<1x!tpu.dma_semaphore, #tpu.memory_space<semaphore_mem>> -> memref<!tpu.dma_semaphore, #tpu.memory_space<semaphore_mem>>
      %dma_wait3A_2084 = arith.constant 0 : i32
      %dma_wait3A_2085 = arith.constant 0 : i32
      %dma_wait3A_2086 = tpu.memref_slice %arg6[%dma_wait3A_2071, %dma_wait3A_2084, %dma_wait3A_2085] : memref<2x32x64xf32, #tpu.memory_space<vmem>> -> memref<1x32x64xf32, #tpu.memory_space<vmem>>
      %dma_wait3A_2087 = tpu.memref_squeeze %dma_wait3A_2086 : memref<1x32x64xf32, #tpu.memory_space<vmem>> -> memref<32x64xf32, #tpu.memory_space<vmem>>
      %dma_wait3A_2088 = arith.constant 21 : i32
      %dma_wait3A_2089 = arith.constant 0 : i32
      %dma_wait3A_2090 = tpu.memref_slice %dma_wait3A_2087[%dma_wait3A_2088, %dma_wait3A_2089] : memref<32x64xf32, #tpu.memory_space<vmem>> -> memref<1x64xf32, #tpu.memory_space<vmem>>
      %dma_wait3A_2091 = arith.constant 0 : i32
      %dma_wait3A_2092 = tpu.memref_slice %arg2[%squeeze3A_564, %dma_wait3A_2091] : memref<1000001x64xf32, #tpu.memory_space<hbm>> -> memref<1x64xf32, #tpu.memory_space<hbm>>
      tpu.wait_dma2 semaphore(%dma_wait3A_2083 : memref<!tpu.dma_semaphore, #tpu.memory_space<semaphore_mem>>) src(%dma_wait3A_2092 : memref<1x64xf32, #tpu.memory_space<hbm>>) dst(%dma_wait3A_2090 : memref<1x64xf32, #tpu.memory_space<vmem>>)
      %dma_wait3A_2093 = arith.constant 0 : i32
      %dma_wait3A_2094 = arith.constant 0 : i32
      %dma_wait3A_2095 = arith.constant 0 : i32
      %dma_wait3A_2096 = arith.constant 0 : i32
      %dma_wait3A_2097 = tpu.memref_slice %arg6[%dma_wait3A_2093, %dma_wait3A_2095, %dma_wait3A_2096] : memref<2x32x64xf32, #tpu.memory_space<vmem>> -> memref<1x32x64xf32, #tpu.memory_space<vmem>>
      %dma_wait3A_2098 = tpu.memref_squeeze %dma_wait3A_2097 : memref<1x32x64xf32, #tpu.memory_space<vmem>> -> memref<32x64xf32, #tpu.memory_space<vmem>>
      %dma_wait3A_2099 = arith.constant 22 : i32
      %dma_wait3A_2100 = arith.constant 0 : i32
      %dma_wait3A_2101 = tpu.memref_slice %dma_wait3A_2098[%dma_wait3A_2099, %dma_wait3A_2100] : memref<32x64xf32, #tpu.memory_space<vmem>> -> memref<1x64xf32, #tpu.memory_space<vmem>>
      %dma_wait3A_2102 = arith.constant 0 : i32
      %dma_wait3A_2103 = tpu.memref_slice %arg2[%squeeze3A_588, %dma_wait3A_2102] : memref<1000001x64xf32, #tpu.memory_space<hbm>> -> memref<1x64xf32, #tpu.memory_space<hbm>>
      %dma_wait3A_2104 = tpu.memref_slice %arg7[%dma_wait3A_2094] : memref<2x!tpu.dma_semaphore, #tpu.memory_space<semaphore_mem>> -> memref<1x!tpu.dma_semaphore, #tpu.memory_space<semaphore_mem>>
      %dma_wait3A_2105 = tpu.memref_squeeze %dma_wait3A_2104 : memref<1x!tpu.dma_semaphore, #tpu.memory_space<semaphore_mem>> -> memref<!tpu.dma_semaphore, #tpu.memory_space<semaphore_mem>>
      %dma_wait3A_2106 = arith.constant 0 : i32
      %dma_wait3A_2107 = arith.constant 0 : i32
      %dma_wait3A_2108 = tpu.memref_slice %arg6[%dma_wait3A_2093, %dma_wait3A_2106, %dma_wait3A_2107] : memref<2x32x64xf32, #tpu.memory_space<vmem>> -> memref<1x32x64xf32, #tpu.memory_space<vmem>>
      %dma_wait3A_2109 = tpu.memref_squeeze %dma_wait3A_2108 : memref<1x32x64xf32, #tpu.memory_space<vmem>> -> memref<32x64xf32, #tpu.memory_space<vmem>>
      %dma_wait3A_2110 = arith.constant 22 : i32
      %dma_wait3A_2111 = arith.constant 0 : i32
      %dma_wait3A_2112 = tpu.memref_slice %dma_wait3A_2109[%dma_wait3A_2110, %dma_wait3A_2111] : memref<32x64xf32, #tpu.memory_space<vmem>> -> memref<1x64xf32, #tpu.memory_space<vmem>>
      %dma_wait3A_2113 = arith.constant 0 : i32
      %dma_wait3A_2114 = tpu.memref_slice %arg2[%squeeze3A_588, %dma_wait3A_2113] : memref<1000001x64xf32, #tpu.memory_space<hbm>> -> memref<1x64xf32, #tpu.memory_space<hbm>>
      tpu.wait_dma2 semaphore(%dma_wait3A_2105 : memref<!tpu.dma_semaphore, #tpu.memory_space<semaphore_mem>>) src(%dma_wait3A_2114 : memref<1x64xf32, #tpu.memory_space<hbm>>) dst(%dma_wait3A_2112 : memref<1x64xf32, #tpu.memory_space<vmem>>)
      %dma_wait3A_2115 = arith.constant 0 : i32
      %dma_wait3A_2116 = arith.constant 0 : i32
      %dma_wait3A_2117 = arith.constant 0 : i32
      %dma_wait3A_2118 = arith.constant 0 : i32
      %dma_wait3A_2119 = tpu.memref_slice %arg6[%dma_wait3A_2115, %dma_wait3A_2117, %dma_wait3A_2118] : memref<2x32x64xf32, #tpu.memory_space<vmem>> -> memref<1x32x64xf32, #tpu.memory_space<vmem>>
      %dma_wait3A_2120 = tpu.memref_squeeze %dma_wait3A_2119 : memref<1x32x64xf32, #tpu.memory_space<vmem>> -> memref<32x64xf32, #tpu.memory_space<vmem>>
      %dma_wait3A_2121 = arith.constant 23 : i32
      %dma_wait3A_2122 = arith.constant 0 : i32
      %dma_wait3A_2123 = tpu.memref_slice %dma_wait3A_2120[%dma_wait3A_2121, %dma_wait3A_2122] : memref<32x64xf32, #tpu.memory_space<vmem>> -> memref<1x64xf32, #tpu.memory_space<vmem>>
      %dma_wait3A_2124 = arith.constant 0 : i32
      %dma_wait3A_2125 = tpu.memref_slice %arg2[%squeeze3A_612, %dma_wait3A_2124] : memref<1000001x64xf32, #tpu.memory_space<hbm>> -> memref<1x64xf32, #tpu.memory_space<hbm>>
      %dma_wait3A_2126 = tpu.memref_slice %arg7[%dma_wait3A_2116] : memref<2x!tpu.dma_semaphore, #tpu.memory_space<semaphore_mem>> -> memref<1x!tpu.dma_semaphore, #tpu.memory_space<semaphore_mem>>
      %dma_wait3A_2127 = tpu.memref_squeeze %dma_wait3A_2126 : memref<1x!tpu.dma_semaphore, #tpu.memory_space<semaphore_mem>> -> memref<!tpu.dma_semaphore, #tpu.memory_space<semaphore_mem>>
      %dma_wait3A_2128 = arith.constant 0 : i32
      %dma_wait3A_2129 = arith.constant 0 : i32
      %dma_wait3A_2130 = tpu.memref_slice %arg6[%dma_wait3A_2115, %dma_wait3A_2128, %dma_wait3A_2129] : memref<2x32x64xf32, #tpu.memory_space<vmem>> -> memref<1x32x64xf32, #tpu.memory_space<vmem>>
      %dma_wait3A_2131 = tpu.memref_squeeze %dma_wait3A_2130 : memref<1x32x64xf32, #tpu.memory_space<vmem>> -> memref<32x64xf32, #tpu.memory_space<vmem>>
      %dma_wait3A_2132 = arith.constant 23 : i32
      %dma_wait3A_2133 = arith.constant 0 : i32
      %dma_wait3A_2134 = tpu.memref_slice %dma_wait3A_2131[%dma_wait3A_2132, %dma_wait3A_2133] : memref<32x64xf32, #tpu.memory_space<vmem>> -> memref<1x64xf32, #tpu.memory_space<vmem>>
      %dma_wait3A_2135 = arith.constant 0 : i32
      %dma_wait3A_2136 = tpu.memref_slice %arg2[%squeeze3A_612, %dma_wait3A_2135] : memref<1000001x64xf32, #tpu.memory_space<hbm>> -> memref<1x64xf32, #tpu.memory_space<hbm>>
      tpu.wait_dma2 semaphore(%dma_wait3A_2127 : memref<!tpu.dma_semaphore, #tpu.memory_space<semaphore_mem>>) src(%dma_wait3A_2136 : memref<1x64xf32, #tpu.memory_space<hbm>>) dst(%dma_wait3A_2134 : memref<1x64xf32, #tpu.memory_space<vmem>>)
      %dma_wait3A_2137 = arith.constant 0 : i32
      %dma_wait3A_2138 = arith.constant 0 : i32
      %dma_wait3A_2139 = arith.constant 0 : i32
      %dma_wait3A_2140 = arith.constant 0 : i32
      %dma_wait3A_2141 = tpu.memref_slice %arg6[%dma_wait3A_2137, %dma_wait3A_2139, %dma_wait3A_2140] : memref<2x32x64xf32, #tpu.memory_space<vmem>> -> memref<1x32x64xf32, #tpu.memory_space<vmem>>
      %dma_wait3A_2142 = tpu.memref_squeeze %dma_wait3A_2141 : memref<1x32x64xf32, #tpu.memory_space<vmem>> -> memref<32x64xf32, #tpu.memory_space<vmem>>
      %dma_wait3A_2143 = arith.constant 24 : i32
      %dma_wait3A_2144 = arith.constant 0 : i32
      %dma_wait3A_2145 = tpu.memref_slice %dma_wait3A_2142[%dma_wait3A_2143, %dma_wait3A_2144] : memref<32x64xf32, #tpu.memory_space<vmem>> -> memref<1x64xf32, #tpu.memory_space<vmem>>
      %dma_wait3A_2146 = arith.constant 0 : i32
      %dma_wait3A_2147 = tpu.memref_slice %arg2[%squeeze3A_636, %dma_wait3A_2146] : memref<1000001x64xf32, #tpu.memory_space<hbm>> -> memref<1x64xf32, #tpu.memory_space<hbm>>
      %dma_wait3A_2148 = tpu.memref_slice %arg7[%dma_wait3A_2138] : memref<2x!tpu.dma_semaphore, #tpu.memory_space<semaphore_mem>> -> memref<1x!tpu.dma_semaphore, #tpu.memory_space<semaphore_mem>>
      %dma_wait3A_2149 = tpu.memref_squeeze %dma_wait3A_2148 : memref<1x!tpu.dma_semaphore, #tpu.memory_space<semaphore_mem>> -> memref<!tpu.dma_semaphore, #tpu.memory_space<semaphore_mem>>
      %dma_wait3A_2150 = arith.constant 0 : i32
      %dma_wait3A_2151 = arith.constant 0 : i32
      %dma_wait3A_2152 = tpu.memref_slice %arg6[%dma_wait3A_2137, %dma_wait3A_2150, %dma_wait3A_2151] : memref<2x32x64xf32, #tpu.memory_space<vmem>> -> memref<1x32x64xf32, #tpu.memory_space<vmem>>
      %dma_wait3A_2153 = tpu.memref_squeeze %dma_wait3A_2152 : memref<1x32x64xf32, #tpu.memory_space<vmem>> -> memref<32x64xf32, #tpu.memory_space<vmem>>
      %dma_wait3A_2154 = arith.constant 24 : i32
      %dma_wait3A_2155 = arith.constant 0 : i32
      %dma_wait3A_2156 = tpu.memref_slice %dma_wait3A_2153[%dma_wait3A_2154, %dma_wait3A_2155] : memref<32x64xf32, #tpu.memory_space<vmem>> -> memref<1x64xf32, #tpu.memory_space<vmem>>
      %dma_wait3A_2157 = arith.constant 0 : i32
      %dma_wait3A_2158 = tpu.memref_slice %arg2[%squeeze3A_636, %dma_wait3A_2157] : memref<1000001x64xf32, #tpu.memory_space<hbm>> -> memref<1x64xf32, #tpu.memory_space<hbm>>
      tpu.wait_dma2 semaphore(%dma_wait3A_2149 : memref<!tpu.dma_semaphore, #tpu.memory_space<semaphore_mem>>) src(%dma_wait3A_2158 : memref<1x64xf32, #tpu.memory_space<hbm>>) dst(%dma_wait3A_2156 : memref<1x64xf32, #tpu.memory_space<vmem>>)
      %dma_wait3A_2159 = arith.constant 0 : i32
      %dma_wait3A_2160 = arith.constant 0 : i32
      %dma_wait3A_2161 = arith.constant 0 : i32
      %dma_wait3A_2162 = arith.constant 0 : i32
      %dma_wait3A_2163 = tpu.memref_slice %arg6[%dma_wait3A_2159, %dma_wait3A_2161, %dma_wait3A_2162] : memref<2x32x64xf32, #tpu.memory_space<vmem>> -> memref<1x32x64xf32, #tpu.memory_space<vmem>>
      %dma_wait3A_2164 = tpu.memref_squeeze %dma_wait3A_2163 : memref<1x32x64xf32, #tpu.memory_space<vmem>> -> memref<32x64xf32, #tpu.memory_space<vmem>>
      %dma_wait3A_2165 = arith.constant 25 : i32
      %dma_wait3A_2166 = arith.constant 0 : i32
      %dma_wait3A_2167 = tpu.memref_slice %dma_wait3A_2164[%dma_wait3A_2165, %dma_wait3A_2166] : memref<32x64xf32, #tpu.memory_space<vmem>> -> memref<1x64xf32, #tpu.memory_space<vmem>>
      %dma_wait3A_2168 = arith.constant 0 : i32
      %dma_wait3A_2169 = tpu.memref_slice %arg2[%squeeze3A_660, %dma_wait3A_2168] : memref<1000001x64xf32, #tpu.memory_space<hbm>> -> memref<1x64xf32, #tpu.memory_space<hbm>>
      %dma_wait3A_2170 = tpu.memref_slice %arg7[%dma_wait3A_2160] : memref<2x!tpu.dma_semaphore, #tpu.memory_space<semaphore_mem>> -> memref<1x!tpu.dma_semaphore, #tpu.memory_space<semaphore_mem>>
      %dma_wait3A_2171 = tpu.memref_squeeze %dma_wait3A_2170 : memref<1x!tpu.dma_semaphore, #tpu.memory_space<semaphore_mem>> -> memref<!tpu.dma_semaphore, #tpu.memory_space<semaphore_mem>>
      %dma_wait3A_2172 = arith.constant 0 : i32
      %dma_wait3A_2173 = arith.constant 0 : i32
      %dma_wait3A_2174 = tpu.memref_slice %arg6[%dma_wait3A_2159, %dma_wait3A_2172, %dma_wait3A_2173] : memref<2x32x64xf32, #tpu.memory_space<vmem>> -> memref<1x32x64xf32, #tpu.memory_space<vmem>>
      %dma_wait3A_2175 = tpu.memref_squeeze %dma_wait3A_2174 : memref<1x32x64xf32, #tpu.memory_space<vmem>> -> memref<32x64xf32, #tpu.memory_space<vmem>>
      %dma_wait3A_2176 = arith.constant 25 : i32
      %dma_wait3A_2177 = arith.constant 0 : i32
      %dma_wait3A_2178 = tpu.memref_slice %dma_wait3A_2175[%dma_wait3A_2176, %dma_wait3A_2177] : memref<32x64xf32, #tpu.memory_space<vmem>> -> memref<1x64xf32, #tpu.memory_space<vmem>>
      %dma_wait3A_2179 = arith.constant 0 : i32
      %dma_wait3A_2180 = tpu.memref_slice %arg2[%squeeze3A_660, %dma_wait3A_2179] : memref<1000001x64xf32, #tpu.memory_space<hbm>> -> memref<1x64xf32, #tpu.memory_space<hbm>>
      tpu.wait_dma2 semaphore(%dma_wait3A_2171 : memref<!tpu.dma_semaphore, #tpu.memory_space<semaphore_mem>>) src(%dma_wait3A_2180 : memref<1x64xf32, #tpu.memory_space<hbm>>) dst(%dma_wait3A_2178 : memref<1x64xf32, #tpu.memory_space<vmem>>)
      %dma_wait3A_2181 = arith.constant 0 : i32
      %dma_wait3A_2182 = arith.constant 0 : i32
      %dma_wait3A_2183 = arith.constant 0 : i32
      %dma_wait3A_2184 = arith.constant 0 : i32
      %dma_wait3A_2185 = tpu.memref_slice %arg6[%dma_wait3A_2181, %dma_wait3A_2183, %dma_wait3A_2184] : memref<2x32x64xf32, #tpu.memory_space<vmem>> -> memref<1x32x64xf32, #tpu.memory_space<vmem>>
      %dma_wait3A_2186 = tpu.memref_squeeze %dma_wait3A_2185 : memref<1x32x64xf32, #tpu.memory_space<vmem>> -> memref<32x64xf32, #tpu.memory_space<vmem>>
      %dma_wait3A_2187 = arith.constant 26 : i32
      %dma_wait3A_2188 = arith.constant 0 : i32
      %dma_wait3A_2189 = tpu.memref_slice %dma_wait3A_2186[%dma_wait3A_2187, %dma_wait3A_2188] : memref<32x64xf32, #tpu.memory_space<vmem>> -> memref<1x64xf32, #tpu.memory_space<vmem>>
      %dma_wait3A_2190 = arith.constant 0 : i32
      %dma_wait3A_2191 = tpu.memref_slice %arg2[%squeeze3A_684, %dma_wait3A_2190] : memref<1000001x64xf32, #tpu.memory_space<hbm>> -> memref<1x64xf32, #tpu.memory_space<hbm>>
      %dma_wait3A_2192 = tpu.memref_slice %arg7[%dma_wait3A_2182] : memref<2x!tpu.dma_semaphore, #tpu.memory_space<semaphore_mem>> -> memref<1x!tpu.dma_semaphore, #tpu.memory_space<semaphore_mem>>
      %dma_wait3A_2193 = tpu.memref_squeeze %dma_wait3A_2192 : memref<1x!tpu.dma_semaphore, #tpu.memory_space<semaphore_mem>> -> memref<!tpu.dma_semaphore, #tpu.memory_space<semaphore_mem>>
      %dma_wait3A_2194 = arith.constant 0 : i32
      %dma_wait3A_2195 = arith.constant 0 : i32
      %dma_wait3A_2196 = tpu.memref_slice %arg6[%dma_wait3A_2181, %dma_wait3A_2194, %dma_wait3A_2195] : memref<2x32x64xf32, #tpu.memory_space<vmem>> -> memref<1x32x64xf32, #tpu.memory_space<vmem>>
      %dma_wait3A_2197 = tpu.memref_squeeze %dma_wait3A_2196 : memref<1x32x64xf32, #tpu.memory_space<vmem>> -> memref<32x64xf32, #tpu.memory_space<vmem>>
      %dma_wait3A_2198 = arith.constant 26 : i32
      %dma_wait3A_2199 = arith.constant 0 : i32
      %dma_wait3A_2200 = tpu.memref_slice %dma_wait3A_2197[%dma_wait3A_2198, %dma_wait3A_2199] : memref<32x64xf32, #tpu.memory_space<vmem>> -> memref<1x64xf32, #tpu.memory_space<vmem>>
      %dma_wait3A_2201 = arith.constant 0 : i32
      %dma_wait3A_2202 = tpu.memref_slice %arg2[%squeeze3A_684, %dma_wait3A_2201] : memref<1000001x64xf32, #tpu.memory_space<hbm>> -> memref<1x64xf32, #tpu.memory_space<hbm>>
      tpu.wait_dma2 semaphore(%dma_wait3A_2193 : memref<!tpu.dma_semaphore, #tpu.memory_space<semaphore_mem>>) src(%dma_wait3A_2202 : memref<1x64xf32, #tpu.memory_space<hbm>>) dst(%dma_wait3A_2200 : memref<1x64xf32, #tpu.memory_space<vmem>>)
      %dma_wait3A_2203 = arith.constant 0 : i32
      %dma_wait3A_2204 = arith.constant 0 : i32
      %dma_wait3A_2205 = arith.constant 0 : i32
      %dma_wait3A_2206 = arith.constant 0 : i32
      %dma_wait3A_2207 = tpu.memref_slice %arg6[%dma_wait3A_2203, %dma_wait3A_2205, %dma_wait3A_2206] : memref<2x32x64xf32, #tpu.memory_space<vmem>> -> memref<1x32x64xf32, #tpu.memory_space<vmem>>
      %dma_wait3A_2208 = tpu.memref_squeeze %dma_wait3A_2207 : memref<1x32x64xf32, #tpu.memory_space<vmem>> -> memref<32x64xf32, #tpu.memory_space<vmem>>
      %dma_wait3A_2209 = arith.constant 27 : i32
      %dma_wait3A_2210 = arith.constant 0 : i32
      %dma_wait3A_2211 = tpu.memref_slice %dma_wait3A_2208[%dma_wait3A_2209, %dma_wait3A_2210] : memref<32x64xf32, #tpu.memory_space<vmem>> -> memref<1x64xf32, #tpu.memory_space<vmem>>
      %dma_wait3A_2212 = arith.constant 0 : i32
      %dma_wait3A_2213 = tpu.memref_slice %arg2[%squeeze3A_708, %dma_wait3A_2212] : memref<1000001x64xf32, #tpu.memory_space<hbm>> -> memref<1x64xf32, #tpu.memory_space<hbm>>
      %dma_wait3A_2214 = tpu.memref_slice %arg7[%dma_wait3A_2204] : memref<2x!tpu.dma_semaphore, #tpu.memory_space<semaphore_mem>> -> memref<1x!tpu.dma_semaphore, #tpu.memory_space<semaphore_mem>>
      %dma_wait3A_2215 = tpu.memref_squeeze %dma_wait3A_2214 : memref<1x!tpu.dma_semaphore, #tpu.memory_space<semaphore_mem>> -> memref<!tpu.dma_semaphore, #tpu.memory_space<semaphore_mem>>
      %dma_wait3A_2216 = arith.constant 0 : i32
      %dma_wait3A_2217 = arith.constant 0 : i32
      %dma_wait3A_2218 = tpu.memref_slice %arg6[%dma_wait3A_2203, %dma_wait3A_2216, %dma_wait3A_2217] : memref<2x32x64xf32, #tpu.memory_space<vmem>> -> memref<1x32x64xf32, #tpu.memory_space<vmem>>
      %dma_wait3A_2219 = tpu.memref_squeeze %dma_wait3A_2218 : memref<1x32x64xf32, #tpu.memory_space<vmem>> -> memref<32x64xf32, #tpu.memory_space<vmem>>
      %dma_wait3A_2220 = arith.constant 27 : i32
      %dma_wait3A_2221 = arith.constant 0 : i32
      %dma_wait3A_2222 = tpu.memref_slice %dma_wait3A_2219[%dma_wait3A_2220, %dma_wait3A_2221] : memref<32x64xf32, #tpu.memory_space<vmem>> -> memref<1x64xf32, #tpu.memory_space<vmem>>
      %dma_wait3A_2223 = arith.constant 0 : i32
      %dma_wait3A_2224 = tpu.memref_slice %arg2[%squeeze3A_708, %dma_wait3A_2223] : memref<1000001x64xf32, #tpu.memory_space<hbm>> -> memref<1x64xf32, #tpu.memory_space<hbm>>
      tpu.wait_dma2 semaphore(%dma_wait3A_2215 : memref<!tpu.dma_semaphore, #tpu.memory_space<semaphore_mem>>) src(%dma_wait3A_2224 : memref<1x64xf32, #tpu.memory_space<hbm>>) dst(%dma_wait3A_2222 : memref<1x64xf32, #tpu.memory_space<vmem>>)
      %dma_wait3A_2225 = arith.constant 0 : i32
      %dma_wait3A_2226 = arith.constant 0 : i32
      %dma_wait3A_2227 = arith.constant 0 : i32
      %dma_wait3A_2228 = arith.constant 0 : i32
      %dma_wait3A_2229 = tpu.memref_slice %arg6[%dma_wait3A_2225, %dma_wait3A_2227, %dma_wait3A_2228] : memref<2x32x64xf32, #tpu.memory_space<vmem>> -> memref<1x32x64xf32, #tpu.memory_space<vmem>>
      %dma_wait3A_2230 = tpu.memref_squeeze %dma_wait3A_2229 : memref<1x32x64xf32, #tpu.memory_space<vmem>> -> memref<32x64xf32, #tpu.memory_space<vmem>>
      %dma_wait3A_2231 = arith.constant 28 : i32
      %dma_wait3A_2232 = arith.constant 0 : i32
      %dma_wait3A_2233 = tpu.memref_slice %dma_wait3A_2230[%dma_wait3A_2231, %dma_wait3A_2232] : memref<32x64xf32, #tpu.memory_space<vmem>> -> memref<1x64xf32, #tpu.memory_space<vmem>>
      %dma_wait3A_2234 = arith.constant 0 : i32
      %dma_wait3A_2235 = tpu.memref_slice %arg2[%squeeze3A_732, %dma_wait3A_2234] : memref<1000001x64xf32, #tpu.memory_space<hbm>> -> memref<1x64xf32, #tpu.memory_space<hbm>>
      %dma_wait3A_2236 = tpu.memref_slice %arg7[%dma_wait3A_2226] : memref<2x!tpu.dma_semaphore, #tpu.memory_space<semaphore_mem>> -> memref<1x!tpu.dma_semaphore, #tpu.memory_space<semaphore_mem>>
      %dma_wait3A_2237 = tpu.memref_squeeze %dma_wait3A_2236 : memref<1x!tpu.dma_semaphore, #tpu.memory_space<semaphore_mem>> -> memref<!tpu.dma_semaphore, #tpu.memory_space<semaphore_mem>>
      %dma_wait3A_2238 = arith.constant 0 : i32
      %dma_wait3A_2239 = arith.constant 0 : i32
      %dma_wait3A_2240 = tpu.memref_slice %arg6[%dma_wait3A_2225, %dma_wait3A_2238, %dma_wait3A_2239] : memref<2x32x64xf32, #tpu.memory_space<vmem>> -> memref<1x32x64xf32, #tpu.memory_space<vmem>>
      %dma_wait3A_2241 = tpu.memref_squeeze %dma_wait3A_2240 : memref<1x32x64xf32, #tpu.memory_space<vmem>> -> memref<32x64xf32, #tpu.memory_space<vmem>>
      %dma_wait3A_2242 = arith.constant 28 : i32
      %dma_wait3A_2243 = arith.constant 0 : i32
      %dma_wait3A_2244 = tpu.memref_slice %dma_wait3A_2241[%dma_wait3A_2242, %dma_wait3A_2243] : memref<32x64xf32, #tpu.memory_space<vmem>> -> memref<1x64xf32, #tpu.memory_space<vmem>>
      %dma_wait3A_2245 = arith.constant 0 : i32
      %dma_wait3A_2246 = tpu.memref_slice %arg2[%squeeze3A_732, %dma_wait3A_2245] : memref<1000001x64xf32, #tpu.memory_space<hbm>> -> memref<1x64xf32, #tpu.memory_space<hbm>>
      tpu.wait_dma2 semaphore(%dma_wait3A_2237 : memref<!tpu.dma_semaphore, #tpu.memory_space<semaphore_mem>>) src(%dma_wait3A_2246 : memref<1x64xf32, #tpu.memory_space<hbm>>) dst(%dma_wait3A_2244 : memref<1x64xf32, #tpu.memory_space<vmem>>)
      %dma_wait3A_2247 = arith.constant 0 : i32
      %dma_wait3A_2248 = arith.constant 0 : i32
      %dma_wait3A_2249 = arith.constant 0 : i32
      %dma_wait3A_2250 = arith.constant 0 : i32
      %dma_wait3A_2251 = tpu.memref_slice %arg6[%dma_wait3A_2247, %dma_wait3A_2249, %dma_wait3A_2250] : memref<2x32x64xf32, #tpu.memory_space<vmem>> -> memref<1x32x64xf32, #tpu.memory_space<vmem>>
      %dma_wait3A_2252 = tpu.memref_squeeze %dma_wait3A_2251 : memref<1x32x64xf32, #tpu.memory_space<vmem>> -> memref<32x64xf32, #tpu.memory_space<vmem>>
      %dma_wait3A_2253 = arith.constant 29 : i32
      %dma_wait3A_2254 = arith.constant 0 : i32
      %dma_wait3A_2255 = tpu.memref_slice %dma_wait3A_2252[%dma_wait3A_2253, %dma_wait3A_2254] : memref<32x64xf32, #tpu.memory_space<vmem>> -> memref<1x64xf32, #tpu.memory_space<vmem>>
      %dma_wait3A_2256 = arith.constant 0 : i32
      %dma_wait3A_2257 = tpu.memref_slice %arg2[%squeeze3A_756, %dma_wait3A_2256] : memref<1000001x64xf32, #tpu.memory_space<hbm>> -> memref<1x64xf32, #tpu.memory_space<hbm>>
      %dma_wait3A_2258 = tpu.memref_slice %arg7[%dma_wait3A_2248] : memref<2x!tpu.dma_semaphore, #tpu.memory_space<semaphore_mem>> -> memref<1x!tpu.dma_semaphore, #tpu.memory_space<semaphore_mem>>
      %dma_wait3A_2259 = tpu.memref_squeeze %dma_wait3A_2258 : memref<1x!tpu.dma_semaphore, #tpu.memory_space<semaphore_mem>> -> memref<!tpu.dma_semaphore, #tpu.memory_space<semaphore_mem>>
      %dma_wait3A_2260 = arith.constant 0 : i32
      %dma_wait3A_2261 = arith.constant 0 : i32
      %dma_wait3A_2262 = tpu.memref_slice %arg6[%dma_wait3A_2247, %dma_wait3A_2260, %dma_wait3A_2261] : memref<2x32x64xf32, #tpu.memory_space<vmem>> -> memref<1x32x64xf32, #tpu.memory_space<vmem>>
      %dma_wait3A_2263 = tpu.memref_squeeze %dma_wait3A_2262 : memref<1x32x64xf32, #tpu.memory_space<vmem>> -> memref<32x64xf32, #tpu.memory_space<vmem>>
      %dma_wait3A_2264 = arith.constant 29 : i32
      %dma_wait3A_2265 = arith.constant 0 : i32
      %dma_wait3A_2266 = tpu.memref_slice %dma_wait3A_2263[%dma_wait3A_2264, %dma_wait3A_2265] : memref<32x64xf32, #tpu.memory_space<vmem>> -> memref<1x64xf32, #tpu.memory_space<vmem>>
      %dma_wait3A_2267 = arith.constant 0 : i32
      %dma_wait3A_2268 = tpu.memref_slice %arg2[%squeeze3A_756, %dma_wait3A_2267] : memref<1000001x64xf32, #tpu.memory_space<hbm>> -> memref<1x64xf32, #tpu.memory_space<hbm>>
      tpu.wait_dma2 semaphore(%dma_wait3A_2259 : memref<!tpu.dma_semaphore, #tpu.memory_space<semaphore_mem>>) src(%dma_wait3A_2268 : memref<1x64xf32, #tpu.memory_space<hbm>>) dst(%dma_wait3A_2266 : memref<1x64xf32, #tpu.memory_space<vmem>>)
      %dma_wait3A_2269 = arith.constant 0 : i32
      %dma_wait3A_2270 = arith.constant 0 : i32
      %dma_wait3A_2271 = arith.constant 0 : i32
      %dma_wait3A_2272 = arith.constant 0 : i32
      %dma_wait3A_2273 = tpu.memref_slice %arg6[%dma_wait3A_2269, %dma_wait3A_2271, %dma_wait3A_2272] : memref<2x32x64xf32, #tpu.memory_space<vmem>> -> memref<1x32x64xf32, #tpu.memory_space<vmem>>
      %dma_wait3A_2274 = tpu.memref_squeeze %dma_wait3A_2273 : memref<1x32x64xf32, #tpu.memory_space<vmem>> -> memref<32x64xf32, #tpu.memory_space<vmem>>
      %dma_wait3A_2275 = arith.constant 30 : i32
      %dma_wait3A_2276 = arith.constant 0 : i32
      %dma_wait3A_2277 = tpu.memref_slice %dma_wait3A_2274[%dma_wait3A_2275, %dma_wait3A_2276] : memref<32x64xf32, #tpu.memory_space<vmem>> -> memref<1x64xf32, #tpu.memory_space<vmem>>
      %dma_wait3A_2278 = arith.constant 0 : i32
      %dma_wait3A_2279 = tpu.memref_slice %arg2[%squeeze3A_780, %dma_wait3A_2278] : memref<1000001x64xf32, #tpu.memory_space<hbm>> -> memref<1x64xf32, #tpu.memory_space<hbm>>
      %dma_wait3A_2280 = tpu.memref_slice %arg7[%dma_wait3A_2270] : memref<2x!tpu.dma_semaphore, #tpu.memory_space<semaphore_mem>> -> memref<1x!tpu.dma_semaphore, #tpu.memory_space<semaphore_mem>>
      %dma_wait3A_2281 = tpu.memref_squeeze %dma_wait3A_2280 : memref<1x!tpu.dma_semaphore, #tpu.memory_space<semaphore_mem>> -> memref<!tpu.dma_semaphore, #tpu.memory_space<semaphore_mem>>
      %dma_wait3A_2282 = arith.constant 0 : i32
      %dma_wait3A_2283 = arith.constant 0 : i32
      %dma_wait3A_2284 = tpu.memref_slice %arg6[%dma_wait3A_2269, %dma_wait3A_2282, %dma_wait3A_2283] : memref<2x32x64xf32, #tpu.memory_space<vmem>> -> memref<1x32x64xf32, #tpu.memory_space<vmem>>
      %dma_wait3A_2285 = tpu.memref_squeeze %dma_wait3A_2284 : memref<1x32x64xf32, #tpu.memory_space<vmem>> -> memref<32x64xf32, #tpu.memory_space<vmem>>
      %dma_wait3A_2286 = arith.constant 30 : i32
      %dma_wait3A_2287 = arith.constant 0 : i32
      %dma_wait3A_2288 = tpu.memref_slice %dma_wait3A_2285[%dma_wait3A_2286, %dma_wait3A_2287] : memref<32x64xf32, #tpu.memory_space<vmem>> -> memref<1x64xf32, #tpu.memory_space<vmem>>
      %dma_wait3A_2289 = arith.constant 0 : i32
      %dma_wait3A_2290 = tpu.memref_slice %arg2[%squeeze3A_780, %dma_wait3A_2289] : memref<1000001x64xf32, #tpu.memory_space<hbm>> -> memref<1x64xf32, #tpu.memory_space<hbm>>
      tpu.wait_dma2 semaphore(%dma_wait3A_2281 : memref<!tpu.dma_semaphore, #tpu.memory_space<semaphore_mem>>) src(%dma_wait3A_2290 : memref<1x64xf32, #tpu.memory_space<hbm>>) dst(%dma_wait3A_2288 : memref<1x64xf32, #tpu.memory_space<vmem>>)
      %dma_wait3A_2291 = arith.constant 0 : i32
      %dma_wait3A_2292 = arith.constant 0 : i32
      %dma_wait3A_2293 = arith.constant 0 : i32
      %dma_wait3A_2294 = arith.constant 0 : i32
      %dma_wait3A_2295 = tpu.memref_slice %arg6[%dma_wait3A_2291, %dma_wait3A_2293, %dma_wait3A_2294] : memref<2x32x64xf32, #tpu.memory_space<vmem>> -> memref<1x32x64xf32, #tpu.memory_space<vmem>>
      %dma_wait3A_2296 = tpu.memref_squeeze %dma_wait3A_2295 : memref<1x32x64xf32, #tpu.memory_space<vmem>> -> memref<32x64xf32, #tpu.memory_space<vmem>>
      %dma_wait3A_2297 = arith.constant 31 : i32
      %dma_wait3A_2298 = arith.constant 0 : i32
      %dma_wait3A_2299 = tpu.memref_slice %dma_wait3A_2296[%dma_wait3A_2297, %dma_wait3A_2298] : memref<32x64xf32, #tpu.memory_space<vmem>> -> memref<1x64xf32, #tpu.memory_space<vmem>>
      %dma_wait3A_2300 = arith.constant 0 : i32
      %dma_wait3A_2301 = tpu.memref_slice %arg2[%squeeze3A_804, %dma_wait3A_2300] : memref<1000001x64xf32, #tpu.memory_space<hbm>> -> memref<1x64xf32, #tpu.memory_space<hbm>>
      %dma_wait3A_2302 = tpu.memref_slice %arg7[%dma_wait3A_2292] : memref<2x!tpu.dma_semaphore, #tpu.memory_space<semaphore_mem>> -> memref<1x!tpu.dma_semaphore, #tpu.memory_space<semaphore_mem>>
      %dma_wait3A_2303 = tpu.memref_squeeze %dma_wait3A_2302 : memref<1x!tpu.dma_semaphore, #tpu.memory_space<semaphore_mem>> -> memref<!tpu.dma_semaphore, #tpu.memory_space<semaphore_mem>>
      %dma_wait3A_2304 = arith.constant 0 : i32
      %dma_wait3A_2305 = arith.constant 0 : i32
      %dma_wait3A_2306 = tpu.memref_slice %arg6[%dma_wait3A_2291, %dma_wait3A_2304, %dma_wait3A_2305] : memref<2x32x64xf32, #tpu.memory_space<vmem>> -> memref<1x32x64xf32, #tpu.memory_space<vmem>>
      %dma_wait3A_2307 = tpu.memref_squeeze %dma_wait3A_2306 : memref<1x32x64xf32, #tpu.memory_space<vmem>> -> memref<32x64xf32, #tpu.memory_space<vmem>>
      %dma_wait3A_2308 = arith.constant 31 : i32
      %dma_wait3A_2309 = arith.constant 0 : i32
      %dma_wait3A_2310 = tpu.memref_slice %dma_wait3A_2307[%dma_wait3A_2308, %dma_wait3A_2309] : memref<32x64xf32, #tpu.memory_space<vmem>> -> memref<1x64xf32, #tpu.memory_space<vmem>>
      %dma_wait3A_2311 = arith.constant 0 : i32
      %dma_wait3A_2312 = tpu.memref_slice %arg2[%squeeze3A_804, %dma_wait3A_2311] : memref<1000001x64xf32, #tpu.memory_space<hbm>> -> memref<1x64xf32, #tpu.memory_space<hbm>>
      tpu.wait_dma2 semaphore(%dma_wait3A_2303 : memref<!tpu.dma_semaphore, #tpu.memory_space<semaphore_mem>>) src(%dma_wait3A_2312 : memref<1x64xf32, #tpu.memory_space<hbm>>) dst(%dma_wait3A_2310 : memref<1x64xf32, #tpu.memory_space<vmem>>)
      %mul3A_2313 = arith.constant 32 : i32
      %mul3A_2314 = arith.muli %mul3A_44, %mul3A_2313 : i32
      %add3A_2315 = arith.addi %mul3A_2, %mul3A_2314 : i32
      %dma_start3A_2316 = arith.constant 0 : i32
      %dma_start3A_2317 = arith.constant 0 : i32
      %dma_start3A_2318 = arith.constant 0 : i32
      %dma_start3A_2319 = arith.constant 0 : i32
      %dma_start3A_2320 = tpu.memref_slice %arg6[%dma_start3A_2316, %dma_start3A_2318, %dma_start3A_2319] : memref<2x32x64xf32, #tpu.memory_space<vmem>> -> memref<1x32x64xf32, #tpu.memory_space<vmem>>
      %dma_start3A_2321 = tpu.memref_squeeze %dma_start3A_2320 : memref<1x32x64xf32, #tpu.memory_space<vmem>> -> memref<32x64xf32, #tpu.memory_space<vmem>>
      %dma_start3A_2322 = arith.constant 0 : i32
      %dma_start3A_2323 = tpu.memref_slice %arg4[%add3A_2315, %dma_start3A_2322] : memref<16384x64xf32, #tpu.memory_space<hbm>> -> memref<32x64xf32, #tpu.memory_space<hbm>>
      %dma_start3A_2324 = tpu.memref_slice %arg8[%dma_start3A_2317] : memref<2x!tpu.dma_semaphore, #tpu.memory_space<semaphore_mem>> -> memref<1x!tpu.dma_semaphore, #tpu.memory_space<semaphore_mem>>
      %dma_start3A_2325 = tpu.memref_squeeze %dma_start3A_2324 : memref<1x!tpu.dma_semaphore, #tpu.memory_space<semaphore_mem>> -> memref<!tpu.dma_semaphore, #tpu.memory_space<semaphore_mem>>
      %dma_start3A_2326 = arith.constant 0 : i32
      %dma_start3A_2327 = tpu.memref_slice %arg4[%add3A_2315, %dma_start3A_2326] : memref<16384x64xf32, #tpu.memory_space<hbm>> -> memref<32x64xf32, #tpu.memory_space<hbm>>
      %dma_start3A_2328 = arith.constant 0 : i32
      %dma_start3A_2329 = arith.constant 0 : i32
      %dma_start3A_2330 = tpu.memref_slice %arg6[%dma_start3A_2316, %dma_start3A_2328, %dma_start3A_2329] : memref<2x32x64xf32, #tpu.memory_space<vmem>> -> memref<1x32x64xf32, #tpu.memory_space<vmem>>
      %dma_start3A_2331 = tpu.memref_squeeze %dma_start3A_2330 : memref<1x32x64xf32, #tpu.memory_space<vmem>> -> memref<32x64xf32, #tpu.memory_space<vmem>>
      tpu.enqueue_dma source(%dma_start3A_2331 : memref<32x64xf32, #tpu.memory_space<vmem>>) target(%dma_start3A_2327 : memref<32x64xf32, #tpu.memory_space<hbm>>) target_semaphore(%dma_start3A_2325 : memref<!tpu.dma_semaphore, #tpu.memory_space<semaphore_mem>>)
      %dma_wait3A_2332 = arith.constant 1 : i32
      %dma_wait3A_2333 = arith.constant 1 : i32
      %dma_wait3A_2334 = arith.constant 0 : i32
      %dma_wait3A_2335 = arith.constant 0 : i32
      %dma_wait3A_2336 = tpu.memref_slice %arg6[%dma_wait3A_2332, %dma_wait3A_2334, %dma_wait3A_2335] : memref<2x32x64xf32, #tpu.memory_space<vmem>> -> memref<1x32x64xf32, #tpu.memory_space<vmem>>
      %dma_wait3A_2337 = tpu.memref_squeeze %dma_wait3A_2336 : memref<1x32x64xf32, #tpu.memory_space<vmem>> -> memref<32x64xf32, #tpu.memory_space<vmem>>
      %dma_wait3A_2338 = arith.constant 0 : i32
      %dma_wait3A_2339 = arith.constant 0 : i32
      %dma_wait3A_2340 = tpu.memref_slice %dma_wait3A_2337[%dma_wait3A_2338, %dma_wait3A_2339] : memref<32x64xf32, #tpu.memory_space<vmem>> -> memref<1x64xf32, #tpu.memory_space<vmem>>
      %dma_wait3A_2341 = arith.constant 0 : i32
      %dma_wait3A_2342 = tpu.memref_slice %arg2[%squeeze3A_835, %dma_wait3A_2341] : memref<1000001x64xf32, #tpu.memory_space<hbm>> -> memref<1x64xf32, #tpu.memory_space<hbm>>
      %dma_wait3A_2343 = tpu.memref_slice %arg7[%dma_wait3A_2333] : memref<2x!tpu.dma_semaphore, #tpu.memory_space<semaphore_mem>> -> memref<1x!tpu.dma_semaphore, #tpu.memory_space<semaphore_mem>>
      %dma_wait3A_2344 = tpu.memref_squeeze %dma_wait3A_2343 : memref<1x!tpu.dma_semaphore, #tpu.memory_space<semaphore_mem>> -> memref<!tpu.dma_semaphore, #tpu.memory_space<semaphore_mem>>
      %dma_wait3A_2345 = arith.constant 0 : i32
      %dma_wait3A_2346 = arith.constant 0 : i32
      %dma_wait3A_2347 = tpu.memref_slice %arg6[%dma_wait3A_2332, %dma_wait3A_2345, %dma_wait3A_2346] : memref<2x32x64xf32, #tpu.memory_space<vmem>> -> memref<1x32x64xf32, #tpu.memory_space<vmem>>
      %dma_wait3A_2348 = tpu.memref_squeeze %dma_wait3A_2347 : memref<1x32x64xf32, #tpu.memory_space<vmem>> -> memref<32x64xf32, #tpu.memory_space<vmem>>
      %dma_wait3A_2349 = arith.constant 0 : i32
      %dma_wait3A_2350 = arith.constant 0 : i32
      %dma_wait3A_2351 = tpu.memref_slice %dma_wait3A_2348[%dma_wait3A_2349, %dma_wait3A_2350] : memref<32x64xf32, #tpu.memory_space<vmem>> -> memref<1x64xf32, #tpu.memory_space<vmem>>
      %dma_wait3A_2352 = arith.constant 0 : i32
      %dma_wait3A_2353 = tpu.memref_slice %arg2[%squeeze3A_835, %dma_wait3A_2352] : memref<1000001x64xf32, #tpu.memory_space<hbm>> -> memref<1x64xf32, #tpu.memory_space<hbm>>
      tpu.wait_dma2 semaphore(%dma_wait3A_2344 : memref<!tpu.dma_semaphore, #tpu.memory_space<semaphore_mem>>) src(%dma_wait3A_2353 : memref<1x64xf32, #tpu.memory_space<hbm>>) dst(%dma_wait3A_2351 : memref<1x64xf32, #tpu.memory_space<vmem>>)
      %dma_wait3A_2354 = arith.constant 1 : i32
      %dma_wait3A_2355 = arith.constant 1 : i32
      %dma_wait3A_2356 = arith.constant 0 : i32
      %dma_wait3A_2357 = arith.constant 0 : i32
      %dma_wait3A_2358 = tpu.memref_slice %arg6[%dma_wait3A_2354, %dma_wait3A_2356, %dma_wait3A_2357] : memref<2x32x64xf32, #tpu.memory_space<vmem>> -> memref<1x32x64xf32, #tpu.memory_space<vmem>>
      %dma_wait3A_2359 = tpu.memref_squeeze %dma_wait3A_2358 : memref<1x32x64xf32, #tpu.memory_space<vmem>> -> memref<32x64xf32, #tpu.memory_space<vmem>>
      %dma_wait3A_2360 = arith.constant 1 : i32
      %dma_wait3A_2361 = arith.constant 0 : i32
      %dma_wait3A_2362 = tpu.memref_slice %dma_wait3A_2359[%dma_wait3A_2360, %dma_wait3A_2361] : memref<32x64xf32, #tpu.memory_space<vmem>> -> memref<1x64xf32, #tpu.memory_space<vmem>>
      %dma_wait3A_2363 = arith.constant 0 : i32
      %dma_wait3A_2364 = tpu.memref_slice %arg2[%squeeze3A_859, %dma_wait3A_2363] : memref<1000001x64xf32, #tpu.memory_space<hbm>> -> memref<1x64xf32, #tpu.memory_space<hbm>>
      %dma_wait3A_2365 = tpu.memref_slice %arg7[%dma_wait3A_2355] : memref<2x!tpu.dma_semaphore, #tpu.memory_space<semaphore_mem>> -> memref<1x!tpu.dma_semaphore, #tpu.memory_space<semaphore_mem>>
      %dma_wait3A_2366 = tpu.memref_squeeze %dma_wait3A_2365 : memref<1x!tpu.dma_semaphore, #tpu.memory_space<semaphore_mem>> -> memref<!tpu.dma_semaphore, #tpu.memory_space<semaphore_mem>>
      %dma_wait3A_2367 = arith.constant 0 : i32
      %dma_wait3A_2368 = arith.constant 0 : i32
      %dma_wait3A_2369 = tpu.memref_slice %arg6[%dma_wait3A_2354, %dma_wait3A_2367, %dma_wait3A_2368] : memref<2x32x64xf32, #tpu.memory_space<vmem>> -> memref<1x32x64xf32, #tpu.memory_space<vmem>>
      %dma_wait3A_2370 = tpu.memref_squeeze %dma_wait3A_2369 : memref<1x32x64xf32, #tpu.memory_space<vmem>> -> memref<32x64xf32, #tpu.memory_space<vmem>>
      %dma_wait3A_2371 = arith.constant 1 : i32
      %dma_wait3A_2372 = arith.constant 0 : i32
      %dma_wait3A_2373 = tpu.memref_slice %dma_wait3A_2370[%dma_wait3A_2371, %dma_wait3A_2372] : memref<32x64xf32, #tpu.memory_space<vmem>> -> memref<1x64xf32, #tpu.memory_space<vmem>>
      %dma_wait3A_2374 = arith.constant 0 : i32
      %dma_wait3A_2375 = tpu.memref_slice %arg2[%squeeze3A_859, %dma_wait3A_2374] : memref<1000001x64xf32, #tpu.memory_space<hbm>> -> memref<1x64xf32, #tpu.memory_space<hbm>>
      tpu.wait_dma2 semaphore(%dma_wait3A_2366 : memref<!tpu.dma_semaphore, #tpu.memory_space<semaphore_mem>>) src(%dma_wait3A_2375 : memref<1x64xf32, #tpu.memory_space<hbm>>) dst(%dma_wait3A_2373 : memref<1x64xf32, #tpu.memory_space<vmem>>)
      %dma_wait3A_2376 = arith.constant 1 : i32
      %dma_wait3A_2377 = arith.constant 1 : i32
      %dma_wait3A_2378 = arith.constant 0 : i32
      %dma_wait3A_2379 = arith.constant 0 : i32
      %dma_wait3A_2380 = tpu.memref_slice %arg6[%dma_wait3A_2376, %dma_wait3A_2378, %dma_wait3A_2379] : memref<2x32x64xf32, #tpu.memory_space<vmem>> -> memref<1x32x64xf32, #tpu.memory_space<vmem>>
      %dma_wait3A_2381 = tpu.memref_squeeze %dma_wait3A_2380 : memref<1x32x64xf32, #tpu.memory_space<vmem>> -> memref<32x64xf32, #tpu.memory_space<vmem>>
      %dma_wait3A_2382 = arith.constant 2 : i32
      %dma_wait3A_2383 = arith.constant 0 : i32
      %dma_wait3A_2384 = tpu.memref_slice %dma_wait3A_2381[%dma_wait3A_2382, %dma_wait3A_2383] : memref<32x64xf32, #tpu.memory_space<vmem>> -> memref<1x64xf32, #tpu.memory_space<vmem>>
      %dma_wait3A_2385 = arith.constant 0 : i32
      %dma_wait3A_2386 = tpu.memref_slice %arg2[%squeeze3A_883, %dma_wait3A_2385] : memref<1000001x64xf32, #tpu.memory_space<hbm>> -> memref<1x64xf32, #tpu.memory_space<hbm>>
      %dma_wait3A_2387 = tpu.memref_slice %arg7[%dma_wait3A_2377] : memref<2x!tpu.dma_semaphore, #tpu.memory_space<semaphore_mem>> -> memref<1x!tpu.dma_semaphore, #tpu.memory_space<semaphore_mem>>
      %dma_wait3A_2388 = tpu.memref_squeeze %dma_wait3A_2387 : memref<1x!tpu.dma_semaphore, #tpu.memory_space<semaphore_mem>> -> memref<!tpu.dma_semaphore, #tpu.memory_space<semaphore_mem>>
      %dma_wait3A_2389 = arith.constant 0 : i32
      %dma_wait3A_2390 = arith.constant 0 : i32
      %dma_wait3A_2391 = tpu.memref_slice %arg6[%dma_wait3A_2376, %dma_wait3A_2389, %dma_wait3A_2390] : memref<2x32x64xf32, #tpu.memory_space<vmem>> -> memref<1x32x64xf32, #tpu.memory_space<vmem>>
      %dma_wait3A_2392 = tpu.memref_squeeze %dma_wait3A_2391 : memref<1x32x64xf32, #tpu.memory_space<vmem>> -> memref<32x64xf32, #tpu.memory_space<vmem>>
      %dma_wait3A_2393 = arith.constant 2 : i32
      %dma_wait3A_2394 = arith.constant 0 : i32
      %dma_wait3A_2395 = tpu.memref_slice %dma_wait3A_2392[%dma_wait3A_2393, %dma_wait3A_2394] : memref<32x64xf32, #tpu.memory_space<vmem>> -> memref<1x64xf32, #tpu.memory_space<vmem>>
      %dma_wait3A_2396 = arith.constant 0 : i32
      %dma_wait3A_2397 = tpu.memref_slice %arg2[%squeeze3A_883, %dma_wait3A_2396] : memref<1000001x64xf32, #tpu.memory_space<hbm>> -> memref<1x64xf32, #tpu.memory_space<hbm>>
      tpu.wait_dma2 semaphore(%dma_wait3A_2388 : memref<!tpu.dma_semaphore, #tpu.memory_space<semaphore_mem>>) src(%dma_wait3A_2397 : memref<1x64xf32, #tpu.memory_space<hbm>>) dst(%dma_wait3A_2395 : memref<1x64xf32, #tpu.memory_space<vmem>>)
      %dma_wait3A_2398 = arith.constant 1 : i32
      %dma_wait3A_2399 = arith.constant 1 : i32
      %dma_wait3A_2400 = arith.constant 0 : i32
      %dma_wait3A_2401 = arith.constant 0 : i32
      %dma_wait3A_2402 = tpu.memref_slice %arg6[%dma_wait3A_2398, %dma_wait3A_2400, %dma_wait3A_2401] : memref<2x32x64xf32, #tpu.memory_space<vmem>> -> memref<1x32x64xf32, #tpu.memory_space<vmem>>
      %dma_wait3A_2403 = tpu.memref_squeeze %dma_wait3A_2402 : memref<1x32x64xf32, #tpu.memory_space<vmem>> -> memref<32x64xf32, #tpu.memory_space<vmem>>
      %dma_wait3A_2404 = arith.constant 3 : i32
      %dma_wait3A_2405 = arith.constant 0 : i32
      %dma_wait3A_2406 = tpu.memref_slice %dma_wait3A_2403[%dma_wait3A_2404, %dma_wait3A_2405] : memref<32x64xf32, #tpu.memory_space<vmem>> -> memref<1x64xf32, #tpu.memory_space<vmem>>
      %dma_wait3A_2407 = arith.constant 0 : i32
      %dma_wait3A_2408 = tpu.memref_slice %arg2[%squeeze3A_907, %dma_wait3A_2407] : memref<1000001x64xf32, #tpu.memory_space<hbm>> -> memref<1x64xf32, #tpu.memory_space<hbm>>
      %dma_wait3A_2409 = tpu.memref_slice %arg7[%dma_wait3A_2399] : memref<2x!tpu.dma_semaphore, #tpu.memory_space<semaphore_mem>> -> memref<1x!tpu.dma_semaphore, #tpu.memory_space<semaphore_mem>>
      %dma_wait3A_2410 = tpu.memref_squeeze %dma_wait3A_2409 : memref<1x!tpu.dma_semaphore, #tpu.memory_space<semaphore_mem>> -> memref<!tpu.dma_semaphore, #tpu.memory_space<semaphore_mem>>
      %dma_wait3A_2411 = arith.constant 0 : i32
      %dma_wait3A_2412 = arith.constant 0 : i32
      %dma_wait3A_2413 = tpu.memref_slice %arg6[%dma_wait3A_2398, %dma_wait3A_2411, %dma_wait3A_2412] : memref<2x32x64xf32, #tpu.memory_space<vmem>> -> memref<1x32x64xf32, #tpu.memory_space<vmem>>
      %dma_wait3A_2414 = tpu.memref_squeeze %dma_wait3A_2413 : memref<1x32x64xf32, #tpu.memory_space<vmem>> -> memref<32x64xf32, #tpu.memory_space<vmem>>
      %dma_wait3A_2415 = arith.constant 3 : i32
      %dma_wait3A_2416 = arith.constant 0 : i32
      %dma_wait3A_2417 = tpu.memref_slice %dma_wait3A_2414[%dma_wait3A_2415, %dma_wait3A_2416] : memref<32x64xf32, #tpu.memory_space<vmem>> -> memref<1x64xf32, #tpu.memory_space<vmem>>
      %dma_wait3A_2418 = arith.constant 0 : i32
      %dma_wait3A_2419 = tpu.memref_slice %arg2[%squeeze3A_907, %dma_wait3A_2418] : memref<1000001x64xf32, #tpu.memory_space<hbm>> -> memref<1x64xf32, #tpu.memory_space<hbm>>
      tpu.wait_dma2 semaphore(%dma_wait3A_2410 : memref<!tpu.dma_semaphore, #tpu.memory_space<semaphore_mem>>) src(%dma_wait3A_2419 : memref<1x64xf32, #tpu.memory_space<hbm>>) dst(%dma_wait3A_2417 : memref<1x64xf32, #tpu.memory_space<vmem>>)
      %dma_wait3A_2420 = arith.constant 1 : i32
      %dma_wait3A_2421 = arith.constant 1 : i32
      %dma_wait3A_2422 = arith.constant 0 : i32
      %dma_wait3A_2423 = arith.constant 0 : i32
      %dma_wait3A_2424 = tpu.memref_slice %arg6[%dma_wait3A_2420, %dma_wait3A_2422, %dma_wait3A_2423] : memref<2x32x64xf32, #tpu.memory_space<vmem>> -> memref<1x32x64xf32, #tpu.memory_space<vmem>>
      %dma_wait3A_2425 = tpu.memref_squeeze %dma_wait3A_2424 : memref<1x32x64xf32, #tpu.memory_space<vmem>> -> memref<32x64xf32, #tpu.memory_space<vmem>>
      %dma_wait3A_2426 = arith.constant 4 : i32
      %dma_wait3A_2427 = arith.constant 0 : i32
      %dma_wait3A_2428 = tpu.memref_slice %dma_wait3A_2425[%dma_wait3A_2426, %dma_wait3A_2427] : memref<32x64xf32, #tpu.memory_space<vmem>> -> memref<1x64xf32, #tpu.memory_space<vmem>>
      %dma_wait3A_2429 = arith.constant 0 : i32
      %dma_wait3A_2430 = tpu.memref_slice %arg2[%squeeze3A_931, %dma_wait3A_2429] : memref<1000001x64xf32, #tpu.memory_space<hbm>> -> memref<1x64xf32, #tpu.memory_space<hbm>>
      %dma_wait3A_2431 = tpu.memref_slice %arg7[%dma_wait3A_2421] : memref<2x!tpu.dma_semaphore, #tpu.memory_space<semaphore_mem>> -> memref<1x!tpu.dma_semaphore, #tpu.memory_space<semaphore_mem>>
      %dma_wait3A_2432 = tpu.memref_squeeze %dma_wait3A_2431 : memref<1x!tpu.dma_semaphore, #tpu.memory_space<semaphore_mem>> -> memref<!tpu.dma_semaphore, #tpu.memory_space<semaphore_mem>>
      %dma_wait3A_2433 = arith.constant 0 : i32
      %dma_wait3A_2434 = arith.constant 0 : i32
      %dma_wait3A_2435 = tpu.memref_slice %arg6[%dma_wait3A_2420, %dma_wait3A_2433, %dma_wait3A_2434] : memref<2x32x64xf32, #tpu.memory_space<vmem>> -> memref<1x32x64xf32, #tpu.memory_space<vmem>>
      %dma_wait3A_2436 = tpu.memref_squeeze %dma_wait3A_2435 : memref<1x32x64xf32, #tpu.memory_space<vmem>> -> memref<32x64xf32, #tpu.memory_space<vmem>>
      %dma_wait3A_2437 = arith.constant 4 : i32
      %dma_wait3A_2438 = arith.constant 0 : i32
      %dma_wait3A_2439 = tpu.memref_slice %dma_wait3A_2436[%dma_wait3A_2437, %dma_wait3A_2438] : memref<32x64xf32, #tpu.memory_space<vmem>> -> memref<1x64xf32, #tpu.memory_space<vmem>>
      %dma_wait3A_2440 = arith.constant 0 : i32
      %dma_wait3A_2441 = tpu.memref_slice %arg2[%squeeze3A_931, %dma_wait3A_2440] : memref<1000001x64xf32, #tpu.memory_space<hbm>> -> memref<1x64xf32, #tpu.memory_space<hbm>>
      tpu.wait_dma2 semaphore(%dma_wait3A_2432 : memref<!tpu.dma_semaphore, #tpu.memory_space<semaphore_mem>>) src(%dma_wait3A_2441 : memref<1x64xf32, #tpu.memory_space<hbm>>) dst(%dma_wait3A_2439 : memref<1x64xf32, #tpu.memory_space<vmem>>)
      %dma_wait3A_2442 = arith.constant 1 : i32
      %dma_wait3A_2443 = arith.constant 1 : i32
      %dma_wait3A_2444 = arith.constant 0 : i32
      %dma_wait3A_2445 = arith.constant 0 : i32
      %dma_wait3A_2446 = tpu.memref_slice %arg6[%dma_wait3A_2442, %dma_wait3A_2444, %dma_wait3A_2445] : memref<2x32x64xf32, #tpu.memory_space<vmem>> -> memref<1x32x64xf32, #tpu.memory_space<vmem>>
      %dma_wait3A_2447 = tpu.memref_squeeze %dma_wait3A_2446 : memref<1x32x64xf32, #tpu.memory_space<vmem>> -> memref<32x64xf32, #tpu.memory_space<vmem>>
      %dma_wait3A_2448 = arith.constant 5 : i32
      %dma_wait3A_2449 = arith.constant 0 : i32
      %dma_wait3A_2450 = tpu.memref_slice %dma_wait3A_2447[%dma_wait3A_2448, %dma_wait3A_2449] : memref<32x64xf32, #tpu.memory_space<vmem>> -> memref<1x64xf32, #tpu.memory_space<vmem>>
      %dma_wait3A_2451 = arith.constant 0 : i32
      %dma_wait3A_2452 = tpu.memref_slice %arg2[%squeeze3A_955, %dma_wait3A_2451] : memref<1000001x64xf32, #tpu.memory_space<hbm>> -> memref<1x64xf32, #tpu.memory_space<hbm>>
      %dma_wait3A_2453 = tpu.memref_slice %arg7[%dma_wait3A_2443] : memref<2x!tpu.dma_semaphore, #tpu.memory_space<semaphore_mem>> -> memref<1x!tpu.dma_semaphore, #tpu.memory_space<semaphore_mem>>
      %dma_wait3A_2454 = tpu.memref_squeeze %dma_wait3A_2453 : memref<1x!tpu.dma_semaphore, #tpu.memory_space<semaphore_mem>> -> memref<!tpu.dma_semaphore, #tpu.memory_space<semaphore_mem>>
      %dma_wait3A_2455 = arith.constant 0 : i32
      %dma_wait3A_2456 = arith.constant 0 : i32
      %dma_wait3A_2457 = tpu.memref_slice %arg6[%dma_wait3A_2442, %dma_wait3A_2455, %dma_wait3A_2456] : memref<2x32x64xf32, #tpu.memory_space<vmem>> -> memref<1x32x64xf32, #tpu.memory_space<vmem>>
      %dma_wait3A_2458 = tpu.memref_squeeze %dma_wait3A_2457 : memref<1x32x64xf32, #tpu.memory_space<vmem>> -> memref<32x64xf32, #tpu.memory_space<vmem>>
      %dma_wait3A_2459 = arith.constant 5 : i32
      %dma_wait3A_2460 = arith.constant 0 : i32
      %dma_wait3A_2461 = tpu.memref_slice %dma_wait3A_2458[%dma_wait3A_2459, %dma_wait3A_2460] : memref<32x64xf32, #tpu.memory_space<vmem>> -> memref<1x64xf32, #tpu.memory_space<vmem>>
      %dma_wait3A_2462 = arith.constant 0 : i32
      %dma_wait3A_2463 = tpu.memref_slice %arg2[%squeeze3A_955, %dma_wait3A_2462] : memref<1000001x64xf32, #tpu.memory_space<hbm>> -> memref<1x64xf32, #tpu.memory_space<hbm>>
      tpu.wait_dma2 semaphore(%dma_wait3A_2454 : memref<!tpu.dma_semaphore, #tpu.memory_space<semaphore_mem>>) src(%dma_wait3A_2463 : memref<1x64xf32, #tpu.memory_space<hbm>>) dst(%dma_wait3A_2461 : memref<1x64xf32, #tpu.memory_space<vmem>>)
      %dma_wait3A_2464 = arith.constant 1 : i32
      %dma_wait3A_2465 = arith.constant 1 : i32
      %dma_wait3A_2466 = arith.constant 0 : i32
      %dma_wait3A_2467 = arith.constant 0 : i32
      %dma_wait3A_2468 = tpu.memref_slice %arg6[%dma_wait3A_2464, %dma_wait3A_2466, %dma_wait3A_2467] : memref<2x32x64xf32, #tpu.memory_space<vmem>> -> memref<1x32x64xf32, #tpu.memory_space<vmem>>
      %dma_wait3A_2469 = tpu.memref_squeeze %dma_wait3A_2468 : memref<1x32x64xf32, #tpu.memory_space<vmem>> -> memref<32x64xf32, #tpu.memory_space<vmem>>
      %dma_wait3A_2470 = arith.constant 6 : i32
      %dma_wait3A_2471 = arith.constant 0 : i32
      %dma_wait3A_2472 = tpu.memref_slice %dma_wait3A_2469[%dma_wait3A_2470, %dma_wait3A_2471] : memref<32x64xf32, #tpu.memory_space<vmem>> -> memref<1x64xf32, #tpu.memory_space<vmem>>
      %dma_wait3A_2473 = arith.constant 0 : i32
      %dma_wait3A_2474 = tpu.memref_slice %arg2[%squeeze3A_979, %dma_wait3A_2473] : memref<1000001x64xf32, #tpu.memory_space<hbm>> -> memref<1x64xf32, #tpu.memory_space<hbm>>
      %dma_wait3A_2475 = tpu.memref_slice %arg7[%dma_wait3A_2465] : memref<2x!tpu.dma_semaphore, #tpu.memory_space<semaphore_mem>> -> memref<1x!tpu.dma_semaphore, #tpu.memory_space<semaphore_mem>>
      %dma_wait3A_2476 = tpu.memref_squeeze %dma_wait3A_2475 : memref<1x!tpu.dma_semaphore, #tpu.memory_space<semaphore_mem>> -> memref<!tpu.dma_semaphore, #tpu.memory_space<semaphore_mem>>
      %dma_wait3A_2477 = arith.constant 0 : i32
      %dma_wait3A_2478 = arith.constant 0 : i32
      %dma_wait3A_2479 = tpu.memref_slice %arg6[%dma_wait3A_2464, %dma_wait3A_2477, %dma_wait3A_2478] : memref<2x32x64xf32, #tpu.memory_space<vmem>> -> memref<1x32x64xf32, #tpu.memory_space<vmem>>
      %dma_wait3A_2480 = tpu.memref_squeeze %dma_wait3A_2479 : memref<1x32x64xf32, #tpu.memory_space<vmem>> -> memref<32x64xf32, #tpu.memory_space<vmem>>
      %dma_wait3A_2481 = arith.constant 6 : i32
      %dma_wait3A_2482 = arith.constant 0 : i32
      %dma_wait3A_2483 = tpu.memref_slice %dma_wait3A_2480[%dma_wait3A_2481, %dma_wait3A_2482] : memref<32x64xf32, #tpu.memory_space<vmem>> -> memref<1x64xf32, #tpu.memory_space<vmem>>
      %dma_wait3A_2484 = arith.constant 0 : i32
      %dma_wait3A_2485 = tpu.memref_slice %arg2[%squeeze3A_979, %dma_wait3A_2484] : memref<1000001x64xf32, #tpu.memory_space<hbm>> -> memref<1x64xf32, #tpu.memory_space<hbm>>
      tpu.wait_dma2 semaphore(%dma_wait3A_2476 : memref<!tpu.dma_semaphore, #tpu.memory_space<semaphore_mem>>) src(%dma_wait3A_2485 : memref<1x64xf32, #tpu.memory_space<hbm>>) dst(%dma_wait3A_2483 : memref<1x64xf32, #tpu.memory_space<vmem>>)
      %dma_wait3A_2486 = arith.constant 1 : i32
      %dma_wait3A_2487 = arith.constant 1 : i32
      %dma_wait3A_2488 = arith.constant 0 : i32
      %dma_wait3A_2489 = arith.constant 0 : i32
      %dma_wait3A_2490 = tpu.memref_slice %arg6[%dma_wait3A_2486, %dma_wait3A_2488, %dma_wait3A_2489] : memref<2x32x64xf32, #tpu.memory_space<vmem>> -> memref<1x32x64xf32, #tpu.memory_space<vmem>>
      %dma_wait3A_2491 = tpu.memref_squeeze %dma_wait3A_2490 : memref<1x32x64xf32, #tpu.memory_space<vmem>> -> memref<32x64xf32, #tpu.memory_space<vmem>>
      %dma_wait3A_2492 = arith.constant 7 : i32
      %dma_wait3A_2493 = arith.constant 0 : i32
      %dma_wait3A_2494 = tpu.memref_slice %dma_wait3A_2491[%dma_wait3A_2492, %dma_wait3A_2493] : memref<32x64xf32, #tpu.memory_space<vmem>> -> memref<1x64xf32, #tpu.memory_space<vmem>>
      %dma_wait3A_2495 = arith.constant 0 : i32
      %dma_wait3A_2496 = tpu.memref_slice %arg2[%squeeze3A_1003, %dma_wait3A_2495] : memref<1000001x64xf32, #tpu.memory_space<hbm>> -> memref<1x64xf32, #tpu.memory_space<hbm>>
      %dma_wait3A_2497 = tpu.memref_slice %arg7[%dma_wait3A_2487] : memref<2x!tpu.dma_semaphore, #tpu.memory_space<semaphore_mem>> -> memref<1x!tpu.dma_semaphore, #tpu.memory_space<semaphore_mem>>
      %dma_wait3A_2498 = tpu.memref_squeeze %dma_wait3A_2497 : memref<1x!tpu.dma_semaphore, #tpu.memory_space<semaphore_mem>> -> memref<!tpu.dma_semaphore, #tpu.memory_space<semaphore_mem>>
      %dma_wait3A_2499 = arith.constant 0 : i32
      %dma_wait3A_2500 = arith.constant 0 : i32
      %dma_wait3A_2501 = tpu.memref_slice %arg6[%dma_wait3A_2486, %dma_wait3A_2499, %dma_wait3A_2500] : memref<2x32x64xf32, #tpu.memory_space<vmem>> -> memref<1x32x64xf32, #tpu.memory_space<vmem>>
      %dma_wait3A_2502 = tpu.memref_squeeze %dma_wait3A_2501 : memref<1x32x64xf32, #tpu.memory_space<vmem>> -> memref<32x64xf32, #tpu.memory_space<vmem>>
      %dma_wait3A_2503 = arith.constant 7 : i32
      %dma_wait3A_2504 = arith.constant 0 : i32
      %dma_wait3A_2505 = tpu.memref_slice %dma_wait3A_2502[%dma_wait3A_2503, %dma_wait3A_2504] : memref<32x64xf32, #tpu.memory_space<vmem>> -> memref<1x64xf32, #tpu.memory_space<vmem>>
      %dma_wait3A_2506 = arith.constant 0 : i32
      %dma_wait3A_2507 = tpu.memref_slice %arg2[%squeeze3A_1003, %dma_wait3A_2506] : memref<1000001x64xf32, #tpu.memory_space<hbm>> -> memref<1x64xf32, #tpu.memory_space<hbm>>
      tpu.wait_dma2 semaphore(%dma_wait3A_2498 : memref<!tpu.dma_semaphore, #tpu.memory_space<semaphore_mem>>) src(%dma_wait3A_2507 : memref<1x64xf32, #tpu.memory_space<hbm>>) dst(%dma_wait3A_2505 : memref<1x64xf32, #tpu.memory_space<vmem>>)
      %dma_wait3A_2508 = arith.constant 1 : i32
      %dma_wait3A_2509 = arith.constant 1 : i32
      %dma_wait3A_2510 = arith.constant 0 : i32
      %dma_wait3A_2511 = arith.constant 0 : i32
      %dma_wait3A_2512 = tpu.memref_slice %arg6[%dma_wait3A_2508, %dma_wait3A_2510, %dma_wait3A_2511] : memref<2x32x64xf32, #tpu.memory_space<vmem>> -> memref<1x32x64xf32, #tpu.memory_space<vmem>>
      %dma_wait3A_2513 = tpu.memref_squeeze %dma_wait3A_2512 : memref<1x32x64xf32, #tpu.memory_space<vmem>> -> memref<32x64xf32, #tpu.memory_space<vmem>>
      %dma_wait3A_2514 = arith.constant 8 : i32
      %dma_wait3A_2515 = arith.constant 0 : i32
      %dma_wait3A_2516 = tpu.memref_slice %dma_wait3A_2513[%dma_wait3A_2514, %dma_wait3A_2515] : memref<32x64xf32, #tpu.memory_space<vmem>> -> memref<1x64xf32, #tpu.memory_space<vmem>>
      %dma_wait3A_2517 = arith.constant 0 : i32
      %dma_wait3A_2518 = tpu.memref_slice %arg2[%squeeze3A_1027, %dma_wait3A_2517] : memref<1000001x64xf32, #tpu.memory_space<hbm>> -> memref<1x64xf32, #tpu.memory_space<hbm>>
      %dma_wait3A_2519 = tpu.memref_slice %arg7[%dma_wait3A_2509] : memref<2x!tpu.dma_semaphore, #tpu.memory_space<semaphore_mem>> -> memref<1x!tpu.dma_semaphore, #tpu.memory_space<semaphore_mem>>
      %dma_wait3A_2520 = tpu.memref_squeeze %dma_wait3A_2519 : memref<1x!tpu.dma_semaphore, #tpu.memory_space<semaphore_mem>> -> memref<!tpu.dma_semaphore, #tpu.memory_space<semaphore_mem>>
      %dma_wait3A_2521 = arith.constant 0 : i32
      %dma_wait3A_2522 = arith.constant 0 : i32
      %dma_wait3A_2523 = tpu.memref_slice %arg6[%dma_wait3A_2508, %dma_wait3A_2521, %dma_wait3A_2522] : memref<2x32x64xf32, #tpu.memory_space<vmem>> -> memref<1x32x64xf32, #tpu.memory_space<vmem>>
      %dma_wait3A_2524 = tpu.memref_squeeze %dma_wait3A_2523 : memref<1x32x64xf32, #tpu.memory_space<vmem>> -> memref<32x64xf32, #tpu.memory_space<vmem>>
      %dma_wait3A_2525 = arith.constant 8 : i32
      %dma_wait3A_2526 = arith.constant 0 : i32
      %dma_wait3A_2527 = tpu.memref_slice %dma_wait3A_2524[%dma_wait3A_2525, %dma_wait3A_2526] : memref<32x64xf32, #tpu.memory_space<vmem>> -> memref<1x64xf32, #tpu.memory_space<vmem>>
      %dma_wait3A_2528 = arith.constant 0 : i32
      %dma_wait3A_2529 = tpu.memref_slice %arg2[%squeeze3A_1027, %dma_wait3A_2528] : memref<1000001x64xf32, #tpu.memory_space<hbm>> -> memref<1x64xf32, #tpu.memory_space<hbm>>
      tpu.wait_dma2 semaphore(%dma_wait3A_2520 : memref<!tpu.dma_semaphore, #tpu.memory_space<semaphore_mem>>) src(%dma_wait3A_2529 : memref<1x64xf32, #tpu.memory_space<hbm>>) dst(%dma_wait3A_2527 : memref<1x64xf32, #tpu.memory_space<vmem>>)
      %dma_wait3A_2530 = arith.constant 1 : i32
      %dma_wait3A_2531 = arith.constant 1 : i32
      %dma_wait3A_2532 = arith.constant 0 : i32
      %dma_wait3A_2533 = arith.constant 0 : i32
      %dma_wait3A_2534 = tpu.memref_slice %arg6[%dma_wait3A_2530, %dma_wait3A_2532, %dma_wait3A_2533] : memref<2x32x64xf32, #tpu.memory_space<vmem>> -> memref<1x32x64xf32, #tpu.memory_space<vmem>>
      %dma_wait3A_2535 = tpu.memref_squeeze %dma_wait3A_2534 : memref<1x32x64xf32, #tpu.memory_space<vmem>> -> memref<32x64xf32, #tpu.memory_space<vmem>>
      %dma_wait3A_2536 = arith.constant 9 : i32
      %dma_wait3A_2537 = arith.constant 0 : i32
      %dma_wait3A_2538 = tpu.memref_slice %dma_wait3A_2535[%dma_wait3A_2536, %dma_wait3A_2537] : memref<32x64xf32, #tpu.memory_space<vmem>> -> memref<1x64xf32, #tpu.memory_space<vmem>>
      %dma_wait3A_2539 = arith.constant 0 : i32
      %dma_wait3A_2540 = tpu.memref_slice %arg2[%squeeze3A_1051, %dma_wait3A_2539] : memref<1000001x64xf32, #tpu.memory_space<hbm>> -> memref<1x64xf32, #tpu.memory_space<hbm>>
      %dma_wait3A_2541 = tpu.memref_slice %arg7[%dma_wait3A_2531] : memref<2x!tpu.dma_semaphore, #tpu.memory_space<semaphore_mem>> -> memref<1x!tpu.dma_semaphore, #tpu.memory_space<semaphore_mem>>
      %dma_wait3A_2542 = tpu.memref_squeeze %dma_wait3A_2541 : memref<1x!tpu.dma_semaphore, #tpu.memory_space<semaphore_mem>> -> memref<!tpu.dma_semaphore, #tpu.memory_space<semaphore_mem>>
      %dma_wait3A_2543 = arith.constant 0 : i32
      %dma_wait3A_2544 = arith.constant 0 : i32
      %dma_wait3A_2545 = tpu.memref_slice %arg6[%dma_wait3A_2530, %dma_wait3A_2543, %dma_wait3A_2544] : memref<2x32x64xf32, #tpu.memory_space<vmem>> -> memref<1x32x64xf32, #tpu.memory_space<vmem>>
      %dma_wait3A_2546 = tpu.memref_squeeze %dma_wait3A_2545 : memref<1x32x64xf32, #tpu.memory_space<vmem>> -> memref<32x64xf32, #tpu.memory_space<vmem>>
      %dma_wait3A_2547 = arith.constant 9 : i32
      %dma_wait3A_2548 = arith.constant 0 : i32
      %dma_wait3A_2549 = tpu.memref_slice %dma_wait3A_2546[%dma_wait3A_2547, %dma_wait3A_2548] : memref<32x64xf32, #tpu.memory_space<vmem>> -> memref<1x64xf32, #tpu.memory_space<vmem>>
      %dma_wait3A_2550 = arith.constant 0 : i32
      %dma_wait3A_2551 = tpu.memref_slice %arg2[%squeeze3A_1051, %dma_wait3A_2550] : memref<1000001x64xf32, #tpu.memory_space<hbm>> -> memref<1x64xf32, #tpu.memory_space<hbm>>
      tpu.wait_dma2 semaphore(%dma_wait3A_2542 : memref<!tpu.dma_semaphore, #tpu.memory_space<semaphore_mem>>) src(%dma_wait3A_2551 : memref<1x64xf32, #tpu.memory_space<hbm>>) dst(%dma_wait3A_2549 : memref<1x64xf32, #tpu.memory_space<vmem>>)
      %dma_wait3A_2552 = arith.constant 1 : i32
      %dma_wait3A_2553 = arith.constant 1 : i32
      %dma_wait3A_2554 = arith.constant 0 : i32
      %dma_wait3A_2555 = arith.constant 0 : i32
      %dma_wait3A_2556 = tpu.memref_slice %arg6[%dma_wait3A_2552, %dma_wait3A_2554, %dma_wait3A_2555] : memref<2x32x64xf32, #tpu.memory_space<vmem>> -> memref<1x32x64xf32, #tpu.memory_space<vmem>>
      %dma_wait3A_2557 = tpu.memref_squeeze %dma_wait3A_2556 : memref<1x32x64xf32, #tpu.memory_space<vmem>> -> memref<32x64xf32, #tpu.memory_space<vmem>>
      %dma_wait3A_2558 = arith.constant 10 : i32
      %dma_wait3A_2559 = arith.constant 0 : i32
      %dma_wait3A_2560 = tpu.memref_slice %dma_wait3A_2557[%dma_wait3A_2558, %dma_wait3A_2559] : memref<32x64xf32, #tpu.memory_space<vmem>> -> memref<1x64xf32, #tpu.memory_space<vmem>>
      %dma_wait3A_2561 = arith.constant 0 : i32
      %dma_wait3A_2562 = tpu.memref_slice %arg2[%squeeze3A_1075, %dma_wait3A_2561] : memref<1000001x64xf32, #tpu.memory_space<hbm>> -> memref<1x64xf32, #tpu.memory_space<hbm>>
      %dma_wait3A_2563 = tpu.memref_slice %arg7[%dma_wait3A_2553] : memref<2x!tpu.dma_semaphore, #tpu.memory_space<semaphore_mem>> -> memref<1x!tpu.dma_semaphore, #tpu.memory_space<semaphore_mem>>
      %dma_wait3A_2564 = tpu.memref_squeeze %dma_wait3A_2563 : memref<1x!tpu.dma_semaphore, #tpu.memory_space<semaphore_mem>> -> memref<!tpu.dma_semaphore, #tpu.memory_space<semaphore_mem>>
      %dma_wait3A_2565 = arith.constant 0 : i32
      %dma_wait3A_2566 = arith.constant 0 : i32
      %dma_wait3A_2567 = tpu.memref_slice %arg6[%dma_wait3A_2552, %dma_wait3A_2565, %dma_wait3A_2566] : memref<2x32x64xf32, #tpu.memory_space<vmem>> -> memref<1x32x64xf32, #tpu.memory_space<vmem>>
      %dma_wait3A_2568 = tpu.memref_squeeze %dma_wait3A_2567 : memref<1x32x64xf32, #tpu.memory_space<vmem>> -> memref<32x64xf32, #tpu.memory_space<vmem>>
      %dma_wait3A_2569 = arith.constant 10 : i32
      %dma_wait3A_2570 = arith.constant 0 : i32
      %dma_wait3A_2571 = tpu.memref_slice %dma_wait3A_2568[%dma_wait3A_2569, %dma_wait3A_2570] : memref<32x64xf32, #tpu.memory_space<vmem>> -> memref<1x64xf32, #tpu.memory_space<vmem>>
      %dma_wait3A_2572 = arith.constant 0 : i32
      %dma_wait3A_2573 = tpu.memref_slice %arg2[%squeeze3A_1075, %dma_wait3A_2572] : memref<1000001x64xf32, #tpu.memory_space<hbm>> -> memref<1x64xf32, #tpu.memory_space<hbm>>
      tpu.wait_dma2 semaphore(%dma_wait3A_2564 : memref<!tpu.dma_semaphore, #tpu.memory_space<semaphore_mem>>) src(%dma_wait3A_2573 : memref<1x64xf32, #tpu.memory_space<hbm>>) dst(%dma_wait3A_2571 : memref<1x64xf32, #tpu.memory_space<vmem>>)
      %dma_wait3A_2574 = arith.constant 1 : i32
      %dma_wait3A_2575 = arith.constant 1 : i32
      %dma_wait3A_2576 = arith.constant 0 : i32
      %dma_wait3A_2577 = arith.constant 0 : i32
      %dma_wait3A_2578 = tpu.memref_slice %arg6[%dma_wait3A_2574, %dma_wait3A_2576, %dma_wait3A_2577] : memref<2x32x64xf32, #tpu.memory_space<vmem>> -> memref<1x32x64xf32, #tpu.memory_space<vmem>>
      %dma_wait3A_2579 = tpu.memref_squeeze %dma_wait3A_2578 : memref<1x32x64xf32, #tpu.memory_space<vmem>> -> memref<32x64xf32, #tpu.memory_space<vmem>>
      %dma_wait3A_2580 = arith.constant 11 : i32
      %dma_wait3A_2581 = arith.constant 0 : i32
      %dma_wait3A_2582 = tpu.memref_slice %dma_wait3A_2579[%dma_wait3A_2580, %dma_wait3A_2581] : memref<32x64xf32, #tpu.memory_space<vmem>> -> memref<1x64xf32, #tpu.memory_space<vmem>>
      %dma_wait3A_2583 = arith.constant 0 : i32
      %dma_wait3A_2584 = tpu.memref_slice %arg2[%squeeze3A_1099, %dma_wait3A_2583] : memref<1000001x64xf32, #tpu.memory_space<hbm>> -> memref<1x64xf32, #tpu.memory_space<hbm>>
      %dma_wait3A_2585 = tpu.memref_slice %arg7[%dma_wait3A_2575] : memref<2x!tpu.dma_semaphore, #tpu.memory_space<semaphore_mem>> -> memref<1x!tpu.dma_semaphore, #tpu.memory_space<semaphore_mem>>
      %dma_wait3A_2586 = tpu.memref_squeeze %dma_wait3A_2585 : memref<1x!tpu.dma_semaphore, #tpu.memory_space<semaphore_mem>> -> memref<!tpu.dma_semaphore, #tpu.memory_space<semaphore_mem>>
      %dma_wait3A_2587 = arith.constant 0 : i32
      %dma_wait3A_2588 = arith.constant 0 : i32
      %dma_wait3A_2589 = tpu.memref_slice %arg6[%dma_wait3A_2574, %dma_wait3A_2587, %dma_wait3A_2588] : memref<2x32x64xf32, #tpu.memory_space<vmem>> -> memref<1x32x64xf32, #tpu.memory_space<vmem>>
      %dma_wait3A_2590 = tpu.memref_squeeze %dma_wait3A_2589 : memref<1x32x64xf32, #tpu.memory_space<vmem>> -> memref<32x64xf32, #tpu.memory_space<vmem>>
      %dma_wait3A_2591 = arith.constant 11 : i32
      %dma_wait3A_2592 = arith.constant 0 : i32
      %dma_wait3A_2593 = tpu.memref_slice %dma_wait3A_2590[%dma_wait3A_2591, %dma_wait3A_2592] : memref<32x64xf32, #tpu.memory_space<vmem>> -> memref<1x64xf32, #tpu.memory_space<vmem>>
      %dma_wait3A_2594 = arith.constant 0 : i32
      %dma_wait3A_2595 = tpu.memref_slice %arg2[%squeeze3A_1099, %dma_wait3A_2594] : memref<1000001x64xf32, #tpu.memory_space<hbm>> -> memref<1x64xf32, #tpu.memory_space<hbm>>
      tpu.wait_dma2 semaphore(%dma_wait3A_2586 : memref<!tpu.dma_semaphore, #tpu.memory_space<semaphore_mem>>) src(%dma_wait3A_2595 : memref<1x64xf32, #tpu.memory_space<hbm>>) dst(%dma_wait3A_2593 : memref<1x64xf32, #tpu.memory_space<vmem>>)
      %dma_wait3A_2596 = arith.constant 1 : i32
      %dma_wait3A_2597 = arith.constant 1 : i32
      %dma_wait3A_2598 = arith.constant 0 : i32
      %dma_wait3A_2599 = arith.constant 0 : i32
      %dma_wait3A_2600 = tpu.memref_slice %arg6[%dma_wait3A_2596, %dma_wait3A_2598, %dma_wait3A_2599] : memref<2x32x64xf32, #tpu.memory_space<vmem>> -> memref<1x32x64xf32, #tpu.memory_space<vmem>>
      %dma_wait3A_2601 = tpu.memref_squeeze %dma_wait3A_2600 : memref<1x32x64xf32, #tpu.memory_space<vmem>> -> memref<32x64xf32, #tpu.memory_space<vmem>>
      %dma_wait3A_2602 = arith.constant 12 : i32
      %dma_wait3A_2603 = arith.constant 0 : i32
      %dma_wait3A_2604 = tpu.memref_slice %dma_wait3A_2601[%dma_wait3A_2602, %dma_wait3A_2603] : memref<32x64xf32, #tpu.memory_space<vmem>> -> memref<1x64xf32, #tpu.memory_space<vmem>>
      %dma_wait3A_2605 = arith.constant 0 : i32
      %dma_wait3A_2606 = tpu.memref_slice %arg2[%squeeze3A_1123, %dma_wait3A_2605] : memref<1000001x64xf32, #tpu.memory_space<hbm>> -> memref<1x64xf32, #tpu.memory_space<hbm>>
      %dma_wait3A_2607 = tpu.memref_slice %arg7[%dma_wait3A_2597] : memref<2x!tpu.dma_semaphore, #tpu.memory_space<semaphore_mem>> -> memref<1x!tpu.dma_semaphore, #tpu.memory_space<semaphore_mem>>
      %dma_wait3A_2608 = tpu.memref_squeeze %dma_wait3A_2607 : memref<1x!tpu.dma_semaphore, #tpu.memory_space<semaphore_mem>> -> memref<!tpu.dma_semaphore, #tpu.memory_space<semaphore_mem>>
      %dma_wait3A_2609 = arith.constant 0 : i32
      %dma_wait3A_2610 = arith.constant 0 : i32
      %dma_wait3A_2611 = tpu.memref_slice %arg6[%dma_wait3A_2596, %dma_wait3A_2609, %dma_wait3A_2610] : memref<2x32x64xf32, #tpu.memory_space<vmem>> -> memref<1x32x64xf32, #tpu.memory_space<vmem>>
      %dma_wait3A_2612 = tpu.memref_squeeze %dma_wait3A_2611 : memref<1x32x64xf32, #tpu.memory_space<vmem>> -> memref<32x64xf32, #tpu.memory_space<vmem>>
      %dma_wait3A_2613 = arith.constant 12 : i32
      %dma_wait3A_2614 = arith.constant 0 : i32
      %dma_wait3A_2615 = tpu.memref_slice %dma_wait3A_2612[%dma_wait3A_2613, %dma_wait3A_2614] : memref<32x64xf32, #tpu.memory_space<vmem>> -> memref<1x64xf32, #tpu.memory_space<vmem>>
      %dma_wait3A_2616 = arith.constant 0 : i32
      %dma_wait3A_2617 = tpu.memref_slice %arg2[%squeeze3A_1123, %dma_wait3A_2616] : memref<1000001x64xf32, #tpu.memory_space<hbm>> -> memref<1x64xf32, #tpu.memory_space<hbm>>
      tpu.wait_dma2 semaphore(%dma_wait3A_2608 : memref<!tpu.dma_semaphore, #tpu.memory_space<semaphore_mem>>) src(%dma_wait3A_2617 : memref<1x64xf32, #tpu.memory_space<hbm>>) dst(%dma_wait3A_2615 : memref<1x64xf32, #tpu.memory_space<vmem>>)
      %dma_wait3A_2618 = arith.constant 1 : i32
      %dma_wait3A_2619 = arith.constant 1 : i32
      %dma_wait3A_2620 = arith.constant 0 : i32
      %dma_wait3A_2621 = arith.constant 0 : i32
      %dma_wait3A_2622 = tpu.memref_slice %arg6[%dma_wait3A_2618, %dma_wait3A_2620, %dma_wait3A_2621] : memref<2x32x64xf32, #tpu.memory_space<vmem>> -> memref<1x32x64xf32, #tpu.memory_space<vmem>>
      %dma_wait3A_2623 = tpu.memref_squeeze %dma_wait3A_2622 : memref<1x32x64xf32, #tpu.memory_space<vmem>> -> memref<32x64xf32, #tpu.memory_space<vmem>>
      %dma_wait3A_2624 = arith.constant 13 : i32
      %dma_wait3A_2625 = arith.constant 0 : i32
      %dma_wait3A_2626 = tpu.memref_slice %dma_wait3A_2623[%dma_wait3A_2624, %dma_wait3A_2625] : memref<32x64xf32, #tpu.memory_space<vmem>> -> memref<1x64xf32, #tpu.memory_space<vmem>>
      %dma_wait3A_2627 = arith.constant 0 : i32
      %dma_wait3A_2628 = tpu.memref_slice %arg2[%squeeze3A_1147, %dma_wait3A_2627] : memref<1000001x64xf32, #tpu.memory_space<hbm>> -> memref<1x64xf32, #tpu.memory_space<hbm>>
      %dma_wait3A_2629 = tpu.memref_slice %arg7[%dma_wait3A_2619] : memref<2x!tpu.dma_semaphore, #tpu.memory_space<semaphore_mem>> -> memref<1x!tpu.dma_semaphore, #tpu.memory_space<semaphore_mem>>
      %dma_wait3A_2630 = tpu.memref_squeeze %dma_wait3A_2629 : memref<1x!tpu.dma_semaphore, #tpu.memory_space<semaphore_mem>> -> memref<!tpu.dma_semaphore, #tpu.memory_space<semaphore_mem>>
      %dma_wait3A_2631 = arith.constant 0 : i32
      %dma_wait3A_2632 = arith.constant 0 : i32
      %dma_wait3A_2633 = tpu.memref_slice %arg6[%dma_wait3A_2618, %dma_wait3A_2631, %dma_wait3A_2632] : memref<2x32x64xf32, #tpu.memory_space<vmem>> -> memref<1x32x64xf32, #tpu.memory_space<vmem>>
      %dma_wait3A_2634 = tpu.memref_squeeze %dma_wait3A_2633 : memref<1x32x64xf32, #tpu.memory_space<vmem>> -> memref<32x64xf32, #tpu.memory_space<vmem>>
      %dma_wait3A_2635 = arith.constant 13 : i32
      %dma_wait3A_2636 = arith.constant 0 : i32
      %dma_wait3A_2637 = tpu.memref_slice %dma_wait3A_2634[%dma_wait3A_2635, %dma_wait3A_2636] : memref<32x64xf32, #tpu.memory_space<vmem>> -> memref<1x64xf32, #tpu.memory_space<vmem>>
      %dma_wait3A_2638 = arith.constant 0 : i32
      %dma_wait3A_2639 = tpu.memref_slice %arg2[%squeeze3A_1147, %dma_wait3A_2638] : memref<1000001x64xf32, #tpu.memory_space<hbm>> -> memref<1x64xf32, #tpu.memory_space<hbm>>
      tpu.wait_dma2 semaphore(%dma_wait3A_2630 : memref<!tpu.dma_semaphore, #tpu.memory_space<semaphore_mem>>) src(%dma_wait3A_2639 : memref<1x64xf32, #tpu.memory_space<hbm>>) dst(%dma_wait3A_2637 : memref<1x64xf32, #tpu.memory_space<vmem>>)
      %dma_wait3A_2640 = arith.constant 1 : i32
      %dma_wait3A_2641 = arith.constant 1 : i32
      %dma_wait3A_2642 = arith.constant 0 : i32
      %dma_wait3A_2643 = arith.constant 0 : i32
      %dma_wait3A_2644 = tpu.memref_slice %arg6[%dma_wait3A_2640, %dma_wait3A_2642, %dma_wait3A_2643] : memref<2x32x64xf32, #tpu.memory_space<vmem>> -> memref<1x32x64xf32, #tpu.memory_space<vmem>>
      %dma_wait3A_2645 = tpu.memref_squeeze %dma_wait3A_2644 : memref<1x32x64xf32, #tpu.memory_space<vmem>> -> memref<32x64xf32, #tpu.memory_space<vmem>>
      %dma_wait3A_2646 = arith.constant 14 : i32
      %dma_wait3A_2647 = arith.constant 0 : i32
      %dma_wait3A_2648 = tpu.memref_slice %dma_wait3A_2645[%dma_wait3A_2646, %dma_wait3A_2647] : memref<32x64xf32, #tpu.memory_space<vmem>> -> memref<1x64xf32, #tpu.memory_space<vmem>>
      %dma_wait3A_2649 = arith.constant 0 : i32
      %dma_wait3A_2650 = tpu.memref_slice %arg2[%squeeze3A_1171, %dma_wait3A_2649] : memref<1000001x64xf32, #tpu.memory_space<hbm>> -> memref<1x64xf32, #tpu.memory_space<hbm>>
      %dma_wait3A_2651 = tpu.memref_slice %arg7[%dma_wait3A_2641] : memref<2x!tpu.dma_semaphore, #tpu.memory_space<semaphore_mem>> -> memref<1x!tpu.dma_semaphore, #tpu.memory_space<semaphore_mem>>
      %dma_wait3A_2652 = tpu.memref_squeeze %dma_wait3A_2651 : memref<1x!tpu.dma_semaphore, #tpu.memory_space<semaphore_mem>> -> memref<!tpu.dma_semaphore, #tpu.memory_space<semaphore_mem>>
      %dma_wait3A_2653 = arith.constant 0 : i32
      %dma_wait3A_2654 = arith.constant 0 : i32
      %dma_wait3A_2655 = tpu.memref_slice %arg6[%dma_wait3A_2640, %dma_wait3A_2653, %dma_wait3A_2654] : memref<2x32x64xf32, #tpu.memory_space<vmem>> -> memref<1x32x64xf32, #tpu.memory_space<vmem>>
      %dma_wait3A_2656 = tpu.memref_squeeze %dma_wait3A_2655 : memref<1x32x64xf32, #tpu.memory_space<vmem>> -> memref<32x64xf32, #tpu.memory_space<vmem>>
      %dma_wait3A_2657 = arith.constant 14 : i32
      %dma_wait3A_2658 = arith.constant 0 : i32
      %dma_wait3A_2659 = tpu.memref_slice %dma_wait3A_2656[%dma_wait3A_2657, %dma_wait3A_2658] : memref<32x64xf32, #tpu.memory_space<vmem>> -> memref<1x64xf32, #tpu.memory_space<vmem>>
      %dma_wait3A_2660 = arith.constant 0 : i32
      %dma_wait3A_2661 = tpu.memref_slice %arg2[%squeeze3A_1171, %dma_wait3A_2660] : memref<1000001x64xf32, #tpu.memory_space<hbm>> -> memref<1x64xf32, #tpu.memory_space<hbm>>
      tpu.wait_dma2 semaphore(%dma_wait3A_2652 : memref<!tpu.dma_semaphore, #tpu.memory_space<semaphore_mem>>) src(%dma_wait3A_2661 : memref<1x64xf32, #tpu.memory_space<hbm>>) dst(%dma_wait3A_2659 : memref<1x64xf32, #tpu.memory_space<vmem>>)
      %dma_wait3A_2662 = arith.constant 1 : i32
      %dma_wait3A_2663 = arith.constant 1 : i32
      %dma_wait3A_2664 = arith.constant 0 : i32
      %dma_wait3A_2665 = arith.constant 0 : i32
      %dma_wait3A_2666 = tpu.memref_slice %arg6[%dma_wait3A_2662, %dma_wait3A_2664, %dma_wait3A_2665] : memref<2x32x64xf32, #tpu.memory_space<vmem>> -> memref<1x32x64xf32, #tpu.memory_space<vmem>>
      %dma_wait3A_2667 = tpu.memref_squeeze %dma_wait3A_2666 : memref<1x32x64xf32, #tpu.memory_space<vmem>> -> memref<32x64xf32, #tpu.memory_space<vmem>>
      %dma_wait3A_2668 = arith.constant 15 : i32
      %dma_wait3A_2669 = arith.constant 0 : i32
      %dma_wait3A_2670 = tpu.memref_slice %dma_wait3A_2667[%dma_wait3A_2668, %dma_wait3A_2669] : memref<32x64xf32, #tpu.memory_space<vmem>> -> memref<1x64xf32, #tpu.memory_space<vmem>>
      %dma_wait3A_2671 = arith.constant 0 : i32
      %dma_wait3A_2672 = tpu.memref_slice %arg2[%squeeze3A_1195, %dma_wait3A_2671] : memref<1000001x64xf32, #tpu.memory_space<hbm>> -> memref<1x64xf32, #tpu.memory_space<hbm>>
      %dma_wait3A_2673 = tpu.memref_slice %arg7[%dma_wait3A_2663] : memref<2x!tpu.dma_semaphore, #tpu.memory_space<semaphore_mem>> -> memref<1x!tpu.dma_semaphore, #tpu.memory_space<semaphore_mem>>
      %dma_wait3A_2674 = tpu.memref_squeeze %dma_wait3A_2673 : memref<1x!tpu.dma_semaphore, #tpu.memory_space<semaphore_mem>> -> memref<!tpu.dma_semaphore, #tpu.memory_space<semaphore_mem>>
      %dma_wait3A_2675 = arith.constant 0 : i32
      %dma_wait3A_2676 = arith.constant 0 : i32
      %dma_wait3A_2677 = tpu.memref_slice %arg6[%dma_wait3A_2662, %dma_wait3A_2675, %dma_wait3A_2676] : memref<2x32x64xf32, #tpu.memory_space<vmem>> -> memref<1x32x64xf32, #tpu.memory_space<vmem>>
      %dma_wait3A_2678 = tpu.memref_squeeze %dma_wait3A_2677 : memref<1x32x64xf32, #tpu.memory_space<vmem>> -> memref<32x64xf32, #tpu.memory_space<vmem>>
      %dma_wait3A_2679 = arith.constant 15 : i32
      %dma_wait3A_2680 = arith.constant 0 : i32
      %dma_wait3A_2681 = tpu.memref_slice %dma_wait3A_2678[%dma_wait3A_2679, %dma_wait3A_2680] : memref<32x64xf32, #tpu.memory_space<vmem>> -> memref<1x64xf32, #tpu.memory_space<vmem>>
      %dma_wait3A_2682 = arith.constant 0 : i32
      %dma_wait3A_2683 = tpu.memref_slice %arg2[%squeeze3A_1195, %dma_wait3A_2682] : memref<1000001x64xf32, #tpu.memory_space<hbm>> -> memref<1x64xf32, #tpu.memory_space<hbm>>
      tpu.wait_dma2 semaphore(%dma_wait3A_2674 : memref<!tpu.dma_semaphore, #tpu.memory_space<semaphore_mem>>) src(%dma_wait3A_2683 : memref<1x64xf32, #tpu.memory_space<hbm>>) dst(%dma_wait3A_2681 : memref<1x64xf32, #tpu.memory_space<vmem>>)
      %dma_wait3A_2684 = arith.constant 1 : i32
      %dma_wait3A_2685 = arith.constant 1 : i32
      %dma_wait3A_2686 = arith.constant 0 : i32
      %dma_wait3A_2687 = arith.constant 0 : i32
      %dma_wait3A_2688 = tpu.memref_slice %arg6[%dma_wait3A_2684, %dma_wait3A_2686, %dma_wait3A_2687] : memref<2x32x64xf32, #tpu.memory_space<vmem>> -> memref<1x32x64xf32, #tpu.memory_space<vmem>>
      %dma_wait3A_2689 = tpu.memref_squeeze %dma_wait3A_2688 : memref<1x32x64xf32, #tpu.memory_space<vmem>> -> memref<32x64xf32, #tpu.memory_space<vmem>>
      %dma_wait3A_2690 = arith.constant 16 : i32
      %dma_wait3A_2691 = arith.constant 0 : i32
      %dma_wait3A_2692 = tpu.memref_slice %dma_wait3A_2689[%dma_wait3A_2690, %dma_wait3A_2691] : memref<32x64xf32, #tpu.memory_space<vmem>> -> memref<1x64xf32, #tpu.memory_space<vmem>>
      %dma_wait3A_2693 = arith.constant 0 : i32
      %dma_wait3A_2694 = tpu.memref_slice %arg2[%squeeze3A_1226, %dma_wait3A_2693] : memref<1000001x64xf32, #tpu.memory_space<hbm>> -> memref<1x64xf32, #tpu.memory_space<hbm>>
      %dma_wait3A_2695 = tpu.memref_slice %arg7[%dma_wait3A_2685] : memref<2x!tpu.dma_semaphore, #tpu.memory_space<semaphore_mem>> -> memref<1x!tpu.dma_semaphore, #tpu.memory_space<semaphore_mem>>
      %dma_wait3A_2696 = tpu.memref_squeeze %dma_wait3A_2695 : memref<1x!tpu.dma_semaphore, #tpu.memory_space<semaphore_mem>> -> memref<!tpu.dma_semaphore, #tpu.memory_space<semaphore_mem>>
      %dma_wait3A_2697 = arith.constant 0 : i32
      %dma_wait3A_2698 = arith.constant 0 : i32
      %dma_wait3A_2699 = tpu.memref_slice %arg6[%dma_wait3A_2684, %dma_wait3A_2697, %dma_wait3A_2698] : memref<2x32x64xf32, #tpu.memory_space<vmem>> -> memref<1x32x64xf32, #tpu.memory_space<vmem>>
      %dma_wait3A_2700 = tpu.memref_squeeze %dma_wait3A_2699 : memref<1x32x64xf32, #tpu.memory_space<vmem>> -> memref<32x64xf32, #tpu.memory_space<vmem>>
      %dma_wait3A_2701 = arith.constant 16 : i32
      %dma_wait3A_2702 = arith.constant 0 : i32
      %dma_wait3A_2703 = tpu.memref_slice %dma_wait3A_2700[%dma_wait3A_2701, %dma_wait3A_2702] : memref<32x64xf32, #tpu.memory_space<vmem>> -> memref<1x64xf32, #tpu.memory_space<vmem>>
      %dma_wait3A_2704 = arith.constant 0 : i32
      %dma_wait3A_2705 = tpu.memref_slice %arg2[%squeeze3A_1226, %dma_wait3A_2704] : memref<1000001x64xf32, #tpu.memory_space<hbm>> -> memref<1x64xf32, #tpu.memory_space<hbm>>
      tpu.wait_dma2 semaphore(%dma_wait3A_2696 : memref<!tpu.dma_semaphore, #tpu.memory_space<semaphore_mem>>) src(%dma_wait3A_2705 : memref<1x64xf32, #tpu.memory_space<hbm>>) dst(%dma_wait3A_2703 : memref<1x64xf32, #tpu.memory_space<vmem>>)
      %dma_wait3A_2706 = arith.constant 1 : i32
      %dma_wait3A_2707 = arith.constant 1 : i32
      %dma_wait3A_2708 = arith.constant 0 : i32
      %dma_wait3A_2709 = arith.constant 0 : i32
      %dma_wait3A_2710 = tpu.memref_slice %arg6[%dma_wait3A_2706, %dma_wait3A_2708, %dma_wait3A_2709] : memref<2x32x64xf32, #tpu.memory_space<vmem>> -> memref<1x32x64xf32, #tpu.memory_space<vmem>>
      %dma_wait3A_2711 = tpu.memref_squeeze %dma_wait3A_2710 : memref<1x32x64xf32, #tpu.memory_space<vmem>> -> memref<32x64xf32, #tpu.memory_space<vmem>>
      %dma_wait3A_2712 = arith.constant 17 : i32
      %dma_wait3A_2713 = arith.constant 0 : i32
      %dma_wait3A_2714 = tpu.memref_slice %dma_wait3A_2711[%dma_wait3A_2712, %dma_wait3A_2713] : memref<32x64xf32, #tpu.memory_space<vmem>> -> memref<1x64xf32, #tpu.memory_space<vmem>>
      %dma_wait3A_2715 = arith.constant 0 : i32
      %dma_wait3A_2716 = tpu.memref_slice %arg2[%squeeze3A_1250, %dma_wait3A_2715] : memref<1000001x64xf32, #tpu.memory_space<hbm>> -> memref<1x64xf32, #tpu.memory_space<hbm>>
      %dma_wait3A_2717 = tpu.memref_slice %arg7[%dma_wait3A_2707] : memref<2x!tpu.dma_semaphore, #tpu.memory_space<semaphore_mem>> -> memref<1x!tpu.dma_semaphore, #tpu.memory_space<semaphore_mem>>
      %dma_wait3A_2718 = tpu.memref_squeeze %dma_wait3A_2717 : memref<1x!tpu.dma_semaphore, #tpu.memory_space<semaphore_mem>> -> memref<!tpu.dma_semaphore, #tpu.memory_space<semaphore_mem>>
      %dma_wait3A_2719 = arith.constant 0 : i32
      %dma_wait3A_2720 = arith.constant 0 : i32
      %dma_wait3A_2721 = tpu.memref_slice %arg6[%dma_wait3A_2706, %dma_wait3A_2719, %dma_wait3A_2720] : memref<2x32x64xf32, #tpu.memory_space<vmem>> -> memref<1x32x64xf32, #tpu.memory_space<vmem>>
      %dma_wait3A_2722 = tpu.memref_squeeze %dma_wait3A_2721 : memref<1x32x64xf32, #tpu.memory_space<vmem>> -> memref<32x64xf32, #tpu.memory_space<vmem>>
      %dma_wait3A_2723 = arith.constant 17 : i32
      %dma_wait3A_2724 = arith.constant 0 : i32
      %dma_wait3A_2725 = tpu.memref_slice %dma_wait3A_2722[%dma_wait3A_2723, %dma_wait3A_2724] : memref<32x64xf32, #tpu.memory_space<vmem>> -> memref<1x64xf32, #tpu.memory_space<vmem>>
      %dma_wait3A_2726 = arith.constant 0 : i32
      %dma_wait3A_2727 = tpu.memref_slice %arg2[%squeeze3A_1250, %dma_wait3A_2726] : memref<1000001x64xf32, #tpu.memory_space<hbm>> -> memref<1x64xf32, #tpu.memory_space<hbm>>
      tpu.wait_dma2 semaphore(%dma_wait3A_2718 : memref<!tpu.dma_semaphore, #tpu.memory_space<semaphore_mem>>) src(%dma_wait3A_2727 : memref<1x64xf32, #tpu.memory_space<hbm>>) dst(%dma_wait3A_2725 : memref<1x64xf32, #tpu.memory_space<vmem>>)
      %dma_wait3A_2728 = arith.constant 1 : i32
      %dma_wait3A_2729 = arith.constant 1 : i32
      %dma_wait3A_2730 = arith.constant 0 : i32
      %dma_wait3A_2731 = arith.constant 0 : i32
      %dma_wait3A_2732 = tpu.memref_slice %arg6[%dma_wait3A_2728, %dma_wait3A_2730, %dma_wait3A_2731] : memref<2x32x64xf32, #tpu.memory_space<vmem>> -> memref<1x32x64xf32, #tpu.memory_space<vmem>>
      %dma_wait3A_2733 = tpu.memref_squeeze %dma_wait3A_2732 : memref<1x32x64xf32, #tpu.memory_space<vmem>> -> memref<32x64xf32, #tpu.memory_space<vmem>>
      %dma_wait3A_2734 = arith.constant 18 : i32
      %dma_wait3A_2735 = arith.constant 0 : i32
      %dma_wait3A_2736 = tpu.memref_slice %dma_wait3A_2733[%dma_wait3A_2734, %dma_wait3A_2735] : memref<32x64xf32, #tpu.memory_space<vmem>> -> memref<1x64xf32, #tpu.memory_space<vmem>>
      %dma_wait3A_2737 = arith.constant 0 : i32
      %dma_wait3A_2738 = tpu.memref_slice %arg2[%squeeze3A_1274, %dma_wait3A_2737] : memref<1000001x64xf32, #tpu.memory_space<hbm>> -> memref<1x64xf32, #tpu.memory_space<hbm>>
      %dma_wait3A_2739 = tpu.memref_slice %arg7[%dma_wait3A_2729] : memref<2x!tpu.dma_semaphore, #tpu.memory_space<semaphore_mem>> -> memref<1x!tpu.dma_semaphore, #tpu.memory_space<semaphore_mem>>
      %dma_wait3A_2740 = tpu.memref_squeeze %dma_wait3A_2739 : memref<1x!tpu.dma_semaphore, #tpu.memory_space<semaphore_mem>> -> memref<!tpu.dma_semaphore, #tpu.memory_space<semaphore_mem>>
      %dma_wait3A_2741 = arith.constant 0 : i32
      %dma_wait3A_2742 = arith.constant 0 : i32
      %dma_wait3A_2743 = tpu.memref_slice %arg6[%dma_wait3A_2728, %dma_wait3A_2741, %dma_wait3A_2742] : memref<2x32x64xf32, #tpu.memory_space<vmem>> -> memref<1x32x64xf32, #tpu.memory_space<vmem>>
      %dma_wait3A_2744 = tpu.memref_squeeze %dma_wait3A_2743 : memref<1x32x64xf32, #tpu.memory_space<vmem>> -> memref<32x64xf32, #tpu.memory_space<vmem>>
      %dma_wait3A_2745 = arith.constant 18 : i32
      %dma_wait3A_2746 = arith.constant 0 : i32
      %dma_wait3A_2747 = tpu.memref_slice %dma_wait3A_2744[%dma_wait3A_2745, %dma_wait3A_2746] : memref<32x64xf32, #tpu.memory_space<vmem>> -> memref<1x64xf32, #tpu.memory_space<vmem>>
      %dma_wait3A_2748 = arith.constant 0 : i32
      %dma_wait3A_2749 = tpu.memref_slice %arg2[%squeeze3A_1274, %dma_wait3A_2748] : memref<1000001x64xf32, #tpu.memory_space<hbm>> -> memref<1x64xf32, #tpu.memory_space<hbm>>
      tpu.wait_dma2 semaphore(%dma_wait3A_2740 : memref<!tpu.dma_semaphore, #tpu.memory_space<semaphore_mem>>) src(%dma_wait3A_2749 : memref<1x64xf32, #tpu.memory_space<hbm>>) dst(%dma_wait3A_2747 : memref<1x64xf32, #tpu.memory_space<vmem>>)
      %dma_wait3A_2750 = arith.constant 1 : i32
      %dma_wait3A_2751 = arith.constant 1 : i32
      %dma_wait3A_2752 = arith.constant 0 : i32
      %dma_wait3A_2753 = arith.constant 0 : i32
      %dma_wait3A_2754 = tpu.memref_slice %arg6[%dma_wait3A_2750, %dma_wait3A_2752, %dma_wait3A_2753] : memref<2x32x64xf32, #tpu.memory_space<vmem>> -> memref<1x32x64xf32, #tpu.memory_space<vmem>>
      %dma_wait3A_2755 = tpu.memref_squeeze %dma_wait3A_2754 : memref<1x32x64xf32, #tpu.memory_space<vmem>> -> memref<32x64xf32, #tpu.memory_space<vmem>>
      %dma_wait3A_2756 = arith.constant 19 : i32
      %dma_wait3A_2757 = arith.constant 0 : i32
      %dma_wait3A_2758 = tpu.memref_slice %dma_wait3A_2755[%dma_wait3A_2756, %dma_wait3A_2757] : memref<32x64xf32, #tpu.memory_space<vmem>> -> memref<1x64xf32, #tpu.memory_space<vmem>>
      %dma_wait3A_2759 = arith.constant 0 : i32
      %dma_wait3A_2760 = tpu.memref_slice %arg2[%squeeze3A_1298, %dma_wait3A_2759] : memref<1000001x64xf32, #tpu.memory_space<hbm>> -> memref<1x64xf32, #tpu.memory_space<hbm>>
      %dma_wait3A_2761 = tpu.memref_slice %arg7[%dma_wait3A_2751] : memref<2x!tpu.dma_semaphore, #tpu.memory_space<semaphore_mem>> -> memref<1x!tpu.dma_semaphore, #tpu.memory_space<semaphore_mem>>
      %dma_wait3A_2762 = tpu.memref_squeeze %dma_wait3A_2761 : memref<1x!tpu.dma_semaphore, #tpu.memory_space<semaphore_mem>> -> memref<!tpu.dma_semaphore, #tpu.memory_space<semaphore_mem>>
      %dma_wait3A_2763 = arith.constant 0 : i32
      %dma_wait3A_2764 = arith.constant 0 : i32
      %dma_wait3A_2765 = tpu.memref_slice %arg6[%dma_wait3A_2750, %dma_wait3A_2763, %dma_wait3A_2764] : memref<2x32x64xf32, #tpu.memory_space<vmem>> -> memref<1x32x64xf32, #tpu.memory_space<vmem>>
      %dma_wait3A_2766 = tpu.memref_squeeze %dma_wait3A_2765 : memref<1x32x64xf32, #tpu.memory_space<vmem>> -> memref<32x64xf32, #tpu.memory_space<vmem>>
      %dma_wait3A_2767 = arith.constant 19 : i32
      %dma_wait3A_2768 = arith.constant 0 : i32
      %dma_wait3A_2769 = tpu.memref_slice %dma_wait3A_2766[%dma_wait3A_2767, %dma_wait3A_2768] : memref<32x64xf32, #tpu.memory_space<vmem>> -> memref<1x64xf32, #tpu.memory_space<vmem>>
      %dma_wait3A_2770 = arith.constant 0 : i32
      %dma_wait3A_2771 = tpu.memref_slice %arg2[%squeeze3A_1298, %dma_wait3A_2770] : memref<1000001x64xf32, #tpu.memory_space<hbm>> -> memref<1x64xf32, #tpu.memory_space<hbm>>
      tpu.wait_dma2 semaphore(%dma_wait3A_2762 : memref<!tpu.dma_semaphore, #tpu.memory_space<semaphore_mem>>) src(%dma_wait3A_2771 : memref<1x64xf32, #tpu.memory_space<hbm>>) dst(%dma_wait3A_2769 : memref<1x64xf32, #tpu.memory_space<vmem>>)
      %dma_wait3A_2772 = arith.constant 1 : i32
      %dma_wait3A_2773 = arith.constant 1 : i32
      %dma_wait3A_2774 = arith.constant 0 : i32
      %dma_wait3A_2775 = arith.constant 0 : i32
      %dma_wait3A_2776 = tpu.memref_slice %arg6[%dma_wait3A_2772, %dma_wait3A_2774, %dma_wait3A_2775] : memref<2x32x64xf32, #tpu.memory_space<vmem>> -> memref<1x32x64xf32, #tpu.memory_space<vmem>>
      %dma_wait3A_2777 = tpu.memref_squeeze %dma_wait3A_2776 : memref<1x32x64xf32, #tpu.memory_space<vmem>> -> memref<32x64xf32, #tpu.memory_space<vmem>>
      %dma_wait3A_2778 = arith.constant 20 : i32
      %dma_wait3A_2779 = arith.constant 0 : i32
      %dma_wait3A_2780 = tpu.memref_slice %dma_wait3A_2777[%dma_wait3A_2778, %dma_wait3A_2779] : memref<32x64xf32, #tpu.memory_space<vmem>> -> memref<1x64xf32, #tpu.memory_space<vmem>>
      %dma_wait3A_2781 = arith.constant 0 : i32
      %dma_wait3A_2782 = tpu.memref_slice %arg2[%squeeze3A_1322, %dma_wait3A_2781] : memref<1000001x64xf32, #tpu.memory_space<hbm>> -> memref<1x64xf32, #tpu.memory_space<hbm>>
      %dma_wait3A_2783 = tpu.memref_slice %arg7[%dma_wait3A_2773] : memref<2x!tpu.dma_semaphore, #tpu.memory_space<semaphore_mem>> -> memref<1x!tpu.dma_semaphore, #tpu.memory_space<semaphore_mem>>
      %dma_wait3A_2784 = tpu.memref_squeeze %dma_wait3A_2783 : memref<1x!tpu.dma_semaphore, #tpu.memory_space<semaphore_mem>> -> memref<!tpu.dma_semaphore, #tpu.memory_space<semaphore_mem>>
      %dma_wait3A_2785 = arith.constant 0 : i32
      %dma_wait3A_2786 = arith.constant 0 : i32
      %dma_wait3A_2787 = tpu.memref_slice %arg6[%dma_wait3A_2772, %dma_wait3A_2785, %dma_wait3A_2786] : memref<2x32x64xf32, #tpu.memory_space<vmem>> -> memref<1x32x64xf32, #tpu.memory_space<vmem>>
      %dma_wait3A_2788 = tpu.memref_squeeze %dma_wait3A_2787 : memref<1x32x64xf32, #tpu.memory_space<vmem>> -> memref<32x64xf32, #tpu.memory_space<vmem>>
      %dma_wait3A_2789 = arith.constant 20 : i32
      %dma_wait3A_2790 = arith.constant 0 : i32
      %dma_wait3A_2791 = tpu.memref_slice %dma_wait3A_2788[%dma_wait3A_2789, %dma_wait3A_2790] : memref<32x64xf32, #tpu.memory_space<vmem>> -> memref<1x64xf32, #tpu.memory_space<vmem>>
      %dma_wait3A_2792 = arith.constant 0 : i32
      %dma_wait3A_2793 = tpu.memref_slice %arg2[%squeeze3A_1322, %dma_wait3A_2792] : memref<1000001x64xf32, #tpu.memory_space<hbm>> -> memref<1x64xf32, #tpu.memory_space<hbm>>
      tpu.wait_dma2 semaphore(%dma_wait3A_2784 : memref<!tpu.dma_semaphore, #tpu.memory_space<semaphore_mem>>) src(%dma_wait3A_2793 : memref<1x64xf32, #tpu.memory_space<hbm>>) dst(%dma_wait3A_2791 : memref<1x64xf32, #tpu.memory_space<vmem>>)
      %dma_wait3A_2794 = arith.constant 1 : i32
      %dma_wait3A_2795 = arith.constant 1 : i32
      %dma_wait3A_2796 = arith.constant 0 : i32
      %dma_wait3A_2797 = arith.constant 0 : i32
      %dma_wait3A_2798 = tpu.memref_slice %arg6[%dma_wait3A_2794, %dma_wait3A_2796, %dma_wait3A_2797] : memref<2x32x64xf32, #tpu.memory_space<vmem>> -> memref<1x32x64xf32, #tpu.memory_space<vmem>>
      %dma_wait3A_2799 = tpu.memref_squeeze %dma_wait3A_2798 : memref<1x32x64xf32, #tpu.memory_space<vmem>> -> memref<32x64xf32, #tpu.memory_space<vmem>>
      %dma_wait3A_2800 = arith.constant 21 : i32
      %dma_wait3A_2801 = arith.constant 0 : i32
      %dma_wait3A_2802 = tpu.memref_slice %dma_wait3A_2799[%dma_wait3A_2800, %dma_wait3A_2801] : memref<32x64xf32, #tpu.memory_space<vmem>> -> memref<1x64xf32, #tpu.memory_space<vmem>>
      %dma_wait3A_2803 = arith.constant 0 : i32
      %dma_wait3A_2804 = tpu.memref_slice %arg2[%squeeze3A_1346, %dma_wait3A_2803] : memref<1000001x64xf32, #tpu.memory_space<hbm>> -> memref<1x64xf32, #tpu.memory_space<hbm>>
      %dma_wait3A_2805 = tpu.memref_slice %arg7[%dma_wait3A_2795] : memref<2x!tpu.dma_semaphore, #tpu.memory_space<semaphore_mem>> -> memref<1x!tpu.dma_semaphore, #tpu.memory_space<semaphore_mem>>
      %dma_wait3A_2806 = tpu.memref_squeeze %dma_wait3A_2805 : memref<1x!tpu.dma_semaphore, #tpu.memory_space<semaphore_mem>> -> memref<!tpu.dma_semaphore, #tpu.memory_space<semaphore_mem>>
      %dma_wait3A_2807 = arith.constant 0 : i32
      %dma_wait3A_2808 = arith.constant 0 : i32
      %dma_wait3A_2809 = tpu.memref_slice %arg6[%dma_wait3A_2794, %dma_wait3A_2807, %dma_wait3A_2808] : memref<2x32x64xf32, #tpu.memory_space<vmem>> -> memref<1x32x64xf32, #tpu.memory_space<vmem>>
      %dma_wait3A_2810 = tpu.memref_squeeze %dma_wait3A_2809 : memref<1x32x64xf32, #tpu.memory_space<vmem>> -> memref<32x64xf32, #tpu.memory_space<vmem>>
      %dma_wait3A_2811 = arith.constant 21 : i32
      %dma_wait3A_2812 = arith.constant 0 : i32
      %dma_wait3A_2813 = tpu.memref_slice %dma_wait3A_2810[%dma_wait3A_2811, %dma_wait3A_2812] : memref<32x64xf32, #tpu.memory_space<vmem>> -> memref<1x64xf32, #tpu.memory_space<vmem>>
      %dma_wait3A_2814 = arith.constant 0 : i32
      %dma_wait3A_2815 = tpu.memref_slice %arg2[%squeeze3A_1346, %dma_wait3A_2814] : memref<1000001x64xf32, #tpu.memory_space<hbm>> -> memref<1x64xf32, #tpu.memory_space<hbm>>
      tpu.wait_dma2 semaphore(%dma_wait3A_2806 : memref<!tpu.dma_semaphore, #tpu.memory_space<semaphore_mem>>) src(%dma_wait3A_2815 : memref<1x64xf32, #tpu.memory_space<hbm>>) dst(%dma_wait3A_2813 : memref<1x64xf32, #tpu.memory_space<vmem>>)
      %dma_wait3A_2816 = arith.constant 1 : i32
      %dma_wait3A_2817 = arith.constant 1 : i32
      %dma_wait3A_2818 = arith.constant 0 : i32
      %dma_wait3A_2819 = arith.constant 0 : i32
      %dma_wait3A_2820 = tpu.memref_slice %arg6[%dma_wait3A_2816, %dma_wait3A_2818, %dma_wait3A_2819] : memref<2x32x64xf32, #tpu.memory_space<vmem>> -> memref<1x32x64xf32, #tpu.memory_space<vmem>>
      %dma_wait3A_2821 = tpu.memref_squeeze %dma_wait3A_2820 : memref<1x32x64xf32, #tpu.memory_space<vmem>> -> memref<32x64xf32, #tpu.memory_space<vmem>>
      %dma_wait3A_2822 = arith.constant 22 : i32
      %dma_wait3A_2823 = arith.constant 0 : i32
      %dma_wait3A_2824 = tpu.memref_slice %dma_wait3A_2821[%dma_wait3A_2822, %dma_wait3A_2823] : memref<32x64xf32, #tpu.memory_space<vmem>> -> memref<1x64xf32, #tpu.memory_space<vmem>>
      %dma_wait3A_2825 = arith.constant 0 : i32
      %dma_wait3A_2826 = tpu.memref_slice %arg2[%squeeze3A_1370, %dma_wait3A_2825] : memref<1000001x64xf32, #tpu.memory_space<hbm>> -> memref<1x64xf32, #tpu.memory_space<hbm>>
      %dma_wait3A_2827 = tpu.memref_slice %arg7[%dma_wait3A_2817] : memref<2x!tpu.dma_semaphore, #tpu.memory_space<semaphore_mem>> -> memref<1x!tpu.dma_semaphore, #tpu.memory_space<semaphore_mem>>
      %dma_wait3A_2828 = tpu.memref_squeeze %dma_wait3A_2827 : memref<1x!tpu.dma_semaphore, #tpu.memory_space<semaphore_mem>> -> memref<!tpu.dma_semaphore, #tpu.memory_space<semaphore_mem>>
      %dma_wait3A_2829 = arith.constant 0 : i32
      %dma_wait3A_2830 = arith.constant 0 : i32
      %dma_wait3A_2831 = tpu.memref_slice %arg6[%dma_wait3A_2816, %dma_wait3A_2829, %dma_wait3A_2830] : memref<2x32x64xf32, #tpu.memory_space<vmem>> -> memref<1x32x64xf32, #tpu.memory_space<vmem>>
      %dma_wait3A_2832 = tpu.memref_squeeze %dma_wait3A_2831 : memref<1x32x64xf32, #tpu.memory_space<vmem>> -> memref<32x64xf32, #tpu.memory_space<vmem>>
      %dma_wait3A_2833 = arith.constant 22 : i32
      %dma_wait3A_2834 = arith.constant 0 : i32
      %dma_wait3A_2835 = tpu.memref_slice %dma_wait3A_2832[%dma_wait3A_2833, %dma_wait3A_2834] : memref<32x64xf32, #tpu.memory_space<vmem>> -> memref<1x64xf32, #tpu.memory_space<vmem>>
      %dma_wait3A_2836 = arith.constant 0 : i32
      %dma_wait3A_2837 = tpu.memref_slice %arg2[%squeeze3A_1370, %dma_wait3A_2836] : memref<1000001x64xf32, #tpu.memory_space<hbm>> -> memref<1x64xf32, #tpu.memory_space<hbm>>
      tpu.wait_dma2 semaphore(%dma_wait3A_2828 : memref<!tpu.dma_semaphore, #tpu.memory_space<semaphore_mem>>) src(%dma_wait3A_2837 : memref<1x64xf32, #tpu.memory_space<hbm>>) dst(%dma_wait3A_2835 : memref<1x64xf32, #tpu.memory_space<vmem>>)
      %dma_wait3A_2838 = arith.constant 1 : i32
      %dma_wait3A_2839 = arith.constant 1 : i32
      %dma_wait3A_2840 = arith.constant 0 : i32
      %dma_wait3A_2841 = arith.constant 0 : i32
      %dma_wait3A_2842 = tpu.memref_slice %arg6[%dma_wait3A_2838, %dma_wait3A_2840, %dma_wait3A_2841] : memref<2x32x64xf32, #tpu.memory_space<vmem>> -> memref<1x32x64xf32, #tpu.memory_space<vmem>>
      %dma_wait3A_2843 = tpu.memref_squeeze %dma_wait3A_2842 : memref<1x32x64xf32, #tpu.memory_space<vmem>> -> memref<32x64xf32, #tpu.memory_space<vmem>>
      %dma_wait3A_2844 = arith.constant 23 : i32
      %dma_wait3A_2845 = arith.constant 0 : i32
      %dma_wait3A_2846 = tpu.memref_slice %dma_wait3A_2843[%dma_wait3A_2844, %dma_wait3A_2845] : memref<32x64xf32, #tpu.memory_space<vmem>> -> memref<1x64xf32, #tpu.memory_space<vmem>>
      %dma_wait3A_2847 = arith.constant 0 : i32
      %dma_wait3A_2848 = tpu.memref_slice %arg2[%squeeze3A_1394, %dma_wait3A_2847] : memref<1000001x64xf32, #tpu.memory_space<hbm>> -> memref<1x64xf32, #tpu.memory_space<hbm>>
      %dma_wait3A_2849 = tpu.memref_slice %arg7[%dma_wait3A_2839] : memref<2x!tpu.dma_semaphore, #tpu.memory_space<semaphore_mem>> -> memref<1x!tpu.dma_semaphore, #tpu.memory_space<semaphore_mem>>
      %dma_wait3A_2850 = tpu.memref_squeeze %dma_wait3A_2849 : memref<1x!tpu.dma_semaphore, #tpu.memory_space<semaphore_mem>> -> memref<!tpu.dma_semaphore, #tpu.memory_space<semaphore_mem>>
      %dma_wait3A_2851 = arith.constant 0 : i32
      %dma_wait3A_2852 = arith.constant 0 : i32
      %dma_wait3A_2853 = tpu.memref_slice %arg6[%dma_wait3A_2838, %dma_wait3A_2851, %dma_wait3A_2852] : memref<2x32x64xf32, #tpu.memory_space<vmem>> -> memref<1x32x64xf32, #tpu.memory_space<vmem>>
      %dma_wait3A_2854 = tpu.memref_squeeze %dma_wait3A_2853 : memref<1x32x64xf32, #tpu.memory_space<vmem>> -> memref<32x64xf32, #tpu.memory_space<vmem>>
      %dma_wait3A_2855 = arith.constant 23 : i32
      %dma_wait3A_2856 = arith.constant 0 : i32
      %dma_wait3A_2857 = tpu.memref_slice %dma_wait3A_2854[%dma_wait3A_2855, %dma_wait3A_2856] : memref<32x64xf32, #tpu.memory_space<vmem>> -> memref<1x64xf32, #tpu.memory_space<vmem>>
      %dma_wait3A_2858 = arith.constant 0 : i32
      %dma_wait3A_2859 = tpu.memref_slice %arg2[%squeeze3A_1394, %dma_wait3A_2858] : memref<1000001x64xf32, #tpu.memory_space<hbm>> -> memref<1x64xf32, #tpu.memory_space<hbm>>
      tpu.wait_dma2 semaphore(%dma_wait3A_2850 : memref<!tpu.dma_semaphore, #tpu.memory_space<semaphore_mem>>) src(%dma_wait3A_2859 : memref<1x64xf32, #tpu.memory_space<hbm>>) dst(%dma_wait3A_2857 : memref<1x64xf32, #tpu.memory_space<vmem>>)
      %dma_wait3A_2860 = arith.constant 1 : i32
      %dma_wait3A_2861 = arith.constant 1 : i32
      %dma_wait3A_2862 = arith.constant 0 : i32
      %dma_wait3A_2863 = arith.constant 0 : i32
      %dma_wait3A_2864 = tpu.memref_slice %arg6[%dma_wait3A_2860, %dma_wait3A_2862, %dma_wait3A_2863] : memref<2x32x64xf32, #tpu.memory_space<vmem>> -> memref<1x32x64xf32, #tpu.memory_space<vmem>>
      %dma_wait3A_2865 = tpu.memref_squeeze %dma_wait3A_2864 : memref<1x32x64xf32, #tpu.memory_space<vmem>> -> memref<32x64xf32, #tpu.memory_space<vmem>>
      %dma_wait3A_2866 = arith.constant 24 : i32
      %dma_wait3A_2867 = arith.constant 0 : i32
      %dma_wait3A_2868 = tpu.memref_slice %dma_wait3A_2865[%dma_wait3A_2866, %dma_wait3A_2867] : memref<32x64xf32, #tpu.memory_space<vmem>> -> memref<1x64xf32, #tpu.memory_space<vmem>>
      %dma_wait3A_2869 = arith.constant 0 : i32
      %dma_wait3A_2870 = tpu.memref_slice %arg2[%squeeze3A_1418, %dma_wait3A_2869] : memref<1000001x64xf32, #tpu.memory_space<hbm>> -> memref<1x64xf32, #tpu.memory_space<hbm>>
      %dma_wait3A_2871 = tpu.memref_slice %arg7[%dma_wait3A_2861] : memref<2x!tpu.dma_semaphore, #tpu.memory_space<semaphore_mem>> -> memref<1x!tpu.dma_semaphore, #tpu.memory_space<semaphore_mem>>
      %dma_wait3A_2872 = tpu.memref_squeeze %dma_wait3A_2871 : memref<1x!tpu.dma_semaphore, #tpu.memory_space<semaphore_mem>> -> memref<!tpu.dma_semaphore, #tpu.memory_space<semaphore_mem>>
      %dma_wait3A_2873 = arith.constant 0 : i32
      %dma_wait3A_2874 = arith.constant 0 : i32
      %dma_wait3A_2875 = tpu.memref_slice %arg6[%dma_wait3A_2860, %dma_wait3A_2873, %dma_wait3A_2874] : memref<2x32x64xf32, #tpu.memory_space<vmem>> -> memref<1x32x64xf32, #tpu.memory_space<vmem>>
      %dma_wait3A_2876 = tpu.memref_squeeze %dma_wait3A_2875 : memref<1x32x64xf32, #tpu.memory_space<vmem>> -> memref<32x64xf32, #tpu.memory_space<vmem>>
      %dma_wait3A_2877 = arith.constant 24 : i32
      %dma_wait3A_2878 = arith.constant 0 : i32
      %dma_wait3A_2879 = tpu.memref_slice %dma_wait3A_2876[%dma_wait3A_2877, %dma_wait3A_2878] : memref<32x64xf32, #tpu.memory_space<vmem>> -> memref<1x64xf32, #tpu.memory_space<vmem>>
      %dma_wait3A_2880 = arith.constant 0 : i32
      %dma_wait3A_2881 = tpu.memref_slice %arg2[%squeeze3A_1418, %dma_wait3A_2880] : memref<1000001x64xf32, #tpu.memory_space<hbm>> -> memref<1x64xf32, #tpu.memory_space<hbm>>
      tpu.wait_dma2 semaphore(%dma_wait3A_2872 : memref<!tpu.dma_semaphore, #tpu.memory_space<semaphore_mem>>) src(%dma_wait3A_2881 : memref<1x64xf32, #tpu.memory_space<hbm>>) dst(%dma_wait3A_2879 : memref<1x64xf32, #tpu.memory_space<vmem>>)
      %dma_wait3A_2882 = arith.constant 1 : i32
      %dma_wait3A_2883 = arith.constant 1 : i32
      %dma_wait3A_2884 = arith.constant 0 : i32
      %dma_wait3A_2885 = arith.constant 0 : i32
      %dma_wait3A_2886 = tpu.memref_slice %arg6[%dma_wait3A_2882, %dma_wait3A_2884, %dma_wait3A_2885] : memref<2x32x64xf32, #tpu.memory_space<vmem>> -> memref<1x32x64xf32, #tpu.memory_space<vmem>>
      %dma_wait3A_2887 = tpu.memref_squeeze %dma_wait3A_2886 : memref<1x32x64xf32, #tpu.memory_space<vmem>> -> memref<32x64xf32, #tpu.memory_space<vmem>>
      %dma_wait3A_2888 = arith.constant 25 : i32
      %dma_wait3A_2889 = arith.constant 0 : i32
      %dma_wait3A_2890 = tpu.memref_slice %dma_wait3A_2887[%dma_wait3A_2888, %dma_wait3A_2889] : memref<32x64xf32, #tpu.memory_space<vmem>> -> memref<1x64xf32, #tpu.memory_space<vmem>>
      %dma_wait3A_2891 = arith.constant 0 : i32
      %dma_wait3A_2892 = tpu.memref_slice %arg2[%squeeze3A_1442, %dma_wait3A_2891] : memref<1000001x64xf32, #tpu.memory_space<hbm>> -> memref<1x64xf32, #tpu.memory_space<hbm>>
      %dma_wait3A_2893 = tpu.memref_slice %arg7[%dma_wait3A_2883] : memref<2x!tpu.dma_semaphore, #tpu.memory_space<semaphore_mem>> -> memref<1x!tpu.dma_semaphore, #tpu.memory_space<semaphore_mem>>
      %dma_wait3A_2894 = tpu.memref_squeeze %dma_wait3A_2893 : memref<1x!tpu.dma_semaphore, #tpu.memory_space<semaphore_mem>> -> memref<!tpu.dma_semaphore, #tpu.memory_space<semaphore_mem>>
      %dma_wait3A_2895 = arith.constant 0 : i32
      %dma_wait3A_2896 = arith.constant 0 : i32
      %dma_wait3A_2897 = tpu.memref_slice %arg6[%dma_wait3A_2882, %dma_wait3A_2895, %dma_wait3A_2896] : memref<2x32x64xf32, #tpu.memory_space<vmem>> -> memref<1x32x64xf32, #tpu.memory_space<vmem>>
      %dma_wait3A_2898 = tpu.memref_squeeze %dma_wait3A_2897 : memref<1x32x64xf32, #tpu.memory_space<vmem>> -> memref<32x64xf32, #tpu.memory_space<vmem>>
      %dma_wait3A_2899 = arith.constant 25 : i32
      %dma_wait3A_2900 = arith.constant 0 : i32
      %dma_wait3A_2901 = tpu.memref_slice %dma_wait3A_2898[%dma_wait3A_2899, %dma_wait3A_2900] : memref<32x64xf32, #tpu.memory_space<vmem>> -> memref<1x64xf32, #tpu.memory_space<vmem>>
      %dma_wait3A_2902 = arith.constant 0 : i32
      %dma_wait3A_2903 = tpu.memref_slice %arg2[%squeeze3A_1442, %dma_wait3A_2902] : memref<1000001x64xf32, #tpu.memory_space<hbm>> -> memref<1x64xf32, #tpu.memory_space<hbm>>
      tpu.wait_dma2 semaphore(%dma_wait3A_2894 : memref<!tpu.dma_semaphore, #tpu.memory_space<semaphore_mem>>) src(%dma_wait3A_2903 : memref<1x64xf32, #tpu.memory_space<hbm>>) dst(%dma_wait3A_2901 : memref<1x64xf32, #tpu.memory_space<vmem>>)
      %dma_wait3A_2904 = arith.constant 1 : i32
      %dma_wait3A_2905 = arith.constant 1 : i32
      %dma_wait3A_2906 = arith.constant 0 : i32
      %dma_wait3A_2907 = arith.constant 0 : i32
      %dma_wait3A_2908 = tpu.memref_slice %arg6[%dma_wait3A_2904, %dma_wait3A_2906, %dma_wait3A_2907] : memref<2x32x64xf32, #tpu.memory_space<vmem>> -> memref<1x32x64xf32, #tpu.memory_space<vmem>>
      %dma_wait3A_2909 = tpu.memref_squeeze %dma_wait3A_2908 : memref<1x32x64xf32, #tpu.memory_space<vmem>> -> memref<32x64xf32, #tpu.memory_space<vmem>>
      %dma_wait3A_2910 = arith.constant 26 : i32
      %dma_wait3A_2911 = arith.constant 0 : i32
      %dma_wait3A_2912 = tpu.memref_slice %dma_wait3A_2909[%dma_wait3A_2910, %dma_wait3A_2911] : memref<32x64xf32, #tpu.memory_space<vmem>> -> memref<1x64xf32, #tpu.memory_space<vmem>>
      %dma_wait3A_2913 = arith.constant 0 : i32
      %dma_wait3A_2914 = tpu.memref_slice %arg2[%squeeze3A_1466, %dma_wait3A_2913] : memref<1000001x64xf32, #tpu.memory_space<hbm>> -> memref<1x64xf32, #tpu.memory_space<hbm>>
      %dma_wait3A_2915 = tpu.memref_slice %arg7[%dma_wait3A_2905] : memref<2x!tpu.dma_semaphore, #tpu.memory_space<semaphore_mem>> -> memref<1x!tpu.dma_semaphore, #tpu.memory_space<semaphore_mem>>
      %dma_wait3A_2916 = tpu.memref_squeeze %dma_wait3A_2915 : memref<1x!tpu.dma_semaphore, #tpu.memory_space<semaphore_mem>> -> memref<!tpu.dma_semaphore, #tpu.memory_space<semaphore_mem>>
      %dma_wait3A_2917 = arith.constant 0 : i32
      %dma_wait3A_2918 = arith.constant 0 : i32
      %dma_wait3A_2919 = tpu.memref_slice %arg6[%dma_wait3A_2904, %dma_wait3A_2917, %dma_wait3A_2918] : memref<2x32x64xf32, #tpu.memory_space<vmem>> -> memref<1x32x64xf32, #tpu.memory_space<vmem>>
      %dma_wait3A_2920 = tpu.memref_squeeze %dma_wait3A_2919 : memref<1x32x64xf32, #tpu.memory_space<vmem>> -> memref<32x64xf32, #tpu.memory_space<vmem>>
      %dma_wait3A_2921 = arith.constant 26 : i32
      %dma_wait3A_2922 = arith.constant 0 : i32
      %dma_wait3A_2923 = tpu.memref_slice %dma_wait3A_2920[%dma_wait3A_2921, %dma_wait3A_2922] : memref<32x64xf32, #tpu.memory_space<vmem>> -> memref<1x64xf32, #tpu.memory_space<vmem>>
      %dma_wait3A_2924 = arith.constant 0 : i32
      %dma_wait3A_2925 = tpu.memref_slice %arg2[%squeeze3A_1466, %dma_wait3A_2924] : memref<1000001x64xf32, #tpu.memory_space<hbm>> -> memref<1x64xf32, #tpu.memory_space<hbm>>
      tpu.wait_dma2 semaphore(%dma_wait3A_2916 : memref<!tpu.dma_semaphore, #tpu.memory_space<semaphore_mem>>) src(%dma_wait3A_2925 : memref<1x64xf32, #tpu.memory_space<hbm>>) dst(%dma_wait3A_2923 : memref<1x64xf32, #tpu.memory_space<vmem>>)
      %dma_wait3A_2926 = arith.constant 1 : i32
      %dma_wait3A_2927 = arith.constant 1 : i32
      %dma_wait3A_2928 = arith.constant 0 : i32
      %dma_wait3A_2929 = arith.constant 0 : i32
      %dma_wait3A_2930 = tpu.memref_slice %arg6[%dma_wait3A_2926, %dma_wait3A_2928, %dma_wait3A_2929] : memref<2x32x64xf32, #tpu.memory_space<vmem>> -> memref<1x32x64xf32, #tpu.memory_space<vmem>>
      %dma_wait3A_2931 = tpu.memref_squeeze %dma_wait3A_2930 : memref<1x32x64xf32, #tpu.memory_space<vmem>> -> memref<32x64xf32, #tpu.memory_space<vmem>>
      %dma_wait3A_2932 = arith.constant 27 : i32
      %dma_wait3A_2933 = arith.constant 0 : i32
      %dma_wait3A_2934 = tpu.memref_slice %dma_wait3A_2931[%dma_wait3A_2932, %dma_wait3A_2933] : memref<32x64xf32, #tpu.memory_space<vmem>> -> memref<1x64xf32, #tpu.memory_space<vmem>>
      %dma_wait3A_2935 = arith.constant 0 : i32
      %dma_wait3A_2936 = tpu.memref_slice %arg2[%squeeze3A_1490, %dma_wait3A_2935] : memref<1000001x64xf32, #tpu.memory_space<hbm>> -> memref<1x64xf32, #tpu.memory_space<hbm>>
      %dma_wait3A_2937 = tpu.memref_slice %arg7[%dma_wait3A_2927] : memref<2x!tpu.dma_semaphore, #tpu.memory_space<semaphore_mem>> -> memref<1x!tpu.dma_semaphore, #tpu.memory_space<semaphore_mem>>
      %dma_wait3A_2938 = tpu.memref_squeeze %dma_wait3A_2937 : memref<1x!tpu.dma_semaphore, #tpu.memory_space<semaphore_mem>> -> memref<!tpu.dma_semaphore, #tpu.memory_space<semaphore_mem>>
      %dma_wait3A_2939 = arith.constant 0 : i32
      %dma_wait3A_2940 = arith.constant 0 : i32
      %dma_wait3A_2941 = tpu.memref_slice %arg6[%dma_wait3A_2926, %dma_wait3A_2939, %dma_wait3A_2940] : memref<2x32x64xf32, #tpu.memory_space<vmem>> -> memref<1x32x64xf32, #tpu.memory_space<vmem>>
      %dma_wait3A_2942 = tpu.memref_squeeze %dma_wait3A_2941 : memref<1x32x64xf32, #tpu.memory_space<vmem>> -> memref<32x64xf32, #tpu.memory_space<vmem>>
      %dma_wait3A_2943 = arith.constant 27 : i32
      %dma_wait3A_2944 = arith.constant 0 : i32
      %dma_wait3A_2945 = tpu.memref_slice %dma_wait3A_2942[%dma_wait3A_2943, %dma_wait3A_2944] : memref<32x64xf32, #tpu.memory_space<vmem>> -> memref<1x64xf32, #tpu.memory_space<vmem>>
      %dma_wait3A_2946 = arith.constant 0 : i32
      %dma_wait3A_2947 = tpu.memref_slice %arg2[%squeeze3A_1490, %dma_wait3A_2946] : memref<1000001x64xf32, #tpu.memory_space<hbm>> -> memref<1x64xf32, #tpu.memory_space<hbm>>
      tpu.wait_dma2 semaphore(%dma_wait3A_2938 : memref<!tpu.dma_semaphore, #tpu.memory_space<semaphore_mem>>) src(%dma_wait3A_2947 : memref<1x64xf32, #tpu.memory_space<hbm>>) dst(%dma_wait3A_2945 : memref<1x64xf32, #tpu.memory_space<vmem>>)
      %dma_wait3A_2948 = arith.constant 1 : i32
      %dma_wait3A_2949 = arith.constant 1 : i32
      %dma_wait3A_2950 = arith.constant 0 : i32
      %dma_wait3A_2951 = arith.constant 0 : i32
      %dma_wait3A_2952 = tpu.memref_slice %arg6[%dma_wait3A_2948, %dma_wait3A_2950, %dma_wait3A_2951] : memref<2x32x64xf32, #tpu.memory_space<vmem>> -> memref<1x32x64xf32, #tpu.memory_space<vmem>>
      %dma_wait3A_2953 = tpu.memref_squeeze %dma_wait3A_2952 : memref<1x32x64xf32, #tpu.memory_space<vmem>> -> memref<32x64xf32, #tpu.memory_space<vmem>>
      %dma_wait3A_2954 = arith.constant 28 : i32
      %dma_wait3A_2955 = arith.constant 0 : i32
      %dma_wait3A_2956 = tpu.memref_slice %dma_wait3A_2953[%dma_wait3A_2954, %dma_wait3A_2955] : memref<32x64xf32, #tpu.memory_space<vmem>> -> memref<1x64xf32, #tpu.memory_space<vmem>>
      %dma_wait3A_2957 = arith.constant 0 : i32
      %dma_wait3A_2958 = tpu.memref_slice %arg2[%squeeze3A_1514, %dma_wait3A_2957] : memref<1000001x64xf32, #tpu.memory_space<hbm>> -> memref<1x64xf32, #tpu.memory_space<hbm>>
      %dma_wait3A_2959 = tpu.memref_slice %arg7[%dma_wait3A_2949] : memref<2x!tpu.dma_semaphore, #tpu.memory_space<semaphore_mem>> -> memref<1x!tpu.dma_semaphore, #tpu.memory_space<semaphore_mem>>
      %dma_wait3A_2960 = tpu.memref_squeeze %dma_wait3A_2959 : memref<1x!tpu.dma_semaphore, #tpu.memory_space<semaphore_mem>> -> memref<!tpu.dma_semaphore, #tpu.memory_space<semaphore_mem>>
      %dma_wait3A_2961 = arith.constant 0 : i32
      %dma_wait3A_2962 = arith.constant 0 : i32
      %dma_wait3A_2963 = tpu.memref_slice %arg6[%dma_wait3A_2948, %dma_wait3A_2961, %dma_wait3A_2962] : memref<2x32x64xf32, #tpu.memory_space<vmem>> -> memref<1x32x64xf32, #tpu.memory_space<vmem>>
      %dma_wait3A_2964 = tpu.memref_squeeze %dma_wait3A_2963 : memref<1x32x64xf32, #tpu.memory_space<vmem>> -> memref<32x64xf32, #tpu.memory_space<vmem>>
      %dma_wait3A_2965 = arith.constant 28 : i32
      %dma_wait3A_2966 = arith.constant 0 : i32
      %dma_wait3A_2967 = tpu.memref_slice %dma_wait3A_2964[%dma_wait3A_2965, %dma_wait3A_2966] : memref<32x64xf32, #tpu.memory_space<vmem>> -> memref<1x64xf32, #tpu.memory_space<vmem>>
      %dma_wait3A_2968 = arith.constant 0 : i32
      %dma_wait3A_2969 = tpu.memref_slice %arg2[%squeeze3A_1514, %dma_wait3A_2968] : memref<1000001x64xf32, #tpu.memory_space<hbm>> -> memref<1x64xf32, #tpu.memory_space<hbm>>
      tpu.wait_dma2 semaphore(%dma_wait3A_2960 : memref<!tpu.dma_semaphore, #tpu.memory_space<semaphore_mem>>) src(%dma_wait3A_2969 : memref<1x64xf32, #tpu.memory_space<hbm>>) dst(%dma_wait3A_2967 : memref<1x64xf32, #tpu.memory_space<vmem>>)
      %dma_wait3A_2970 = arith.constant 1 : i32
      %dma_wait3A_2971 = arith.constant 1 : i32
      %dma_wait3A_2972 = arith.constant 0 : i32
      %dma_wait3A_2973 = arith.constant 0 : i32
      %dma_wait3A_2974 = tpu.memref_slice %arg6[%dma_wait3A_2970, %dma_wait3A_2972, %dma_wait3A_2973] : memref<2x32x64xf32, #tpu.memory_space<vmem>> -> memref<1x32x64xf32, #tpu.memory_space<vmem>>
      %dma_wait3A_2975 = tpu.memref_squeeze %dma_wait3A_2974 : memref<1x32x64xf32, #tpu.memory_space<vmem>> -> memref<32x64xf32, #tpu.memory_space<vmem>>
      %dma_wait3A_2976 = arith.constant 29 : i32
      %dma_wait3A_2977 = arith.constant 0 : i32
      %dma_wait3A_2978 = tpu.memref_slice %dma_wait3A_2975[%dma_wait3A_2976, %dma_wait3A_2977] : memref<32x64xf32, #tpu.memory_space<vmem>> -> memref<1x64xf32, #tpu.memory_space<vmem>>
      %dma_wait3A_2979 = arith.constant 0 : i32
      %dma_wait3A_2980 = tpu.memref_slice %arg2[%squeeze3A_1538, %dma_wait3A_2979] : memref<1000001x64xf32, #tpu.memory_space<hbm>> -> memref<1x64xf32, #tpu.memory_space<hbm>>
      %dma_wait3A_2981 = tpu.memref_slice %arg7[%dma_wait3A_2971] : memref<2x!tpu.dma_semaphore, #tpu.memory_space<semaphore_mem>> -> memref<1x!tpu.dma_semaphore, #tpu.memory_space<semaphore_mem>>
      %dma_wait3A_2982 = tpu.memref_squeeze %dma_wait3A_2981 : memref<1x!tpu.dma_semaphore, #tpu.memory_space<semaphore_mem>> -> memref<!tpu.dma_semaphore, #tpu.memory_space<semaphore_mem>>
      %dma_wait3A_2983 = arith.constant 0 : i32
      %dma_wait3A_2984 = arith.constant 0 : i32
      %dma_wait3A_2985 = tpu.memref_slice %arg6[%dma_wait3A_2970, %dma_wait3A_2983, %dma_wait3A_2984] : memref<2x32x64xf32, #tpu.memory_space<vmem>> -> memref<1x32x64xf32, #tpu.memory_space<vmem>>
      %dma_wait3A_2986 = tpu.memref_squeeze %dma_wait3A_2985 : memref<1x32x64xf32, #tpu.memory_space<vmem>> -> memref<32x64xf32, #tpu.memory_space<vmem>>
      %dma_wait3A_2987 = arith.constant 29 : i32
      %dma_wait3A_2988 = arith.constant 0 : i32
      %dma_wait3A_2989 = tpu.memref_slice %dma_wait3A_2986[%dma_wait3A_2987, %dma_wait3A_2988] : memref<32x64xf32, #tpu.memory_space<vmem>> -> memref<1x64xf32, #tpu.memory_space<vmem>>
      %dma_wait3A_2990 = arith.constant 0 : i32
      %dma_wait3A_2991 = tpu.memref_slice %arg2[%squeeze3A_1538, %dma_wait3A_2990] : memref<1000001x64xf32, #tpu.memory_space<hbm>> -> memref<1x64xf32, #tpu.memory_space<hbm>>
      tpu.wait_dma2 semaphore(%dma_wait3A_2982 : memref<!tpu.dma_semaphore, #tpu.memory_space<semaphore_mem>>) src(%dma_wait3A_2991 : memref<1x64xf32, #tpu.memory_space<hbm>>) dst(%dma_wait3A_2989 : memref<1x64xf32, #tpu.memory_space<vmem>>)
      %dma_wait3A_2992 = arith.constant 1 : i32
      %dma_wait3A_2993 = arith.constant 1 : i32
      %dma_wait3A_2994 = arith.constant 0 : i32
      %dma_wait3A_2995 = arith.constant 0 : i32
      %dma_wait3A_2996 = tpu.memref_slice %arg6[%dma_wait3A_2992, %dma_wait3A_2994, %dma_wait3A_2995] : memref<2x32x64xf32, #tpu.memory_space<vmem>> -> memref<1x32x64xf32, #tpu.memory_space<vmem>>
      %dma_wait3A_2997 = tpu.memref_squeeze %dma_wait3A_2996 : memref<1x32x64xf32, #tpu.memory_space<vmem>> -> memref<32x64xf32, #tpu.memory_space<vmem>>
      %dma_wait3A_2998 = arith.constant 30 : i32
      %dma_wait3A_2999 = arith.constant 0 : i32
      %dma_wait3A_3000 = tpu.memref_slice %dma_wait3A_2997[%dma_wait3A_2998, %dma_wait3A_2999] : memref<32x64xf32, #tpu.memory_space<vmem>> -> memref<1x64xf32, #tpu.memory_space<vmem>>
      %dma_wait3A_3001 = arith.constant 0 : i32
      %dma_wait3A_3002 = tpu.memref_slice %arg2[%squeeze3A_1562, %dma_wait3A_3001] : memref<1000001x64xf32, #tpu.memory_space<hbm>> -> memref<1x64xf32, #tpu.memory_space<hbm>>
      %dma_wait3A_3003 = tpu.memref_slice %arg7[%dma_wait3A_2993] : memref<2x!tpu.dma_semaphore, #tpu.memory_space<semaphore_mem>> -> memref<1x!tpu.dma_semaphore, #tpu.memory_space<semaphore_mem>>
      %dma_wait3A_3004 = tpu.memref_squeeze %dma_wait3A_3003 : memref<1x!tpu.dma_semaphore, #tpu.memory_space<semaphore_mem>> -> memref<!tpu.dma_semaphore, #tpu.memory_space<semaphore_mem>>
      %dma_wait3A_3005 = arith.constant 0 : i32
      %dma_wait3A_3006 = arith.constant 0 : i32
      %dma_wait3A_3007 = tpu.memref_slice %arg6[%dma_wait3A_2992, %dma_wait3A_3005, %dma_wait3A_3006] : memref<2x32x64xf32, #tpu.memory_space<vmem>> -> memref<1x32x64xf32, #tpu.memory_space<vmem>>
      %dma_wait3A_3008 = tpu.memref_squeeze %dma_wait3A_3007 : memref<1x32x64xf32, #tpu.memory_space<vmem>> -> memref<32x64xf32, #tpu.memory_space<vmem>>
      %dma_wait3A_3009 = arith.constant 30 : i32
      %dma_wait3A_3010 = arith.constant 0 : i32
      %dma_wait3A_3011 = tpu.memref_slice %dma_wait3A_3008[%dma_wait3A_3009, %dma_wait3A_3010] : memref<32x64xf32, #tpu.memory_space<vmem>> -> memref<1x64xf32, #tpu.memory_space<vmem>>
      %dma_wait3A_3012 = arith.constant 0 : i32
      %dma_wait3A_3013 = tpu.memref_slice %arg2[%squeeze3A_1562, %dma_wait3A_3012] : memref<1000001x64xf32, #tpu.memory_space<hbm>> -> memref<1x64xf32, #tpu.memory_space<hbm>>
      tpu.wait_dma2 semaphore(%dma_wait3A_3004 : memref<!tpu.dma_semaphore, #tpu.memory_space<semaphore_mem>>) src(%dma_wait3A_3013 : memref<1x64xf32, #tpu.memory_space<hbm>>) dst(%dma_wait3A_3011 : memref<1x64xf32, #tpu.memory_space<vmem>>)
      %dma_wait3A_3014 = arith.constant 1 : i32
      %dma_wait3A_3015 = arith.constant 1 : i32
      %dma_wait3A_3016 = arith.constant 0 : i32
      %dma_wait3A_3017 = arith.constant 0 : i32
      %dma_wait3A_3018 = tpu.memref_slice %arg6[%dma_wait3A_3014, %dma_wait3A_3016, %dma_wait3A_3017] : memref<2x32x64xf32, #tpu.memory_space<vmem>> -> memref<1x32x64xf32, #tpu.memory_space<vmem>>
      %dma_wait3A_3019 = tpu.memref_squeeze %dma_wait3A_3018 : memref<1x32x64xf32, #tpu.memory_space<vmem>> -> memref<32x64xf32, #tpu.memory_space<vmem>>
      %dma_wait3A_3020 = arith.constant 31 : i32
      %dma_wait3A_3021 = arith.constant 0 : i32
      %dma_wait3A_3022 = tpu.memref_slice %dma_wait3A_3019[%dma_wait3A_3020, %dma_wait3A_3021] : memref<32x64xf32, #tpu.memory_space<vmem>> -> memref<1x64xf32, #tpu.memory_space<vmem>>
      %dma_wait3A_3023 = arith.constant 0 : i32
      %dma_wait3A_3024 = tpu.memref_slice %arg2[%squeeze3A_1586, %dma_wait3A_3023] : memref<1000001x64xf32, #tpu.memory_space<hbm>> -> memref<1x64xf32, #tpu.memory_space<hbm>>
      %dma_wait3A_3025 = tpu.memref_slice %arg7[%dma_wait3A_3015] : memref<2x!tpu.dma_semaphore, #tpu.memory_space<semaphore_mem>> -> memref<1x!tpu.dma_semaphore, #tpu.memory_space<semaphore_mem>>
      %dma_wait3A_3026 = tpu.memref_squeeze %dma_wait3A_3025 : memref<1x!tpu.dma_semaphore, #tpu.memory_space<semaphore_mem>> -> memref<!tpu.dma_semaphore, #tpu.memory_space<semaphore_mem>>
      %dma_wait3A_3027 = arith.constant 0 : i32
      %dma_wait3A_3028 = arith.constant 0 : i32
      %dma_wait3A_3029 = tpu.memref_slice %arg6[%dma_wait3A_3014, %dma_wait3A_3027, %dma_wait3A_3028] : memref<2x32x64xf32, #tpu.memory_space<vmem>> -> memref<1x32x64xf32, #tpu.memory_space<vmem>>
      %dma_wait3A_3030 = tpu.memref_squeeze %dma_wait3A_3029 : memref<1x32x64xf32, #tpu.memory_space<vmem>> -> memref<32x64xf32, #tpu.memory_space<vmem>>
      %dma_wait3A_3031 = arith.constant 31 : i32
      %dma_wait3A_3032 = arith.constant 0 : i32
      %dma_wait3A_3033 = tpu.memref_slice %dma_wait3A_3030[%dma_wait3A_3031, %dma_wait3A_3032] : memref<32x64xf32, #tpu.memory_space<vmem>> -> memref<1x64xf32, #tpu.memory_space<vmem>>
      %dma_wait3A_3034 = arith.constant 0 : i32
      %dma_wait3A_3035 = tpu.memref_slice %arg2[%squeeze3A_1586, %dma_wait3A_3034] : memref<1000001x64xf32, #tpu.memory_space<hbm>> -> memref<1x64xf32, #tpu.memory_space<hbm>>
      tpu.wait_dma2 semaphore(%dma_wait3A_3026 : memref<!tpu.dma_semaphore, #tpu.memory_space<semaphore_mem>>) src(%dma_wait3A_3035 : memref<1x64xf32, #tpu.memory_space<hbm>>) dst(%dma_wait3A_3033 : memref<1x64xf32, #tpu.memory_space<vmem>>)
      %mul3A_3036 = arith.constant 32 : i32
      %mul3A_3037 = arith.muli %add3A_46, %mul3A_3036 : i32
      %add3A_3038 = arith.addi %mul3A_2, %mul3A_3037 : i32
      %dma_start3A_3039 = arith.constant 1 : i32
      %dma_start3A_3040 = arith.constant 1 : i32
      %dma_start3A_3041 = arith.constant 0 : i32
      %dma_start3A_3042 = arith.constant 0 : i32
      %dma_start3A_3043 = tpu.memref_slice %arg6[%dma_start3A_3039, %dma_start3A_3041, %dma_start3A_3042] : memref<2x32x64xf32, #tpu.memory_space<vmem>> -> memref<1x32x64xf32, #tpu.memory_space<vmem>>
      %dma_start3A_3044 = tpu.memref_squeeze %dma_start3A_3043 : memref<1x32x64xf32, #tpu.memory_space<vmem>> -> memref<32x64xf32, #tpu.memory_space<vmem>>
      %dma_start3A_3045 = arith.constant 0 : i32
      %dma_start3A_3046 = tpu.memref_slice %arg4[%add3A_3038, %dma_start3A_3045] : memref<16384x64xf32, #tpu.memory_space<hbm>> -> memref<32x64xf32, #tpu.memory_space<hbm>>
      %dma_start3A_3047 = tpu.memref_slice %arg8[%dma_start3A_3040] : memref<2x!tpu.dma_semaphore, #tpu.memory_space<semaphore_mem>> -> memref<1x!tpu.dma_semaphore, #tpu.memory_space<semaphore_mem>>
      %dma_start3A_3048 = tpu.memref_squeeze %dma_start3A_3047 : memref<1x!tpu.dma_semaphore, #tpu.memory_space<semaphore_mem>> -> memref<!tpu.dma_semaphore, #tpu.memory_space<semaphore_mem>>
      %dma_start3A_3049 = arith.constant 0 : i32
      %dma_start3A_3050 = tpu.memref_slice %arg4[%add3A_3038, %dma_start3A_3049] : memref<16384x64xf32, #tpu.memory_space<hbm>> -> memref<32x64xf32, #tpu.memory_space<hbm>>
      %dma_start3A_3051 = arith.constant 0 : i32
      %dma_start3A_3052 = arith.constant 0 : i32
      %dma_start3A_3053 = tpu.memref_slice %arg6[%dma_start3A_3039, %dma_start3A_3051, %dma_start3A_3052] : memref<2x32x64xf32, #tpu.memory_space<vmem>> -> memref<1x32x64xf32, #tpu.memory_space<vmem>>
      %dma_start3A_3054 = tpu.memref_squeeze %dma_start3A_3053 : memref<1x32x64xf32, #tpu.memory_space<vmem>> -> memref<32x64xf32, #tpu.memory_space<vmem>>
      tpu.enqueue_dma source(%dma_start3A_3054 : memref<32x64xf32, #tpu.memory_space<vmem>>) target(%dma_start3A_3050 : memref<32x64xf32, #tpu.memory_space<hbm>>) target_semaphore(%dma_start3A_3048 : memref<!tpu.dma_semaphore, #tpu.memory_space<semaphore_mem>>)
    }
    %scan3A_6 = arith.constant 8 : i32
    %dma_wait3A = arith.constant 0 : i32
    %dma_wait3A_7 = arith.constant 0 : i32
    %dma_wait3A_8 = arith.constant 0 : i32
    %dma_wait3A_9 = arith.constant 0 : i32
    %dma_wait3A_10 = tpu.memref_slice %arg6[%dma_wait3A, %dma_wait3A_8, %dma_wait3A_9] : memref<2x32x64xf32, #tpu.memory_space<vmem>> -> memref<1x32x64xf32, #tpu.memory_space<vmem>>
    %dma_wait3A_11 = tpu.memref_squeeze %dma_wait3A_10 : memref<1x32x64xf32, #tpu.memory_space<vmem>> -> memref<32x64xf32, #tpu.memory_space<vmem>>
    %dma_wait3A_12 = arith.constant 0 : i32
    %dma_wait3A_13 = tpu.memref_slice %arg4[%mul3A_2, %dma_wait3A_12] : memref<16384x64xf32, #tpu.memory_space<hbm>> -> memref<32x64xf32, #tpu.memory_space<hbm>>
    %dma_wait3A_14 = tpu.memref_slice %arg8[%dma_wait3A_7] : memref<2x!tpu.dma_semaphore, #tpu.memory_space<semaphore_mem>> -> memref<1x!tpu.dma_semaphore, #tpu.memory_space<semaphore_mem>>
    %dma_wait3A_15 = tpu.memref_squeeze %dma_wait3A_14 : memref<1x!tpu.dma_semaphore, #tpu.memory_space<semaphore_mem>> -> memref<!tpu.dma_semaphore, #tpu.memory_space<semaphore_mem>>
    %dma_wait3A_16 = arith.constant 0 : i32
    %dma_wait3A_17 = tpu.memref_slice %arg4[%mul3A_2, %dma_wait3A_16] : memref<16384x64xf32, #tpu.memory_space<hbm>> -> memref<32x64xf32, #tpu.memory_space<hbm>>
    %dma_wait3A_18 = arith.constant 0 : i32
    %dma_wait3A_19 = arith.constant 0 : i32
    %dma_wait3A_20 = tpu.memref_slice %arg6[%dma_wait3A, %dma_wait3A_18, %dma_wait3A_19] : memref<2x32x64xf32, #tpu.memory_space<vmem>> -> memref<1x32x64xf32, #tpu.memory_space<vmem>>
    %dma_wait3A_21 = tpu.memref_squeeze %dma_wait3A_20 : memref<1x32x64xf32, #tpu.memory_space<vmem>> -> memref<32x64xf32, #tpu.memory_space<vmem>>
    tpu.wait_dma2 semaphore(%dma_wait3A_15 : memref<!tpu.dma_semaphore, #tpu.memory_space<semaphore_mem>>) src(%dma_wait3A_21 : memref<32x64xf32, #tpu.memory_space<vmem>>) dst(%dma_wait3A_17 : memref<32x64xf32, #tpu.memory_space<hbm>>)
    %dma_wait3A_22 = arith.constant 1 : i32
    %dma_wait3A_23 = arith.constant 1 : i32
    %dma_wait3A_24 = arith.constant 0 : i32
    %dma_wait3A_25 = arith.constant 0 : i32
    %dma_wait3A_26 = tpu.memref_slice %arg6[%dma_wait3A_22, %dma_wait3A_24, %dma_wait3A_25] : memref<2x32x64xf32, #tpu.memory_space<vmem>> -> memref<1x32x64xf32, #tpu.memory_space<vmem>>
    %dma_wait3A_27 = tpu.memref_squeeze %dma_wait3A_26 : memref<1x32x64xf32, #tpu.memory_space<vmem>> -> memref<32x64xf32, #tpu.memory_space<vmem>>
    %dma_wait3A_28 = arith.constant 0 : i32
    %dma_wait3A_29 = tpu.memref_slice %arg4[%mul3A_2, %dma_wait3A_28] : memref<16384x64xf32, #tpu.memory_space<hbm>> -> memref<32x64xf32, #tpu.memory_space<hbm>>
    %dma_wait3A_30 = tpu.memref_slice %arg8[%dma_wait3A_23] : memref<2x!tpu.dma_semaphore, #tpu.memory_space<semaphore_mem>> -> memref<1x!tpu.dma_semaphore, #tpu.memory_space<semaphore_mem>>
    %dma_wait3A_31 = tpu.memref_squeeze %dma_wait3A_30 : memref<1x!tpu.dma_semaphore, #tpu.memory_space<semaphore_mem>> -> memref<!tpu.dma_semaphore, #tpu.memory_space<semaphore_mem>>
    %dma_wait3A_32 = arith.constant 0 : i32
    %dma_wait3A_33 = tpu.memref_slice %arg4[%mul3A_2, %dma_wait3A_32] : memref<16384x64xf32, #tpu.memory_space<hbm>> -> memref<32x64xf32, #tpu.memory_space<hbm>>
    %dma_wait3A_34 = arith.constant 0 : i32
    %dma_wait3A_35 = arith.constant 0 : i32
    %dma_wait3A_36 = tpu.memref_slice %arg6[%dma_wait3A_22, %dma_wait3A_34, %dma_wait3A_35] : memref<2x32x64xf32, #tpu.memory_space<vmem>> -> memref<1x32x64xf32, #tpu.memory_space<vmem>>
    %dma_wait3A_37 = tpu.memref_squeeze %dma_wait3A_36 : memref<1x32x64xf32, #tpu.memory_space<vmem>> -> memref<32x64xf32, #tpu.memory_space<vmem>>
    tpu.wait_dma2 semaphore(%dma_wait3A_31 : memref<!tpu.dma_semaphore, #tpu.memory_space<semaphore_mem>>) src(%dma_wait3A_37 : memref<32x64xf32, #tpu.memory_space<vmem>>) dst(%dma_wait3A_33 : memref<32x64xf32, #tpu.memory_space<hbm>>)
    return
  }
}

</mosaic_0001>

<sc_bundles>
// kernel: kernel.3.cloned.1.call-start
scs
__scs_entry_jumppad:
0x0: {  	(pc) =	sbr.rel $0x88, $3  }
0x1: {  	(tag) =	ssettag $0x0;
	lr =	simm.s32 $0x1  }
0x2: {  	[smem:$0x3F9F] =	sst lr;
	_ =	strace $0xD0000000  }
0x3: {  	_ = 	snop  }
0x4: {  	_ = 	snop  }
0x5: {  	_ = 	snop  }
0x6: {  	_ = 	snop  }
0x7: {  	_ = 	snop  }
__scs_overlays_trampoline_lowered:
0x8: {  	[smem:$0x3FAE] =	sst s0  }
0x9: {  	[smem:$0x3FAF] =	sst s1  }
0xa: {  	[smem:$0x3FB0] =	sst s2  }
0xb: {  	[smem:$0x3FB1] =	sst s3  }
0xc: {  	[smem:$0x3FB2] =	sst s4  }
0xd: {  	[smem:$0x3FB3] =	sst s5  }
0xe: {  	[smem:$0x3FB4] =	sst s6  }
0xf: {  	[smem:$0x3FB5] =	sst s7  }
0x10: {  	[smem:$0x3FB6] =	sst s8  }
0x11: {  	[smem:$0x3FB7] =	sst s9;
	s0 =	simm.s32 @!p0 $0x0  }
0x12: {  	s1 =	sld [smem:$0x3F9D];
	s0 =	simm.s32 @p0 $0x1  }
0x13: {  	[smem:$0x3FB8] =	sst s0;
	s0 =	simm.s32 @!p1 $0x0  }
0x14: {  	s2 =	sld [smem:$0x3F9C];
	s0 =	simm.s32 @p1 $0x1  }
0x15: {  	[smem:$0x3FB9] =	sst s0;
	s0 =	simm.s32 @!p2 $0x0  }
0x16: {  	s3 =	sld [smem:$0x3FDB];
	s0 =	simm.s32 @p2 $0x1  }
0x17: {  	s4 =	simm.s32 $0x1BF5;
	[smem:$0x3FBB] =	sst s0  }
0x18: {  	s0 =	sld [smem:$0x3F9E];
	_ =	swait.ge [sflag:s4], $0x0  }
0x19: {  	s7 =	sld [smem:$0x3F9F]  }
0x1a: {  	s8 =	sadd.s32 $0xFFFFE003, lr  }
0x1b: {  	s9 =	sadd.s32 $0xFFFFFEF7, lr;
	s5 =	simm.s32 $0xFFFFFFFF;
	p2 =	slt.u32 s8, $0xFFFFF086  }
0x1c: {  	p1 =	slt.u32 s9, $0xF7A;
	s5 =	simm.s32 @!p2 $0x0  }
0x1d: {  	s5 =	simm.s32 @p1 $0x1;
	p0 =	seq.s32 s7, s2  }
0x1e: {  	s7 =	smul.u32 @!p0 $0xF7A, s2;
	p2 =	seq.s32 @!p0 s5, $0x0  }
0x1f: {  	s9 =	smul.u32 $0xF7A, s1;
	s8 =	simm.s32 @!p0 $0x1BF5;
	p2 =	por !p2, p0  }
0x20: {  	[sflag:s8] =	ssyncset.s32 @!p0 $0xFFFFF086;
	s6 =	sadd.s32 @!p0 s3, s7;
	s7 =	simm.s32 @!p0 $0x108  }
0x21: {  	s3 =	sadd.s32 s3, s9;
	s6 =	sadd.s32 @!p0 $0x88, s6;
	s7 =	simm.s32 @p2 $0x1082  }
0x22: {  	[simem:s7], [sflag:s8] =	dma.local @!p0 [hbm:s6], $0xF7A  }
0x23: {  	s9 =	sor.u32 $0xD0000000, s2;
	s6 =	simm.s32 $0x108;
	_ =	swait.ge @!p0 [sflag:s8], $0x0  }
0x24: {  	s3 =	sadd.s32 $0x88, s3;
	s6 =	simm.s32 @!p1 $0x1082;
	[sflag:s4] =	ssyncset.s32 $0xFFFFF086  }
0x25: {  	[simem:s6], [sflag:s4] =	dma.local [hbm:s3], $0xF7A  }
0x26: {  	[smem:$0x3F9F] =	sst s1;
	(tag) =	ssettag s2;
	_ =	strace s9  }
0x27: {  	s1 =	sld [smem:$0x3FAF]  }
0x28: {  	s2 =	sld [smem:$0x3FB0]  }
0x29: {  	s4 =	sld [smem:$0x3FB2]  }
0x2a: {  	p0 =	seq.s32 s5, $0x0;
	s5 =	sld [smem:$0x3FB3]  }
0x2b: {  	s6 =	sld [smem:$0x3FB4]  }
0x2c: {  	s7 =	sld [smem:$0x3FB5]  }
0x2d: {  	s3 =	simm.s32 $0x108;
	s8 =	sld [smem:$0x3FB6]  }
0x2e: {  	s3 =	simm.s32 @!p0 $0x1082;
	s9 =	sld [smem:$0x3FB7]  }
0x2f: {  	lr =	sadd.s32 s0, s3;
	s0 =	sld [smem:$0x3FAE]  }
0x30: {  	s3 =	sld [smem:$0x3FB1]  }
0x31: {  	[smem:$0x3FBA] =	sst s10  }
0x32: {  	s10 =	sld [smem:$0x3FB8];
	_ =	sdelay $0x3  }
0x33: {  	p0 =	seq.s32 s10, $0x1;
	s10 =	sld [smem:$0x3FBA];
	_ =	sdelay $0x3  }
0x34: {  	[smem:$0x3FBA] =	sst s10  }
0x35: {  	s10 =	sld [smem:$0x3FB9];
	_ =	sdelay $0x3  }
0x36: {  	p1 =	seq.s32 s10, $0x1;
	s10 =	sld [smem:$0x3FBA];
	_ =	sdelay $0x3  }
0x37: {  	[smem:$0x3FBA] =	sst s10  }
0x38: {  	s10 =	sld [smem:$0x3FBB]  }
0x39: {  	_ = 	snop;
	(pc) =	sbr.ind lr, $3  }
0x3a: {  	_ = 	snop  }
0x3b: {  	_ = 	snop  }
0x3c: {  	p2 =	seq.s32 s10, $0x1;
	s10 =	sld [smem:$0x3FBA]  }
0x3d: {  	_ =	shalt  }
0x3e: {  	_ =	shalt  }
0x3f: {  	_ =	shalt  }
0x40: {  	_ =	shalt  }
0x41: {  	_ =	shalt  }
0x42: {  	_ =	shalt  }
0x43: {  	_ =	shalt  }
0x44: {  	_ =	shalt  }
0x45: {  	_ =	shalt  }
0x46: {  	_ =	shalt  }
0x47: {  	_ =	shalt  }
0x48: {  	_ =	shalt  }
0x49: {  	_ =	shalt  }
0x4a: {  	_ =	shalt  }
0x4b: {  	_ =	shalt  }
0x4c: {  	_ =	shalt  }
0x4d: {  	_ =	shalt  }
0x4e: {  	_ =	shalt  }
0x4f: {  	_ =	shalt  }
0x50: {  	_ =	shalt  }
0x51: {  	_ =	shalt  }
0x52: {  	_ =	shalt  }
0x53: {  	_ =	shalt  }
0x54: {  	_ =	shalt  }
0x55: {  	_ =	shalt  }
0x56: {  	_ =	shalt  }
0x57: {  	_ =	shalt  }
0x58: {  	_ =	shalt  }
0x59: {  	_ =	shalt  }
0x5a: {  	_ =	shalt  }
0x5b: {  	_ =	shalt  }
0x5c: {  	_ =	shalt  }
0x5d: {  	_ =	shalt  }
0x5e: {  	_ =	shalt  }
0x5f: {  	_ =	shalt  }
0x60: {  	_ =	shalt  }
0x61: {  	_ =	shalt  }
0x62: {  	_ =	shalt  }
0x63: {  	_ =	shalt  }
0x64: {  	_ =	shalt  }
0x65: {  	_ =	shalt  }
0x66: {  	_ =	shalt  }
0x67: {  	_ =	shalt  }
0x68: {  	_ =	shalt  }
0x69: {  	_ =	shalt  }
0x6a: {  	_ =	shalt  }
0x6b: {  	_ =	shalt  }
0x6c: {  	_ =	shalt  }
0x6d: {  	_ =	shalt  }
0x6e: {  	_ =	shalt  }
0x6f: {  	_ =	shalt  }
0x70: {  	_ =	shalt  }
0x71: {  	_ =	shalt  }
0x72: {  	_ =	shalt  }
0x73: {  	_ =	shalt  }
0x74: {  	_ =	shalt  }
0x75: {  	_ =	shalt  }
0x76: {  	_ =	shalt  }
0x77: {  	_ =	shalt  }
0x78: {  	_ =	shalt  }
0x79: {  	_ =	shalt  }
0x7a: {  	_ =	shalt  }
0x7b: {  	_ =	shalt  }
0x7c: {  	_ =	shalt  }
0x7d: {  	_ =	shalt  }
0x7e: {  	_ =	shalt  }
0x7f: {  	_ =	shalt  }
0x80: {  	_ =	shalt  }
0x81: {  	_ =	shalt  }
0x82: {  	_ =	shalt  }
0x83: {  	_ =	shalt  }
0x84: {  	_ =	shalt  }
0x85: {  	_ =	shalt  }
0x86: {  	_ =	shalt  }
0x87: {  	_ =	shalt  }
.Lfunc_end0:
.L_simem_size_0:
called_computation_lowered:
.L_overlay_start_0:
0x88: {  	s2 =	sld [smem:$0x3FD9]  }
0x89: {  	s3 =	sld [smem:$0x3FFE];
	_ =	sdelay $0x1  }
0x8a: {  	s1 =	srdreg.scid  }
0x8b: {  	s0 =	sand.u32 $0x1, s1  }
0x8c: {  	s17 =	sshll.u32 s0, $0xA;
	s2 =	sadd.s32 s3, s2  }
0x8d: {  	s2 =	sadd.s32 s2, s17  }
0x8e: {  	[smem:$0x3FC6] =	sst s2  }
0x8f: {  	_ = 	snop  }
0x90: {  	s2 =	sld [smem:$0x3FD0];
	(tm) =	ssettm $0x1  }
0x91: {  	s18 =	sld [smem:$0x3FFB];
	_ =	sdelay $0x3  }
0x92: {  	_ =	strace s18  }
0x93: {  	s3 =	sld [smem:$0x3FFC];
	_ =	sdelay $0x3  }
0x94: {  	_ =	strace s3  }
0x95: {  	s3 =	sld [smem:$0x3FFD];
	_ =	sdelay $0x3  }
0x96: {  	_ =	strace s3  }
0x97: {  	_ =	strace $0x8FFFFFFF  }
0x98: {  	s19 =	sld [smem:$0x3FDB];
	_ =	sdelay $0x1  }
0x99: {  	s4 =	simm.s32 $_scs_section_size  }
0x9a: {  	s5 =	simm.s32 $_size__tile_overlayer_lowered;
	s6 =	simm.s32 $_tile_overlayer_lowered  }
0x9b: {  	s22 =	simm.s32 $0x1BFF;
	s21 =	sshll.u32 s6, $0x1;
	s3 =	sadd.s32 s4, s19  }
0x9c: {  	s7 =	simm.s32 $0x0;
	s20 =	sshll.u32 s5, $0x1;
	s5 =	sadd.s32 s21, s3  }
0x9d: {  	[timem:s7], [sflag:s22] =	dma.local [hbm:s5], s20  }
0x9e: {  	_ =	swait.ge [sflag:s22], s20  }
0x9f: {  	s4 =	ssub.s32 $0x0, s20;
	[sflag:s22] =	ssyncset.done $0x0  }
0xa0: {  	[sflag:s22] =	ssyncadd.s32 s4;
	_ =	sdelay $0x1  }
0xa1: {  	s23 =	simm.s32 $0x1B8B  }
0xa2: {  	_ =	swait.ge [sflag:s23], $0x1  }
0xa3: {  	[sflag:s23] =	ssyncset.done $0x0  }
0xa4: {  	s25 =	simm.s32 $0x1B8E;
	s24 =	sld [smem:$0x3FFE];
	[sflag:s23] =	ssyncadd.s32 $0xFFFFFFFF  }
0xa5: {  	s26 =	simm.s32 $execute0_lowered;
	[smem:$0x3FD2] =	sst s25  }
0xa6: {  	s5 =	sshll.u32 s26, $0x1;
	_ =	strace $0x80000046;
	[dreg:$0x1] =	wrdreg $0xFFFFFFFF  }
0xa7: {  	s28 =	simm.s32 $_size_execute0_lowered;
	s3 =	sadd.s32 s3, s5;
	[dreg:$0x0] =	wrdreg $0x0  }
0xa8: {  	s5 =	sshll.u32 s28, $0x1;
	[dreg:$0x2] =	wrdreg s3  }
0xa9: {  	[dreg:$0x3] =	wrdreg s5  }
0xaa: {  	[dreg:$0x4] =	wrdreg $0xC0  }
0xab: {  	_ =	task [dreg:s7], $0x5FFFF  }
0xac: {  	[dreg:$0x1] =	wrdreg $0xFFFFFFFF  }
0xad: {  	[dreg:$0x0] =	wrdreg $0x60  }
0xae: {  	[dreg:$0x2] =	wrdreg s24  }
0xaf: {  	[dreg:$0x3] =	wrdreg s2  }
0xb0: {  	[dreg:$0x4] =	wrdreg $0x9  }
0xb1: {  	_ =	task.clear_ibuf [dreg:s7], $0x5FFFF;
	_ =	strace $0x90000046  }
0xb2: {  	s29 =	simm.s32 $0x9;
	_ =	strace $0x80000048  }
0xb3: {  	_ =	swait.ge [sflag:s29], $0x1  }
0xb4: {  	[sflag:s29] =	ssyncadd.s32 $0xFFFFFFFF  }
0xb5: {  	_ =	strace $0x90000048  }
0xb6: {  	_ =	sfence  }
0xb7: {  	s30 =	sld [smem:$0x0];
	_ =	sdelay $0x2  }
0xb8: {  	s31 =	sshll.u32 s1, $0xD;
	s1 =	sshrl.u32 s1, $0x2  }
0xb9: {  	s3 =	sand.u32 $0x4000, s31;
	s1 =	sadd.s32 s1, s30  }
0xba: {  	s0 =	sor.u32 s3, s0;
	s1 =	sshll.u32 s1, $0x11  }
0xbb: {  	s0 =	sor.u32 s1, s0  }
0xbc: {  	s0 =	sadd.s32 $0x8F2B, s0  }
0xbd: {  	[sflag:s0] =	ssyncadd.remote.s32 $0x1  }
0xbe: {  	_ =	sfence.sel $0xFFFF  }
0xbf: {  	[dreg:$0x0] =	wrdreg $0xFFFFFFFF;
	(pc) =	sbr.abs _section_cstart, $3  }
0xc0: {  	[dreg:$0x1] =	wrdreg $0xFFFFFFFF  }
0xc1: {  	_ =	task.clear_ibuf [dreg:s7], $0x2FFFF;
	_ =	strace $0x9FFFFFFF  }
0xc2: {  	(tm) =	ssettm $0x7FFFFFFF  }
0xc3: {  	_ =	shalt  }
tec
execute0_lowered:
.L_overlay_start_1:
0x0: {  	(tag) =	ssettag $0x1  }
0x1: {  	s3 =	rddreg [dreg:$0x0];
	s2 =	srdreg.scid  }
0x2: {  	s4 =	rddreg [dreg:$0x1];
	s5 =	sand.u32 $0x1, s2;
	s2 =	simm.s32 $0x0  }
0x3: {  	s18 =	simm.s32 $0x280;
	[smem:$0x7FF] =	sst s2  }
0x4: {  	s19 =	simm.s32 $0x300;
	_ =	strace $0x80000047;
	[dreg:$0x4] =	wrdreg s18  }
0x5: {  	s20 =	simm.s32 $0x380;
	[dreg:$0x5] =	wrdreg s19  }
0x6: {  	s21 =	simm.s32 $0x480;
	[dreg:$0x6] =	wrdreg s20  }
0x7: {  	s22 =	simm.s32 $0x500;
	[dreg:$0x7] =	wrdreg s21  }
0x8: {  	s23 =	simm.s32 $0x580;
	[dreg:$0x8] =	wrdreg s22  }
0x9: {  	s24 =	simm.s32 $0x600;
	[dreg:$0x9] =	wrdreg s23  }
0xa: {  	s25 =	simm.s32 $0x680;
	[dreg:$0xa] =	wrdreg s24  }
0xb: {  	s26 =	simm.s32 $0x700;
	[dreg:$0xb] =	wrdreg s25  }
0xc: {  	s28 =	simm.s32 $0x780;
	[dreg:$0xc] =	wrdreg s26  }
0xd: {  	s29 =	simm.s32 $0x800;
	[dreg:$0xd] =	wrdreg s28  }
0xe: {  	s30 =	simm.s32 $0x880;
	[dreg:$0xe] =	wrdreg s29  }
0xf: {  	s31 =	simm.s32 $0x900;
	[dreg:$0xf] =	wrdreg s30  }
0x10: {  	s1 =	simm.s32 $0x980;
	[dreg:$0x10] =	wrdreg s31  }
0x11: {  	s8 =	simm.s32 $0xA80;
	[dreg:$0x11] =	wrdreg s1  }
0x12: {  	s9 =	simm.s32 $0xB00;
	[dreg:$0x13] =	wrdreg s8  }
0x13: {  	s10 =	simm.s32 $0xB80;
	[dreg:$0x14] =	wrdreg s9  }
0x14: {  	s11 =	simm.s32 $0xC00;
	[dreg:$0x15] =	wrdreg s10  }
0x15: {  	s12 =	simm.s32 $0xC80;
	[dreg:$0x16] =	wrdreg s11  }
0x16: {  	s13 =	simm.s32 $0xD00;
	[dreg:$0x17] =	wrdreg s12  }
0x17: {  	s0 =	stileid.u32;
	s14 =	simm.s32 $0xD80;
	[dreg:$0x18] =	wrdreg s13  }
0x18: {  	s15 =	simm.s32 $0xE00;
	s16 =	simm.s32 $0xE80;
	[dreg:$0x19] =	wrdreg s14  }
0x19: {  	s17 =	simm.s32 $0xF00;
	s6 =	sshll.u32 s0, $0xE;
	[dreg:$0x1a] =	wrdreg s15  }
0x1a: {  	s6 =	sadd.s32 s6, s3;
	s7 =	sshll.u32 s5, $0xD;
	[dreg:$0x1b] =	wrdreg s16  }
0x1b: {  	s6 =	sadd.s32 s7, s6;
	s7 =	simm.s32 $0xA00;
	[dreg:$0x1c] =	wrdreg s17  }
0x1c: {  	s18 =	simm.s32 $0xF80;
	[dreg:$0x12] =	wrdreg s7  }
0x1d: {  	s19 =	simm.s32 $0x1000;
	[dreg:$0x1d] =	wrdreg s18  }
0x1e: {  	s20 =	simm.s32 $0x1080;
	[dreg:$0x1e] =	wrdreg s19  }
0x1f: {  	s21 =	simm.s32 $0x1100;
	[dreg:$0x1f] =	wrdreg s20  }
0x20: {  	s22 =	simm.s32 $0x1180;
	[smem:$0x7DB] =	sst s21  }
0x21: {  	s23 =	simm.s32 $0x1280;
	[smem:$0x7DC] =	sst s22  }
0x22: {  	s24 =	simm.s32 $0x1300;
	[smem:$0x7DD] =	sst s23  }
0x23: {  	s25 =	simm.s32 $0x1380;
	[smem:$0x7DE] =	sst s24  }
0x24: {  	s26 =	simm.s32 $0x1400;
	[smem:$0x7DF] =	sst s25  }
0x25: {  	s28 =	simm.s32 $0x1480;
	[smem:$0x7E0] =	sst s26  }
0x26: {  	s29 =	simm.s32 $0x1500;
	[smem:$0x7E1] =	sst s28  }
0x27: {  	s30 =	simm.s32 $0x1580;
	[smem:$0x7E2] =	sst s29  }
0x28: {  	s31 =	simm.s32 $0x1600;
	[smem:$0x7E3] =	sst s30  }
0x29: {  	s1 =	simm.s32 $0x1680;
	[smem:$0x7E4] =	sst s31  }
0x2a: {  	s8 =	simm.s32 $0x1780;
	[smem:$0x7E5] =	sst s1  }
0x2b: {  	s9 =	simm.s32 $0x1800;
	[smem:$0x7E7] =	sst s8  }
0x2c: {  	s10 =	simm.s32 $0x1880;
	[smem:$0x7E8] =	sst s9  }
0x2d: {  	s11 =	simm.s32 $0x1900;
	[smem:$0x7E9] =	sst s10  }
0x2e: {  	s13 =	simm.s32 $0x1980;
	[smem:$0x7EA] =	sst s11  }
0x2f: {  	s14 =	simm.s32 $0x1A00;
	[smem:$0x7EB] =	sst s13  }
0x30: {  	s15 =	simm.s32 $0x1A80;
	[smem:$0x7EC] =	sst s14  }
0x31: {  	s17 =	simm.s32 $0x1B00;
	[smem:$0x7ED] =	sst s15  }
0x32: {  	s6 =	sadd.s32 $0xF42A00, s6;
	[smem:$0x7EE] =	sst s17  }
0x33: {  	s3 =	sadd.s32 $0x400, s3;
	s7 =	simm.s32 $0x1700;
	[dreg:$0x3] =	wrdreg s6  }
0x34: {  	s12 =	ssub.s32 $0x2, s5;
	s18 =	simm.s32 $0x1B80;
	[smem:$0x7E6] =	sst s7  }
0x35: {  	s16 =	sshll.u32 s0, $0xA;
	s19 =	simm.s32 $0x1C00;
	[smem:$0x7EF] =	sst s18  }
0x36: {  	s5 =	sshll.u32 s5, $0x7;
	s20 =	simm.s32 $0x1C80;
	[smem:$0x7F0] =	sst s19  }
0x37: {  	s8 =	sshrl.u32 s12, $0x1;
	s21 =	simm.s32 $0x1D00;
	[smem:$0x7F1] =	sst s20  }
0x38: {  	s9 =	sshll.u32 s0, $0x8;
	s22 =	simm.s32 $0x1D80;
	[smem:$0x7F2] =	sst s21  }
0x39: {  	s23 =	simm.s32 $0x1E00;
	s25 =	simm.s32 $0x1E80;
	[smem:$0x7F3] =	sst s22  }
0x3a: {  	s28 =	simm.s32 $0x1F00;
	s29 =	simm.s32 $0x1F80;
	[smem:$0x7F5] =	sst s23  }
0x3b: {  	s30 =	simm.s32 $0x2000;
	s10 =	simm.s32 $0x2080;
	[smem:$0x7F7] =	sst s25  }
0x3c: {  	s11 =	simm.s32 $0x2100;
	s31 =	simm.s32 $0x2180;
	[smem:$0x7F8] =	sst s28  }
0x3d: {  	s14 =	simm.s32 $0x4;
	s15 =	simm.s32 $0x0;
	[smem:$0x7F9] =	sst s29  }
0x3e: {  	s7 =	ssub.s32 s12, s8;
	s5 =	sor.u32 s5, s9;
	[smem:$0x7FA] =	sst s30  }
0x3f: {  	s9 =	simm.s32 $0x200;
	[smem:$0x7FB] =	sst s10;
	s5 =	sor.u32 s5, s16  }
0x40: {  	s10 =	simm.s32 $0x1200;
	[smem:$0x7FC] =	sst s11;
	s5 =	sand.u32 $0x3380, s5  }
0x41: {  	[smem:$0x7FD] =	sst s31;
	s26 =	smax.u32 s7, $0x1;
	s5 =	sshrl.u32 s5, $0x3  }
0x42: {  	s11 =	simm.s32 $0x1;
	[smem:$0x7F6] =	sst s26;
	s24 =	sadd.s32 s4, s5  }
0x43: {  	s12 =	simm.s32 $0x2;
	s7 =	simm.s32 $0x400;
	[smem:$0x7F4] =	sst s24  }
.LBB2_1:
0x44: {  	s0 =	sld [smem:$0x7F4];
	_ =	sdelay $0x1  }
0x45: {  	s1 =	simm.s32 $0x80;
	s31 =	simm.s32 $0x5  }
0x46: {  	[tilespmem:s2], [sflag:$0x5] =	stream.strided.gather [hbm4b:s0+s1], $0x200, s7, s1, $0x38;
	[tilespmem:$0x2200] =	vst v63  }
0x47: {  	_ =	swait.ge [sflag:s31], $0x200  }
0x48: {  	p0 =	por $0x1, $0x1;
	[sflag:s31] =	ssyncset.done $0x0  }
0x49: {  	s16 =	simm.s32 @!p0 $0x3;
	[sflag:s31] =	ssyncadd.s32 $0xFFFFFE00  }
0x4a: {  	_ =	swait.ge @!p0 [sflag:s16], $0x1000  }
0x4b: {  	[sflag:s16] =	ssyncset.done @!p0 $0x0  }
0x4c: {  	s17 =	simm.s32 @!p0 $0x4;
	[sflag:s16] =	ssyncadd.s32 @!p0 $0xFFFFF000  }
0x4d: {  	_ =	swait.ge @!p0 [sflag:s17], $0x1000  }
0x4e: {  	[sflag:s17] =	ssyncset.done @!p0 $0x0  }
0x4f: {  	s16 =	simm.s32 $0x20;
	[sflag:s17] =	ssyncadd.s32 @!p0 $0xFFFFF000  }
0x50: {  	v0 =	vld [tilespmem:s16+$0xFFFFFFE0];
	_ =	sdelay $0x4  }
0x51: {  	v0 =	vshll.u32 v0, $0x4  }
0x52: {  	(v2sf) =	vpush v0, $0x0  }
0x53: {  	(v2sf) =	vpush v0, $0x1  }
0x54: {  	(v2sf) =	vpush v0, $0x2;
	_ =	sdelay $0x1  }
0x55: {  	(v2sf) =	vpush v0, $0x3  }
0x56: {  	(v2sf) =	vpush v0, $0x4;
	_ =	sdelay $0x3  }
0x57: {  	(v2sf) =	vpush v0, $0x5;
	_ =	sdelay $0x5  }
0x58: {  	s0 =	spop (v2sf)  }
0x59: {  	s17 =	sand.u32 $0x1FFFFFF0, s0;
	s18 =	spop (v2sf);
	(v2sf) =	vpush v0, $0x6  }
0x5a: {  	s17 =	sadd.s32 s3, s17;
	s5 =	spop (v2sf)  }
0x5b: {  	(v2sf) =	vpush v0, $0x7;
	[tilespmem:s9], [sflag:$0x1] =	stream.linear.gather [hbm4b:s17+s2], $0x80, $0x38;
	[tilespmem:$0x2200] =	vst v63  }
0x5c: {  	s19 =	rddreg [dreg:$0x4];
	s18 =	sand.u32 $0x1FFFFFF0, s18;
	s8 =	spop (v2sf)  }
0x5d: {  	s1 =	sadd.s32 s3, s18;
	s18 =	sand.u32 $0x1FFFFFF0, s5;
	(v2sf) =	vpush v0, $0x8;
	s13 =	spop (v2sf)  }
0x5e: {  	(v2sf) =	vpush v0, $0x9;
	[tilespmem:s19], [sflag:$0x1] =	stream.linear.gather [hbm4b:s1+s2], $0x80, $0x38;
	[tilespmem:$0x2200] =	vst v63  }
0x5f: {  	s4 =	rddreg [dreg:$0x5];
	s18 =	sadd.s32 s3, s18  }
0x60: {  	[tilespmem:s4], [sflag:$0x1] =	stream.linear.gather [hbm4b:s18+s2], $0x80, $0x38;
	[tilespmem:$0x2200] =	vst v63  }
0x61: {  	s21 =	spop (v2sf);
	(v2sf) =	vpush v0, $0xA;
	s18 =	sand.u32 $0x1FFFFFF0, s8  }
0x62: {  	s6 =	rddreg [dreg:$0x6];
	s20 =	sand.u32 $0x1FFFFFF0, s13;
	s18 =	sadd.s32 s3, s18  }
0x63: {  	[tilespmem:s6], [sflag:$0x1] =	stream.linear.gather [hbm4b:s18+s2], $0x80, $0x38;
	[tilespmem:$0x2200] =	vst v63  }
0x64: {  	s17 =	sadd.s32 s3, s20;
	(v2sf) =	vpush v0, $0xB;
	s18 =	sand.u32 $0x1FFFFFF0, s21  }
0x65: {  	[tilespmem:s7], [sflag:$0x1] =	stream.linear.gather [hbm4b:s17+s2], $0x80, $0x38;
	[tilespmem:$0x2200] =	vst v63  }
0x66: {  	s22 =	rddreg [dreg:$0x7];
	s23 =	sadd.s32 s3, s18  }
0x67: {  	[tilespmem:s22], [sflag:$0x1] =	stream.linear.gather [hbm4b:s23+s2], $0x80, $0x38;
	[tilespmem:$0x2200] =	vst v63  }
0x68: {  	s25 =	spop (v2sf)  }
0x69: {  	s18 =	sand.u32 $0x1FFFFFF0, s25  }
0x6a: {  	s24 =	rddreg [dreg:$0x8];
	s28 =	spop (v2sf);
	s18 =	sadd.s32 s3, s18  }
0x6b: {  	[tilespmem:s24], [sflag:$0x1] =	stream.linear.gather [hbm4b:s18+s2], $0x80, $0x38;
	[tilespmem:$0x2200] =	vst v63  }
0x6c: {  	(v2sf) =	vpush v0, $0xC;
	s30 =	spop (v2sf);
	s18 =	sand.u32 $0x1FFFFFF0, s28  }
0x6d: {  	s26 =	rddreg [dreg:$0x9];
	s0 =	spop (v2sf);
	s18 =	sadd.s32 s3, s18  }
0x6e: {  	(v2sf) =	vpush v0, $0xD;
	[tilespmem:s26], [sflag:$0x1] =	stream.linear.gather [hbm4b:s18+s2], $0x80, $0x38;
	[tilespmem:$0x2200] =	vst v63  }
0x6f: {  	s18 =	sand.u32 $0x1FFFFFF0, s30  }
0x70: {  	s29 =	rddreg [dreg:$0xa];
	s4 =	spop (v2sf);
	s18 =	sadd.s32 s3, s18  }
0x71: {  	(v2sf) =	vpush v0, $0xE;
	[tilespmem:s29], [sflag:$0x1] =	stream.linear.gather [hbm4b:s18+s2], $0x80, $0x38;
	[tilespmem:$0x2200] =	vst v63  }
0x72: {  	s18 =	sand.u32 $0x1FFFFFF0, s0  }
0x73: {  	s31 =	rddreg [dreg:$0xb];
	s6 =	spop (v2sf);
	(v2sf) =	vpush v0, $0xF;
	s18 =	sadd.s32 s3, s18  }
0x74: {  	[tilespmem:s31], [sflag:$0x1] =	stream.linear.gather [hbm4b:s18+s2], $0x80, $0x38;
	[tilespmem:$0x2200] =	vst v63  }
0x75: {  	s18 =	sand.u32 $0x1FFFFFF0, s4  }
0x76: {  	s1 =	rddreg [dreg:$0xc];
	s18 =	sadd.s32 s3, s18  }
0x77: {  	[tilespmem:s1], [sflag:$0x1] =	stream.linear.gather [hbm4b:s18+s2], $0x80, $0x38;
	[tilespmem:$0x2200] =	vst v63  }
0x78: {  	s18 =	sand.u32 $0x1FFFFFF0, s6  }
0x79: {  	s5 =	rddreg [dreg:$0xd];
	s18 =	sadd.s32 s3, s18  }
0x7a: {  	[tilespmem:s5], [sflag:$0x1] =	stream.linear.gather [hbm4b:s18+s2], $0x80, $0x38;
	[tilespmem:$0x2200] =	vst v63  }
0x7b: {  	s13 =	spop (v2sf)  }
0x7c: {  	s18 =	sand.u32 $0x1FFFFFF0, s13  }
0x7d: {  	s8 =	rddreg [dreg:$0xe];
	s18 =	sadd.s32 s3, s18;
	s20 =	spop (v2sf)  }
0x7e: {  	[tilespmem:s8], [sflag:$0x1] =	stream.linear.gather [hbm4b:s18+s2], $0x80, $0x38;
	[tilespmem:$0x2200] =	vst v63  }
0x7f: {  	s18 =	sand.u32 $0x1FFFFFF0, s20  }
0x80: {  	s19 =	rddreg [dreg:$0xf];
	s22 =	spop (v2sf);
	s18 =	sadd.s32 s3, s18  }
0x81: {  	[tilespmem:s19], [sflag:$0x1] =	stream.linear.gather [hbm4b:s18+s2], $0x80, $0x38;
	[tilespmem:$0x2200] =	vst v63  }
0x82: {  	s23 =	spop (v2sf);
	s18 =	sand.u32 $0x1FFFFFF0, s22  }
0x83: {  	s21 =	rddreg [dreg:$0x10];
	s17 =	sand.u32 $0x1FFFFFF0, s23;
	s18 =	sadd.s32 s3, s18  }
0x84: {  	[tilespmem:s21], [sflag:$0x1] =	stream.linear.gather [hbm4b:s18+s2], $0x80, $0x38;
	[tilespmem:$0x2200] =	vst v63  }
0x85: {  	s24 =	rddreg [dreg:$0x11];
	s17 =	sadd.s32 s3, s17  }
0x86: {  	[tilespmem:s24], [sflag:$0x1] =	stream.linear.gather [hbm4b:s17+s2], $0x80, $0x38;
	[tilespmem:$0x2200] =	vst v63  }
0x87: {  	v61 =	vld [tilespmem:s16+$0xFFFFFFF0];
	_ =	sdelay $0x4  }
0x88: {  	v0 =	vshll.u32 v61, $0x4  }
0x89: {  	(v2sf) =	vpush v0, $0x0  }
0x8a: {  	(v2sf) =	vpush v0, $0x1;
	_ =	sdelay $0x1  }
0x8b: {  	(v2sf) =	vpush v0, $0x2;
	_ =	sdelay $0x1  }
0x8c: {  	(v2sf) =	vpush v0, $0x3;
	_ =	sdelay $0x4  }
0x8d: {  	(v2sf) =	vpush v0, $0x4;
	_ =	sdelay $0x4  }
0x8e: {  	s26 =	spop (v2sf)  }
0x8f: {  	s29 =	spop (v2sf);
	(v2sf) =	vpush v0, $0x5;
	_ =	sdelay $0x1  }
0x90: {  	s31 =	spop (v2sf);
	(v2sf) =	vpush v0, $0x6  }
0x91: {  	s18 =	sand.u32 $0x1FFFFFF0, s26  }
0x92: {  	s25 =	rddreg [dreg:$0x12];
	s18 =	sadd.s32 s3, s18;
	s1 =	spop (v2sf);
	(v2sf) =	vpush v0, $0x7  }
0x93: {  	[tilespmem:s25], [sflag:$0x1] =	stream.linear.gather [hbm4b:s18+s2], $0x80, $0x38;
	[tilespmem:$0x2200] =	vst v63  }
0x94: {  	s18 =	sand.u32 $0x1FFFFFF0, s29  }
0x95: {  	s28 =	rddreg [dreg:$0x13];
	s18 =	sadd.s32 s3, s18  }
0x96: {  	[tilespmem:s28], [sflag:$0x1] =	stream.linear.gather [hbm4b:s18+s2], $0x80, $0x38;
	[tilespmem:$0x2200] =	vst v63  }
0x97: {  	s5 =	spop (v2sf);
	(v2sf) =	vpush v0, $0x8;
	s18 =	sand.u32 $0x1FFFFFF0, s31  }
0x98: {  	s30 =	rddreg [dreg:$0x14];
	s18 =	sadd.s32 s3, s18  }
0x99: {  	[tilespmem:s30], [sflag:$0x1] =	stream.linear.gather [hbm4b:s18+s2], $0x80, $0x38;
	[tilespmem:$0x2200] =	vst v63  }
0x9a: {  	s18 =	sand.u32 $0x1FFFFFF0, s1  }
0x9b: {  	s0 =	rddreg [dreg:$0x15];
	s18 =	sadd.s32 s3, s18  }
0x9c: {  	[tilespmem:s0], [sflag:$0x1] =	stream.linear.gather [hbm4b:s18+s2], $0x80, $0x38;
	[tilespmem:$0x2200] =	vst v63  }
0x9d: {  	s8 =	spop (v2sf);
	(v2sf) =	vpush v0, $0x9  }
0x9e: {  	s18 =	sand.u32 $0x1FFFFFF0, s5  }
0x9f: {  	s4 =	rddreg [dreg:$0x16];
	s18 =	sadd.s32 s3, s18;
	s19 =	spop (v2sf);
	(v2sf) =	vpush v0, $0xA  }
0xa0: {  	[tilespmem:s4], [sflag:$0x1] =	stream.linear.gather [hbm4b:s18+s2], $0x80, $0x38;
	[tilespmem:$0x2200] =	vst v63  }
0xa1: {  	s21 =	spop (v2sf);
	(v2sf) =	vpush v0, $0xB  }
0xa2: {  	s18 =	sand.u32 $0x1FFFFFF0, s8  }
0xa3: {  	s6 =	rddreg [dreg:$0x17];
	s18 =	sadd.s32 s3, s18  }
0xa4: {  	[tilespmem:s6], [sflag:$0x1] =	stream.linear.gather [hbm4b:s18+s2], $0x80, $0x38;
	[tilespmem:$0x2200] =	vst v63  }
0xa5: {  	s18 =	sand.u32 $0x1FFFFFF0, s19  }
0xa6: {  	s13 =	rddreg [dreg:$0x18];
	s23 =	spop (v2sf);
	s18 =	sadd.s32 s3, s18  }
0xa7: {  	(v2sf) =	vpush v0, $0xC;
	[tilespmem:s13], [sflag:$0x1] =	stream.linear.gather [hbm4b:s18+s2], $0x80, $0x38;
	[tilespmem:$0x2200] =	vst v63  }
0xa8: {  	s18 =	sand.u32 $0x1FFFFFF0, s21  }
0xa9: {  	s20 =	rddreg [dreg:$0x19];
	s18 =	sadd.s32 s3, s18  }
0xaa: {  	[tilespmem:s20], [sflag:$0x1] =	stream.linear.gather [hbm4b:s18+s2], $0x80, $0x38;
	[tilespmem:$0x2200] =	vst v63  }
0xab: {  	s18 =	sand.u32 $0x1FFFFFF0, s23  }
0xac: {  	s22 =	rddreg [dreg:$0x1a];
	s18 =	sadd.s32 s3, s18;
	s25 =	spop (v2sf);
	(v2sf) =	vpush v0, $0xD  }
0xad: {  	[tilespmem:s22], [sflag:$0x1] =	stream.linear.gather [hbm4b:s18+s2], $0x80, $0x38;
	[tilespmem:$0x2200] =	vst v63  }
0xae: {  	s28 =	spop (v2sf);
	(v2sf) =	vpush v0, $0xE  }
0xaf: {  	s18 =	sand.u32 $0x1FFFFFF0, s25  }
0xb0: {  	s24 =	rddreg [dreg:$0x1b];
	s18 =	sadd.s32 s3, s18;
	s30 =	spop (v2sf);
	(v2sf) =	vpush v0, $0xF  }
0xb1: {  	[tilespmem:s24], [sflag:$0x1] =	stream.linear.gather [hbm4b:s18+s2], $0x80, $0x38;
	[tilespmem:$0x2200] =	vst v63  }
0xb2: {  	s18 =	sand.u32 $0x1FFFFFF0, s28  }
0xb3: {  	s26 =	rddreg [dreg:$0x1c];
	s18 =	sadd.s32 s3, s18  }
0xb4: {  	[tilespmem:s26], [sflag:$0x1] =	stream.linear.gather [hbm4b:s18+s2], $0x80, $0x38;
	[tilespmem:$0x2200] =	vst v63  }
0xb5: {  	s18 =	sand.u32 $0x1FFFFFF0, s30  }
0xb6: {  	s29 =	rddreg [dreg:$0x1d];
	s0 =	spop (v2sf);
	s18 =	sadd.s32 s3, s18  }
0xb7: {  	[tilespmem:s29], [sflag:$0x1] =	stream.linear.gather [hbm4b:s18+s2], $0x80, $0x38;
	[tilespmem:$0x2200] =	vst v63  }
0xb8: {  	s18 =	sand.u32 $0x1FFFFFF0, s0  }
0xb9: {  	s31 =	rddreg [dreg:$0x1e];
	s18 =	sadd.s32 s3, s18  }
0xba: {  	[tilespmem:s31], [sflag:$0x1] =	stream.linear.gather [hbm4b:s18+s2], $0x80, $0x38;
	[tilespmem:$0x2200] =	vst v63  }
0xbb: {  	s4 =	spop (v2sf)  }
0xbc: {  	s1 =	rddreg [dreg:$0x1f];
	s18 =	sand.u32 $0x1FFFFFF0, s4  }
0xbd: {  	s5 =	sld [smem:$0x7DB];
	s6 =	spop (v2sf);
	s18 =	sadd.s32 s3, s18  }
0xbe: {  	[tilespmem:s1], [sflag:$0x1] =	stream.linear.gather [hbm4b:s18+s2], $0x80, $0x38;
	[tilespmem:$0x2200] =	vst v63  }
0xbf: {  	s8 =	spop (v2sf);
	s18 =	sand.u32 $0x1FFFFFF0, s6  }
0xc0: {  	s13 =	sld [smem:$0x7DC];
	s17 =	sand.u32 $0x1FFFFFF0, s8;
	s18 =	sadd.s32 s3, s18  }
0xc1: {  	[tilespmem:s5], [sflag:$0x1] =	stream.linear.gather [hbm4b:s18+s2], $0x80, $0x38;
	[tilespmem:$0x2200] =	vst v63  }
0xc2: {  	s17 =	sadd.s32 s3, s17  }
0xc3: {  	[tilespmem:s13], [sflag:$0x1] =	stream.linear.gather [hbm4b:s17+s2], $0x80, $0x38;
	[tilespmem:$0x2200] =	vst v63  }
0xc4: {  	v62 =	vld [tilespmem:s16+$0x0];
	_ =	sdelay $0x4  }
0xc5: {  	v0 =	vshll.u32 v62, $0x4  }
0xc6: {  	(v2sf) =	vpush v0, $0x0  }
0xc7: {  	(v2sf) =	vpush v0, $0x1  }
0xc8: {  	(v2sf) =	vpush v0, $0x2  }
0xc9: {  	(v2sf) =	vpush v0, $0x3;
	_ =	sdelay $0x8  }
0xca: {  	(v2sf) =	vpush v0, $0x4;
	_ =	sdelay $0x2  }
0xcb: {  	(v2sf) =	vpush v0, $0x5;
	s19 =	spop (v2sf)  }
0xcc: {  	s20 =	spop (v2sf)  }
0xcd: {  	s24 =	spop (v2sf);
	(v2sf) =	vpush v0, $0x6  }
0xce: {  	s26 =	spop (v2sf);
	(v2sf) =	vpush v0, $0x7;
	_ =	sdelay $0x3  }
0xcf: {  	s17 =	sand.u32 $0x1FFFFFF0, s19  }
0xd0: {  	s21 =	sld [smem:$0x7DD];
	s17 =	sadd.s32 s3, s17;
	s18 =	sand.u32 $0x1FFFFFF0, s20  }
0xd1: {  	[tilespmem:s10], [sflag:$0x2] =	stream.linear.gather [hbm4b:s17+s2], $0x80, $0x38;
	(v2sf) =	vpush v0, $0x8;
	[tilespmem:$0x2200] =	vst v63  }
0xd2: {  	s23 =	sld [smem:$0x7DE];
	s22 =	sadd.s32 s3, s18;
	s18 =	sand.u32 $0x1FFFFFF0, s24  }
0xd3: {  	[tilespmem:s21], [sflag:$0x2] =	stream.linear.gather [hbm4b:s22+s2], $0x80, $0x38;
	[tilespmem:$0x2200] =	vst v63  }
0xd4: {  	s25 =	sld [smem:$0x7DF];
	s18 =	sadd.s32 s3, s18;
	s29 =	spop (v2sf);
	(v2sf) =	vpush v0, $0x9  }
0xd5: {  	[tilespmem:s23], [sflag:$0x2] =	stream.linear.gather [hbm4b:s18+s2], $0x80, $0x38;
	[tilespmem:$0x2200] =	vst v63  }
0xd6: {  	s18 =	sand.u32 $0x1FFFFFF0, s26  }
0xd7: {  	s28 =	sld [smem:$0x7E0];
	s31 =	spop (v2sf);
	s18 =	sadd.s32 s3, s18  }
0xd8: {  	[tilespmem:s25], [sflag:$0x2] =	stream.linear.gather [hbm4b:s18+s2], $0x80, $0x38;
	[tilespmem:$0x2200] =	vst v63  }
0xd9: {  	s18 =	sand.u32 $0x1FFFFFF0, s29;
	s1 =	spop (v2sf);
	(v2sf) =	vpush v0, $0xA  }
0xda: {  	s30 =	sld [smem:$0x7E1];
	s18 =	sadd.s32 s3, s18;
	s5 =	spop (v2sf);
	(v2sf) =	vpush v0, $0xB  }
0xdb: {  	[tilespmem:s28], [sflag:$0x2] =	stream.linear.gather [hbm4b:s18+s2], $0x80, $0x38;
	[tilespmem:$0x2200] =	vst v63  }
0xdc: {  	s18 =	sand.u32 $0x1FFFFFF0, s31  }
0xdd: {  	s0 =	sld [smem:$0x7E2];
	s18 =	sadd.s32 s3, s18  }
0xde: {  	[tilespmem:s30], [sflag:$0x2] =	stream.linear.gather [hbm4b:s18+s2], $0x80, $0x38;
	[tilespmem:$0x2200] =	vst v63  }
0xdf: {  	s18 =	sand.u32 $0x1FFFFFF0, s1  }
0xe0: {  	s4 =	sld [smem:$0x7E3];
	s18 =	sadd.s32 s3, s18;
	s8 =	spop (v2sf);
	(v2sf) =	vpush v0, $0xC  }
0xe1: {  	[tilespmem:s0], [sflag:$0x2] =	stream.linear.gather [hbm4b:s18+s2], $0x80, $0x38;
	[tilespmem:$0x2200] =	vst v63  }
0xe2: {  	s18 =	sand.u32 $0x1FFFFFF0, s5  }
0xe3: {  	s6 =	sld [smem:$0x7E4];
	s19 =	spop (v2sf);
	(v2sf) =	vpush v0, $0xD;
	s18 =	sadd.s32 s3, s18  }
0xe4: {  	[tilespmem:s4], [sflag:$0x2] =	stream.linear.gather [hbm4b:s18+s2], $0x80, $0x38;
	[tilespmem:$0x2200] =	vst v63  }
0xe5: {  	s18 =	sand.u32 $0x1FFFFFF0, s8  }
0xe6: {  	s13 =	sld [smem:$0x7E5];
	s18 =	sadd.s32 s3, s18  }
0xe7: {  	[tilespmem:s6], [sflag:$0x2] =	stream.linear.gather [hbm4b:s18+s2], $0x80, $0x38;
	[tilespmem:$0x2200] =	vst v63  }
0xe8: {  	s18 =	sand.u32 $0x1FFFFFF0, s19;
	s21 =	spop (v2sf);
	(v2sf) =	vpush v0, $0xE  }
0xe9: {  	s20 =	sld [smem:$0x7E6];
	s18 =	sadd.s32 s3, s18;
	s23 =	spop (v2sf);
	(v2sf) =	vpush v0, $0xF  }
0xea: {  	[tilespmem:s13], [sflag:$0x2] =	stream.linear.gather [hbm4b:s18+s2], $0x80, $0x38;
	[tilespmem:$0x2200] =	vst v63  }
0xeb: {  	s18 =	sand.u32 $0x1FFFFFF0, s21  }
0xec: {  	s22 =	sld [smem:$0x7E7];
	s18 =	sadd.s32 s3, s18  }
0xed: {  	[tilespmem:s20], [sflag:$0x2] =	stream.linear.gather [hbm4b:s18+s2], $0x80, $0x38;
	[tilespmem:$0x2200] =	vst v63  }
0xee: {  	s18 =	sand.u32 $0x1FFFFFF0, s23  }
0xef: {  	s24 =	sld [smem:$0x7E8];
	s25 =	spop (v2sf);
	s18 =	sadd.s32 s3, s18  }
0xf0: {  	[tilespmem:s22], [sflag:$0x2] =	stream.linear.gather [hbm4b:s18+s2], $0x80, $0x38;
	[tilespmem:$0x2200] =	vst v63  }
0xf1: {  	s18 =	sand.u32 $0x1FFFFFF0, s25  }
0xf2: {  	s26 =	sld [smem:$0x7E9];
	s28 =	spop (v2sf);
	s18 =	sadd.s32 s3, s18  }
0xf3: {  	[tilespmem:s24], [sflag:$0x2] =	stream.linear.gather [hbm4b:s18+s2], $0x80, $0x38;
	[tilespmem:$0x2200] =	vst v63  }
0xf4: {  	s18 =	sand.u32 $0x1FFFFFF0, s28  }
0xf5: {  	s18 =	sadd.s32 s3, s18  }
0xf6: {  	[tilespmem:s26], [sflag:$0x2] =	stream.linear.gather [hbm4b:s18+s2], $0x80, $0x38;
	[tilespmem:$0x2200] =	vst v63  }
0xf7: {  	s29 =	sld [smem:$0x7EA];
	s30 =	spop (v2sf)  }
0xf8: {  	s18 =	sand.u32 $0x1FFFFFF0, s30;
	s31 =	spop (v2sf)  }
0xf9: {  	s0 =	sld [smem:$0x7EB];
	s18 =	sadd.s32 s3, s18;
	s17 =	sand.u32 $0x1FFFFFF0, s31  }
0xfa: {  	[tilespmem:s29], [sflag:$0x2] =	stream.linear.gather [hbm4b:s18+s2], $0x80, $0x38;
	[tilespmem:$0x2200] =	vst v63  }
0xfb: {  	s17 =	sadd.s32 s3, s17  }
0xfc: {  	[tilespmem:s0], [sflag:$0x2] =	stream.linear.gather [hbm4b:s17+s2], $0x80, $0x38;
	[tilespmem:$0x2200] =	vst v63  }
0xfd: {  	v63 =	vld [tilespmem:s16+$0x10];
	_ =	sdelay $0x4  }
0xfe: {  	v0 =	vshll.u32 v63, $0x4  }
0xff: {  	(v2sf) =	vpush v0, $0x0;
	_ =	sdelay $0x1  }
0x100: {  	(v2sf) =	vpush v0, $0x1  }
0x101: {  	(v2sf) =	vpush v0, $0x2;
	_ =	sdelay $0x1  }
0x102: {  	(v2sf) =	vpush v0, $0x3;
	_ =	sdelay $0x1  }
0x103: {  	(v2sf) =	vpush v0, $0x4  }
0x104: {  	s1 =	sld [smem:$0x7EC]  }
0x105: {  	s8 =	sld [smem:$0x7EE];
	(v2sf) =	vpush v0, $0x5  }
0x106: {  	s6 =	sld [smem:$0x7ED]  }
0x107: {  	s21 =	sld [smem:$0x7EF];
	(v2sf) =	vpush v0, $0x6  }
0x108: {  	s22 =	sld [smem:$0x7F0]  }
0x109: {  	s25 =	sld [smem:$0x7F1]  }
0x10a: {  	s26 =	sld [smem:$0x7F2]  }
0x10b: {  	s30 =	sld [smem:$0x7F3];
	s4 =	spop (v2sf);
	(v2sf) =	vpush v0, $0x7  }
0x10c: {  	s31 =	sld [smem:$0x7F5]  }
0x10d: {  	s17 =	sand.u32 $0x1FFFFFF0, s4;
	s5 =	spop (v2sf);
	(v2sf) =	vpush v0, $0x8;
	s4 =	sld [smem:$0x7F7]  }
0x10e: {  	s17 =	sadd.s32 s3, s17;
	s18 =	sand.u32 $0x1FFFFFF0, s5;
	s13 =	spop (v2sf);
	(v2sf) =	vpush v0, $0x9  }
0x10f: {  	[tilespmem:s1], [sflag:$0x2] =	stream.linear.gather [hbm4b:s17+s2], $0x80, $0x38;
	[tilespmem:$0x2200] =	vst v63  }
0x110: {  	s18 =	sadd.s32 s3, s18;
	s17 =	sand.u32 $0x1FFFFFF0, s13;
	s20 =	spop (v2sf);
	(v2sf) =	vpush v0, $0xA  }
0x111: {  	[tilespmem:s6], [sflag:$0x2] =	stream.linear.gather [hbm4b:s18+s2], $0x80, $0x38;
	[tilespmem:$0x2200] =	vst v63  }
0x112: {  	s17 =	sadd.s32 s3, s17;
	s23 =	spop (v2sf);
	(v2sf) =	vpush v0, $0xB;
	s18 =	sand.u32 $0x1FFFFFF0, s20  }
0x113: {  	[tilespmem:s8], [sflag:$0x2] =	stream.linear.gather [hbm4b:s17+s2], $0x80, $0x38;
	[tilespmem:$0x2200] =	vst v63  }
0x114: {  	s24 =	spop (v2sf);
	(v2sf) =	vpush v0, $0xC;
	s18 =	sadd.s32 s3, s18;
	s17 =	sand.u32 $0x1FFFFFF0, s23  }
0x115: {  	[tilespmem:s21], [sflag:$0x2] =	stream.linear.gather [hbm4b:s18+s2], $0x80, $0x38;
	[tilespmem:$0x2200] =	vst v63  }
0x116: {  	s28 =	spop (v2sf);
	(v2sf) =	vpush v0, $0xD;
	s17 =	sadd.s32 s3, s17;
	s18 =	sand.u32 $0x1FFFFFF0, s24  }
0x117: {  	[tilespmem:s22], [sflag:$0x2] =	stream.linear.gather [hbm4b:s17+s2], $0x80, $0x38;
	[tilespmem:$0x2200] =	vst v63  }
0x118: {  	s5 =	sld [smem:$0x7F8];
	s18 =	sadd.s32 s3, s18;
	s17 =	sand.u32 $0x1FFFFFF0, s28  }
0x119: {  	[tilespmem:s25], [sflag:$0x2] =	stream.linear.gather [hbm4b:s18+s2], $0x80, $0x38;
	[tilespmem:$0x2200] =	vst v63  }
0x11a: {  	s13 =	sld [smem:$0x7F9];
	s17 =	sadd.s32 s3, s17;
	s29 =	spop (v2sf);
	(v2sf) =	vpush v0, $0xE  }
0x11b: {  	[tilespmem:s26], [sflag:$0x2] =	stream.linear.gather [hbm4b:s17+s2], $0x80, $0x38;
	[tilespmem:$0x2200] =	vst v63  }
0x11c: {  	s20 =	sld [smem:$0x7FA];
	s18 =	sand.u32 $0x1FFFFFF0, s29;
	s0 =	spop (v2sf);
	(v2sf) =	vpush v0, $0xF  }
0x11d: {  	s18 =	sadd.s32 s3, s18;
	s17 =	sand.u32 $0x1FFFFFF0, s0;
	s1 =	spop (v2sf)  }
0x11e: {  	[tilespmem:s30], [sflag:$0x2] =	stream.linear.gather [hbm4b:s18+s2], $0x80, $0x38;
	[tilespmem:$0x2200] =	vst v63  }
0x11f: {  	s17 =	sadd.s32 s3, s17;
	s18 =	sand.u32 $0x1FFFFFF0, s1;
	s6 =	spop (v2sf)  }
0x120: {  	[tilespmem:s31], [sflag:$0x2] =	stream.linear.gather [hbm4b:s17+s2], $0x80, $0x38;
	[tilespmem:$0x2200] =	vst v63  }
0x121: {  	s18 =	sadd.s32 s3, s18;
	s8 =	spop (v2sf);
	s17 =	sand.u32 $0x1FFFFFF0, s6  }
0x122: {  	[tilespmem:s4], [sflag:$0x2] =	stream.linear.gather [hbm4b:s18+s2], $0x80, $0x38;
	[tilespmem:$0x2200] =	vst v63  }
0x123: {  	s21 =	spop (v2sf);
	s17 =	sadd.s32 s3, s17;
	s18 =	sand.u32 $0x1FFFFFF0, s8  }
0x124: {  	[tilespmem:s5], [sflag:$0x2] =	stream.linear.gather [hbm4b:s17+s2], $0x80, $0x38;
	[tilespmem:$0x2200] =	vst v63  }
0x125: {  	s22 =	spop (v2sf);
	s18 =	sadd.s32 s3, s18;
	s17 =	sand.u32 $0x1FFFFFF0, s21  }
0x126: {  	[tilespmem:s13], [sflag:$0x2] =	stream.linear.gather [hbm4b:s18+s2], $0x80, $0x38;
	[tilespmem:$0x2200] =	vst v63  }
0x127: {  	s23 =	sld [smem:$0x7FB];
	s17 =	sadd.s32 s3, s17;
	s18 =	sand.u32 $0x1FFFFFF0, s22  }
0x128: {  	[tilespmem:s20], [sflag:$0x2] =	stream.linear.gather [hbm4b:s17+s2], $0x80, $0x38;
	[tilespmem:$0x2200] =	vst v63  }
0x129: {  	s24 =	sld [smem:$0x7FC];
	s18 =	sadd.s32 s3, s18;
	s25 =	spop (v2sf)  }
0x12a: {  	[tilespmem:s23], [sflag:$0x2] =	stream.linear.gather [hbm4b:s18+s2], $0x80, $0x38;
	[tilespmem:$0x2200] =	vst v63  }
0x12b: {  	s17 =	sand.u32 $0x1FFFFFF0, s25;
	s26 =	spop (v2sf)  }
0x12c: {  	s28 =	sld [smem:$0x7FD];
	s17 =	sadd.s32 s3, s17;
	s18 =	sand.u32 $0x1FFFFFF0, s26  }
0x12d: {  	[tilespmem:s24], [sflag:$0x2] =	stream.linear.gather [hbm4b:s17+s2], $0x80, $0x38;
	[tilespmem:$0x2200] =	vst v63  }
0x12e: {  	s29 =	sadd.s32 s3, s18  }
0x12f: {  	[tilespmem:s28], [sflag:$0x2] =	stream.linear.gather [hbm4b:s29+s2], $0x80, $0x38;
	[tilespmem:$0x2200] =	vst v63  }
0x130: {  	_ =	swait.ge [sflag:s11], $0x80  }
0x131: {  	[sflag:s11] =	ssyncset.done $0x0  }
0x132: {  	[sflag:s11] =	ssyncadd.s32 $0xFFFFFF80  }
0x133: {  	_ =	swait.ge [sflag:s11], $0x80  }
0x134: {  	[sflag:s11] =	ssyncset.done $0x0  }
0x135: {  	[sflag:s11] =	ssyncadd.s32 $0xFFFFFF80  }
0x136: {  	_ =	swait.ge [sflag:s11], $0x80  }
0x137: {  	[sflag:s11] =	ssyncset.done $0x0  }
0x138: {  	[sflag:s11] =	ssyncadd.s32 $0xFFFFFF80  }
0x139: {  	_ =	swait.ge [sflag:s11], $0x80  }
0x13a: {  	[sflag:s11] =	ssyncset.done $0x0  }
0x13b: {  	[sflag:s11] =	ssyncadd.s32 $0xFFFFFF80  }
0x13c: {  	_ =	swait.ge [sflag:s11], $0x80  }
0x13d: {  	[sflag:s11] =	ssyncset.done $0x0  }
0x13e: {  	[sflag:s11] =	ssyncadd.s32 $0xFFFFFF80  }
0x13f: {  	_ =	swait.ge [sflag:s11], $0x80  }
0x140: {  	[sflag:s11] =	ssyncset.done $0x0  }
0x141: {  	[sflag:s11] =	ssyncadd.s32 $0xFFFFFF80  }
0x142: {  	_ =	swait.ge [sflag:s11], $0x80  }
0x143: {  	[sflag:s11] =	ssyncset.done $0x0  }
0x144: {  	[sflag:s11] =	ssyncadd.s32 $0xFFFFFF80  }
0x145: {  	_ =	swait.ge [sflag:s11], $0x80  }
0x146: {  	[sflag:s11] =	ssyncset.done $0x0  }
0x147: {  	[sflag:s11] =	ssyncadd.s32 $0xFFFFFF80  }
0x148: {  	_ =	swait.ge [sflag:s11], $0x80  }
0x149: {  	[sflag:s11] =	ssyncset.done $0x0  }
0x14a: {  	[sflag:s11] =	ssyncadd.s32 $0xFFFFFF80  }
0x14b: {  	_ =	swait.ge [sflag:s11], $0x80  }
0x14c: {  	[sflag:s11] =	ssyncset.done $0x0  }
0x14d: {  	[sflag:s11] =	ssyncadd.s32 $0xFFFFFF80  }
0x14e: {  	_ =	swait.ge [sflag:s11], $0x80  }
0x14f: {  	[sflag:s11] =	ssyncset.done $0x0  }
0x150: {  	[sflag:s11] =	ssyncadd.s32 $0xFFFFFF80  }
0x151: {  	_ =	swait.ge [sflag:s11], $0x80  }
0x152: {  	[sflag:s11] =	ssyncset.done $0x0  }
0x153: {  	[sflag:s11] =	ssyncadd.s32 $0xFFFFFF80  }
0x154: {  	_ =	swait.ge [sflag:s11], $0x80  }
0x155: {  	[sflag:s11] =	ssyncset.done $0x0  }
0x156: {  	[sflag:s11] =	ssyncadd.s32 $0xFFFFFF80  }
0x157: {  	_ =	swait.ge [sflag:s11], $0x80  }
0x158: {  	[sflag:s11] =	ssyncset.done $0x0  }
0x159: {  	[sflag:s11] =	ssyncadd.s32 $0xFFFFFF80  }
0x15a: {  	_ =	swait.ge [sflag:s11], $0x80  }
0x15b: {  	[sflag:s11] =	ssyncset.done $0x0  }
0x15c: {  	[sflag:s11] =	ssyncadd.s32 $0xFFFFFF80  }
0x15d: {  	_ =	swait.ge [sflag:s11], $0x80  }
0x15e: {  	[sflag:s11] =	ssyncset.done $0x0  }
0x15f: {  	[sflag:s11] =	ssyncadd.s32 $0xFFFFFF80  }
0x160: {  	_ =	swait.ge [sflag:s11], $0x80  }
0x161: {  	[sflag:s11] =	ssyncset.done $0x0  }
0x162: {  	[sflag:s11] =	ssyncadd.s32 $0xFFFFFF80  }
0x163: {  	_ =	swait.ge [sflag:s11], $0x80  }
0x164: {  	[sflag:s11] =	ssyncset.done $0x0  }
0x165: {  	[sflag:s11] =	ssyncadd.s32 $0xFFFFFF80  }
0x166: {  	_ =	swait.ge [sflag:s11], $0x80  }
0x167: {  	[sflag:s11] =	ssyncset.done $0x0  }
0x168: {  	[sflag:s11] =	ssyncadd.s32 $0xFFFFFF80  }
0x169: {  	_ =	swait.ge [sflag:s11], $0x80  }
0x16a: {  	[sflag:s11] =	ssyncset.done $0x0  }
0x16b: {  	[sflag:s11] =	ssyncadd.s32 $0xFFFFFF80  }
0x16c: {  	_ =	swait.ge [sflag:s11], $0x80  }
0x16d: {  	[sflag:s11] =	ssyncset.done $0x0  }
0x16e: {  	[sflag:s11] =	ssyncadd.s32 $0xFFFFFF80  }
0x16f: {  	_ =	swait.ge [sflag:s11], $0x80  }
0x170: {  	[sflag:s11] =	ssyncset.done $0x0  }
0x171: {  	[sflag:s11] =	ssyncadd.s32 $0xFFFFFF80  }
0x172: {  	_ =	swait.ge [sflag:s11], $0x80  }
0x173: {  	[sflag:s11] =	ssyncset.done $0x0  }
0x174: {  	[sflag:s11] =	ssyncadd.s32 $0xFFFFFF80  }
0x175: {  	_ =	swait.ge [sflag:s11], $0x80  }
0x176: {  	[sflag:s11] =	ssyncset.done $0x0  }
0x177: {  	[sflag:s11] =	ssyncadd.s32 $0xFFFFFF80  }
0x178: {  	_ =	swait.ge [sflag:s11], $0x80  }
0x179: {  	[sflag:s11] =	ssyncset.done $0x0  }
0x17a: {  	[sflag:s11] =	ssyncadd.s32 $0xFFFFFF80  }
0x17b: {  	_ =	swait.ge [sflag:s11], $0x80  }
0x17c: {  	[sflag:s11] =	ssyncset.done $0x0  }
0x17d: {  	[sflag:s11] =	ssyncadd.s32 $0xFFFFFF80  }
0x17e: {  	_ =	swait.ge [sflag:s11], $0x80  }
0x17f: {  	[sflag:s11] =	ssyncset.done $0x0  }
0x180: {  	[sflag:s11] =	ssyncadd.s32 $0xFFFFFF80  }
0x181: {  	_ =	swait.ge [sflag:s11], $0x80  }
0x182: {  	[sflag:s11] =	ssyncset.done $0x0  }
0x183: {  	[sflag:s11] =	ssyncadd.s32 $0xFFFFFF80  }
0x184: {  	_ =	swait.ge [sflag:s11], $0x80  }
0x185: {  	[sflag:s11] =	ssyncset.done $0x0  }
0x186: {  	[sflag:s11] =	ssyncadd.s32 $0xFFFFFF80  }
0x187: {  	_ =	swait.ge [sflag:s11], $0x80  }
0x188: {  	[sflag:s11] =	ssyncset.done $0x0  }
0x189: {  	[sflag:s11] =	ssyncadd.s32 $0xFFFFFF80  }
0x18a: {  	_ =	swait.ge [sflag:s11], $0x80  }
0x18b: {  	[sflag:s11] =	ssyncset.done $0x0  }
0x18c: {  	[sflag:s11] =	ssyncadd.s32 $0xFFFFFF80  }
0x18d: {  	_ =	swait.ge [sflag:s11], $0x80  }
0x18e: {  	s30 =	rddreg [dreg:$0x3];
	[sflag:s11] =	ssyncset.done $0x0  }
0x18f: {  	[sflag:s11] =	ssyncadd.s32 $0xFFFFFF80;
	s31 =	sadd.s32 $0x0, s30  }
0x190: {  	[hbm4b:s31+s2] =	stream.linear.scatter [tilespmem:s9], [sflag:$0x3], $0x1000, $0x38;
	[tilespmem:$0x2200] =	vst v63  }
0x191: {  	_ =	swait.ge [sflag:s12], $0x80  }
0x192: {  	[sflag:s12] =	ssyncset.done $0x0  }
0x193: {  	[sflag:s12] =	ssyncadd.s32 $0xFFFFFF80  }
0x194: {  	_ =	swait.ge [sflag:s12], $0x80  }
0x195: {  	[sflag:s12] =	ssyncset.done $0x0  }
0x196: {  	[sflag:s12] =	ssyncadd.s32 $0xFFFFFF80  }
0x197: {  	_ =	swait.ge [sflag:s12], $0x80  }
0x198: {  	[sflag:s12] =	ssyncset.done $0x0  }
0x199: {  	[sflag:s12] =	ssyncadd.s32 $0xFFFFFF80  }
0x19a: {  	_ =	swait.ge [sflag:s12], $0x80  }
0x19b: {  	[sflag:s12] =	ssyncset.done $0x0  }
0x19c: {  	[sflag:s12] =	ssyncadd.s32 $0xFFFFFF80  }
0x19d: {  	_ =	swait.ge [sflag:s12], $0x80  }
0x19e: {  	[sflag:s12] =	ssyncset.done $0x0  }
0x19f: {  	[sflag:s12] =	ssyncadd.s32 $0xFFFFFF80  }
0x1a0: {  	_ =	swait.ge [sflag:s12], $0x80  }
0x1a1: {  	[sflag:s12] =	ssyncset.done $0x0  }
0x1a2: {  	[sflag:s12] =	ssyncadd.s32 $0xFFFFFF80  }
0x1a3: {  	_ =	swait.ge [sflag:s12], $0x80  }
0x1a4: {  	[sflag:s12] =	ssyncset.done $0x0  }
0x1a5: {  	[sflag:s12] =	ssyncadd.s32 $0xFFFFFF80  }
0x1a6: {  	_ =	swait.ge [sflag:s12], $0x80  }
0x1a7: {  	[sflag:s12] =	ssyncset.done $0x0  }
0x1a8: {  	[sflag:s12] =	ssyncadd.s32 $0xFFFFFF80  }
0x1a9: {  	_ =	swait.ge [sflag:s12], $0x80  }
0x1aa: {  	[sflag:s12] =	ssyncset.done $0x0  }
0x1ab: {  	[sflag:s12] =	ssyncadd.s32 $0xFFFFFF80  }
0x1ac: {  	_ =	swait.ge [sflag:s12], $0x80  }
0x1ad: {  	[sflag:s12] =	ssyncset.done $0x0  }
0x1ae: {  	[sflag:s12] =	ssyncadd.s32 $0xFFFFFF80  }
0x1af: {  	_ =	swait.ge [sflag:s12], $0x80  }
0x1b0: {  	[sflag:s12] =	ssyncset.done $0x0  }
0x1b1: {  	[sflag:s12] =	ssyncadd.s32 $0xFFFFFF80  }
0x1b2: {  	_ =	swait.ge [sflag:s12], $0x80  }
0x1b3: {  	[sflag:s12] =	ssyncset.done $0x0  }
0x1b4: {  	[sflag:s12] =	ssyncadd.s32 $0xFFFFFF80  }
0x1b5: {  	_ =	swait.ge [sflag:s12], $0x80  }
0x1b6: {  	[sflag:s12] =	ssyncset.done $0x0  }
0x1b7: {  	[sflag:s12] =	ssyncadd.s32 $0xFFFFFF80  }
0x1b8: {  	_ =	swait.ge [sflag:s12], $0x80  }
0x1b9: {  	[sflag:s12] =	ssyncset.done $0x0  }
0x1ba: {  	[sflag:s12] =	ssyncadd.s32 $0xFFFFFF80  }
0x1bb: {  	_ =	swait.ge [sflag:s12], $0x80  }
0x1bc: {  	[sflag:s12] =	ssyncset.done $0x0  }
0x1bd: {  	[sflag:s12] =	ssyncadd.s32 $0xFFFFFF80  }
0x1be: {  	_ =	swait.ge [sflag:s12], $0x80  }
0x1bf: {  	[sflag:s12] =	ssyncset.done $0x0  }
0x1c0: {  	[sflag:s12] =	ssyncadd.s32 $0xFFFFFF80  }
0x1c1: {  	_ =	swait.ge [sflag:s12], $0x80  }
0x1c2: {  	[sflag:s12] =	ssyncset.done $0x0  }
0x1c3: {  	[sflag:s12] =	ssyncadd.s32 $0xFFFFFF80  }
0x1c4: {  	_ =	swait.ge [sflag:s12], $0x80  }
0x1c5: {  	[sflag:s12] =	ssyncset.done $0x0  }
0x1c6: {  	[sflag:s12] =	ssyncadd.s32 $0xFFFFFF80  }
0x1c7: {  	_ =	swait.ge [sflag:s12], $0x80  }
0x1c8: {  	[sflag:s12] =	ssyncset.done $0x0  }
0x1c9: {  	[sflag:s12] =	ssyncadd.s32 $0xFFFFFF80  }
0x1ca: {  	_ =	swait.ge [sflag:s12], $0x80  }
0x1cb: {  	[sflag:s12] =	ssyncset.done $0x0  }
0x1cc: {  	[sflag:s12] =	ssyncadd.s32 $0xFFFFFF80  }
0x1cd: {  	_ =	swait.ge [sflag:s12], $0x80  }
0x1ce: {  	[sflag:s12] =	ssyncset.done $0x0  }
0x1cf: {  	[sflag:s12] =	ssyncadd.s32 $0xFFFFFF80  }
0x1d0: {  	_ =	swait.ge [sflag:s12], $0x80  }
0x1d1: {  	[sflag:s12] =	ssyncset.done $0x0  }
0x1d2: {  	[sflag:s12] =	ssyncadd.s32 $0xFFFFFF80  }
0x1d3: {  	_ =	swait.ge [sflag:s12], $0x80  }
0x1d4: {  	[sflag:s12] =	ssyncset.done $0x0  }
0x1d5: {  	[sflag:s12] =	ssyncadd.s32 $0xFFFFFF80  }
0x1d6: {  	_ =	swait.ge [sflag:s12], $0x80  }
0x1d7: {  	[sflag:s12] =	ssyncset.done $0x0  }
0x1d8: {  	[sflag:s12] =	ssyncadd.s32 $0xFFFFFF80  }
0x1d9: {  	_ =	swait.ge [sflag:s12], $0x80  }
0x1da: {  	[sflag:s12] =	ssyncset.done $0x0  }
0x1db: {  	[sflag:s12] =	ssyncadd.s32 $0xFFFFFF80  }
0x1dc: {  	_ =	swait.ge [sflag:s12], $0x80  }
0x1dd: {  	[sflag:s12] =	ssyncset.done $0x0  }
0x1de: {  	[sflag:s12] =	ssyncadd.s32 $0xFFFFFF80  }
0x1df: {  	_ =	swait.ge [sflag:s12], $0x80  }
0x1e0: {  	[sflag:s12] =	ssyncset.done $0x0  }
0x1e1: {  	[sflag:s12] =	ssyncadd.s32 $0xFFFFFF80  }
0x1e2: {  	_ =	swait.ge [sflag:s12], $0x80  }
0x1e3: {  	[sflag:s12] =	ssyncset.done $0x0  }
0x1e4: {  	[sflag:s12] =	ssyncadd.s32 $0xFFFFFF80  }
0x1e5: {  	_ =	swait.ge [sflag:s12], $0x80  }
0x1e6: {  	[sflag:s12] =	ssyncset.done $0x0  }
0x1e7: {  	[sflag:s12] =	ssyncadd.s32 $0xFFFFFF80  }
0x1e8: {  	_ =	swait.ge [sflag:s12], $0x80  }
0x1e9: {  	[sflag:s12] =	ssyncset.done $0x0  }
0x1ea: {  	[sflag:s12] =	ssyncadd.s32 $0xFFFFFF80  }
0x1eb: {  	_ =	swait.ge [sflag:s12], $0x80  }
0x1ec: {  	[sflag:s12] =	ssyncset.done $0x0  }
0x1ed: {  	p1 =	por $0x0, $0x0;
	[sflag:s12] =	ssyncadd.s32 $0xFFFFFF80  }
0x1ee: {  	s16 =	simm.s32 $0x400;
	s18 =	simm.s32 $0x800;
	_ =	swait.ge [sflag:s12], $0x80  }
0x1ef: {  	s17 =	simm.s32 $0x60;
	s20 =	sadd.s32 $0x200, s31;
	[sflag:s12] =	ssyncset.done $0x0  }
.LBB2_2:
0x1f0: {  	s21 =	simm.s32 @!p1 $0x3;
	[sflag:s12] =	ssyncadd.s32 $0xFFFFFF80  }
0x1f1: {  	[hbm4b:s20+s2] =	stream.linear.scatter [tilespmem:s10], [sflag:$0x4], $0x1000, $0x38;
	[tilespmem:$0x2200] =	vst v63  }
0x1f2: {  	_ =	swait.ge @!p1 [sflag:s21], $0x1000  }
0x1f3: {  	[sflag:s21] =	ssyncset.done @!p1 $0x0  }
0x1f4: {  	s20 =	simm.s32 @!p1 $0x4;
	[sflag:s21] =	ssyncadd.s32 @!p1 $0xFFFFF000  }
0x1f5: {  	_ =	swait.ge @!p1 [sflag:s20], $0x1000  }
0x1f6: {  	[sflag:s20] =	ssyncset.done @!p1 $0x0  }
0x1f7: {  	[sflag:s20] =	ssyncadd.s32 @!p1 $0xFFFFF000  }
0x1f8: {  	v0 =	vld [tilespmem:s17+$0xFFFFFFE0];
	_ =	sdelay $0x4  }
0x1f9: {  	v0 =	vshll.u32 v0, $0x4  }
0x1fa: {  	(v2sf) =	vpush v0, $0x0  }
0x1fb: {  	(v2sf) =	vpush v0, $0x1  }
0x1fc: {  	(v2sf) =	vpush v0, $0x2;
	_ =	sdelay $0x1  }
0x1fd: {  	(v2sf) =	vpush v0, $0x3  }
0x1fe: {  	s21 =	rddreg [dreg:$0xf]  }
0x1ff: {  	s22 =	rddreg [dreg:$0xe];
	(v2sf) =	vpush v0, $0x4  }
0x200: {  	s23 =	rddreg [dreg:$0xd]  }
0x201: {  	s24 =	rddreg [dreg:$0xc];
	(v2sf) =	vpush v0, $0x5  }
0x202: {  	s25 =	rddreg [dreg:$0xb]  }
0x203: {  	s26 =	rddreg [dreg:$0xa];
	(v2sf) =	vpush v0, $0x6  }
0x204: {  	s28 =	rddreg [dreg:$0x9]  }
0x205: {  	s29 =	rddreg [dreg:$0x8];
	(v2sf) =	vpush v0, $0x7  }
0x206: {  	s30 =	rddreg [dreg:$0x7]  }
0x207: {  	s31 =	rddreg [dreg:$0x6];
	(v2sf) =	vpush v0, $0x8  }
0x208: {  	s0 =	rddreg [dreg:$0x5];
	s1 =	spop (v2sf)  }
0x209: {  	s6 =	rddreg [dreg:$0x4];
	s1 =	sand.u32 $0x1FFFFFF0, s1;
	s4 =	spop (v2sf);
	(v2sf) =	vpush v0, $0x9  }
0x20a: {  	s1 =	sadd.s32 s3, s1;
	s4 =	sand.u32 $0x1FFFFFF0, s4;
	s5 =	spop (v2sf)  }
0x20b: {  	(v2sf) =	vpush v0, $0xA;
	[tilespmem:s9], [sflag:$0x1] =	stream.linear.gather [hbm4b:s1+s2], $0x80, $0x38;
	[tilespmem:$0x2200] =	vst v63  }
0x20c: {  	s4 =	sadd.s32 s3, s4;
	s8 =	sand.u32 $0x1FFFFFF0, s5;
	s13 =	spop (v2sf)  }
0x20d: {  	(v2sf) =	vpush v0, $0xB;
	[tilespmem:s6], [sflag:$0x1] =	stream.linear.gather [hbm4b:s4+s2], $0x80, $0x38;
	[tilespmem:$0x2200] =	vst v63  }
0x20e: {  	s6 =	sadd.s32 s3, s8;
	s8 =	sand.u32 $0x1FFFFFF0, s13;
	s13 =	spop (v2sf)  }
0x20f: {  	(v2sf) =	vpush v0, $0xC;
	[tilespmem:s0], [sflag:$0x1] =	stream.linear.gather [hbm4b:s6+s2], $0x80, $0x38;
	[tilespmem:$0x2200] =	vst v63  }
0x210: {  	s4 =	sadd.s32 s3, s8;
	s5 =	sand.u32 $0x1FFFFFF0, s13;
	s6 =	spop (v2sf)  }
0x211: {  	(v2sf) =	vpush v0, $0xD;
	[tilespmem:s31], [sflag:$0x1] =	stream.linear.gather [hbm4b:s4+s2], $0x80, $0x38;
	[tilespmem:$0x2200] =	vst v63  }
0x212: {  	s8 =	sadd.s32 s3, s5;
	s13 =	sand.u32 $0x1FFFFFF0, s6;
	s31 =	spop (v2sf)  }
0x213: {  	(v2sf) =	vpush v0, $0xE;
	[tilespmem:s7], [sflag:$0x1] =	stream.linear.gather [hbm4b:s8+s2], $0x80, $0x38;
	[tilespmem:$0x2200] =	vst v63  }
0x214: {  	s1 =	sadd.s32 s3, s13;
	s4 =	sand.u32 $0x1FFFFFF0, s31;
	s5 =	spop (v2sf)  }
0x215: {  	(v2sf) =	vpush v0, $0xF;
	[tilespmem:s30], [sflag:$0x1] =	stream.linear.gather [hbm4b:s1+s2], $0x80, $0x38;
	[tilespmem:$0x2200] =	vst v63  }
0x216: {  	s6 =	sadd.s32 s3, s4;
	s8 =	sand.u32 $0x1FFFFFF0, s5;
	s13 =	spop (v2sf)  }
0x217: {  	[tilespmem:s29], [sflag:$0x1] =	stream.linear.gather [hbm4b:s6+s2], $0x80, $0x38;
	[tilespmem:$0x2200] =	vst v63  }
0x218: {  	s30 =	sand.u32 $0x1FFFFFF0, s13;
	s29 =	sadd.s32 s3, s8;
	s31 =	spop (v2sf)  }
0x219: {  	[tilespmem:s28], [sflag:$0x1] =	stream.linear.gather [hbm4b:s29+s2], $0x80, $0x38;
	[tilespmem:$0x2200] =	vst v63  }
0x21a: {  	s5 =	sadd.s32 s3, s30;
	s6 =	sand.u32 $0x1FFFFFF0, s31;
	s8 =	spop (v2sf)  }
0x21b: {  	[tilespmem:s26], [sflag:$0x1] =	stream.linear.gather [hbm4b:s5+s2], $0x80, $0x38;
	[tilespmem:$0x2200] =	vst v63  }
0x21c: {  	s13 =	sadd.s32 s3, s6;
	s28 =	spop (v2sf);
	s26 =	sand.u32 $0x1FFFFFF0, s8  }
0x21d: {  	[tilespmem:s25], [sflag:$0x1] =	stream.linear.gather [hbm4b:s13+s2], $0x80, $0x38;
	[tilespmem:$0x2200] =	vst v63  }
0x21e: {  	s30 =	sand.u32 $0x1FFFFFF0, s28;
	s29 =	sadd.s32 s3, s26;
	s31 =	spop (v2sf)  }
0x21f: {  	[tilespmem:s24], [sflag:$0x1] =	stream.linear.gather [hbm4b:s29+s2], $0x80, $0x38;
	[tilespmem:$0x2200] =	vst v63  }
0x220: {  	s1 =	sadd.s32 s3, s30;
	s4 =	sand.u32 $0x1FFFFFF0, s31;
	s5 =	spop (v2sf)  }
0x221: {  	[tilespmem:s23], [sflag:$0x1] =	stream.linear.gather [hbm4b:s1+s2], $0x80, $0x38;
	[tilespmem:$0x2200] =	vst v63  }
0x222: {  	s6 =	sadd.s32 s3, s4;
	s8 =	sand.u32 $0x1FFFFFF0, s5;
	s13 =	spop (v2sf)  }
0x223: {  	[tilespmem:s22], [sflag:$0x1] =	stream.linear.gather [hbm4b:s6+s2], $0x80, $0x38;
	[tilespmem:$0x2200] =	vst v63  }
0x224: {  	s23 =	sadd.s32 s3, s8;
	s24 =	sand.u32 $0x1FFFFFF0, s13;
	s25 =	spop (v2sf)  }
0x225: {  	[tilespmem:s21], [sflag:$0x1] =	stream.linear.gather [hbm4b:s23+s2], $0x80, $0x38;
	[tilespmem:$0x2200] =	vst v63  }
0x226: {  	s20 =	rddreg [dreg:$0x10];
	s26 =	sadd.s32 s3, s24;
	s28 =	sand.u32 $0x1FFFFFF0, s25  }
0x227: {  	[tilespmem:s20], [sflag:$0x1] =	stream.linear.gather [hbm4b:s26+s2], $0x80, $0x38;
	[tilespmem:$0x2200] =	vst v63  }
0x228: {  	s29 =	rddreg [dreg:$0x11];
	s30 =	sadd.s32 s3, s28  }
0x229: {  	[tilespmem:s29], [sflag:$0x1] =	stream.linear.gather [hbm4b:s30+s2], $0x80, $0x38;
	[tilespmem:$0x2200] =	vst v63  }
0x22a: {  	v61 =	vld [tilespmem:s17+$0xFFFFFFF0];
	_ =	sdelay $0x4  }
0x22b: {  	v0 =	vshll.u32 v61, $0x4  }
0x22c: {  	(v2sf) =	vpush v0, $0x0  }
0x22d: {  	(v2sf) =	vpush v0, $0x1  }
0x22e: {  	s0 =	rddreg [dreg:$0x17];
	(v2sf) =	vpush v0, $0x2  }
0x22f: {  	s4 =	rddreg [dreg:$0x15]  }
0x230: {  	s5 =	rddreg [dreg:$0x14];
	(v2sf) =	vpush v0, $0x3  }
0x231: {  	s1 =	rddreg [dreg:$0x16]  }
0x232: {  	s24 =	rddreg [dreg:$0x1c];
	(v2sf) =	vpush v0, $0x4  }
0x233: {  	s25 =	rddreg [dreg:$0x1b]  }
0x234: {  	s22 =	rddreg [dreg:$0x1e];
	(v2sf) =	vpush v0, $0x5  }
0x235: {  	s28 =	rddreg [dreg:$0x19]  }
0x236: {  	s6 =	rddreg [dreg:$0x12];
	(v2sf) =	vpush v0, $0x6  }
0x237: {  	s21 =	rddreg [dreg:$0x1f]  }
0x238: {  	s23 =	rddreg [dreg:$0x1d];
	(v2sf) =	vpush v0, $0x7  }
0x239: {  	s20 =	sld [smem:$0x7DB]  }
0x23a: {  	s26 =	rddreg [dreg:$0x1a];
	(v2sf) =	vpush v0, $0x8  }
0x23b: {  	s29 =	rddreg [dreg:$0x18];
	s31 =	spop (v2sf)  }
0x23c: {  	s30 =	sand.u32 $0x1FFFFFF0, s31;
	s31 =	rddreg [dreg:$0x13];
	s8 =	spop (v2sf);
	(v2sf) =	vpush v0, $0x9  }
0x23d: {  	s30 =	sadd.s32 s3, s30;
	s8 =	sand.u32 $0x1FFFFFF0, s8;
	s13 =	spop (v2sf)  }
0x23e: {  	(v2sf) =	vpush v0, $0xA;
	[tilespmem:s6], [sflag:$0x1] =	stream.linear.gather [hbm4b:s30+s2], $0x80, $0x38;
	[tilespmem:$0x2200] =	vst v63  }
0x23f: {  	s8 =	sadd.s32 s3, s8;
	s13 =	sand.u32 $0x1FFFFFF0, s13;
	s30 =	spop (v2sf)  }
0x240: {  	(v2sf) =	vpush v0, $0xB;
	[tilespmem:s31], [sflag:$0x1] =	stream.linear.gather [hbm4b:s8+s2], $0x80, $0x38;
	[tilespmem:$0x2200] =	vst v63  }
0x241: {  	s30 =	sand.u32 $0x1FFFFFF0, s30;
	s8 =	sadd.s32 s3, s13;
	s31 =	spop (v2sf)  }
0x242: {  	(v2sf) =	vpush v0, $0xC;
	[tilespmem:s5], [sflag:$0x1] =	stream.linear.gather [hbm4b:s8+s2], $0x80, $0x38;
	[tilespmem:$0x2200] =	vst v63  }
0x243: {  	s8 =	sadd.s32 s3, s30;
	s30 =	sand.u32 $0x1FFFFFF0, s31;
	s31 =	spop (v2sf)  }
0x244: {  	(v2sf) =	vpush v0, $0xD;
	[tilespmem:s4], [sflag:$0x1] =	stream.linear.gather [hbm4b:s8+s2], $0x80, $0x38;
	[tilespmem:$0x2200] =	vst v63  }
0x245: {  	s13 =	sadd.s32 s3, s30;
	s30 =	sand.u32 $0x1FFFFFF0, s31;
	s31 =	spop (v2sf)  }
0x246: {  	(v2sf) =	vpush v0, $0xE;
	[tilespmem:s1], [sflag:$0x1] =	stream.linear.gather [hbm4b:s13+s2], $0x80, $0x38;
	[tilespmem:$0x2200] =	vst v63  }
0x247: {  	s5 =	sadd.s32 s3, s30;
	s6 =	sand.u32 $0x1FFFFFF0, s31;
	s8 =	spop (v2sf)  }
0x248: {  	(v2sf) =	vpush v0, $0xF;
	[tilespmem:s0], [sflag:$0x1] =	stream.linear.gather [hbm4b:s5+s2], $0x80, $0x38;
	[tilespmem:$0x2200] =	vst v63  }
0x249: {  	s30 =	sand.u32 $0x1FFFFFF0, s8;
	s31 =	spop (v2sf);
	s13 =	sadd.s32 s3, s6  }
0x24a: {  	[tilespmem:s29], [sflag:$0x1] =	stream.linear.gather [hbm4b:s13+s2], $0x80, $0x38;
	[tilespmem:$0x2200] =	vst v63  }
0x24b: {  	s1 =	sadd.s32 s3, s30;
	s5 =	sand.u32 $0x1FFFFFF0, s31;
	s6 =	spop (v2sf)  }
0x24c: {  	[tilespmem:s28], [sflag:$0x1] =	stream.linear.gather [hbm4b:s1+s2], $0x80, $0x38;
	[tilespmem:$0x2200] =	vst v63  }
0x24d: {  	s8 =	sadd.s32 s3, s5;
	s13 =	sand.u32 $0x1FFFFFF0, s6;
	s28 =	spop (v2sf)  }
0x24e: {  	[tilespmem:s26], [sflag:$0x1] =	stream.linear.gather [hbm4b:s8+s2], $0x80, $0x38;
	[tilespmem:$0x2200] =	vst v63  }
0x24f: {  	s29 =	sadd.s32 s3, s13;
	s30 =	sand.u32 $0x1FFFFFF0, s28;
	s31 =	spop (v2sf)  }
0x250: {  	[tilespmem:s25], [sflag:$0x1] =	stream.linear.gather [hbm4b:s29+s2], $0x80, $0x38;
	[tilespmem:$0x2200] =	vst v63  }
0x251: {  	s1 =	sadd.s32 s3, s30;
	s5 =	sand.u32 $0x1FFFFFF0, s31;
	s6 =	spop (v2sf)  }
0x252: {  	[tilespmem:s24], [sflag:$0x1] =	stream.linear.gather [hbm4b:s1+s2], $0x80, $0x38;
	[tilespmem:$0x2200] =	vst v63  }
0x253: {  	s8 =	sadd.s32 s3, s5;
	s13 =	sand.u32 $0x1FFFFFF0, s6;
	s24 =	spop (v2sf)  }
0x254: {  	[tilespmem:s23], [sflag:$0x1] =	stream.linear.gather [hbm4b:s8+s2], $0x80, $0x38;
	[tilespmem:$0x2200] =	vst v63  }
0x255: {  	s25 =	sadd.s32 s3, s13;
	s26 =	sand.u32 $0x1FFFFFF0, s24;
	s28 =	spop (v2sf)  }
0x256: {  	[tilespmem:s22], [sflag:$0x1] =	stream.linear.gather [hbm4b:s25+s2], $0x80, $0x38;
	[tilespmem:$0x2200] =	vst v63  }
0x257: {  	s29 =	sadd.s32 s3, s26;
	s30 =	sand.u32 $0x1FFFFFF0, s28;
	s31 =	spop (v2sf)  }
0x258: {  	[tilespmem:s21], [sflag:$0x1] =	stream.linear.gather [hbm4b:s29+s2], $0x80, $0x38;
	[tilespmem:$0x2200] =	vst v63  }
0x259: {  	s6 =	sld [smem:$0x7DC];
	s1 =	sadd.s32 s3, s30;
	s5 =	sand.u32 $0x1FFFFFF0, s31  }
0x25a: {  	[tilespmem:s20], [sflag:$0x1] =	stream.linear.gather [hbm4b:s1+s2], $0x80, $0x38;
	[tilespmem:$0x2200] =	vst v63  }
0x25b: {  	s8 =	sadd.s32 s3, s5  }
0x25c: {  	[tilespmem:s6], [sflag:$0x1] =	stream.linear.gather [hbm4b:s8+s2], $0x80, $0x38;
	[tilespmem:$0x2200] =	vst v63  }
0x25d: {  	v62 =	vld [tilespmem:s17+$0x0];
	_ =	sdelay $0x4  }
0x25e: {  	v0 =	vshll.u32 v62, $0x4  }
0x25f: {  	(v2sf) =	vpush v0, $0x0  }
0x260: {  	(v2sf) =	vpush v0, $0x1  }
0x261: {  	(v2sf) =	vpush v0, $0x2  }
0x262: {  	s4 =	sld [smem:$0x7DF]  }
0x263: {  	s0 =	sld [smem:$0x7E1];
	(v2sf) =	vpush v0, $0x3  }
0x264: {  	s24 =	sld [smem:$0x7E6]  }
0x265: {  	s23 =	sld [smem:$0x7E7];
	(v2sf) =	vpush v0, $0x4  }
0x266: {  	s26 =	sld [smem:$0x7E4]  }
0x267: {  	s28 =	sld [smem:$0x7E3];
	(v2sf) =	vpush v0, $0x5  }
0x268: {  	s22 =	sld [smem:$0x7E8]  }
0x269: {  	s25 =	sld [smem:$0x7E5];
	(v2sf) =	vpush v0, $0x6  }
0x26a: {  	s5 =	sld [smem:$0x7DE]  }
0x26b: {  	s21 =	sld [smem:$0x7E9];
	(v2sf) =	vpush v0, $0x7  }
0x26c: {  	s29 =	sld [smem:$0x7E2]  }
0x26d: {  	s20 =	sld [smem:$0x7EA];
	(v2sf) =	vpush v0, $0x8  }
0x26e: {  	s1 =	sld [smem:$0x7E0];
	s13 =	spop (v2sf)  }
0x26f: {  	s8 =	sld [smem:$0x7DD];
	s6 =	sand.u32 $0x1FFFFFF0, s13;
	s30 =	spop (v2sf);
	(v2sf) =	vpush v0, $0x9  }
0x270: {  	s6 =	sadd.s32 s3, s6;
	s13 =	sand.u32 $0x1FFFFFF0, s30;
	s31 =	spop (v2sf)  }
0x271: {  	(v2sf) =	vpush v0, $0xA;
	[tilespmem:s10], [sflag:$0x2] =	stream.linear.gather [hbm4b:s6+s2], $0x80, $0x38;
	[tilespmem:$0x2200] =	vst v63  }
0x272: {  	s6 =	sadd.s32 s3, s13;
	s13 =	sand.u32 $0x1FFFFFF0, s31;
	s31 =	spop (v2sf)  }
0x273: {  	(v2sf) =	vpush v0, $0xB;
	[tilespmem:s8], [sflag:$0x2] =	stream.linear.gather [hbm4b:s6+s2], $0x80, $0x38;
	[tilespmem:$0x2200] =	vst v63  }
0x274: {  	s13 =	sadd.s32 s3, s13;
	s30 =	sand.u32 $0x1FFFFFF0, s31;
	s31 =	spop (v2sf)  }
0x275: {  	(v2sf) =	vpush v0, $0xC;
	[tilespmem:s5], [sflag:$0x2] =	stream.linear.gather [hbm4b:s13+s2], $0x80, $0x38;
	[tilespmem:$0x2200] =	vst v63  }
0x276: {  	s8 =	sadd.s32 s3, s30;
	s30 =	sand.u32 $0x1FFFFFF0, s31;
	s31 =	spop (v2sf)  }
0x277: {  	(v2sf) =	vpush v0, $0xD;
	[tilespmem:s4], [sflag:$0x2] =	stream.linear.gather [hbm4b:s8+s2], $0x80, $0x38;
	[tilespmem:$0x2200] =	vst v63  }
0x278: {  	s6 =	sand.u32 $0x1FFFFFF0, s31;
	s5 =	sadd.s32 s3, s30;
	s8 =	spop (v2sf)  }
0x279: {  	(v2sf) =	vpush v0, $0xE;
	[tilespmem:s1], [sflag:$0x2] =	stream.linear.gather [hbm4b:s5+s2], $0x80, $0x38;
	[tilespmem:$0x2200] =	vst v63  }
0x27a: {  	s13 =	sadd.s32 s3, s6;
	s30 =	sand.u32 $0x1FFFFFF0, s8;
	s31 =	spop (v2sf)  }
0x27b: {  	(v2sf) =	vpush v0, $0xF;
	[tilespmem:s0], [sflag:$0x2] =	stream.linear.gather [hbm4b:s13+s2], $0x80, $0x38;
	[tilespmem:$0x2200] =	vst v63  }
0x27c: {  	s6 =	sadd.s32 s3, s30;
	s8 =	sand.u32 $0x1FFFFFF0, s31;
	s13 =	spop (v2sf)  }
0x27d: {  	[tilespmem:s29], [sflag:$0x2] =	stream.linear.gather [hbm4b:s6+s2], $0x80, $0x38;
	[tilespmem:$0x2200] =	vst v63  }
0x27e: {  	s30 =	sand.u32 $0x1FFFFFF0, s13;
	s29 =	sadd.s32 s3, s8;
	s31 =	spop (v2sf)  }
0x27f: {  	[tilespmem:s28], [sflag:$0x2] =	stream.linear.gather [hbm4b:s29+s2], $0x80, $0x38;
	[tilespmem:$0x2200] =	vst v63  }
0x280: {  	s5 =	sadd.s32 s3, s30;
	s6 =	sand.u32 $0x1FFFFFF0, s31;
	s8 =	spop (v2sf)  }
0x281: {  	[tilespmem:s26], [sflag:$0x2] =	stream.linear.gather [hbm4b:s5+s2], $0x80, $0x38;
	[tilespmem:$0x2200] =	vst v63  }
0x282: {  	s13 =	sadd.s32 s3, s6;
	s28 =	spop (v2sf);
	s26 =	sand.u32 $0x1FFFFFF0, s8  }
0x283: {  	[tilespmem:s25], [sflag:$0x2] =	stream.linear.gather [hbm4b:s13+s2], $0x80, $0x38;
	[tilespmem:$0x2200] =	vst v63  }
0x284: {  	s30 =	sand.u32 $0x1FFFFFF0, s28;
	s31 =	spop (v2sf);
	s29 =	sadd.s32 s3, s26  }
0x285: {  	[tilespmem:s24], [sflag:$0x2] =	stream.linear.gather [hbm4b:s29+s2], $0x80, $0x38;
	[tilespmem:$0x2200] =	vst v63  }
0x286: {  	s1 =	sadd.s32 s3, s30;
	s4 =	sand.u32 $0x1FFFFFF0, s31;
	s5 =	spop (v2sf)  }
0x287: {  	[tilespmem:s23], [sflag:$0x2] =	stream.linear.gather [hbm4b:s1+s2], $0x80, $0x38;
	[tilespmem:$0x2200] =	vst v63  }
0x288: {  	s6 =	sadd.s32 s3, s4;
	s8 =	sand.u32 $0x1FFFFFF0, s5;
	s13 =	spop (v2sf)  }
0x289: {  	[tilespmem:s22], [sflag:$0x2] =	stream.linear.gather [hbm4b:s6+s2], $0x80, $0x38;
	[tilespmem:$0x2200] =	vst v63  }
0x28a: {  	s23 =	sand.u32 $0x1FFFFFF0, s13;
	s24 =	spop (v2sf);
	s22 =	sadd.s32 s3, s8  }
0x28b: {  	[tilespmem:s21], [sflag:$0x2] =	stream.linear.gather [hbm4b:s22+s2], $0x80, $0x38;
	[tilespmem:$0x2200] =	vst v63  }
0x28c: {  	s28 =	sld [smem:$0x7EB];
	s25 =	sadd.s32 s3, s23;
	s26 =	sand.u32 $0x1FFFFFF0, s24  }
0x28d: {  	[tilespmem:s20], [sflag:$0x2] =	stream.linear.gather [hbm4b:s25+s2], $0x80, $0x38;
	[tilespmem:$0x2200] =	vst v63  }
0x28e: {  	s29 =	sadd.s32 s3, s26  }
0x28f: {  	[tilespmem:s28], [sflag:$0x2] =	stream.linear.gather [hbm4b:s29+s2], $0x80, $0x38;
	[tilespmem:$0x2200] =	vst v63  }
0x290: {  	v63 =	vld [tilespmem:s17+$0x10];
	_ =	sdelay $0x4  }
0x291: {  	v0 =	vshll.u32 v63, $0x4  }
0x292: {  	(v2sf) =	vpush v0, $0x0  }
0x293: {  	(v2sf) =	vpush v0, $0x1  }
0x294: {  	s0 =	sld [smem:$0x7F1];
	(v2sf) =	vpush v0, $0x2  }
0x295: {  	s4 =	sld [smem:$0x7EF]  }
0x296: {  	s5 =	sld [smem:$0x7EE];
	(v2sf) =	vpush v0, $0x3  }
0x297: {  	s1 =	sld [smem:$0x7F0]  }
0x298: {  	s13 =	sld [smem:$0x7ED];
	(v2sf) =	vpush v0, $0x4  }
0x299: {  	s23 =	sld [smem:$0x7F9]  }
0x29a: {  	s24 =	sld [smem:$0x7F8];
	(v2sf) =	vpush v0, $0x5  }
0x29b: {  	s26 =	sld [smem:$0x7F5]  }
0x29c: {  	s6 =	sld [smem:$0x7EC];
	(v2sf) =	vpush v0, $0x6  }
0x29d: {  	s21 =	sld [smem:$0x7FB]  }
0x29e: {  	s22 =	sld [smem:$0x7FA];
	(v2sf) =	vpush v0, $0x7  }
0x29f: {  	s20 =	sld [smem:$0x7FC]  }
0x2a0: {  	s25 =	sld [smem:$0x7F7];
	(v2sf) =	vpush v0, $0x8  }
0x2a1: {  	s28 =	sld [smem:$0x7F3];
	s30 =	spop (v2sf)  }
0x2a2: {  	s29 =	sld [smem:$0x7F2];
	s8 =	sand.u32 $0x1FFFFFF0, s30;
	s31 =	spop (v2sf);
	(v2sf) =	vpush v0, $0x9  }
0x2a3: {  	s8 =	sadd.s32 s3, s8;
	s30 =	sand.u32 $0x1FFFFFF0, s31;
	s31 =	spop (v2sf)  }
0x2a4: {  	(v2sf) =	vpush v0, $0xA;
	[tilespmem:s6], [sflag:$0x2] =	stream.linear.gather [hbm4b:s8+s2], $0x80, $0x38;
	[tilespmem:$0x2200] =	vst v63  }
0x2a5: {  	s6 =	sadd.s32 s3, s30;
	s8 =	sand.u32 $0x1FFFFFF0, s31;
	s31 =	spop (v2sf)  }
0x2a6: {  	(v2sf) =	vpush v0, $0xB;
	[tilespmem:s13], [sflag:$0x2] =	stream.linear.gather [hbm4b:s6+s2], $0x80, $0x38;
	[tilespmem:$0x2200] =	vst v63  }
0x2a7: {  	s30 =	sand.u32 $0x1FFFFFF0, s31;
	s31 =	spop (v2sf);
	s13 =	sadd.s32 s3, s8  }
0x2a8: {  	(v2sf) =	vpush v0, $0xC;
	[tilespmem:s5], [sflag:$0x2] =	stream.linear.gather [hbm4b:s13+s2], $0x80, $0x38;
	[tilespmem:$0x2200] =	vst v63  }
0x2a9: {  	s8 =	sadd.s32 s3, s30;
	s30 =	sand.u32 $0x1FFFFFF0, s31;
	s31 =	spop (v2sf)  }
0x2aa: {  	(v2sf) =	vpush v0, $0xD;
	[tilespmem:s4], [sflag:$0x2] =	stream.linear.gather [hbm4b:s8+s2], $0x80, $0x38;
	[tilespmem:$0x2200] =	vst v63  }
0x2ab: {  	s6 =	sand.u32 $0x1FFFFFF0, s31;
	s5 =	sadd.s32 s3, s30;
	s8 =	spop (v2sf)  }
0x2ac: {  	(v2sf) =	vpush v0, $0xE;
	[tilespmem:s1], [sflag:$0x2] =	stream.linear.gather [hbm4b:s5+s2], $0x80, $0x38;
	[tilespmem:$0x2200] =	vst v63  }
0x2ad: {  	s13 =	sadd.s32 s3, s6;
	s30 =	sand.u32 $0x1FFFFFF0, s8;
	s31 =	spop (v2sf)  }
0x2ae: {  	(v2sf) =	vpush v0, $0xF;
	[tilespmem:s0], [sflag:$0x2] =	stream.linear.gather [hbm4b:s13+s2], $0x80, $0x38;
	[tilespmem:$0x2200] =	vst v63  }
0x2af: {  	s6 =	sadd.s32 s3, s30;
	s8 =	sand.u32 $0x1FFFFFF0, s31;
	s13 =	spop (v2sf)  }
0x2b0: {  	[tilespmem:s29], [sflag:$0x2] =	stream.linear.gather [hbm4b:s6+s2], $0x80, $0x38;
	[tilespmem:$0x2200] =	vst v63  }
0x2b1: {  	s30 =	sand.u32 $0x1FFFFFF0, s13;
	s29 =	sadd.s32 s3, s8;
	s31 =	spop (v2sf)  }
0x2b2: {  	[tilespmem:s28], [sflag:$0x2] =	stream.linear.gather [hbm4b:s29+s2], $0x80, $0x38;
	[tilespmem:$0x2200] =	vst v63  }
0x2b3: {  	s5 =	sadd.s32 s3, s30;
	s6 =	sand.u32 $0x1FFFFFF0, s31;
	s8 =	spop (v2sf)  }
0x2b4: {  	[tilespmem:s26], [sflag:$0x2] =	stream.linear.gather [hbm4b:s5+s2], $0x80, $0x38;
	[tilespmem:$0x2200] =	vst v63  }
0x2b5: {  	s13 =	sadd.s32 s3, s6;
	s28 =	spop (v2sf);
	s26 =	sand.u32 $0x1FFFFFF0, s8  }
0x2b6: {  	[tilespmem:s25], [sflag:$0x2] =	stream.linear.gather [hbm4b:s13+s2], $0x80, $0x38;
	[tilespmem:$0x2200] =	vst v63  }
0x2b7: {  	s30 =	sand.u32 $0x1FFFFFF0, s28;
	s31 =	spop (v2sf);
	s29 =	sadd.s32 s3, s26  }
0x2b8: {  	[tilespmem:s24], [sflag:$0x2] =	stream.linear.gather [hbm4b:s29+s2], $0x80, $0x38;
	[tilespmem:$0x2200] =	vst v63  }
0x2b9: {  	s1 =	sadd.s32 s3, s30;
	s4 =	sand.u32 $0x1FFFFFF0, s31;
	s5 =	spop (v2sf)  }
0x2ba: {  	[tilespmem:s23], [sflag:$0x2] =	stream.linear.gather [hbm4b:s1+s2], $0x80, $0x38;
	[tilespmem:$0x2200] =	vst v63  }
0x2bb: {  	s6 =	sadd.s32 s3, s4;
	s8 =	sand.u32 $0x1FFFFFF0, s5;
	s13 =	spop (v2sf)  }
0x2bc: {  	[tilespmem:s22], [sflag:$0x2] =	stream.linear.gather [hbm4b:s6+s2], $0x80, $0x38;
	[tilespmem:$0x2200] =	vst v63  }
0x2bd: {  	s23 =	sand.u32 $0x1FFFFFF0, s13;
	s24 =	spop (v2sf);
	s22 =	sadd.s32 s3, s8  }
0x2be: {  	[tilespmem:s21], [sflag:$0x2] =	stream.linear.gather [hbm4b:s22+s2], $0x80, $0x38;
	[tilespmem:$0x2200] =	vst v63  }
0x2bf: {  	s28 =	sld [smem:$0x7FD];
	s25 =	sadd.s32 s3, s23;
	s26 =	sand.u32 $0x1FFFFFF0, s24  }
0x2c0: {  	[tilespmem:s20], [sflag:$0x2] =	stream.linear.gather [hbm4b:s25+s2], $0x80, $0x38;
	[tilespmem:$0x2200] =	vst v63  }
0x2c1: {  	s29 =	sadd.s32 s3, s26  }
0x2c2: {  	[tilespmem:s28], [sflag:$0x2] =	stream.linear.gather [hbm4b:s29+s2], $0x80, $0x38;
	[tilespmem:$0x2200] =	vst v63  }
0x2c3: {  	_ =	swait.ge [sflag:s11], $0x80  }
0x2c4: {  	[sflag:s11] =	ssyncset.done $0x0  }
0x2c5: {  	[sflag:s11] =	ssyncadd.s32 $0xFFFFFF80  }
0x2c6: {  	_ =	swait.ge [sflag:s11], $0x80  }
0x2c7: {  	[sflag:s11] =	ssyncset.done $0x0  }
0x2c8: {  	[sflag:s11] =	ssyncadd.s32 $0xFFFFFF80  }
0x2c9: {  	_ =	swait.ge [sflag:s11], $0x80  }
0x2ca: {  	[sflag:s11] =	ssyncset.done $0x0  }
0x2cb: {  	[sflag:s11] =	ssyncadd.s32 $0xFFFFFF80  }
0x2cc: {  	_ =	swait.ge [sflag:s11], $0x80  }
0x2cd: {  	[sflag:s11] =	ssyncset.done $0x0  }
0x2ce: {  	[sflag:s11] =	ssyncadd.s32 $0xFFFFFF80  }
0x2cf: {  	_ =	swait.ge [sflag:s11], $0x80  }
0x2d0: {  	[sflag:s11] =	ssyncset.done $0x0  }
0x2d1: {  	[sflag:s11] =	ssyncadd.s32 $0xFFFFFF80  }
0x2d2: {  	_ =	swait.ge [sflag:s11], $0x80  }
0x2d3: {  	[sflag:s11] =	ssyncset.done $0x0  }
0x2d4: {  	[sflag:s11] =	ssyncadd.s32 $0xFFFFFF80  }
0x2d5: {  	_ =	swait.ge [sflag:s11], $0x80  }
0x2d6: {  	[sflag:s11] =	ssyncset.done $0x0  }
0x2d7: {  	[sflag:s11] =	ssyncadd.s32 $0xFFFFFF80  }
0x2d8: {  	_ =	swait.ge [sflag:s11], $0x80  }
0x2d9: {  	[sflag:s11] =	ssyncset.done $0x0  }
0x2da: {  	[sflag:s11] =	ssyncadd.s32 $0xFFFFFF80  }
0x2db: {  	_ =	swait.ge [sflag:s11], $0x80  }
0x2dc: {  	[sflag:s11] =	ssyncset.done $0x0  }
0x2dd: {  	[sflag:s11] =	ssyncadd.s32 $0xFFFFFF80  }
0x2de: {  	_ =	swait.ge [sflag:s11], $0x80  }
0x2df: {  	[sflag:s11] =	ssyncset.done $0x0  }
0x2e0: {  	[sflag:s11] =	ssyncadd.s32 $0xFFFFFF80  }
0x2e1: {  	_ =	swait.ge [sflag:s11], $0x80  }
0x2e2: {  	[sflag:s11] =	ssyncset.done $0x0  }
0x2e3: {  	[sflag:s11] =	ssyncadd.s32 $0xFFFFFF80  }
0x2e4: {  	_ =	swait.ge [sflag:s11], $0x80  }
0x2e5: {  	[sflag:s11] =	ssyncset.done $0x0  }
0x2e6: {  	[sflag:s11] =	ssyncadd.s32 $0xFFFFFF80  }
0x2e7: {  	_ =	swait.ge [sflag:s11], $0x80  }
0x2e8: {  	[sflag:s11] =	ssyncset.done $0x0  }
0x2e9: {  	[sflag:s11] =	ssyncadd.s32 $0xFFFFFF80  }
0x2ea: {  	_ =	swait.ge [sflag:s11], $0x80  }
0x2eb: {  	[sflag:s11] =	ssyncset.done $0x0  }
0x2ec: {  	[sflag:s11] =	ssyncadd.s32 $0xFFFFFF80  }
0x2ed: {  	_ =	swait.ge [sflag:s11], $0x80  }
0x2ee: {  	[sflag:s11] =	ssyncset.done $0x0  }
0x2ef: {  	[sflag:s11] =	ssyncadd.s32 $0xFFFFFF80  }
0x2f0: {  	_ =	swait.ge [sflag:s11], $0x80  }
0x2f1: {  	[sflag:s11] =	ssyncset.done $0x0  }
0x2f2: {  	[sflag:s11] =	ssyncadd.s32 $0xFFFFFF80  }
0x2f3: {  	_ =	swait.ge [sflag:s11], $0x80  }
0x2f4: {  	[sflag:s11] =	ssyncset.done $0x0  }
0x2f5: {  	[sflag:s11] =	ssyncadd.s32 $0xFFFFFF80  }
0x2f6: {  	_ =	swait.ge [sflag:s11], $0x80  }
0x2f7: {  	[sflag:s11] =	ssyncset.done $0x0  }
0x2f8: {  	[sflag:s11] =	ssyncadd.s32 $0xFFFFFF80  }
0x2f9: {  	_ =	swait.ge [sflag:s11], $0x80  }
0x2fa: {  	[sflag:s11] =	ssyncset.done $0x0  }
0x2fb: {  	[sflag:s11] =	ssyncadd.s32 $0xFFFFFF80  }
0x2fc: {  	_ =	swait.ge [sflag:s11], $0x80  }
0x2fd: {  	[sflag:s11] =	ssyncset.done $0x0  }
0x2fe: {  	[sflag:s11] =	ssyncadd.s32 $0xFFFFFF80  }
0x2ff: {  	_ =	swait.ge [sflag:s11], $0x80  }
0x300: {  	[sflag:s11] =	ssyncset.done $0x0  }
0x301: {  	[sflag:s11] =	ssyncadd.s32 $0xFFFFFF80  }
0x302: {  	_ =	swait.ge [sflag:s11], $0x80  }
0x303: {  	[sflag:s11] =	ssyncset.done $0x0  }
0x304: {  	[sflag:s11] =	ssyncadd.s32 $0xFFFFFF80  }
0x305: {  	_ =	swait.ge [sflag:s11], $0x80  }
0x306: {  	[sflag:s11] =	ssyncset.done $0x0  }
0x307: {  	[sflag:s11] =	ssyncadd.s32 $0xFFFFFF80  }
0x308: {  	_ =	swait.ge [sflag:s11], $0x80  }
0x309: {  	[sflag:s11] =	ssyncset.done $0x0  }
0x30a: {  	[sflag:s11] =	ssyncadd.s32 $0xFFFFFF80  }
0x30b: {  	_ =	swait.ge [sflag:s11], $0x80  }
0x30c: {  	[sflag:s11] =	ssyncset.done $0x0  }
0x30d: {  	[sflag:s11] =	ssyncadd.s32 $0xFFFFFF80  }
0x30e: {  	_ =	swait.ge [sflag:s11], $0x80  }
0x30f: {  	[sflag:s11] =	ssyncset.done $0x0  }
0x310: {  	[sflag:s11] =	ssyncadd.s32 $0xFFFFFF80  }
0x311: {  	_ =	swait.ge [sflag:s11], $0x80  }
0x312: {  	[sflag:s11] =	ssyncset.done $0x0  }
0x313: {  	[sflag:s11] =	ssyncadd.s32 $0xFFFFFF80  }
0x314: {  	_ =	swait.ge [sflag:s11], $0x80  }
0x315: {  	[sflag:s11] =	ssyncset.done $0x0  }
0x316: {  	[sflag:s11] =	ssyncadd.s32 $0xFFFFFF80  }
0x317: {  	_ =	swait.ge [sflag:s11], $0x80  }
0x318: {  	[sflag:s11] =	ssyncset.done $0x0  }
0x319: {  	[sflag:s11] =	ssyncadd.s32 $0xFFFFFF80  }
0x31a: {  	_ =	swait.ge [sflag:s11], $0x80  }
0x31b: {  	[sflag:s11] =	ssyncset.done $0x0  }
0x31c: {  	[sflag:s11] =	ssyncadd.s32 $0xFFFFFF80  }
0x31d: {  	_ =	swait.ge [sflag:s11], $0x80  }
0x31e: {  	[sflag:s11] =	ssyncset.done $0x0  }
0x31f: {  	[sflag:s11] =	ssyncadd.s32 $0xFFFFFF80  }
0x320: {  	_ =	swait.ge [sflag:s11], $0x80  }
0x321: {  	s30 =	rddreg [dreg:$0x3];
	[sflag:s11] =	ssyncset.done $0x0  }
0x322: {  	[sflag:s11] =	ssyncadd.s32 $0xFFFFFF80;
	s31 =	sadd.s32 s16, s30  }
0x323: {  	[hbm4b:s31+s2] =	stream.linear.scatter [tilespmem:s9], [sflag:$0x3], $0x1000, $0x38;
	[tilespmem:$0x2200] =	vst v63  }
0x324: {  	_ =	swait.ge [sflag:s12], $0x80  }
0x325: {  	[sflag:s12] =	ssyncset.done $0x0  }
0x326: {  	[sflag:s12] =	ssyncadd.s32 $0xFFFFFF80  }
0x327: {  	_ =	swait.ge [sflag:s12], $0x80  }
0x328: {  	[sflag:s12] =	ssyncset.done $0x0  }
0x329: {  	[sflag:s12] =	ssyncadd.s32 $0xFFFFFF80  }
0x32a: {  	_ =	swait.ge [sflag:s12], $0x80  }
0x32b: {  	[sflag:s12] =	ssyncset.done $0x0  }
0x32c: {  	[sflag:s12] =	ssyncadd.s32 $0xFFFFFF80  }
0x32d: {  	_ =	swait.ge [sflag:s12], $0x80  }
0x32e: {  	[sflag:s12] =	ssyncset.done $0x0  }
0x32f: {  	[sflag:s12] =	ssyncadd.s32 $0xFFFFFF80  }
0x330: {  	_ =	swait.ge [sflag:s12], $0x80  }
0x331: {  	[sflag:s12] =	ssyncset.done $0x0  }
0x332: {  	[sflag:s12] =	ssyncadd.s32 $0xFFFFFF80  }
0x333: {  	_ =	swait.ge [sflag:s12], $0x80  }
0x334: {  	[sflag:s12] =	ssyncset.done $0x0  }
0x335: {  	[sflag:s12] =	ssyncadd.s32 $0xFFFFFF80  }
0x336: {  	_ =	swait.ge [sflag:s12], $0x80  }
0x337: {  	[sflag:s12] =	ssyncset.done $0x0  }
0x338: {  	[sflag:s12] =	ssyncadd.s32 $0xFFFFFF80  }
0x339: {  	_ =	swait.ge [sflag:s12], $0x80  }
0x33a: {  	[sflag:s12] =	ssyncset.done $0x0  }
0x33b: {  	[sflag:s12] =	ssyncadd.s32 $0xFFFFFF80  }
0x33c: {  	_ =	swait.ge [sflag:s12], $0x80  }
0x33d: {  	[sflag:s12] =	ssyncset.done $0x0  }
0x33e: {  	[sflag:s12] =	ssyncadd.s32 $0xFFFFFF80  }
0x33f: {  	_ =	swait.ge [sflag:s12], $0x80  }
0x340: {  	[sflag:s12] =	ssyncset.done $0x0  }
0x341: {  	[sflag:s12] =	ssyncadd.s32 $0xFFFFFF80  }
0x342: {  	_ =	swait.ge [sflag:s12], $0x80  }
0x343: {  	[sflag:s12] =	ssyncset.done $0x0  }
0x344: {  	[sflag:s12] =	ssyncadd.s32 $0xFFFFFF80  }
0x345: {  	_ =	swait.ge [sflag:s12], $0x80  }
0x346: {  	[sflag:s12] =	ssyncset.done $0x0  }
0x347: {  	[sflag:s12] =	ssyncadd.s32 $0xFFFFFF80  }
0x348: {  	_ =	swait.ge [sflag:s12], $0x80  }
0x349: {  	[sflag:s12] =	ssyncset.done $0x0  }
0x34a: {  	[sflag:s12] =	ssyncadd.s32 $0xFFFFFF80  }
0x34b: {  	_ =	swait.ge [sflag:s12], $0x80  }
0x34c: {  	[sflag:s12] =	ssyncset.done $0x0  }
0x34d: {  	[sflag:s12] =	ssyncadd.s32 $0xFFFFFF80  }
0x34e: {  	_ =	swait.ge [sflag:s12], $0x80  }
0x34f: {  	[sflag:s12] =	ssyncset.done $0x0  }
0x350: {  	[sflag:s12] =	ssyncadd.s32 $0xFFFFFF80  }
0x351: {  	_ =	swait.ge [sflag:s12], $0x80  }
0x352: {  	[sflag:s12] =	ssyncset.done $0x0  }
0x353: {  	[sflag:s12] =	ssyncadd.s32 $0xFFFFFF80  }
0x354: {  	_ =	swait.ge [sflag:s12], $0x80  }
0x355: {  	[sflag:s12] =	ssyncset.done $0x0  }
0x356: {  	[sflag:s12] =	ssyncadd.s32 $0xFFFFFF80  }
0x357: {  	_ =	swait.ge [sflag:s12], $0x80  }
0x358: {  	[sflag:s12] =	ssyncset.done $0x0  }
0x359: {  	[sflag:s12] =	ssyncadd.s32 $0xFFFFFF80  }
0x35a: {  	_ =	swait.ge [sflag:s12], $0x80  }
0x35b: {  	[sflag:s12] =	ssyncset.done $0x0  }
0x35c: {  	[sflag:s12] =	ssyncadd.s32 $0xFFFFFF80  }
0x35d: {  	_ =	swait.ge [sflag:s12], $0x80  }
0x35e: {  	[sflag:s12] =	ssyncset.done $0x0  }
0x35f: {  	[sflag:s12] =	ssyncadd.s32 $0xFFFFFF80  }
0x360: {  	_ =	swait.ge [sflag:s12], $0x80  }
0x361: {  	[sflag:s12] =	ssyncset.done $0x0  }
0x362: {  	[sflag:s12] =	ssyncadd.s32 $0xFFFFFF80  }
0x363: {  	_ =	swait.ge [sflag:s12], $0x80  }
0x364: {  	[sflag:s12] =	ssyncset.done $0x0  }
0x365: {  	[sflag:s12] =	ssyncadd.s32 $0xFFFFFF80  }
0x366: {  	_ =	swait.ge [sflag:s12], $0x80  }
0x367: {  	[sflag:s12] =	ssyncset.done $0x0  }
0x368: {  	[sflag:s12] =	ssyncadd.s32 $0xFFFFFF80  }
0x369: {  	_ =	swait.ge [sflag:s12], $0x80  }
0x36a: {  	[sflag:s12] =	ssyncset.done $0x0  }
0x36b: {  	[sflag:s12] =	ssyncadd.s32 $0xFFFFFF80  }
0x36c: {  	_ =	swait.ge [sflag:s12], $0x80  }
0x36d: {  	[sflag:s12] =	ssyncset.done $0x0  }
0x36e: {  	[sflag:s12] =	ssyncadd.s32 $0xFFFFFF80  }
0x36f: {  	_ =	swait.ge [sflag:s12], $0x80  }
0x370: {  	[sflag:s12] =	ssyncset.done $0x0  }
0x371: {  	[sflag:s12] =	ssyncadd.s32 $0xFFFFFF80  }
0x372: {  	_ =	swait.ge [sflag:s12], $0x80  }
0x373: {  	[sflag:s12] =	ssyncset.done $0x0  }
0x374: {  	[sflag:s12] =	ssyncadd.s32 $0xFFFFFF80  }
0x375: {  	_ =	swait.ge [sflag:s12], $0x80  }
0x376: {  	[sflag:s12] =	ssyncset.done $0x0  }
0x377: {  	[sflag:s12] =	ssyncadd.s32 $0xFFFFFF80  }
0x378: {  	_ =	swait.ge [sflag:s12], $0x80  }
0x379: {  	[sflag:s12] =	ssyncset.done $0x0  }
0x37a: {  	[sflag:s12] =	ssyncadd.s32 $0xFFFFFF80  }
0x37b: {  	_ =	swait.ge [sflag:s12], $0x80  }
0x37c: {  	s19 =	smov.u32 s18;
	s18 =	sadd.s32 $0x400, s18;
	[sflag:s12] =	ssyncset.done $0x0  }
0x37d: {  	p0 =	sne.s32 s18, $0x2000;
	[sflag:s12] =	ssyncadd.s32 $0xFFFFFF80  }
.Ltmp0:
0x37e: {  	_ =	swait.ge [sflag:s12], $0x80;
	(pc) =	sbr.rel @p0 .LBB2_2-.Ltmp0, $4  }
0x37f: {  	[sflag:s12] =	ssyncset.done $0x0  }
0x380: {  	[sflag:s12] =	ssyncadd.s32 $0xFFFFFF80  }
0x381: {  	s17 =	sadd.s32 $0x40, s17;
	s16 =	smov.u32 s19;
	_ =	swait.ge [sflag:s12], $0x80  }
0x382: {  	p1 =	seq.s32 s16, $0x0;
	s20 =	sadd.s32 $0x200, s31;
	[sflag:s12] =	ssyncset.done $0x0  }
0x383: {  	s0 =	simm.s32 @!p1 $0x3;
	[sflag:s12] =	ssyncadd.s32 $0xFFFFFF80  }
0x384: {  	[hbm4b:s20+s2] =	stream.linear.scatter [tilespmem:s10], [sflag:$0x4], $0x1000, $0x38;
	[tilespmem:$0x2200] =	vst v63  }
0x385: {  	_ =	swait.ge @!p1 [sflag:s0], $0x1000  }
0x386: {  	[sflag:s0] =	ssyncset.done @!p1 $0x0  }
0x387: {  	[sflag:s0] =	ssyncadd.s32 @!p1 $0xFFFFF000;
	s0 =	simm.s32 @!p1 $0x4  }
0x388: {  	_ =	swait.ge @!p1 [sflag:s0], $0x1000  }
0x389: {  	[sflag:s0] =	ssyncset.done @!p1 $0x0  }
0x38a: {  	[sflag:s0] =	ssyncadd.s32 @!p1 $0xFFFFF000  }
0x38b: {  	v0 =	vld [tilespmem:s17+$0xFFFFFFE0];
	_ =	sdelay $0x4  }
0x38c: {  	v0 =	vshll.u32 v0, $0x4  }
0x38d: {  	(v2sf) =	vpush v0, $0x0;
	_ =	sdelay $0x1  }
0x38e: {  	(v2sf) =	vpush v0, $0x1;
	_ =	sdelay $0x1  }
0x38f: {  	(v2sf) =	vpush v0, $0x2;
	_ =	sdelay $0x2  }
0x390: {  	(v2sf) =	vpush v0, $0x3;
	_ =	sdelay $0x7  }
0x391: {  	s5 =	spop (v2sf);
	(v2sf) =	vpush v0, $0x4;
	_ =	sdelay $0x1  }
0x392: {  	s1 =	spop (v2sf);
	(v2sf) =	vpush v0, $0x5;
	_ =	sdelay $0x1  }
0x393: {  	s13 =	spop (v2sf);
	(v2sf) =	vpush v0, $0x6;
	_ =	sdelay $0x2  }
0x394: {  	s19 =	spop (v2sf);
	(v2sf) =	vpush v0, $0x7;
	_ =	sdelay $0x1  }
0x395: {  	s0 =	sand.u32 $0x1FFFFFF0, s5  }
0x396: {  	s0 =	sadd.s32 s3, s0;
	s1 =	sand.u32 $0x1FFFFFF0, s1  }
0x397: {  	[tilespmem:s9], [sflag:$0x1] =	stream.linear.gather [hbm4b:s0+s2], $0x80, $0x38;
	[tilespmem:$0x2200] =	vst v63  }
0x398: {  	s6 =	rddreg [dreg:$0x4];
	s1 =	sadd.s32 s3, s1  }
0x399: {  	[tilespmem:s6], [sflag:$0x1] =	stream.linear.gather [hbm4b:s1+s2], $0x80, $0x38;
	[tilespmem:$0x2200] =	vst v63  }
0x39a: {  	s1 =	sand.u32 $0x1FFFFFF0, s13  }
0x39b: {  	s8 =	rddreg [dreg:$0x5];
	s1 =	sadd.s32 s3, s1;
	s20 =	spop (v2sf);
	(v2sf) =	vpush v0, $0x8  }
0x39c: {  	[tilespmem:s8], [sflag:$0x1] =	stream.linear.gather [hbm4b:s1+s2], $0x80, $0x38;
	[tilespmem:$0x2200] =	vst v63  }
0x39d: {  	s22 =	spop (v2sf);
	(v2sf) =	vpush v0, $0x9  }
0x39e: {  	s1 =	sand.u32 $0x1FFFFFF0, s19  }
0x39f: {  	s18 =	rddreg [dreg:$0x6];
	s1 =	sadd.s32 s3, s1;
	s24 =	spop (v2sf);
	(v2sf) =	vpush v0, $0xA  }
0x3a0: {  	[tilespmem:s18], [sflag:$0x1] =	stream.linear.gather [hbm4b:s1+s2], $0x80, $0x38;
	[tilespmem:$0x2200] =	vst v63  }
0x3a1: {  	s0 =	sand.u32 $0x1FFFFFF0, s20  }
0x3a2: {  	s0 =	sadd.s32 s3, s0;
	s1 =	sand.u32 $0x1FFFFFF0, s22;
	s26 =	spop (v2sf);
	(v2sf) =	vpush v0, $0xB  }
0x3a3: {  	[tilespmem:s7], [sflag:$0x1] =	stream.linear.gather [hbm4b:s0+s2], $0x80, $0x38;
	[tilespmem:$0x2200] =	vst v63  }
0x3a4: {  	s21 =	rddreg [dreg:$0x7];
	s1 =	sadd.s32 s3, s1  }
0x3a5: {  	[tilespmem:s21], [sflag:$0x1] =	stream.linear.gather [hbm4b:s1+s2], $0x80, $0x38;
	[tilespmem:$0x2200] =	vst v63  }
0x3a6: {  	s1 =	sand.u32 $0x1FFFFFF0, s24  }
0x3a7: {  	s23 =	rddreg [dreg:$0x8];
	s1 =	sadd.s32 s3, s1  }
0x3a8: {  	[tilespmem:s23], [sflag:$0x1] =	stream.linear.gather [hbm4b:s1+s2], $0x80, $0x38;
	[tilespmem:$0x2200] =	vst v63  }
0x3a9: {  	s1 =	sand.u32 $0x1FFFFFF0, s26  }
0x3aa: {  	s25 =	rddreg [dreg:$0x9];
	s1 =	sadd.s32 s3, s1;
	s29 =	spop (v2sf);
	(v2sf) =	vpush v0, $0xC  }
0x3ab: {  	[tilespmem:s25], [sflag:$0x1] =	stream.linear.gather [hbm4b:s1+s2], $0x80, $0x38;
	[tilespmem:$0x2200] =	vst v63  }
0x3ac: {  	s31 =	spop (v2sf);
	(v2sf) =	vpush v0, $0xD  }
0x3ad: {  	s1 =	sand.u32 $0x1FFFFFF0, s29  }
0x3ae: {  	s28 =	rddreg [dreg:$0xa];
	s1 =	sadd.s32 s3, s1;
	s5 =	spop (v2sf)  }
0x3af: {  	(v2sf) =	vpush v0, $0xE;
	[tilespmem:s28], [sflag:$0x1] =	stream.linear.gather [hbm4b:s1+s2], $0x80, $0x38;
	[tilespmem:$0x2200] =	vst v63  }
0x3b0: {  	s1 =	sand.u32 $0x1FFFFFF0, s31  }
0x3b1: {  	s30 =	rddreg [dreg:$0xb];
	s8 =	spop (v2sf);
	(v2sf) =	vpush v0, $0xF;
	s1 =	sadd.s32 s3, s1  }
0x3b2: {  	[tilespmem:s30], [sflag:$0x1] =	stream.linear.gather [hbm4b:s1+s2], $0x80, $0x38;
	[tilespmem:$0x2200] =	vst v63  }
0x3b3: {  	s1 =	sand.u32 $0x1FFFFFF0, s5  }
0x3b4: {  	s4 =	rddreg [dreg:$0xc];
	s1 =	sadd.s32 s3, s1  }
0x3b5: {  	[tilespmem:s4], [sflag:$0x1] =	stream.linear.gather [hbm4b:s1+s2], $0x80, $0x38;
	[tilespmem:$0x2200] =	vst v63  }
0x3b6: {  	s1 =	sand.u32 $0x1FFFFFF0, s8  }
0x3b7: {  	s6 =	rddreg [dreg:$0xd];
	s1 =	sadd.s32 s3, s1  }
0x3b8: {  	[tilespmem:s6], [sflag:$0x1] =	stream.linear.gather [hbm4b:s1+s2], $0x80, $0x38;
	[tilespmem:$0x2200] =	vst v63  }
0x3b9: {  	s18 =	spop (v2sf)  }
0x3ba: {  	s1 =	sand.u32 $0x1FFFFFF0, s18  }
0x3bb: {  	s13 =	rddreg [dreg:$0xe];
	s20 =	spop (v2sf);
	s1 =	sadd.s32 s3, s1  }
0x3bc: {  	[tilespmem:s13], [sflag:$0x1] =	stream.linear.gather [hbm4b:s1+s2], $0x80, $0x38;
	[tilespmem:$0x2200] =	vst v63  }
0x3bd: {  	s1 =	sand.u32 $0x1FFFFFF0, s20  }
0x3be: {  	s19 =	rddreg [dreg:$0xf];
	s22 =	spop (v2sf);
	s1 =	sadd.s32 s3, s1  }
0x3bf: {  	[tilespmem:s19], [sflag:$0x1] =	stream.linear.gather [hbm4b:s1+s2], $0x80, $0x38;
	[tilespmem:$0x2200] =	vst v63  }
0x3c0: {  	s23 =	spop (v2sf);
	s1 =	sand.u32 $0x1FFFFFF0, s22  }
0x3c1: {  	s21 =	rddreg [dreg:$0x10];
	s0 =	sand.u32 $0x1FFFFFF0, s23;
	s1 =	sadd.s32 s3, s1  }
0x3c2: {  	[tilespmem:s21], [sflag:$0x1] =	stream.linear.gather [hbm4b:s1+s2], $0x80, $0x38;
	[tilespmem:$0x2200] =	vst v63  }
0x3c3: {  	s24 =	rddreg [dreg:$0x11];
	s0 =	sadd.s32 s3, s0  }
0x3c4: {  	[tilespmem:s24], [sflag:$0x1] =	stream.linear.gather [hbm4b:s0+s2], $0x80, $0x38;
	[tilespmem:$0x2200] =	vst v63  }
0x3c5: {  	v61 =	vld [tilespmem:s17+$0xFFFFFFF0];
	_ =	sdelay $0x4  }
0x3c6: {  	v0 =	vshll.u32 v61, $0x4  }
0x3c7: {  	(v2sf) =	vpush v0, $0x0;
	_ =	sdelay $0x1  }
0x3c8: {  	(v2sf) =	vpush v0, $0x1;
	_ =	sdelay $0x1  }
0x3c9: {  	(v2sf) =	vpush v0, $0x2;
	_ =	sdelay $0x2  }
0x3ca: {  	(v2sf) =	vpush v0, $0x3;
	_ =	sdelay $0x7  }
0x3cb: {  	s26 =	spop (v2sf);
	(v2sf) =	vpush v0, $0x4;
	_ =	sdelay $0x1  }
0x3cc: {  	s29 =	spop (v2sf);
	(v2sf) =	vpush v0, $0x5;
	_ =	sdelay $0x1  }
0x3cd: {  	s31 =	spop (v2sf);
	(v2sf) =	vpush v0, $0x6;
	_ =	sdelay $0x1  }
0x3ce: {  	s1 =	sand.u32 $0x1FFFFFF0, s26  }
0x3cf: {  	s25 =	rddreg [dreg:$0x12];
	s1 =	sadd.s32 s3, s1;
	s5 =	spop (v2sf);
	(v2sf) =	vpush v0, $0x7  }
0x3d0: {  	[tilespmem:s25], [sflag:$0x1] =	stream.linear.gather [hbm4b:s1+s2], $0x80, $0x38;
	[tilespmem:$0x2200] =	vst v63  }
0x3d1: {  	s1 =	sand.u32 $0x1FFFFFF0, s29  }
0x3d2: {  	s28 =	rddreg [dreg:$0x13];
	s1 =	sadd.s32 s3, s1  }
0x3d3: {  	[tilespmem:s28], [sflag:$0x1] =	stream.linear.gather [hbm4b:s1+s2], $0x80, $0x38;
	[tilespmem:$0x2200] =	vst v63  }
0x3d4: {  	s1 =	sand.u32 $0x1FFFFFF0, s31  }
0x3d5: {  	s30 =	rddreg [dreg:$0x14];
	s1 =	sadd.s32 s3, s1  }
0x3d6: {  	[tilespmem:s30], [sflag:$0x1] =	stream.linear.gather [hbm4b:s1+s2], $0x80, $0x38;
	[tilespmem:$0x2200] =	vst v63  }
0x3d7: {  	s8 =	spop (v2sf);
	(v2sf) =	vpush v0, $0x8  }
0x3d8: {  	s1 =	sand.u32 $0x1FFFFFF0, s5  }
0x3d9: {  	s4 =	rddreg [dreg:$0x15];
	s1 =	sadd.s32 s3, s1;
	s18 =	spop (v2sf);
	(v2sf) =	vpush v0, $0x9  }
0x3da: {  	[tilespmem:s4], [sflag:$0x1] =	stream.linear.gather [hbm4b:s1+s2], $0x80, $0x38;
	[tilespmem:$0x2200] =	vst v63  }
0x3db: {  	s1 =	sand.u32 $0x1FFFFFF0, s8;
	s20 =	spop (v2sf);
	(v2sf) =	vpush v0, $0xA  }
0x3dc: {  	s6 =	rddreg [dreg:$0x16];
	s1 =	sadd.s32 s3, s1  }
0x3dd: {  	[tilespmem:s6], [sflag:$0x1] =	stream.linear.gather [hbm4b:s1+s2], $0x80, $0x38;
	[tilespmem:$0x2200] =	vst v63  }
0x3de: {  	s22 =	spop (v2sf);
	(v2sf) =	vpush v0, $0xB  }
0x3df: {  	s1 =	sand.u32 $0x1FFFFFF0, s18  }
0x3e0: {  	s13 =	rddreg [dreg:$0x17];
	s1 =	sadd.s32 s3, s1  }
0x3e1: {  	[tilespmem:s13], [sflag:$0x1] =	stream.linear.gather [hbm4b:s1+s2], $0x80, $0x38;
	[tilespmem:$0x2200] =	vst v63  }
0x3e2: {  	s1 =	sand.u32 $0x1FFFFFF0, s20  }
0x3e3: {  	s19 =	rddreg [dreg:$0x18];
	s1 =	sadd.s32 s3, s1  }
0x3e4: {  	[tilespmem:s19], [sflag:$0x1] =	stream.linear.gather [hbm4b:s1+s2], $0x80, $0x38;
	[tilespmem:$0x2200] =	vst v63  }
0x3e5: {  	s1 =	sand.u32 $0x1FFFFFF0, s22  }
0x3e6: {  	s21 =	rddreg [dreg:$0x19];
	s1 =	sadd.s32 s3, s1;
	s24 =	spop (v2sf);
	(v2sf) =	vpush v0, $0xC  }
0x3e7: {  	[tilespmem:s21], [sflag:$0x1] =	stream.linear.gather [hbm4b:s1+s2], $0x80, $0x38;
	[tilespmem:$0x2200] =	vst v63  }
0x3e8: {  	s26 =	spop (v2sf);
	(v2sf) =	vpush v0, $0xD  }
0x3e9: {  	s1 =	sand.u32 $0x1FFFFFF0, s24  }
0x3ea: {  	s23 =	rddreg [dreg:$0x1a];
	s1 =	sadd.s32 s3, s1;
	s29 =	spop (v2sf)  }
0x3eb: {  	(v2sf) =	vpush v0, $0xE;
	[tilespmem:s23], [sflag:$0x1] =	stream.linear.gather [hbm4b:s1+s2], $0x80, $0x38;
	[tilespmem:$0x2200] =	vst v63  }
0x3ec: {  	s1 =	sand.u32 $0x1FFFFFF0, s26  }
0x3ed: {  	s25 =	rddreg [dreg:$0x1b];
	s31 =	spop (v2sf);
	(v2sf) =	vpush v0, $0xF;
	s1 =	sadd.s32 s3, s1  }
0x3ee: {  	[tilespmem:s25], [sflag:$0x1] =	stream.linear.gather [hbm4b:s1+s2], $0x80, $0x38;
	[tilespmem:$0x2200] =	vst v63  }
0x3ef: {  	s1 =	sand.u32 $0x1FFFFFF0, s29  }
0x3f0: {  	s28 =	rddreg [dreg:$0x1c];
	s1 =	sadd.s32 s3, s1  }
0x3f1: {  	[tilespmem:s28], [sflag:$0x1] =	stream.linear.gather [hbm4b:s1+s2], $0x80, $0x38;
	[tilespmem:$0x2200] =	vst v63  }
0x3f2: {  	s1 =	sand.u32 $0x1FFFFFF0, s31  }
0x3f3: {  	s30 =	rddreg [dreg:$0x1d];
	s1 =	sadd.s32 s3, s1  }
0x3f4: {  	[tilespmem:s30], [sflag:$0x1] =	stream.linear.gather [hbm4b:s1+s2], $0x80, $0x38;
	[tilespmem:$0x2200] =	vst v63  }
0x3f5: {  	s5 =	spop (v2sf)  }
0x3f6: {  	s1 =	sand.u32 $0x1FFFFFF0, s5  }
0x3f7: {  	s4 =	rddreg [dreg:$0x1e];
	s8 =	spop (v2sf);
	s1 =	sadd.s32 s3, s1  }
0x3f8: {  	[tilespmem:s4], [sflag:$0x1] =	stream.linear.gather [hbm4b:s1+s2], $0x80, $0x38;
	[tilespmem:$0x2200] =	vst v63  }
0x3f9: {  	s6 =	rddreg [dreg:$0x1f];
	s1 =	sand.u32 $0x1FFFFFF0, s8  }
0x3fa: {  	s13 =	sld [smem:$0x7DB];
	s18 =	spop (v2sf);
	s1 =	sadd.s32 s3, s1  }
0x3fb: {  	[tilespmem:s6], [sflag:$0x1] =	stream.linear.gather [hbm4b:s1+s2], $0x80, $0x38;
	[tilespmem:$0x2200] =	vst v63  }
0x3fc: {  	s19 =	spop (v2sf);
	s1 =	sand.u32 $0x1FFFFFF0, s18  }
0x3fd: {  	s20 =	sld [smem:$0x7DC];
	s0 =	sand.u32 $0x1FFFFFF0, s19;
	s1 =	sadd.s32 s3, s1  }
0x3fe: {  	[tilespmem:s13], [sflag:$0x1] =	stream.linear.gather [hbm4b:s1+s2], $0x80, $0x38;
	[tilespmem:$0x2200] =	vst v63  }
0x3ff: {  	s0 =	sadd.s32 s3, s0  }
0x400: {  	[tilespmem:s20], [sflag:$0x1] =	stream.linear.gather [hbm4b:s0+s2], $0x80, $0x38;
	[tilespmem:$0x2200] =	vst v63  }
0x401: {  	v62 =	vld [tilespmem:s17+$0x0];
	_ =	sdelay $0x4  }
0x402: {  	v0 =	vshll.u32 v62, $0x4  }
0x403: {  	(v2sf) =	vpush v0, $0x0;
	_ =	sdelay $0x1  }
0x404: {  	(v2sf) =	vpush v0, $0x1;
	_ =	sdelay $0x1  }
0x405: {  	(v2sf) =	vpush v0, $0x2;
	_ =	sdelay $0x2  }
0x406: {  	(v2sf) =	vpush v0, $0x3;
	_ =	sdelay $0x7  }
0x407: {  	s21 =	spop (v2sf);
	(v2sf) =	vpush v0, $0x4;
	_ =	sdelay $0x1  }
0x408: {  	s23 =	spop (v2sf);
	(v2sf) =	vpush v0, $0x5;
	_ =	sdelay $0x1  }
0x409: {  	s25 =	spop (v2sf);
	(v2sf) =	vpush v0, $0x6;
	_ =	sdelay $0x2  }
0x40a: {  	s0 =	sand.u32 $0x1FFFFFF0, s21;
	s28 =	spop (v2sf);
	(v2sf) =	vpush v0, $0x7  }
0x40b: {  	s22 =	sld [smem:$0x7DD];
	s0 =	sadd.s32 s3, s0;
	s1 =	sand.u32 $0x1FFFFFF0, s23  }
0x40c: {  	[tilespmem:s10], [sflag:$0x2] =	stream.linear.gather [hbm4b:s0+s2], $0x80, $0x38;
	[tilespmem:$0x2200] =	vst v63  }
0x40d: {  	s24 =	sld [smem:$0x7DE];
	s1 =	sadd.s32 s3, s1  }
0x40e: {  	[tilespmem:s22], [sflag:$0x2] =	stream.linear.gather [hbm4b:s1+s2], $0x80, $0x38;
	[tilespmem:$0x2200] =	vst v63  }
0x40f: {  	s1 =	sand.u32 $0x1FFFFFF0, s25  }
0x410: {  	s1 =	sadd.s32 s3, s1  }
0x411: {  	[tilespmem:s24], [sflag:$0x2] =	stream.linear.gather [hbm4b:s1+s2], $0x80, $0x38;
	[tilespmem:$0x2200] =	vst v63  }
0x412: {  	s26 =	sld [smem:$0x7DF];
	s30 =	spop (v2sf);
	(v2sf) =	vpush v0, $0x8  }
0x413: {  	s1 =	sand.u32 $0x1FFFFFF0, s28  }
0x414: {  	s29 =	sld [smem:$0x7E0];
	s1 =	sadd.s32 s3, s1;
	s4 =	spop (v2sf);
	(v2sf) =	vpush v0, $0x9  }
0x415: {  	[tilespmem:s26], [sflag:$0x2] =	stream.linear.gather [hbm4b:s1+s2], $0x80, $0x38;
	[tilespmem:$0x2200] =	vst v63  }
0x416: {  	s1 =	sand.u32 $0x1FFFFFF0, s30;
	s6 =	spop (v2sf);
	(v2sf) =	vpush v0, $0xA  }
0x417: {  	s1 =	sadd.s32 s3, s1  }
0x418: {  	[tilespmem:s29], [sflag:$0x2] =	stream.linear.gather [hbm4b:s1+s2], $0x80, $0x38;
	[tilespmem:$0x2200] =	vst v63  }
0x419: {  	s31 =	sld [smem:$0x7E1];
	s13 =	spop (v2sf);
	(v2sf) =	vpush v0, $0xB  }
0x41a: {  	s1 =	sand.u32 $0x1FFFFFF0, s4  }
0x41b: {  	s5 =	sld [smem:$0x7E2];
	s1 =	sadd.s32 s3, s1  }
0x41c: {  	[tilespmem:s31], [sflag:$0x2] =	stream.linear.gather [hbm4b:s1+s2], $0x80, $0x38;
	[tilespmem:$0x2200] =	vst v63  }
0x41d: {  	s1 =	sand.u32 $0x1FFFFFF0, s6  }
0x41e: {  	s8 =	sld [smem:$0x7E3];
	s1 =	sadd.s32 s3, s1  }
0x41f: {  	[tilespmem:s5], [sflag:$0x2] =	stream.linear.gather [hbm4b:s1+s2], $0x80, $0x38;
	[tilespmem:$0x2200] =	vst v63  }
0x420: {  	s1 =	sand.u32 $0x1FFFFFF0, s13  }
0x421: {  	s1 =	sadd.s32 s3, s1;
	s19 =	spop (v2sf);
	(v2sf) =	vpush v0, $0xC  }
0x422: {  	[tilespmem:s8], [sflag:$0x2] =	stream.linear.gather [hbm4b:s1+s2], $0x80, $0x38;
	[tilespmem:$0x2200] =	vst v63  }
0x423: {  	s18 =	sld [smem:$0x7E4];
	s21 =	spop (v2sf);
	(v2sf) =	vpush v0, $0xD  }
0x424: {  	s1 =	sand.u32 $0x1FFFFFF0, s19  }
0x425: {  	s20 =	sld [smem:$0x7E5];
	s1 =	sadd.s32 s3, s1;
	s23 =	spop (v2sf)  }
0x426: {  	(v2sf) =	vpush v0, $0xE;
	[tilespmem:s18], [sflag:$0x2] =	stream.linear.gather [hbm4b:s1+s2], $0x80, $0x38;
	[tilespmem:$0x2200] =	vst v63  }
0x427: {  	s1 =	sand.u32 $0x1FFFFFF0, s21  }
0x428: {  	s22 =	sld [smem:$0x7E6];
	s25 =	spop (v2sf);
	(v2sf) =	vpush v0, $0xF;
	s1 =	sadd.s32 s3, s1  }
0x429: {  	[tilespmem:s20], [sflag:$0x2] =	stream.linear.gather [hbm4b:s1+s2], $0x80, $0x38;
	[tilespmem:$0x2200] =	vst v63  }
0x42a: {  	s1 =	sand.u32 $0x1FFFFFF0, s23  }
0x42b: {  	s24 =	sld [smem:$0x7E7];
	s1 =	sadd.s32 s3, s1  }
0x42c: {  	[tilespmem:s22], [sflag:$0x2] =	stream.linear.gather [hbm4b:s1+s2], $0x80, $0x38;
	[tilespmem:$0x2200] =	vst v63  }
0x42d: {  	s1 =	sand.u32 $0x1FFFFFF0, s25  }
0x42e: {  	s1 =	sadd.s32 s3, s1  }
0x42f: {  	[tilespmem:s24], [sflag:$0x2] =	stream.linear.gather [hbm4b:s1+s2], $0x80, $0x38;
	[tilespmem:$0x2200] =	vst v63  }
0x430: {  	s26 =	sld [smem:$0x7E8];
	s28 =	spop (v2sf)  }
0x431: {  	s1 =	sand.u32 $0x1FFFFFF0, s28  }
0x432: {  	s29 =	sld [smem:$0x7E9];
	s30 =	spop (v2sf);
	s1 =	sadd.s32 s3, s1  }
0x433: {  	[tilespmem:s26], [sflag:$0x2] =	stream.linear.gather [hbm4b:s1+s2], $0x80, $0x38;
	[tilespmem:$0x2200] =	vst v63  }
0x434: {  	s1 =	sand.u32 $0x1FFFFFF0, s30  }
0x435: {  	s31 =	sld [smem:$0x7EA];
	s4 =	spop (v2sf);
	s1 =	sadd.s32 s3, s1  }
0x436: {  	[tilespmem:s29], [sflag:$0x2] =	stream.linear.gather [hbm4b:s1+s2], $0x80, $0x38;
	[tilespmem:$0x2200] =	vst v63  }
0x437: {  	s5 =	spop (v2sf);
	s1 =	sand.u32 $0x1FFFFFF0, s4  }
0x438: {  	s6 =	sld [smem:$0x7EB];
	s0 =	sand.u32 $0x1FFFFFF0, s5;
	s1 =	sadd.s32 s3, s1  }
0x439: {  	[tilespmem:s31], [sflag:$0x2] =	stream.linear.gather [hbm4b:s1+s2], $0x80, $0x38;
	[tilespmem:$0x2200] =	vst v63  }
0x43a: {  	s0 =	sadd.s32 s3, s0  }
0x43b: {  	[tilespmem:s6], [sflag:$0x2] =	stream.linear.gather [hbm4b:s0+s2], $0x80, $0x38;
	[tilespmem:$0x2200] =	vst v63  }
0x43c: {  	v63 =	vld [tilespmem:s17+$0x10];
	_ =	sdelay $0x4  }
0x43d: {  	v0 =	vshll.u32 v63, $0x4  }
0x43e: {  	(v2sf) =	vpush v0, $0x0;
	_ =	sdelay $0x1  }
0x43f: {  	(v2sf) =	vpush v0, $0x1;
	_ =	sdelay $0x1  }
0x440: {  	(v2sf) =	vpush v0, $0x2;
	_ =	sdelay $0x2  }
0x441: {  	(v2sf) =	vpush v0, $0x3;
	_ =	sdelay $0x7  }
0x442: {  	s13 =	spop (v2sf);
	(v2sf) =	vpush v0, $0x4;
	_ =	sdelay $0x1  }
0x443: {  	s18 =	spop (v2sf);
	(v2sf) =	vpush v0, $0x5;
	_ =	sdelay $0x1  }
0x444: {  	s20 =	spop (v2sf);
	(v2sf) =	vpush v0, $0x6  }
0x445: {  	s8 =	sld [smem:$0x7EC]  }
0x446: {  	s1 =	sand.u32 $0x1FFFFFF0, s13  }
0x447: {  	s17 =	sld [smem:$0x7ED];
	s1 =	sadd.s32 s3, s1;
	s22 =	spop (v2sf);
	(v2sf) =	vpush v0, $0x7  }
0x448: {  	[tilespmem:s8], [sflag:$0x2] =	stream.linear.gather [hbm4b:s1+s2], $0x80, $0x38;
	[tilespmem:$0x2200] =	vst v63  }
0x449: {  	s1 =	sand.u32 $0x1FFFFFF0, s18  }
0x44a: {  	s19 =	sld [smem:$0x7EE];
	s1 =	sadd.s32 s3, s1  }
0x44b: {  	[tilespmem:s17], [sflag:$0x2] =	stream.linear.gather [hbm4b:s1+s2], $0x80, $0x38;
	[tilespmem:$0x2200] =	vst v63  }
0x44c: {  	s1 =	sand.u32 $0x1FFFFFF0, s20  }
0x44d: {  	s1 =	sadd.s32 s3, s1  }
0x44e: {  	[tilespmem:s19], [sflag:$0x2] =	stream.linear.gather [hbm4b:s1+s2], $0x80, $0x38;
	[tilespmem:$0x2200] =	vst v63  }
0x44f: {  	s21 =	sld [smem:$0x7EF];
	s24 =	spop (v2sf);
	(v2sf) =	vpush v0, $0x8  }
0x450: {  	s1 =	sand.u32 $0x1FFFFFF0, s22  }
0x451: {  	s23 =	sld [smem:$0x7F0];
	s1 =	sadd.s32 s3, s1;
	s26 =	spop (v2sf);
	(v2sf) =	vpush v0, $0x9  }
0x452: {  	[tilespmem:s21], [sflag:$0x2] =	stream.linear.gather [hbm4b:s1+s2], $0x80, $0x38;
	[tilespmem:$0x2200] =	vst v63  }
0x453: {  	s1 =	sand.u32 $0x1FFFFFF0, s24;
	s29 =	spop (v2sf);
	(v2sf) =	vpush v0, $0xA  }
0x454: {  	s1 =	sadd.s32 s3, s1  }
0x455: {  	[tilespmem:s23], [sflag:$0x2] =	stream.linear.gather [hbm4b:s1+s2], $0x80, $0x38;
	[tilespmem:$0x2200] =	vst v63  }
0x456: {  	s25 =	sld [smem:$0x7F1];
	s31 =	spop (v2sf);
	(v2sf) =	vpush v0, $0xB  }
0x457: {  	s1 =	sand.u32 $0x1FFFFFF0, s26  }
0x458: {  	s28 =	sld [smem:$0x7F2];
	s1 =	sadd.s32 s3, s1  }
0x459: {  	[tilespmem:s25], [sflag:$0x2] =	stream.linear.gather [hbm4b:s1+s2], $0x80, $0x38;
	[tilespmem:$0x2200] =	vst v63  }
0x45a: {  	s1 =	sand.u32 $0x1FFFFFF0, s29  }
0x45b: {  	s30 =	sld [smem:$0x7F3];
	s1 =	sadd.s32 s3, s1  }
0x45c: {  	[tilespmem:s28], [sflag:$0x2] =	stream.linear.gather [hbm4b:s1+s2], $0x80, $0x38;
	[tilespmem:$0x2200] =	vst v63  }
0x45d: {  	s1 =	sand.u32 $0x1FFFFFF0, s31  }
0x45e: {  	s1 =	sadd.s32 s3, s1;
	s5 =	spop (v2sf);
	(v2sf) =	vpush v0, $0xC  }
0x45f: {  	[tilespmem:s30], [sflag:$0x2] =	stream.linear.gather [hbm4b:s1+s2], $0x80, $0x38;
	[tilespmem:$0x2200] =	vst v63  }
0x460: {  	s4 =	sld [smem:$0x7F5];
	s8 =	spop (v2sf);
	(v2sf) =	vpush v0, $0xD  }
0x461: {  	s1 =	sand.u32 $0x1FFFFFF0, s5  }
0x462: {  	s6 =	sld [smem:$0x7F7];
	s1 =	sadd.s32 s3, s1;
	s17 =	spop (v2sf)  }
0x463: {  	(v2sf) =	vpush v0, $0xE;
	[tilespmem:s4], [sflag:$0x2] =	stream.linear.gather [hbm4b:s1+s2], $0x80, $0x38;
	[tilespmem:$0x2200] =	vst v63  }
0x464: {  	s1 =	sand.u32 $0x1FFFFFF0, s8  }
0x465: {  	s13 =	sld [smem:$0x7F8];
	s19 =	spop (v2sf);
	(v2sf) =	vpush v0, $0xF;
	s1 =	sadd.s32 s3, s1  }
0x466: {  	[tilespmem:s6], [sflag:$0x2] =	stream.linear.gather [hbm4b:s1+s2], $0x80, $0x38;
	[tilespmem:$0x2200] =	vst v63  }
0x467: {  	s1 =	sand.u32 $0x1FFFFFF0, s17  }
0x468: {  	s18 =	sld [smem:$0x7F9];
	s1 =	sadd.s32 s3, s1  }
0x469: {  	[tilespmem:s13], [sflag:$0x2] =	stream.linear.gather [hbm4b:s1+s2], $0x80, $0x38;
	[tilespmem:$0x2200] =	vst v63  }
0x46a: {  	s1 =	sand.u32 $0x1FFFFFF0, s19  }
0x46b: {  	s1 =	sadd.s32 s3, s1  }
0x46c: {  	[tilespmem:s18], [sflag:$0x2] =	stream.linear.gather [hbm4b:s1+s2], $0x80, $0x38;
	[tilespmem:$0x2200] =	vst v63  }
0x46d: {  	s20 =	sld [smem:$0x7FA];
	s21 =	spop (v2sf)  }
0x46e: {  	s1 =	sand.u32 $0x1FFFFFF0, s21  }
0x46f: {  	s22 =	sld [smem:$0x7FB];
	s23 =	spop (v2sf);
	s1 =	sadd.s32 s3, s1  }
0x470: {  	[tilespmem:s20], [sflag:$0x2] =	stream.linear.gather [hbm4b:s1+s2], $0x80, $0x38;
	[tilespmem:$0x2200] =	vst v63  }
0x471: {  	s1 =	sand.u32 $0x1FFFFFF0, s23  }
0x472: {  	s24 =	sld [smem:$0x7FC];
	s25 =	spop (v2sf);
	s1 =	sadd.s32 s3, s1  }
0x473: {  	[tilespmem:s22], [sflag:$0x2] =	stream.linear.gather [hbm4b:s1+s2], $0x80, $0x38;
	[tilespmem:$0x2200] =	vst v63  }
0x474: {  	s26 =	spop (v2sf);
	s1 =	sand.u32 $0x1FFFFFF0, s25  }
0x475: {  	s28 =	sld [smem:$0x7FD];
	s0 =	sand.u32 $0x1FFFFFF0, s26;
	s1 =	sadd.s32 s3, s1  }
0x476: {  	[tilespmem:s24], [sflag:$0x2] =	stream.linear.gather [hbm4b:s1+s2], $0x80, $0x38;
	[tilespmem:$0x2200] =	vst v63  }
0x477: {  	s0 =	sadd.s32 s3, s0  }
0x478: {  	[tilespmem:s28], [sflag:$0x2] =	stream.linear.gather [hbm4b:s0+s2], $0x80, $0x38;
	[tilespmem:$0x2200] =	vst v63  }
0x479: {  	_ =	swait.ge [sflag:s11], $0x80  }
0x47a: {  	[sflag:s11] =	ssyncset.done $0x0  }
0x47b: {  	[sflag:s11] =	ssyncadd.s32 $0xFFFFFF80  }
0x47c: {  	_ =	swait.ge [sflag:s11], $0x80  }
0x47d: {  	[sflag:s11] =	ssyncset.done $0x0  }
0x47e: {  	[sflag:s11] =	ssyncadd.s32 $0xFFFFFF80  }
0x47f: {  	_ =	swait.ge [sflag:s11], $0x80  }
0x480: {  	[sflag:s11] =	ssyncset.done $0x0  }
0x481: {  	[sflag:s11] =	ssyncadd.s32 $0xFFFFFF80  }
0x482: {  	_ =	swait.ge [sflag:s11], $0x80  }
0x483: {  	[sflag:s11] =	ssyncset.done $0x0  }
0x484: {  	[sflag:s11] =	ssyncadd.s32 $0xFFFFFF80  }
0x485: {  	_ =	swait.ge [sflag:s11], $0x80  }
0x486: {  	[sflag:s11] =	ssyncset.done $0x0  }
0x487: {  	[sflag:s11] =	ssyncadd.s32 $0xFFFFFF80  }
0x488: {  	_ =	swait.ge [sflag:s11], $0x80  }
0x489: {  	[sflag:s11] =	ssyncset.done $0x0  }
0x48a: {  	[sflag:s11] =	ssyncadd.s32 $0xFFFFFF80  }
0x48b: {  	_ =	swait.ge [sflag:s11], $0x80  }
0x48c: {  	[sflag:s11] =	ssyncset.done $0x0  }
0x48d: {  	[sflag:s11] =	ssyncadd.s32 $0xFFFFFF80  }
0x48e: {  	_ =	swait.ge [sflag:s11], $0x80  }
0x48f: {  	[sflag:s11] =	ssyncset.done $0x0  }
0x490: {  	[sflag:s11] =	ssyncadd.s32 $0xFFFFFF80  }
0x491: {  	_ =	swait.ge [sflag:s11], $0x80  }
0x492: {  	[sflag:s11] =	ssyncset.done $0x0  }
0x493: {  	[sflag:s11] =	ssyncadd.s32 $0xFFFFFF80  }
0x494: {  	_ =	swait.ge [sflag:s11], $0x80  }
0x495: {  	[sflag:s11] =	ssyncset.done $0x0  }
0x496: {  	[sflag:s11] =	ssyncadd.s32 $0xFFFFFF80  }
0x497: {  	_ =	swait.ge [sflag:s11], $0x80  }
0x498: {  	[sflag:s11] =	ssyncset.done $0x0  }
0x499: {  	[sflag:s11] =	ssyncadd.s32 $0xFFFFFF80  }
0x49a: {  	_ =	swait.ge [sflag:s11], $0x80  }
0x49b: {  	[sflag:s11] =	ssyncset.done $0x0  }
0x49c: {  	[sflag:s11] =	ssyncadd.s32 $0xFFFFFF80  }
0x49d: {  	_ =	swait.ge [sflag:s11], $0x80  }
0x49e: {  	[sflag:s11] =	ssyncset.done $0x0  }
0x49f: {  	[sflag:s11] =	ssyncadd.s32 $0xFFFFFF80  }
0x4a0: {  	_ =	swait.ge [sflag:s11], $0x80  }
0x4a1: {  	[sflag:s11] =	ssyncset.done $0x0  }
0x4a2: {  	[sflag:s11] =	ssyncadd.s32 $0xFFFFFF80  }
0x4a3: {  	_ =	swait.ge [sflag:s11], $0x80  }
0x4a4: {  	[sflag:s11] =	ssyncset.done $0x0  }
0x4a5: {  	[sflag:s11] =	ssyncadd.s32 $0xFFFFFF80  }
0x4a6: {  	_ =	swait.ge [sflag:s11], $0x80  }
0x4a7: {  	[sflag:s11] =	ssyncset.done $0x0  }
0x4a8: {  	[sflag:s11] =	ssyncadd.s32 $0xFFFFFF80  }
0x4a9: {  	_ =	swait.ge [sflag:s11], $0x80  }
0x4aa: {  	[sflag:s11] =	ssyncset.done $0x0  }
0x4ab: {  	[sflag:s11] =	ssyncadd.s32 $0xFFFFFF80  }
0x4ac: {  	_ =	swait.ge [sflag:s11], $0x80  }
0x4ad: {  	[sflag:s11] =	ssyncset.done $0x0  }
0x4ae: {  	[sflag:s11] =	ssyncadd.s32 $0xFFFFFF80  }
0x4af: {  	_ =	swait.ge [sflag:s11], $0x80  }
0x4b0: {  	[sflag:s11] =	ssyncset.done $0x0  }
0x4b1: {  	[sflag:s11] =	ssyncadd.s32 $0xFFFFFF80  }
0x4b2: {  	_ =	swait.ge [sflag:s11], $0x80  }
0x4b3: {  	[sflag:s11] =	ssyncset.done $0x0  }
0x4b4: {  	[sflag:s11] =	ssyncadd.s32 $0xFFFFFF80  }
0x4b5: {  	_ =	swait.ge [sflag:s11], $0x80  }
0x4b6: {  	[sflag:s11] =	ssyncset.done $0x0  }
0x4b7: {  	[sflag:s11] =	ssyncadd.s32 $0xFFFFFF80  }
0x4b8: {  	_ =	swait.ge [sflag:s11], $0x80  }
0x4b9: {  	[sflag:s11] =	ssyncset.done $0x0  }
0x4ba: {  	[sflag:s11] =	ssyncadd.s32 $0xFFFFFF80  }
0x4bb: {  	_ =	swait.ge [sflag:s11], $0x80  }
0x4bc: {  	[sflag:s11] =	ssyncset.done $0x0  }
0x4bd: {  	[sflag:s11] =	ssyncadd.s32 $0xFFFFFF80  }
0x4be: {  	_ =	swait.ge [sflag:s11], $0x80  }
0x4bf: {  	[sflag:s11] =	ssyncset.done $0x0  }
0x4c0: {  	[sflag:s11] =	ssyncadd.s32 $0xFFFFFF80  }
0x4c1: {  	_ =	swait.ge [sflag:s11], $0x80  }
0x4c2: {  	[sflag:s11] =	ssyncset.done $0x0  }
0x4c3: {  	[sflag:s11] =	ssyncadd.s32 $0xFFFFFF80  }
0x4c4: {  	_ =	swait.ge [sflag:s11], $0x80  }
0x4c5: {  	[sflag:s11] =	ssyncset.done $0x0  }
0x4c6: {  	[sflag:s11] =	ssyncadd.s32 $0xFFFFFF80  }
0x4c7: {  	_ =	swait.ge [sflag:s11], $0x80  }
0x4c8: {  	[sflag:s11] =	ssyncset.done $0x0  }
0x4c9: {  	[sflag:s11] =	ssyncadd.s32 $0xFFFFFF80  }
0x4ca: {  	_ =	swait.ge [sflag:s11], $0x80  }
0x4cb: {  	[sflag:s11] =	ssyncset.done $0x0  }
0x4cc: {  	[sflag:s11] =	ssyncadd.s32 $0xFFFFFF80  }
0x4cd: {  	_ =	swait.ge [sflag:s11], $0x80  }
0x4ce: {  	[sflag:s11] =	ssyncset.done $0x0  }
0x4cf: {  	[sflag:s11] =	ssyncadd.s32 $0xFFFFFF80  }
0x4d0: {  	_ =	swait.ge [sflag:s11], $0x80  }
0x4d1: {  	[sflag:s11] =	ssyncset.done $0x0  }
0x4d2: {  	[sflag:s11] =	ssyncadd.s32 $0xFFFFFF80  }
0x4d3: {  	_ =	swait.ge [sflag:s11], $0x80  }
0x4d4: {  	[sflag:s11] =	ssyncset.done $0x0  }
0x4d5: {  	[sflag:s11] =	ssyncadd.s32 $0xFFFFFF80  }
0x4d6: {  	_ =	swait.ge [sflag:s11], $0x80  }
0x4d7: {  	s29 =	rddreg [dreg:$0x3];
	[sflag:s11] =	ssyncset.done $0x0  }
0x4d8: {  	s16 =	sadd.s32 s16, s29;
	[sflag:s11] =	ssyncadd.s32 $0xFFFFFF80  }
0x4d9: {  	[hbm4b:s16+s2] =	stream.linear.scatter [tilespmem:s9], [sflag:$0x3], $0x1000, $0x38;
	[tilespmem:$0x2200] =	vst v63  }
0x4da: {  	_ =	swait.ge [sflag:s12], $0x80  }
0x4db: {  	[sflag:s12] =	ssyncset.done $0x0  }
0x4dc: {  	[sflag:s12] =	ssyncadd.s32 $0xFFFFFF80  }
0x4dd: {  	_ =	swait.ge [sflag:s12], $0x80  }
0x4de: {  	[sflag:s12] =	ssyncset.done $0x0  }
0x4df: {  	[sflag:s12] =	ssyncadd.s32 $0xFFFFFF80  }
0x4e0: {  	_ =	swait.ge [sflag:s12], $0x80  }
0x4e1: {  	[sflag:s12] =	ssyncset.done $0x0  }
0x4e2: {  	[sflag:s12] =	ssyncadd.s32 $0xFFFFFF80  }
0x4e3: {  	_ =	swait.ge [sflag:s12], $0x80  }
0x4e4: {  	[sflag:s12] =	ssyncset.done $0x0  }
0x4e5: {  	[sflag:s12] =	ssyncadd.s32 $0xFFFFFF80  }
0x4e6: {  	_ =	swait.ge [sflag:s12], $0x80  }
0x4e7: {  	[sflag:s12] =	ssyncset.done $0x0  }
0x4e8: {  	[sflag:s12] =	ssyncadd.s32 $0xFFFFFF80  }
0x4e9: {  	_ =	swait.ge [sflag:s12], $0x80  }
0x4ea: {  	[sflag:s12] =	ssyncset.done $0x0  }
0x4eb: {  	[sflag:s12] =	ssyncadd.s32 $0xFFFFFF80  }
0x4ec: {  	_ =	swait.ge [sflag:s12], $0x80  }
0x4ed: {  	[sflag:s12] =	ssyncset.done $0x0  }
0x4ee: {  	[sflag:s12] =	ssyncadd.s32 $0xFFFFFF80  }
0x4ef: {  	_ =	swait.ge [sflag:s12], $0x80  }
0x4f0: {  	[sflag:s12] =	ssyncset.done $0x0  }
0x4f1: {  	[sflag:s12] =	ssyncadd.s32 $0xFFFFFF80  }
0x4f2: {  	_ =	swait.ge [sflag:s12], $0x80  }
0x4f3: {  	[sflag:s12] =	ssyncset.done $0x0  }
0x4f4: {  	[sflag:s12] =	ssyncadd.s32 $0xFFFFFF80  }
0x4f5: {  	_ =	swait.ge [sflag:s12], $0x80  }
0x4f6: {  	[sflag:s12] =	ssyncset.done $0x0  }
0x4f7: {  	[sflag:s12] =	ssyncadd.s32 $0xFFFFFF80  }
0x4f8: {  	_ =	swait.ge [sflag:s12], $0x80  }
0x4f9: {  	[sflag:s12] =	ssyncset.done $0x0  }
0x4fa: {  	[sflag:s12] =	ssyncadd.s32 $0xFFFFFF80  }
0x4fb: {  	_ =	swait.ge [sflag:s12], $0x80  }
0x4fc: {  	[sflag:s12] =	ssyncset.done $0x0  }
0x4fd: {  	[sflag:s12] =	ssyncadd.s32 $0xFFFFFF80  }
0x4fe: {  	_ =	swait.ge [sflag:s12], $0x80  }
0x4ff: {  	[sflag:s12] =	ssyncset.done $0x0  }
0x500: {  	[sflag:s12] =	ssyncadd.s32 $0xFFFFFF80  }
0x501: {  	_ =	swait.ge [sflag:s12], $0x80  }
0x502: {  	[sflag:s12] =	ssyncset.done $0x0  }
0x503: {  	[sflag:s12] =	ssyncadd.s32 $0xFFFFFF80  }
0x504: {  	_ =	swait.ge [sflag:s12], $0x80  }
0x505: {  	[sflag:s12] =	ssyncset.done $0x0  }
0x506: {  	[sflag:s12] =	ssyncadd.s32 $0xFFFFFF80  }
0x507: {  	_ =	swait.ge [sflag:s12], $0x80  }
0x508: {  	[sflag:s12] =	ssyncset.done $0x0  }
0x509: {  	[sflag:s12] =	ssyncadd.s32 $0xFFFFFF80  }
0x50a: {  	_ =	swait.ge [sflag:s12], $0x80  }
0x50b: {  	[sflag:s12] =	ssyncset.done $0x0  }
0x50c: {  	[sflag:s12] =	ssyncadd.s32 $0xFFFFFF80  }
0x50d: {  	_ =	swait.ge [sflag:s12], $0x80  }
0x50e: {  	[sflag:s12] =	ssyncset.done $0x0  }
0x50f: {  	[sflag:s12] =	ssyncadd.s32 $0xFFFFFF80  }
0x510: {  	_ =	swait.ge [sflag:s12], $0x80  }
0x511: {  	[sflag:s12] =	ssyncset.done $0x0  }
0x512: {  	[sflag:s12] =	ssyncadd.s32 $0xFFFFFF80  }
0x513: {  	_ =	swait.ge [sflag:s12], $0x80  }
0x514: {  	[sflag:s12] =	ssyncset.done $0x0  }
0x515: {  	[sflag:s12] =	ssyncadd.s32 $0xFFFFFF80  }
0x516: {  	_ =	swait.ge [sflag:s12], $0x80  }
0x517: {  	[sflag:s12] =	ssyncset.done $0x0  }
0x518: {  	[sflag:s12] =	ssyncadd.s32 $0xFFFFFF80  }
0x519: {  	_ =	swait.ge [sflag:s12], $0x80  }
0x51a: {  	[sflag:s12] =	ssyncset.done $0x0  }
0x51b: {  	[sflag:s12] =	ssyncadd.s32 $0xFFFFFF80  }
0x51c: {  	_ =	swait.ge [sflag:s12], $0x80  }
0x51d: {  	[sflag:s12] =	ssyncset.done $0x0  }
0x51e: {  	[sflag:s12] =	ssyncadd.s32 $0xFFFFFF80  }
0x51f: {  	_ =	swait.ge [sflag:s12], $0x80  }
0x520: {  	[sflag:s12] =	ssyncset.done $0x0  }
0x521: {  	[sflag:s12] =	ssyncadd.s32 $0xFFFFFF80  }
0x522: {  	_ =	swait.ge [sflag:s12], $0x80  }
0x523: {  	[sflag:s12] =	ssyncset.done $0x0  }
0x524: {  	[sflag:s12] =	ssyncadd.s32 $0xFFFFFF80  }
0x525: {  	_ =	swait.ge [sflag:s12], $0x80  }
0x526: {  	[sflag:s12] =	ssyncset.done $0x0  }
0x527: {  	[sflag:s12] =	ssyncadd.s32 $0xFFFFFF80  }
0x528: {  	_ =	swait.ge [sflag:s12], $0x80  }
0x529: {  	[sflag:s12] =	ssyncset.done $0x0  }
0x52a: {  	[sflag:s12] =	ssyncadd.s32 $0xFFFFFF80  }
0x52b: {  	_ =	swait.ge [sflag:s12], $0x80  }
0x52c: {  	[sflag:s12] =	ssyncset.done $0x0  }
0x52d: {  	[sflag:s12] =	ssyncadd.s32 $0xFFFFFF80  }
0x52e: {  	_ =	swait.ge [sflag:s12], $0x80  }
0x52f: {  	[sflag:s12] =	ssyncset.done $0x0  }
0x530: {  	[sflag:s12] =	ssyncadd.s32 $0xFFFFFF80  }
0x531: {  	_ =	swait.ge [sflag:s12], $0x80  }
0x532: {  	[sflag:s12] =	ssyncset.done $0x0  }
0x533: {  	[sflag:s12] =	ssyncadd.s32 $0xFFFFFF80  }
0x534: {  	_ =	swait.ge [sflag:s12], $0x80  }
0x535: {  	[sflag:s12] =	ssyncset.done $0x0  }
0x536: {  	[sflag:s12] =	ssyncadd.s32 $0xFFFFFF80  }
0x537: {  	_ =	swait.ge [sflag:s12], $0x80  }
0x538: {  	[sflag:s12] =	ssyncset.done $0x0  }
0x539: {  	s30 =	simm.s32 $0x3;
	s0 =	sadd.s32 $0x200, s16;
	[sflag:s12] =	ssyncadd.s32 $0xFFFFFF80  }
0x53a: {  	[hbm4b:s0+s2] =	stream.linear.scatter [tilespmem:s10], [sflag:$0x4], $0x1000, $0x38;
	[tilespmem:$0x2200] =	vst v63  }
0x53b: {  	_ =	swait.ge [sflag:s30], $0x1000  }
0x53c: {  	[sflag:s30] =	ssyncset.done $0x0  }
0x53d: {  	[sflag:s30] =	ssyncadd.s32 $0xFFFFF000  }
0x53e: {  	_ =	swait.ge [sflag:s14], $0x1000  }
0x53f: {  	s31 =	sld [smem:$0x7F6];
	_ =	sdelay $0x1  }
0x540: {  	s15 =	sadd.s32 $0x1, s15  }
0x541: {  	p0 =	sne.s32 s15, s31  }
.Ltmp1:
0x542: {  	_ = 	snop;
	(pc) =	sbr.rel @p0 .LBB2_1-.Ltmp1, $3  }
0x543: {  	_ =	sdelay $0x1  }
0x544: {  	[sflag:s14] =	ssyncset.done $0x0  }
0x545: {  	[sflag:s14] =	ssyncadd.s32 $0xFFFFF000  }
0x546: {  	_ =	sfence.sel $0x180000  }
0x547: {  	[bflag:$0x0] =	sbarrier.arrive $0xFFFF  }
0x548: {  	_ =	strace $0x90000047  }
0x549: {  	s0 =	stileid.u32;
	[bflag:$0x2] =	sbarrier.arrive $0xFFFF  }
0x54a: {  	p0 =	sne.s32 s0, $0x0;
	s0 =	rddreg [dreg:$0x2]  }
0x54b: {  	s0 =	sadd.s32 @!p0 $0x100000, s0  }
0x54c: {  	[sflag:s0] =	ssyncadd.tile.s32 @!p0 $0x1;
	_ =	shalt  }
.Lfunc_end2:
_tile_overlayer_lowered:
.L_overlay_start_2:
0x54d: {  	(tag) =	ssettag $0x2  }
0x54e: {  	s0 =	rddreg [dreg:$0x0];
	s2 =	stileid.u32  }
0x54f: {  	s1 =	rddreg [dreg:$0x1];
	p0 =	sne.s32 s2, $0x0  }
0x550: {  	s3 =	rddreg [dreg:$0x2];
	[bflag:$0x3] =	sbarrier.arrive $0xFFFF;
	s2 =	simm.s32 @!p0 $0x1C05  }
0x551: {  	[timem:s3], [sflag:s2] =	dma.local @!p0 [hbm:s0], s1  }
0x552: {  	s0 =	simm.s32 @!p0 $0x5  }
0x553: {  	_ =	swait.ge @!p0 [sflag:s0], s1  }
0x554: {  	s1 =	ssub.s32 @!p0 $0x0, s1;
	[sflag:s0] =	ssyncset.done @!p0 $0x0  }
0x555: {  	[sflag:s0] =	ssyncadd.s32 @!p0 s1  }
0x556: {  	[bflag:$0x3] =	sbarrier.arrive $0xFFFF  }
0x557: {  	_ =	shalt  }

</sc_bundles>
